<compile_context>
chip_gen: v7x
topology: tpu7x:2x2x1
jax: 0.10.2.dev20260603
libtpu: 0.0.44.dev20260713+nightly
codegen_flags: <defaults>
</compile_context>

<pallas_src>
import functools

import jax
import jax.numpy as jnp
from jax import lax
from jax.experimental import pallas as pl
from jax.experimental.pallas import tpu as pltpu
from jax.experimental.pallas import tpu_sc as plsc

DIM = 128
K = 16
L = 200
NR = 32
NC = 2
NS = 16
NW = NC * NS


def _wid():
    return lax.axis_index("s") * NC + lax.axis_index("c")


TRW = 2048


def _tr_body(in_ref, a_ref, b_ref):
    tr = jnp.transpose(in_ref[...], (1, 0))
    a_ref[...] = tr[:, :DIM]
    b_ref[...] = tr[:, DIM:]


def _make_tr(npad):
    grid = (npad // TRW,)
    return pl.pallas_call(
        _tr_body,
        grid=grid,
        in_specs=[pl.BlockSpec((256, TRW), lambda i: (0, i))],
        out_specs=(
            pl.BlockSpec((TRW, 128), lambda i: (i, 0)),
            pl.BlockSpec((TRW, 128), lambda i: (i, 0)),
        ),
        out_shape=(
            jax.ShapeDtypeStruct((npad, 128), jnp.int32),
            jax.ShapeDtypeStruct((npad, 128), jnp.int32),
        ),
        name="gekg_rec_tr_tc",
    )


H0 = 128
H1 = L - H0


def _user_emb_body(bpw, users_hbm, recA_hbm, recB_hbm, table_hbm, out_hbm,
                   users_v, recA_v, recB_v, rows_v, zero_v, cidx_v, acc_sh,
                   sema, semb, semg0, semg1, sems0, sems1):
    base = _wid() * bpw
    sid = lax.axis_index("s")
    arow = sid * bpw
    pltpu.sync_copy(users_hbm.at[pl.ds(base, bpw)], users_v)
    pltpu.async_copy(recA_hbm.at[users_v], recA_v, sema)
    pltpu.async_copy(recB_hbm.at[users_v], recB_v, semb)

    zv = jnp.zeros((16,), jnp.float32)

    def zbody(u, carry):
        for j in range(8):
            zero_v[u, pl.ds(16 * j, 16)] = zv
        return carry

    lax.fori_loop(0, bpw, zbody, 0)
    pltpu.sync_copy(zero_v, acc_sh.at[pl.ds(arow, bpw)])
    pltpu.make_async_copy(recA_hbm.at[users_v], recA_v, sema).wait()
    pltpu.make_async_copy(recB_hbm.at[users_v], recB_v, semb).wait()

    semg = (semg0, semg1)
    sems = (sems0, sems1)

    def issue(u, p):
        pltpu.async_copy(table_hbm.at[recA_v.at[u]],
                         rows_v.at[p, pl.ds(0, H0)], semg[p])
        pltpu.async_copy(table_hbm.at[recB_v.at[u, pl.ds(0, H1)]],
                         rows_v.at[p, pl.ds(H0, H1)], semg[p])

    def drain(p):
        pltpu.make_async_copy(table_hbm.at[recA_v.at[0]],
                              rows_v.at[p, pl.ds(0, H0)], semg[p]).wait()
        pltpu.make_async_copy(table_hbm.at[recB_v.at[0, pl.ds(0, H1)]],
                              rows_v.at[p, pl.ds(H0, H1)], semg[p]).wait()

    def add_issue(u, p):
        uv = jnp.full((16,), arow + u, jnp.int32)
        for j in range(8):
            cidx_v[p, pl.ds(16 * j, 16)] = uv
        pltpu.async_copy(rows_v.at[p, pl.ds(0, H0)],
                         acc_sh.at[cidx_v.at[p]], sems[p], add=True)
        pltpu.async_copy(rows_v.at[p, pl.ds(H0, H1)],
                         acc_sh.at[cidx_v.at[p, pl.ds(0, H1)]], sems[p],
                         add=True)

    def add_drain(p):
        pltpu.make_async_copy(rows_v.at[p, pl.ds(0, H0)],
                              acc_sh.at[cidx_v.at[p]], sems[p]).wait()
        pltpu.make_async_copy(rows_v.at[p, pl.ds(H0, H1)],
                              acc_sh.at[cidx_v.at[p, pl.ds(0, H1)]],
                              sems[p]).wait()

    issue(0, 0)

    def outer(t, carry):
        for p in range(2):
            u = 2 * t + p

            @pl.when(u + 1 < bpw)
            def _():
                @pl.when(u >= 1)
                def _():
                    add_drain(1 - p)

                issue(u + 1, 1 - p)

            drain(p)
            add_issue(u, p)
        return carry

    lax.fori_loop(0, bpw // 2, outer, 0)
    add_drain(0)
    add_drain(1)
    pltpu.sync_copy(acc_sh.at[pl.ds(arow, bpw)], out_hbm.at[pl.ds(base, bpw)])


def _make_user_emb(b):
    bpw = b // NW
    mesh = plsc.VectorSubcoreMesh(core_axis_name="c", subcore_axis_name="s")
    return pl.kernel(
        functools.partial(_user_emb_body, bpw),
        out_type=jax.ShapeDtypeStruct((b, DIM), jnp.float32),
        mesh=mesh,
        scratch_types=[
            pltpu.VMEM((bpw,), jnp.int32),
            pltpu.VMEM((bpw, 128), jnp.int32),
            pltpu.VMEM((bpw, 128), jnp.int32),
            pltpu.VMEM((2, L, DIM), jnp.float32),
            pltpu.VMEM((bpw, DIM), jnp.float32),
            pltpu.VMEM((2, 128), jnp.int32),
            pltpu.VMEM_SHARED((NS * bpw, DIM), jnp.float32),
            pltpu.SemaphoreType.DMA,
            pltpu.SemaphoreType.DMA,
            pltpu.SemaphoreType.DMA,
            pltpu.SemaphoreType.DMA,
            pltpu.SemaphoreType.DMA,
            pltpu.SemaphoreType.DMA,
        ],
        name="gekg_user_emb_sc",
    )


def _nbr_body(bpw, items_hbm, entidx_hbm, table_hbm,
              ent_out, item_out,
              idx_v, nbr_v, item_v, ent_v,
              sem_b, semg0, semg1, semw0, semw1):
    base = _wid() * bpw
    nchunk = bpw * K // 128
    pltpu.sync_copy(items_hbm.at[pl.ds(base, bpw)], idx_v)
    pltpu.async_copy(table_hbm.at[idx_v], item_v, sem_b)
    pltpu.sync_copy(entidx_hbm.at[pl.ds(_wid() * nchunk, nchunk)], nbr_v)
    pltpu.make_async_copy(table_hbm.at[idx_v], item_v, sem_b).wait()
    pltpu.sync_copy(item_v, item_out.at[pl.ds(base, bpw)])

    semg = (semg0, semg1)
    semw = (semw0, semw1)

    def g_issue(c, p):
        pltpu.async_copy(table_hbm.at[nbr_v.at[c]], ent_v.at[p], semg[p])

    def g_wait(p):
        pltpu.make_async_copy(table_hbm.at[nbr_v.at[0]],
                              ent_v.at[p], semg[p]).wait()

    def wback(c, p):
        pltpu.async_copy(ent_v.at[p],
                         ent_out.at[pl.ds(base * K + 128 * c, 128)], semw[p])

    def wb_wait(p):
        pltpu.make_async_copy(ent_v.at[p],
                              ent_out.at[pl.ds(0, 128)], semw[p]).wait()

    g_issue(0, 0)
    for c in range(nchunk):
        p = c % 2
        if c + 1 < nchunk:
            if c >= 1:
                wb_wait(1 - p)
            g_issue(c + 1, 1 - p)
        g_wait(p)
        wback(c, p)
    wb_wait(0)
    wb_wait(1)


def _make_nbr(b):
    bpw = b // NW
    mesh = plsc.VectorSubcoreMesh(core_axis_name="c", subcore_axis_name="s")
    return pl.kernel(
        functools.partial(_nbr_body, bpw),
        out_type=(
            jax.ShapeDtypeStruct((b * K, DIM), jnp.float32),
            jax.ShapeDtypeStruct((b, DIM), jnp.float32),
        ),
        mesh=mesh,
        scratch_types=[
            pltpu.VMEM((bpw,), jnp.int32),
            pltpu.VMEM((bpw * K // 128, 128), jnp.int32),
            pltpu.VMEM((bpw, DIM), jnp.float32),
            pltpu.VMEM((2, 128, DIM), jnp.float32),
            pltpu.SemaphoreType.DMA,
            pltpu.SemaphoreType.DMA,
            pltpu.SemaphoreType.DMA,
            pltpu.SemaphoreType.DMA,
            pltpu.SemaphoreType.DMA,
        ],
        name="gekg_nbr_gather_sc",
    )


def _attn_body(ent_ref, rel_ref, item_ref, rtab_ref,
               wge_ref, wgr_ref, wae_ref, war_ref, bg_ref, ba_ref,
               out_ref, gen_ref):
    iota32 = lax.broadcasted_iota(jnp.int32, (1, NR), 1)
    wae = wae_ref[...]
    war = war_ref[...]
    bg = bg_ref[...]
    ba = ba_ref[0, 0]
    rtab = rtab_ref[...]
    wge = wge_ref[...]
    wgr = wgr_ref[...]
    s1l, s2l = [], []
    for k in range(K):
        ent_k = ent_ref[k]
        oh = (rel_ref[:, k:k + 1] == iota32).astype(jnp.float32)
        rel_k = jnp.dot(oh, rtab, preferred_element_type=jnp.float32)
        rs = jnp.sum(rel_k * war, axis=1, keepdims=True)
        s1l.append(jnp.sum(ent_k * wae, axis=1, keepdims=True) + rs + ba)
        gen_k = jax.nn.sigmoid(
            jnp.dot(ent_k, wge, preferred_element_type=jnp.float32)
            + jnp.dot(rel_k, wgr, preferred_element_type=jnp.float32) + bg)
        gen_ref[k] = gen_k
        s2l.append(jnp.sum(gen_k * wae, axis=1, keepdims=True) + rs + ba)
    w1 = jax.nn.sigmoid(jnp.concatenate(s1l, axis=1))
    w2 = jax.nn.sigmoid(jnp.concatenate(s2l, axis=1))
    nw1 = jax.nn.softmax(w1, axis=1)
    nw2 = jax.nn.softmax(w2, axis=1)
    acc = item_ref[...]
    for k in range(K):
        acc = (acc + ent_ref[k] * nw1[:, k:k + 1]
               + gen_ref[k] * nw2[:, k:k + 1])
    out_ref[...] = acc


def _make_attn(b, bt):
    grid = (b // bt,)
    return pl.pallas_call(
        _attn_body,
        grid=grid,
        in_specs=[
            pl.BlockSpec((K, bt, DIM), lambda i: (0, i, 0)),
            pl.BlockSpec((bt, K), lambda i: (i, 0)),
            pl.BlockSpec((bt, DIM), lambda i: (i, 0)),
            pl.BlockSpec((NR, DIM), lambda i: (0, 0)),
            pl.BlockSpec((DIM, DIM), lambda i: (0, 0)),
            pl.BlockSpec((DIM, DIM), lambda i: (0, 0)),
            pl.BlockSpec((1, DIM), lambda i: (0, 0)),
            pl.BlockSpec((1, DIM), lambda i: (0, 0)),
            pl.BlockSpec((1, DIM), lambda i: (0, 0)),
            pl.BlockSpec((1, 1), lambda i: (0, 0)),
        ],
        out_specs=pl.BlockSpec((bt, DIM), lambda i: (i, 0)),
        out_shape=jax.ShapeDtypeStruct((b, DIM), jnp.float32),
        scratch_shapes=[pltpu.VMEM((K, bt, DIM), jnp.float32)],
        name="gekg_attn_tc",
    )


def _dot_body(user_ref, item_ref, ones_ref, out_ref):
    prod = user_ref[...] * item_ref[...]
    out_ref[...] = jax.nn.sigmoid(
        jnp.dot(prod, ones_ref[...], preferred_element_type=jnp.float32))


def _make_dot(b, bt):
    grid = (b // bt,)
    return pl.pallas_call(
        _dot_body,
        grid=grid,
        in_specs=[
            pl.BlockSpec((bt, DIM), lambda i: (i, 0)),
            pl.BlockSpec((bt, DIM), lambda i: (i, 0)),
            pl.BlockSpec((DIM, 8), lambda i: (0, 0)),
        ],
        out_specs=pl.BlockSpec((bt, 8), lambda i: (i, 0)),
        out_shape=jax.ShapeDtypeStruct((b, 8), jnp.float32),
        name="gekg_dot_tc",
    )


def kernel(pairs, neighbor_entities, neighbor_relations, user_records,
           entity_embedding_matrix, relation_embedding_matrix, Wg, bg, Wa, ba):
    b = pairs.shape[0]
    users = pairs[:, 0].astype(jnp.int32)
    items = pairs[:, 1].astype(jnp.int32)

    n = user_records.shape[0]
    npad = (n + TRW - 1) // TRW * TRW
    recA, recB = _make_tr(npad)(user_records.astype(jnp.int32).T)

    ent_idx = jnp.take(neighbor_entities.astype(jnp.int32), items, axis=0)
    ent_rows_idx = ent_idx.T.reshape(b * K // 128, 128)
    rel_idx = jnp.take(neighbor_relations.astype(jnp.int32), items, axis=0)

    ent_rows, item_rows = _make_nbr(b)(
        items, ent_rows_idx, entity_embedding_matrix)
    user_emb = _make_user_emb(b)(
        users, recA, recB, entity_embedding_matrix)

    ent3d = ent_rows.reshape(K, b, DIM)
    wge = Wg[:DIM]
    wgr = Wg[DIM:]
    wae = Wa[:DIM, 0].reshape(1, DIM)
    war = Wa[DIM:, 0].reshape(1, DIM)
    bg2 = bg.reshape(1, DIM)
    ba2 = ba.reshape(1, 1)

    item_emb = _make_attn(b, 256)(ent3d, rel_idx, item_rows,
                                  relation_embedding_matrix, wge, wgr,
                                  wae, war, bg2, ba2)
    ones = jnp.ones((DIM, 8), jnp.float32)
    out = _make_dot(b, 1024)(user_emb, item_emb, ones)
    return out[:, 0]

# --- scband reference (transcript-rebuilt; emitter-appended) ---
"""Pipeline reference for scband-gekg-42949673563 (READ-ONLY COPY).

The authoritative reference and input builder live on the scoring server;
editing this copy changes nothing except your own understanding.
"""

import jax, jax.numpy as jnp
import numpy as np

N_ENTITY = 100000
N_RELATION = 32
DIM = 128
B = 4096
K = 16
L = 200


def setup_inputs(seed: int = 0) -> dict:
    key = jax.random.key(seed)
    ks = jax.random.split(key, 10)
    pairs = jax.random.randint(ks[0], (B, 2), 0, N_ENTITY, dtype=jnp.int64) if jax.config.jax_enable_x64 else jax.random.randint(ks[0], (B, 2), 0, N_ENTITY)
    neighbor_entities = jax.random.randint(ks[1], (N_ENTITY, K), 0, N_ENTITY)
    neighbor_relations = jax.random.randint(ks[2], (N_ENTITY, K), 0, N_RELATION)
    user_records = jax.random.randint(ks[3], (N_ENTITY, L), 0, N_ENTITY)
    scale_e = float(np.sqrt(6.0 / (N_ENTITY + DIM)))
    entity_embedding_matrix = jax.random.uniform(ks[4], (N_ENTITY, DIM), minval=-scale_e, maxval=scale_e, dtype=jnp.float32)
    scale_r = float(np.sqrt(6.0 / (N_RELATION + DIM)))
    relation_embedding_matrix = jax.random.uniform(ks[5], (N_RELATION, DIM), minval=-scale_r, maxval=scale_r, dtype=jnp.float32)
    Wg = jax.random.normal(ks[6], (2 * DIM, DIM), dtype=jnp.float32) * 0.05
    bg = jnp.zeros((DIM,), dtype=jnp.float32)
    Wa = jax.random.normal(ks[7], (2 * DIM, 1), dtype=jnp.float32) * 0.05
    ba = jnp.zeros((1,), dtype=jnp.float32)
    return {
        "pairs": pairs,
        "neighbor_entities": neighbor_entities,
        "neighbor_relations": neighbor_relations,
        "user_records": user_records,
        "entity_embedding_matrix": entity_embedding_matrix,
        "relation_embedding_matrix": relation_embedding_matrix,
        "Wg": Wg,
        "bg": bg,
        "Wa": Wa,
        "ba": ba,
    }


def reference(pairs, neighbor_entities, neighbor_relations, user_records,
              entity_embedding_matrix, relation_embedding_matrix, Wg, bg, Wa, ba):
    users = pairs[:, 0]
    items = pairs[:, 1]
    # get_user_embedding: sum of entity embeddings over each user's record list
    rec_idx = jnp.take(user_records, users, axis=0)            # [B, L]
    user_emb = jnp.take(entity_embedding_matrix, rec_idx, axis=0).sum(axis=1)  # [B, DIM]
    # get_item_embedding
    ent_idx = jnp.take(neighbor_entities, items, axis=0)       # [B, K]
    rel_idx = jnp.take(neighbor_relations, items, axis=0)      # [B, K]
    ent = jnp.take(entity_embedding_matrix, ent_idx, axis=0)   # [B, K, DIM]
    rel = jnp.take(relation_embedding_matrix, rel_idx, axis=0) # [B, K, DIM]
    e_r = jnp.concatenate([ent, rel], axis=-1)                 # [B, K, 2*DIM]
    gen = jax.nn.sigmoid(e_r @ Wg + bg)                        # [B, K, DIM]
    w1 = jax.nn.sigmoid(e_r @ Wa + ba)                         # [B, K, 1]
    nw1 = jax.nn.softmax(w1, axis=1)
    neigh = (ent * nw1).sum(axis=1)                            # [B, DIM]
    w2 = jax.nn.sigmoid(jnp.concatenate([gen, rel], axis=-1) @ Wa + ba)
    nw2 = jax.nn.softmax(w2, axis=1)
    gen_neigh = (gen * nw2).sum(axis=1)                        # [B, DIM]
    item_emb = jnp.take(entity_embedding_matrix, items, axis=0) + neigh + gen_neigh
    return jax.nn.sigmoid((user_emb * item_emb).sum(axis=1))   # [B]

if __name__ == "__main__":
    import jax
    _d = setup_inputs()
    print(jax.jit(kernel)(*tuple(_d.values())))

</pallas_src>

<mosaic_0001>
#map = affine_map<(d0, d1) -> (0)>
#map1 = affine_map<(d0, d1) -> (0, 0)>
module attributes {stable_mosaic.version = 14 : i64} {
  func.func @gekg_nbr_gather_sc(%arg0: i32, %arg1: i32, %arg2: memref<4096xi32, #tpu.memory_space<hbm>>, %arg3: memref<512x128xi32, #tpu.memory_space<hbm>>, %arg4: memref<100000x128xf32, #tpu.memory_space<hbm>>, %arg5: memref<65536x128xf32, #tpu.memory_space<hbm>>, %arg6: memref<4096x128xf32, #tpu.memory_space<hbm>>, %arg7: memref<128xi32, #tpu.memory_space<vmem>>, %arg8: memref<16x128xi32, #tpu.memory_space<vmem>>, %arg9: memref<128x128xf32, #tpu.memory_space<vmem>>, %arg10: memref<2x128x128xf32, #tpu.memory_space<vmem>>, %arg11: memref<!tpu.dma_semaphore, #tpu.memory_space<semaphore_mem>>, %arg12: memref<!tpu.dma_semaphore, #tpu.memory_space<semaphore_mem>>, %arg13: memref<!tpu.dma_semaphore, #tpu.memory_space<semaphore_mem>>, %arg14: memref<!tpu.dma_semaphore, #tpu.memory_space<semaphore_mem>>, %arg15: memref<!tpu.dma_semaphore, #tpu.memory_space<semaphore_mem>>) attributes {dimension_semantics = [#tpu.dimension_semantics<core_parallel>, #tpu.dimension_semantics<subcore_parallel>], iteration_bounds = array<i64: 2, 16>, scalar_prefetch = 0 : i64, scratch_operands = 9 : i64, tpu.core_type = #tpu.core_type<sc_vector_subcore>, window_params = [{transform_indices = #map}, {transform_indices = #map1}, {transform_indices = #map1}, {transform_indices = #map1}, {transform_indices = #map1}]} {
    %mul3A = arith.constant 2 : i32
    %mul3A_0 = arith.muli %arg1, %mul3A : i32
    %add3A = arith.addi %mul3A_0, %arg0 : i32
    %mul3A_1 = arith.constant 128 : i32
    %mul3A_2 = arith.muli %add3A, %mul3A_1 : i32
    "tpu.region"() ({
      %run_scoped3A = tpu.sem_alloc : memref<!tpu.dma_semaphore, #tpu.memory_space<semaphore_mem>>
      %dma_start3A_908 = tpu.memref_slice %arg2[%mul3A_2] : memref<4096xi32, #tpu.memory_space<hbm>> -> memref<128xi32, #tpu.memory_space<hbm>>
      %dma_start3A_909 = tpu.memref_slice %arg2[%mul3A_2] : memref<4096xi32, #tpu.memory_space<hbm>> -> memref<128xi32, #tpu.memory_space<hbm>>
      tpu.enqueue_dma source(%dma_start3A_909 : memref<128xi32, #tpu.memory_space<hbm>>) target(%arg7 : memref<128xi32, #tpu.memory_space<vmem>>) target_semaphore(%run_scoped3A : memref<!tpu.dma_semaphore, #tpu.memory_space<semaphore_mem>>)
      %dma_wait3A_910 = tpu.memref_slice %arg2[%mul3A_2] : memref<4096xi32, #tpu.memory_space<hbm>> -> memref<128xi32, #tpu.memory_space<hbm>>
      %dma_wait3A_911 = tpu.memref_slice %arg2[%mul3A_2] : memref<4096xi32, #tpu.memory_space<hbm>> -> memref<128xi32, #tpu.memory_space<hbm>>
      tpu.wait_dma2 semaphore(%run_scoped3A : memref<!tpu.dma_semaphore, #tpu.memory_space<semaphore_mem>>) src(%dma_wait3A_911 : memref<128xi32, #tpu.memory_space<hbm>>) dst(%arg7 : memref<128xi32, #tpu.memory_space<vmem>>)
      tpu.yield
    }) : () -> ()
    %dma_start3A = arith.constant 0 : i32
    %dma_start3A_3 = arith.constant 0 : i32
    %dma_start3A_4 = tpu.memref_slice %arg4[%dma_start3A, %dma_start3A_3] : memref<100000x128xf32, #tpu.memory_space<hbm>> -> memref<100000x128xf32, #tpu.memory_space<hbm>>
    tpu.enqueue_indirect_dma source(%dma_start3A_4 : memref<100000x128xf32, #tpu.memory_space<hbm>>) target(%arg9 : memref<128x128xf32, #tpu.memory_space<vmem>>) offsets(%arg7 : memref<128xi32, #tpu.memory_space<vmem>>) semaphore(%arg11 : memref<!tpu.dma_semaphore, #tpu.memory_space<semaphore_mem>>)
    %mul3A_5 = arith.constant 2 : i32
    %mul3A_6 = arith.muli %arg1, %mul3A_5 : i32
    %add3A_7 = arith.addi %mul3A_6, %arg0 : i32
    %mul3A_8 = arith.constant 16 : i32
    %mul3A_9 = arith.muli %add3A_7, %mul3A_8 : i32
    "tpu.region"() ({
      %run_scoped3A = tpu.sem_alloc : memref<!tpu.dma_semaphore, #tpu.memory_space<semaphore_mem>>
      %dma_start3A_908 = arith.constant 0 : i32
      %dma_start3A_909 = tpu.memref_slice %arg3[%mul3A_9, %dma_start3A_908] : memref<512x128xi32, #tpu.memory_space<hbm>> -> memref<16x128xi32, #tpu.memory_space<hbm>>
      %dma_start3A_910 = arith.constant 0 : i32
      %dma_start3A_911 = tpu.memref_slice %arg3[%mul3A_9, %dma_start3A_910] : memref<512x128xi32, #tpu.memory_space<hbm>> -> memref<16x128xi32, #tpu.memory_space<hbm>>
      tpu.enqueue_dma source(%dma_start3A_911 : memref<16x128xi32, #tpu.memory_space<hbm>>) target(%arg8 : memref<16x128xi32, #tpu.memory_space<vmem>>) target_semaphore(%run_scoped3A : memref<!tpu.dma_semaphore, #tpu.memory_space<semaphore_mem>>)
      %dma_wait3A_912 = arith.constant 0 : i32
      %dma_wait3A_913 = tpu.memref_slice %arg3[%mul3A_9, %dma_wait3A_912] : memref<512x128xi32, #tpu.memory_space<hbm>> -> memref<16x128xi32, #tpu.memory_space<hbm>>
      %dma_wait3A_914 = arith.constant 0 : i32
      %dma_wait3A_915 = tpu.memref_slice %arg3[%mul3A_9, %dma_wait3A_914] : memref<512x128xi32, #tpu.memory_space<hbm>> -> memref<16x128xi32, #tpu.memory_space<hbm>>
      tpu.wait_dma2 semaphore(%run_scoped3A : memref<!tpu.dma_semaphore, #tpu.memory_space<semaphore_mem>>) src(%dma_wait3A_915 : memref<16x128xi32, #tpu.memory_space<hbm>>) dst(%arg8 : memref<16x128xi32, #tpu.memory_space<vmem>>)
      tpu.yield
    }) : () -> ()
    %dma_wait3A = arith.constant 0 : i32
    %dma_wait3A_10 = arith.constant 0 : i32
    %dma_wait3A_11 = tpu.memref_slice %arg4[%dma_wait3A, %dma_wait3A_10] : memref<100000x128xf32, #tpu.memory_space<hbm>> -> memref<100000x128xf32, #tpu.memory_space<hbm>>
    tpu.wait_indirect_dma semaphore(%arg11 : memref<!tpu.dma_semaphore, #tpu.memory_space<semaphore_mem>>) src(%dma_wait3A_11 : memref<100000x128xf32, #tpu.memory_space<hbm>>) dst(%arg9 : memref<128x128xf32, #tpu.memory_space<vmem>>)
    "tpu.region"() ({
      %run_scoped3A = tpu.sem_alloc : memref<!tpu.dma_semaphore, #tpu.memory_space<semaphore_mem>>
      %dma_start3A_908 = arith.constant 0 : i32
      %dma_start3A_909 = tpu.memref_slice %arg6[%mul3A_2, %dma_start3A_908] : memref<4096x128xf32, #tpu.memory_space<hbm>> -> memref<128x128xf32, #tpu.memory_space<hbm>>
      %dma_start3A_910 = arith.constant 0 : i32
      %dma_start3A_911 = tpu.memref_slice %arg6[%mul3A_2, %dma_start3A_910] : memref<4096x128xf32, #tpu.memory_space<hbm>> -> memref<128x128xf32, #tpu.memory_space<hbm>>
      tpu.enqueue_dma source(%arg9 : memref<128x128xf32, #tpu.memory_space<vmem>>) target(%dma_start3A_911 : memref<128x128xf32, #tpu.memory_space<hbm>>) target_semaphore(%run_scoped3A : memref<!tpu.dma_semaphore, #tpu.memory_space<semaphore_mem>>)
      %dma_wait3A_912 = arith.constant 0 : i32
      %dma_wait3A_913 = tpu.memref_slice %arg6[%mul3A_2, %dma_wait3A_912] : memref<4096x128xf32, #tpu.memory_space<hbm>> -> memref<128x128xf32, #tpu.memory_space<hbm>>
      %dma_wait3A_914 = arith.constant 0 : i32
      %dma_wait3A_915 = tpu.memref_slice %arg6[%mul3A_2, %dma_wait3A_914] : memref<4096x128xf32, #tpu.memory_space<hbm>> -> memref<128x128xf32, #tpu.memory_space<hbm>>
      tpu.wait_dma2 semaphore(%run_scoped3A : memref<!tpu.dma_semaphore, #tpu.memory_space<semaphore_mem>>) src(%arg9 : memref<128x128xf32, #tpu.memory_space<vmem>>) dst(%dma_wait3A_915 : memref<128x128xf32, #tpu.memory_space<hbm>>)
      tpu.yield
    }) : () -> ()
    %dma_start3A_12 = arith.constant 0 : i32
    %dma_start3A_13 = arith.constant 0 : i32
    %dma_start3A_14 = arith.constant 0 : i32
    %dma_start3A_15 = arith.constant 0 : i32
    %dma_start3A_16 = tpu.memref_slice %arg10[%dma_start3A_13, %dma_start3A_14, %dma_start3A_15] : memref<2x128x128xf32, #tpu.memory_space<vmem>> -> memref<1x128x128xf32, #tpu.memory_space<vmem>>
    %dma_start3A_17 = tpu.memref_squeeze %dma_start3A_16 : memref<1x128x128xf32, #tpu.memory_space<vmem>> -> memref<128x128xf32, #tpu.memory_space<vmem>>
    %dma_start3A_18 = arith.constant 0 : i32
    %dma_start3A_19 = tpu.memref_slice %arg8[%dma_start3A_12, %dma_start3A_18] : memref<16x128xi32, #tpu.memory_space<vmem>> -> memref<1x128xi32, #tpu.memory_space<vmem>>
    %dma_start3A_20 = tpu.memref_squeeze %dma_start3A_19 : memref<1x128xi32, #tpu.memory_space<vmem>> -> memref<128xi32, #tpu.memory_space<vmem>>
    %dma_start3A_21 = arith.constant 0 : i32
    %dma_start3A_22 = arith.constant 0 : i32
    %dma_start3A_23 = tpu.memref_slice %arg4[%dma_start3A_21, %dma_start3A_22] : memref<100000x128xf32, #tpu.memory_space<hbm>> -> memref<100000x128xf32, #tpu.memory_space<hbm>>
    tpu.enqueue_indirect_dma source(%dma_start3A_23 : memref<100000x128xf32, #tpu.memory_space<hbm>>) target(%dma_start3A_17 : memref<128x128xf32, #tpu.memory_space<vmem>>) offsets(%dma_start3A_20 : memref<128xi32, #tpu.memory_space<vmem>>) semaphore(%arg12 : memref<!tpu.dma_semaphore, #tpu.memory_space<semaphore_mem>>)
    %dma_start3A_24 = arith.constant 1 : i32
    %dma_start3A_25 = arith.constant 1 : i32
    %dma_start3A_26 = arith.constant 0 : i32
    %dma_start3A_27 = arith.constant 0 : i32
    %dma_start3A_28 = tpu.memref_slice %arg10[%dma_start3A_25, %dma_start3A_26, %dma_start3A_27] : memref<2x128x128xf32, #tpu.memory_space<vmem>> -> memref<1x128x128xf32, #tpu.memory_space<vmem>>
    %dma_start3A_29 = tpu.memref_squeeze %dma_start3A_28 : memref<1x128x128xf32, #tpu.memory_space<vmem>> -> memref<128x128xf32, #tpu.memory_space<vmem>>
    %dma_start3A_30 = arith.constant 0 : i32
    %dma_start3A_31 = tpu.memref_slice %arg8[%dma_start3A_24, %dma_start3A_30] : memref<16x128xi32, #tpu.memory_space<vmem>> -> memref<1x128xi32, #tpu.memory_space<vmem>>
    %dma_start3A_32 = tpu.memref_squeeze %dma_start3A_31 : memref<1x128xi32, #tpu.memory_space<vmem>> -> memref<128xi32, #tpu.memory_space<vmem>>
    %dma_start3A_33 = arith.constant 0 : i32
    %dma_start3A_34 = arith.constant 0 : i32
    %dma_start3A_35 = tpu.memref_slice %arg4[%dma_start3A_33, %dma_start3A_34] : memref<100000x128xf32, #tpu.memory_space<hbm>> -> memref<100000x128xf32, #tpu.memory_space<hbm>>
    tpu.enqueue_indirect_dma source(%dma_start3A_35 : memref<100000x128xf32, #tpu.memory_space<hbm>>) target(%dma_start3A_29 : memref<128x128xf32, #tpu.memory_space<vmem>>) offsets(%dma_start3A_32 : memref<128xi32, #tpu.memory_space<vmem>>) semaphore(%arg13 : memref<!tpu.dma_semaphore, #tpu.memory_space<semaphore_mem>>)
    %dma_wait3A_36 = arith.constant 0 : i32
    %dma_wait3A_37 = arith.constant 0 : i32
    %dma_wait3A_38 = arith.constant 0 : i32
    %dma_wait3A_39 = arith.constant 0 : i32
    %dma_wait3A_40 = tpu.memref_slice %arg10[%dma_wait3A_37, %dma_wait3A_38, %dma_wait3A_39] : memref<2x128x128xf32, #tpu.memory_space<vmem>> -> memref<1x128x128xf32, #tpu.memory_space<vmem>>
    %dma_wait3A_41 = tpu.memref_squeeze %dma_wait3A_40 : memref<1x128x128xf32, #tpu.memory_space<vmem>> -> memref<128x128xf32, #tpu.memory_space<vmem>>
    %dma_wait3A_42 = arith.constant 0 : i32
    %dma_wait3A_43 = tpu.memref_slice %arg8[%dma_wait3A_36, %dma_wait3A_42] : memref<16x128xi32, #tpu.memory_space<vmem>> -> memref<1x128xi32, #tpu.memory_space<vmem>>
    %dma_wait3A_44 = tpu.memref_squeeze %dma_wait3A_43 : memref<1x128xi32, #tpu.memory_space<vmem>> -> memref<128xi32, #tpu.memory_space<vmem>>
    %dma_wait3A_45 = arith.constant 0 : i32
    %dma_wait3A_46 = arith.constant 0 : i32
    %dma_wait3A_47 = tpu.memref_slice %arg4[%dma_wait3A_45, %dma_wait3A_46] : memref<100000x128xf32, #tpu.memory_space<hbm>> -> memref<100000x128xf32, #tpu.memory_space<hbm>>
    tpu.wait_indirect_dma semaphore(%arg12 : memref<!tpu.dma_semaphore, #tpu.memory_space<semaphore_mem>>) src(%dma_wait3A_47 : memref<100000x128xf32, #tpu.memory_space<hbm>>) dst(%dma_wait3A_41 : memref<128x128xf32, #tpu.memory_space<vmem>>)
    %mul3A_48 = arith.constant 16 : i32
    %mul3A_49 = arith.muli %mul3A_2, %mul3A_48 : i32
    %add3A_50 = arith.constant 0 : i32
    %add3A_51 = arith.addi %mul3A_49, %add3A_50 : i32
    %dma_start3A_52 = arith.constant 0 : i32
    %dma_start3A_53 = arith.constant 0 : i32
    %dma_start3A_54 = arith.constant 0 : i32
    %dma_start3A_55 = tpu.memref_slice %arg10[%dma_start3A_52, %dma_start3A_53, %dma_start3A_54] : memref<2x128x128xf32, #tpu.memory_space<vmem>> -> memref<1x128x128xf32, #tpu.memory_space<vmem>>
    %dma_start3A_56 = tpu.memref_squeeze %dma_start3A_55 : memref<1x128x128xf32, #tpu.memory_space<vmem>> -> memref<128x128xf32, #tpu.memory_space<vmem>>
    %dma_start3A_57 = arith.constant 0 : i32
    %dma_start3A_58 = tpu.memref_slice %arg5[%add3A_51, %dma_start3A_57] : memref<65536x128xf32, #tpu.memory_space<hbm>> -> memref<128x128xf32, #tpu.memory_space<hbm>>
    %dma_start3A_59 = arith.constant 0 : i32
    %dma_start3A_60 = tpu.memref_slice %arg5[%add3A_51, %dma_start3A_59] : memref<65536x128xf32, #tpu.memory_space<hbm>> -> memref<128x128xf32, #tpu.memory_space<hbm>>
    %dma_start3A_61 = arith.constant 0 : i32
    %dma_start3A_62 = arith.constant 0 : i32
    %dma_start3A_63 = tpu.memref_slice %arg10[%dma_start3A_52, %dma_start3A_61, %dma_start3A_62] : memref<2x128x128xf32, #tpu.memory_space<vmem>> -> memref<1x128x128xf32, #tpu.memory_space<vmem>>
    %dma_start3A_64 = tpu.memref_squeeze %dma_start3A_63 : memref<1x128x128xf32, #tpu.memory_space<vmem>> -> memref<128x128xf32, #tpu.memory_space<vmem>>
    tpu.enqueue_dma source(%dma_start3A_64 : memref<128x128xf32, #tpu.memory_space<vmem>>) target(%dma_start3A_60 : memref<128x128xf32, #tpu.memory_space<hbm>>) target_semaphore(%arg14 : memref<!tpu.dma_semaphore, #tpu.memory_space<semaphore_mem>>)
    %dma_wait3A_65 = arith.constant 0 : i32
    %dma_wait3A_66 = arith.constant 0 : i32
    %dma_wait3A_67 = arith.constant 0 : i32
    %dma_wait3A_68 = tpu.memref_slice %arg10[%dma_wait3A_65, %dma_wait3A_66, %dma_wait3A_67] : memref<2x128x128xf32, #tpu.memory_space<vmem>> -> memref<1x128x128xf32, #tpu.memory_space<vmem>>
    %dma_wait3A_69 = tpu.memref_squeeze %dma_wait3A_68 : memref<1x128x128xf32, #tpu.memory_space<vmem>> -> memref<128x128xf32, #tpu.memory_space<vmem>>
    %dma_wait3A_70 = arith.constant 0 : i32
    %dma_wait3A_71 = arith.constant 0 : i32
    %dma_wait3A_72 = tpu.memref_slice %arg5[%dma_wait3A_70, %dma_wait3A_71] : memref<65536x128xf32, #tpu.memory_space<hbm>> -> memref<128x128xf32, #tpu.memory_space<hbm>>
    %dma_wait3A_73 = arith.constant 0 : i32
    %dma_wait3A_74 = arith.constant 0 : i32
    %dma_wait3A_75 = tpu.memref_slice %arg5[%dma_wait3A_73, %dma_wait3A_74] : memref<65536x128xf32, #tpu.memory_space<hbm>> -> memref<128x128xf32, #tpu.memory_space<hbm>>
    %dma_wait3A_76 = arith.constant 0 : i32
    %dma_wait3A_77 = arith.constant 0 : i32
    %dma_wait3A_78 = tpu.memref_slice %arg10[%dma_wait3A_65, %dma_wait3A_76, %dma_wait3A_77] : memref<2x128x128xf32, #tpu.memory_space<vmem>> -> memref<1x128x128xf32, #tpu.memory_space<vmem>>
    %dma_wait3A_79 = tpu.memref_squeeze %dma_wait3A_78 : memref<1x128x128xf32, #tpu.memory_space<vmem>> -> memref<128x128xf32, #tpu.memory_space<vmem>>
    tpu.wait_dma2 semaphore(%arg14 : memref<!tpu.dma_semaphore, #tpu.memory_space<semaphore_mem>>) src(%dma_wait3A_79 : memref<128x128xf32, #tpu.memory_space<vmem>>) dst(%dma_wait3A_75 : memref<128x128xf32, #tpu.memory_space<hbm>>)
    %dma_start3A_80 = arith.constant 2 : i32
    %dma_start3A_81 = arith.constant 0 : i32
    %dma_start3A_82 = arith.constant 0 : i32
    %dma_start3A_83 = arith.constant 0 : i32
    %dma_start3A_84 = tpu.memref_slice %arg10[%dma_start3A_81, %dma_start3A_82, %dma_start3A_83] : memref<2x128x128xf32, #tpu.memory_space<vmem>> -> memref<1x128x128xf32, #tpu.memory_space<vmem>>
    %dma_start3A_85 = tpu.memref_squeeze %dma_start3A_84 : memref<1x128x128xf32, #tpu.memory_space<vmem>> -> memref<128x128xf32, #tpu.memory_space<vmem>>
    %dma_start3A_86 = arith.constant 0 : i32
    %dma_start3A_87 = tpu.memref_slice %arg8[%dma_start3A_80, %dma_start3A_86] : memref<16x128xi32, #tpu.memory_space<vmem>> -> memref<1x128xi32, #tpu.memory_space<vmem>>
    %dma_start3A_88 = tpu.memref_squeeze %dma_start3A_87 : memref<1x128xi32, #tpu.memory_space<vmem>> -> memref<128xi32, #tpu.memory_space<vmem>>
    %dma_start3A_89 = arith.constant 0 : i32
    %dma_start3A_90 = arith.constant 0 : i32
    %dma_start3A_91 = tpu.memref_slice %arg4[%dma_start3A_89, %dma_start3A_90] : memref<100000x128xf32, #tpu.memory_space<hbm>> -> memref<100000x128xf32, #tpu.memory_space<hbm>>
    tpu.enqueue_indirect_dma source(%dma_start3A_91 : memref<100000x128xf32, #tpu.memory_space<hbm>>) target(%dma_start3A_85 : memref<128x128xf32, #tpu.memory_space<vmem>>) offsets(%dma_start3A_88 : memref<128xi32, #tpu.memory_space<vmem>>) semaphore(%arg12 : memref<!tpu.dma_semaphore, #tpu.memory_space<semaphore_mem>>)
    %dma_wait3A_92 = arith.constant 0 : i32
    %dma_wait3A_93 = arith.constant 1 : i32
    %dma_wait3A_94 = arith.constant 0 : i32
    %dma_wait3A_95 = arith.constant 0 : i32
    %dma_wait3A_96 = tpu.memref_slice %arg10[%dma_wait3A_93, %dma_wait3A_94, %dma_wait3A_95] : memref<2x128x128xf32, #tpu.memory_space<vmem>> -> memref<1x128x128xf32, #tpu.memory_space<vmem>>
    %dma_wait3A_97 = tpu.memref_squeeze %dma_wait3A_96 : memref<1x128x128xf32, #tpu.memory_space<vmem>> -> memref<128x128xf32, #tpu.memory_space<vmem>>
    %dma_wait3A_98 = arith.constant 0 : i32
    %dma_wait3A_99 = tpu.memref_slice %arg8[%dma_wait3A_92, %dma_wait3A_98] : memref<16x128xi32, #tpu.memory_space<vmem>> -> memref<1x128xi32, #tpu.memory_space<vmem>>
    %dma_wait3A_100 = tpu.memref_squeeze %dma_wait3A_99 : memref<1x128xi32, #tpu.memory_space<vmem>> -> memref<128xi32, #tpu.memory_space<vmem>>
    %dma_wait3A_101 = arith.constant 0 : i32
    %dma_wait3A_102 = arith.constant 0 : i32
    %dma_wait3A_103 = tpu.memref_slice %arg4[%dma_wait3A_101, %dma_wait3A_102] : memref<100000x128xf32, #tpu.memory_space<hbm>> -> memref<100000x128xf32, #tpu.memory_space<hbm>>
    tpu.wait_indirect_dma semaphore(%arg13 : memref<!tpu.dma_semaphore, #tpu.memory_space<semaphore_mem>>) src(%dma_wait3A_103 : memref<100000x128xf32, #tpu.memory_space<hbm>>) dst(%dma_wait3A_97 : memref<128x128xf32, #tpu.memory_space<vmem>>)
    %mul3A_104 = arith.constant 16 : i32
    %mul3A_105 = arith.muli %mul3A_2, %mul3A_104 : i32
    %add3A_106 = arith.constant 128 : i32
    %add3A_107 = arith.addi %mul3A_105, %add3A_106 : i32
    %dma_start3A_108 = arith.constant 1 : i32
    %dma_start3A_109 = arith.constant 0 : i32
    %dma_start3A_110 = arith.constant 0 : i32
    %dma_start3A_111 = tpu.memref_slice %arg10[%dma_start3A_108, %dma_start3A_109, %dma_start3A_110] : memref<2x128x128xf32, #tpu.memory_space<vmem>> -> memref<1x128x128xf32, #tpu.memory_space<vmem>>
    %dma_start3A_112 = tpu.memref_squeeze %dma_start3A_111 : memref<1x128x128xf32, #tpu.memory_space<vmem>> -> memref<128x128xf32, #tpu.memory_space<vmem>>
    %dma_start3A_113 = arith.constant 0 : i32
    %dma_start3A_114 = tpu.memref_slice %arg5[%add3A_107, %dma_start3A_113] : memref<65536x128xf32, #tpu.memory_space<hbm>> -> memref<128x128xf32, #tpu.memory_space<hbm>>
    %dma_start3A_115 = arith.constant 0 : i32
    %dma_start3A_116 = tpu.memref_slice %arg5[%add3A_107, %dma_start3A_115] : memref<65536x128xf32, #tpu.memory_space<hbm>> -> memref<128x128xf32, #tpu.memory_space<hbm>>
    %dma_start3A_117 = arith.constant 0 : i32
    %dma_start3A_118 = arith.constant 0 : i32
    %dma_start3A_119 = tpu.memref_slice %arg10[%dma_start3A_108, %dma_start3A_117, %dma_start3A_118] : memref<2x128x128xf32, #tpu.memory_space<vmem>> -> memref<1x128x128xf32, #tpu.memory_space<vmem>>
    %dma_start3A_120 = tpu.memref_squeeze %dma_start3A_119 : memref<1x128x128xf32, #tpu.memory_space<vmem>> -> memref<128x128xf32, #tpu.memory_space<vmem>>
    tpu.enqueue_dma source(%dma_start3A_120 : memref<128x128xf32, #tpu.memory_space<vmem>>) target(%dma_start3A_116 : memref<128x128xf32, #tpu.memory_space<hbm>>) target_semaphore(%arg15 : memref<!tpu.dma_semaphore, #tpu.memory_space<semaphore_mem>>)
    %dma_wait3A_121 = arith.constant 1 : i32
    %dma_wait3A_122 = arith.constant 0 : i32
    %dma_wait3A_123 = arith.constant 0 : i32
    %dma_wait3A_124 = tpu.memref_slice %arg10[%dma_wait3A_121, %dma_wait3A_122, %dma_wait3A_123] : memref<2x128x128xf32, #tpu.memory_space<vmem>> -> memref<1x128x128xf32, #tpu.memory_space<vmem>>
    %dma_wait3A_125 = tpu.memref_squeeze %dma_wait3A_124 : memref<1x128x128xf32, #tpu.memory_space<vmem>> -> memref<128x128xf32, #tpu.memory_space<vmem>>
    %dma_wait3A_126 = arith.constant 0 : i32
    %dma_wait3A_127 = arith.constant 0 : i32
    %dma_wait3A_128 = tpu.memref_slice %arg5[%dma_wait3A_126, %dma_wait3A_127] : memref<65536x128xf32, #tpu.memory_space<hbm>> -> memref<128x128xf32, #tpu.memory_space<hbm>>
    %dma_wait3A_129 = arith.constant 0 : i32
    %dma_wait3A_130 = arith.constant 0 : i32
    %dma_wait3A_131 = tpu.memref_slice %arg5[%dma_wait3A_129, %dma_wait3A_130] : memref<65536x128xf32, #tpu.memory_space<hbm>> -> memref<128x128xf32, #tpu.memory_space<hbm>>
    %dma_wait3A_132 = arith.constant 0 : i32
    %dma_wait3A_133 = arith.constant 0 : i32
    %dma_wait3A_134 = tpu.memref_slice %arg10[%dma_wait3A_121, %dma_wait3A_132, %dma_wait3A_133] : memref<2x128x128xf32, #tpu.memory_space<vmem>> -> memref<1x128x128xf32, #tpu.memory_space<vmem>>
    %dma_wait3A_135 = tpu.memref_squeeze %dma_wait3A_134 : memref<1x128x128xf32, #tpu.memory_space<vmem>> -> memref<128x128xf32, #tpu.memory_space<vmem>>
    tpu.wait_dma2 semaphore(%arg15 : memref<!tpu.dma_semaphore, #tpu.memory_space<semaphore_mem>>) src(%dma_wait3A_135 : memref<128x128xf32, #tpu.memory_space<vmem>>) dst(%dma_wait3A_131 : memref<128x128xf32, #tpu.memory_space<hbm>>)
    %dma_start3A_136 = arith.constant 3 : i32
    %dma_start3A_137 = arith.constant 1 : i32
    %dma_start3A_138 = arith.constant 0 : i32
    %dma_start3A_139 = arith.constant 0 : i32
    %dma_start3A_140 = tpu.memref_slice %arg10[%dma_start3A_137, %dma_start3A_138, %dma_start3A_139] : memref<2x128x128xf32, #tpu.memory_space<vmem>> -> memref<1x128x128xf32, #tpu.memory_space<vmem>>
    %dma_start3A_141 = tpu.memref_squeeze %dma_start3A_140 : memref<1x128x128xf32, #tpu.memory_space<vmem>> -> memref<128x128xf32, #tpu.memory_space<vmem>>
    %dma_start3A_142 = arith.constant 0 : i32
    %dma_start3A_143 = tpu.memref_slice %arg8[%dma_start3A_136, %dma_start3A_142] : memref<16x128xi32, #tpu.memory_space<vmem>> -> memref<1x128xi32, #tpu.memory_space<vmem>>
    %dma_start3A_144 = tpu.memref_squeeze %dma_start3A_143 : memref<1x128xi32, #tpu.memory_space<vmem>> -> memref<128xi32, #tpu.memory_space<vmem>>
    %dma_start3A_145 = arith.constant 0 : i32
    %dma_start3A_146 = arith.constant 0 : i32
    %dma_start3A_147 = tpu.memref_slice %arg4[%dma_start3A_145, %dma_start3A_146] : memref<100000x128xf32, #tpu.memory_space<hbm>> -> memref<100000x128xf32, #tpu.memory_space<hbm>>
    tpu.enqueue_indirect_dma source(%dma_start3A_147 : memref<100000x128xf32, #tpu.memory_space<hbm>>) target(%dma_start3A_141 : memref<128x128xf32, #tpu.memory_space<vmem>>) offsets(%dma_start3A_144 : memref<128xi32, #tpu.memory_space<vmem>>) semaphore(%arg13 : memref<!tpu.dma_semaphore, #tpu.memory_space<semaphore_mem>>)
    %dma_wait3A_148 = arith.constant 0 : i32
    %dma_wait3A_149 = arith.constant 0 : i32
    %dma_wait3A_150 = arith.constant 0 : i32
    %dma_wait3A_151 = arith.constant 0 : i32
    %dma_wait3A_152 = tpu.memref_slice %arg10[%dma_wait3A_149, %dma_wait3A_150, %dma_wait3A_151] : memref<2x128x128xf32, #tpu.memory_space<vmem>> -> memref<1x128x128xf32, #tpu.memory_space<vmem>>
    %dma_wait3A_153 = tpu.memref_squeeze %dma_wait3A_152 : memref<1x128x128xf32, #tpu.memory_space<vmem>> -> memref<128x128xf32, #tpu.memory_space<vmem>>
    %dma_wait3A_154 = arith.constant 0 : i32
    %dma_wait3A_155 = tpu.memref_slice %arg8[%dma_wait3A_148, %dma_wait3A_154] : memref<16x128xi32, #tpu.memory_space<vmem>> -> memref<1x128xi32, #tpu.memory_space<vmem>>
    %dma_wait3A_156 = tpu.memref_squeeze %dma_wait3A_155 : memref<1x128xi32, #tpu.memory_space<vmem>> -> memref<128xi32, #tpu.memory_space<vmem>>
    %dma_wait3A_157 = arith.constant 0 : i32
    %dma_wait3A_158 = arith.constant 0 : i32
    %dma_wait3A_159 = tpu.memref_slice %arg4[%dma_wait3A_157, %dma_wait3A_158] : memref<100000x128xf32, #tpu.memory_space<hbm>> -> memref<100000x128xf32, #tpu.memory_space<hbm>>
    tpu.wait_indirect_dma semaphore(%arg12 : memref<!tpu.dma_semaphore, #tpu.memory_space<semaphore_mem>>) src(%dma_wait3A_159 : memref<100000x128xf32, #tpu.memory_space<hbm>>) dst(%dma_wait3A_153 : memref<128x128xf32, #tpu.memory_space<vmem>>)
    %mul3A_160 = arith.constant 16 : i32
    %mul3A_161 = arith.muli %mul3A_2, %mul3A_160 : i32
    %add3A_162 = arith.constant 256 : i32
    %add3A_163 = arith.addi %mul3A_161, %add3A_162 : i32
    %dma_start3A_164 = arith.constant 0 : i32
    %dma_start3A_165 = arith.constant 0 : i32
    %dma_start3A_166 = arith.constant 0 : i32
    %dma_start3A_167 = tpu.memref_slice %arg10[%dma_start3A_164, %dma_start3A_165, %dma_start3A_166] : memref<2x128x128xf32, #tpu.memory_space<vmem>> -> memref<1x128x128xf32, #tpu.memory_space<vmem>>
    %dma_start3A_168 = tpu.memref_squeeze %dma_start3A_167 : memref<1x128x128xf32, #tpu.memory_space<vmem>> -> memref<128x128xf32, #tpu.memory_space<vmem>>
    %dma_start3A_169 = arith.constant 0 : i32
    %dma_start3A_170 = tpu.memref_slice %arg5[%add3A_163, %dma_start3A_169] : memref<65536x128xf32, #tpu.memory_space<hbm>> -> memref<128x128xf32, #tpu.memory_space<hbm>>
    %dma_start3A_171 = arith.constant 0 : i32
    %dma_start3A_172 = tpu.memref_slice %arg5[%add3A_163, %dma_start3A_171] : memref<65536x128xf32, #tpu.memory_space<hbm>> -> memref<128x128xf32, #tpu.memory_space<hbm>>
    %dma_start3A_173 = arith.constant 0 : i32
    %dma_start3A_174 = arith.constant 0 : i32
    %dma_start3A_175 = tpu.memref_slice %arg10[%dma_start3A_164, %dma_start3A_173, %dma_start3A_174] : memref<2x128x128xf32, #tpu.memory_space<vmem>> -> memref<1x128x128xf32, #tpu.memory_space<vmem>>
    %dma_start3A_176 = tpu.memref_squeeze %dma_start3A_175 : memref<1x128x128xf32, #tpu.memory_space<vmem>> -> memref<128x128xf32, #tpu.memory_space<vmem>>
    tpu.enqueue_dma source(%dma_start3A_176 : memref<128x128xf32, #tpu.memory_space<vmem>>) target(%dma_start3A_172 : memref<128x128xf32, #tpu.memory_space<hbm>>) target_semaphore(%arg14 : memref<!tpu.dma_semaphore, #tpu.memory_space<semaphore_mem>>)
    %dma_wait3A_177 = arith.constant 0 : i32
    %dma_wait3A_178 = arith.constant 0 : i32
    %dma_wait3A_179 = arith.constant 0 : i32
    %dma_wait3A_180 = tpu.memref_slice %arg10[%dma_wait3A_177, %dma_wait3A_178, %dma_wait3A_179] : memref<2x128x128xf32, #tpu.memory_space<vmem>> -> memref<1x128x128xf32, #tpu.memory_space<vmem>>
    %dma_wait3A_181 = tpu.memref_squeeze %dma_wait3A_180 : memref<1x128x128xf32, #tpu.memory_space<vmem>> -> memref<128x128xf32, #tpu.memory_space<vmem>>
    %dma_wait3A_182 = arith.constant 0 : i32
    %dma_wait3A_183 = arith.constant 0 : i32
    %dma_wait3A_184 = tpu.memref_slice %arg5[%dma_wait3A_182, %dma_wait3A_183] : memref<65536x128xf32, #tpu.memory_space<hbm>> -> memref<128x128xf32, #tpu.memory_space<hbm>>
    %dma_wait3A_185 = arith.constant 0 : i32
    %dma_wait3A_186 = arith.constant 0 : i32
    %dma_wait3A_187 = tpu.memref_slice %arg5[%dma_wait3A_185, %dma_wait3A_186] : memref<65536x128xf32, #tpu.memory_space<hbm>> -> memref<128x128xf32, #tpu.memory_space<hbm>>
    %dma_wait3A_188 = arith.constant 0 : i32
    %dma_wait3A_189 = arith.constant 0 : i32
    %dma_wait3A_190 = tpu.memref_slice %arg10[%dma_wait3A_177, %dma_wait3A_188, %dma_wait3A_189] : memref<2x128x128xf32, #tpu.memory_space<vmem>> -> memref<1x128x128xf32, #tpu.memory_space<vmem>>
    %dma_wait3A_191 = tpu.memref_squeeze %dma_wait3A_190 : memref<1x128x128xf32, #tpu.memory_space<vmem>> -> memref<128x128xf32, #tpu.memory_space<vmem>>
    tpu.wait_dma2 semaphore(%arg14 : memref<!tpu.dma_semaphore, #tpu.memory_space<semaphore_mem>>) src(%dma_wait3A_191 : memref<128x128xf32, #tpu.memory_space<vmem>>) dst(%dma_wait3A_187 : memref<128x128xf32, #tpu.memory_space<hbm>>)
    %dma_start3A_192 = arith.constant 4 : i32
    %dma_start3A_193 = arith.constant 0 : i32
    %dma_start3A_194 = arith.constant 0 : i32
    %dma_start3A_195 = arith.constant 0 : i32
    %dma_start3A_196 = tpu.memref_slice %arg10[%dma_start3A_193, %dma_start3A_194, %dma_start3A_195] : memref<2x128x128xf32, #tpu.memory_space<vmem>> -> memref<1x128x128xf32, #tpu.memory_space<vmem>>
    %dma_start3A_197 = tpu.memref_squeeze %dma_start3A_196 : memref<1x128x128xf32, #tpu.memory_space<vmem>> -> memref<128x128xf32, #tpu.memory_space<vmem>>
    %dma_start3A_198 = arith.constant 0 : i32
    %dma_start3A_199 = tpu.memref_slice %arg8[%dma_start3A_192, %dma_start3A_198] : memref<16x128xi32, #tpu.memory_space<vmem>> -> memref<1x128xi32, #tpu.memory_space<vmem>>
    %dma_start3A_200 = tpu.memref_squeeze %dma_start3A_199 : memref<1x128xi32, #tpu.memory_space<vmem>> -> memref<128xi32, #tpu.memory_space<vmem>>
    %dma_start3A_201 = arith.constant 0 : i32
    %dma_start3A_202 = arith.constant 0 : i32
    %dma_start3A_203 = tpu.memref_slice %arg4[%dma_start3A_201, %dma_start3A_202] : memref<100000x128xf32, #tpu.memory_space<hbm>> -> memref<100000x128xf32, #tpu.memory_space<hbm>>
    tpu.enqueue_indirect_dma source(%dma_start3A_203 : memref<100000x128xf32, #tpu.memory_space<hbm>>) target(%dma_start3A_197 : memref<128x128xf32, #tpu.memory_space<vmem>>) offsets(%dma_start3A_200 : memref<128xi32, #tpu.memory_space<vmem>>) semaphore(%arg12 : memref<!tpu.dma_semaphore, #tpu.memory_space<semaphore_mem>>)
    %dma_wait3A_204 = arith.constant 0 : i32
    %dma_wait3A_205 = arith.constant 1 : i32
    %dma_wait3A_206 = arith.constant 0 : i32
    %dma_wait3A_207 = arith.constant 0 : i32
    %dma_wait3A_208 = tpu.memref_slice %arg10[%dma_wait3A_205, %dma_wait3A_206, %dma_wait3A_207] : memref<2x128x128xf32, #tpu.memory_space<vmem>> -> memref<1x128x128xf32, #tpu.memory_space<vmem>>
    %dma_wait3A_209 = tpu.memref_squeeze %dma_wait3A_208 : memref<1x128x128xf32, #tpu.memory_space<vmem>> -> memref<128x128xf32, #tpu.memory_space<vmem>>
    %dma_wait3A_210 = arith.constant 0 : i32
    %dma_wait3A_211 = tpu.memref_slice %arg8[%dma_wait3A_204, %dma_wait3A_210] : memref<16x128xi32, #tpu.memory_space<vmem>> -> memref<1x128xi32, #tpu.memory_space<vmem>>
    %dma_wait3A_212 = tpu.memref_squeeze %dma_wait3A_211 : memref<1x128xi32, #tpu.memory_space<vmem>> -> memref<128xi32, #tpu.memory_space<vmem>>
    %dma_wait3A_213 = arith.constant 0 : i32
    %dma_wait3A_214 = arith.constant 0 : i32
    %dma_wait3A_215 = tpu.memref_slice %arg4[%dma_wait3A_213, %dma_wait3A_214] : memref<100000x128xf32, #tpu.memory_space<hbm>> -> memref<100000x128xf32, #tpu.memory_space<hbm>>
    tpu.wait_indirect_dma semaphore(%arg13 : memref<!tpu.dma_semaphore, #tpu.memory_space<semaphore_mem>>) src(%dma_wait3A_215 : memref<100000x128xf32, #tpu.memory_space<hbm>>) dst(%dma_wait3A_209 : memref<128x128xf32, #tpu.memory_space<vmem>>)
    %mul3A_216 = arith.constant 16 : i32
    %mul3A_217 = arith.muli %mul3A_2, %mul3A_216 : i32
    %add3A_218 = arith.constant 384 : i32
    %add3A_219 = arith.addi %mul3A_217, %add3A_218 : i32
    %dma_start3A_220 = arith.constant 1 : i32
    %dma_start3A_221 = arith.constant 0 : i32
    %dma_start3A_222 = arith.constant 0 : i32
    %dma_start3A_223 = tpu.memref_slice %arg10[%dma_start3A_220, %dma_start3A_221, %dma_start3A_222] : memref<2x128x128xf32, #tpu.memory_space<vmem>> -> memref<1x128x128xf32, #tpu.memory_space<vmem>>
    %dma_start3A_224 = tpu.memref_squeeze %dma_start3A_223 : memref<1x128x128xf32, #tpu.memory_space<vmem>> -> memref<128x128xf32, #tpu.memory_space<vmem>>
    %dma_start3A_225 = arith.constant 0 : i32
    %dma_start3A_226 = tpu.memref_slice %arg5[%add3A_219, %dma_start3A_225] : memref<65536x128xf32, #tpu.memory_space<hbm>> -> memref<128x128xf32, #tpu.memory_space<hbm>>
    %dma_start3A_227 = arith.constant 0 : i32
    %dma_start3A_228 = tpu.memref_slice %arg5[%add3A_219, %dma_start3A_227] : memref<65536x128xf32, #tpu.memory_space<hbm>> -> memref<128x128xf32, #tpu.memory_space<hbm>>
    %dma_start3A_229 = arith.constant 0 : i32
    %dma_start3A_230 = arith.constant 0 : i32
    %dma_start3A_231 = tpu.memref_slice %arg10[%dma_start3A_220, %dma_start3A_229, %dma_start3A_230] : memref<2x128x128xf32, #tpu.memory_space<vmem>> -> memref<1x128x128xf32, #tpu.memory_space<vmem>>
    %dma_start3A_232 = tpu.memref_squeeze %dma_start3A_231 : memref<1x128x128xf32, #tpu.memory_space<vmem>> -> memref<128x128xf32, #tpu.memory_space<vmem>>
    tpu.enqueue_dma source(%dma_start3A_232 : memref<128x128xf32, #tpu.memory_space<vmem>>) target(%dma_start3A_228 : memref<128x128xf32, #tpu.memory_space<hbm>>) target_semaphore(%arg15 : memref<!tpu.dma_semaphore, #tpu.memory_space<semaphore_mem>>)
    %dma_wait3A_233 = arith.constant 1 : i32
    %dma_wait3A_234 = arith.constant 0 : i32
    %dma_wait3A_235 = arith.constant 0 : i32
    %dma_wait3A_236 = tpu.memref_slice %arg10[%dma_wait3A_233, %dma_wait3A_234, %dma_wait3A_235] : memref<2x128x128xf32, #tpu.memory_space<vmem>> -> memref<1x128x128xf32, #tpu.memory_space<vmem>>
    %dma_wait3A_237 = tpu.memref_squeeze %dma_wait3A_236 : memref<1x128x128xf32, #tpu.memory_space<vmem>> -> memref<128x128xf32, #tpu.memory_space<vmem>>
    %dma_wait3A_238 = arith.constant 0 : i32
    %dma_wait3A_239 = arith.constant 0 : i32
    %dma_wait3A_240 = tpu.memref_slice %arg5[%dma_wait3A_238, %dma_wait3A_239] : memref<65536x128xf32, #tpu.memory_space<hbm>> -> memref<128x128xf32, #tpu.memory_space<hbm>>
    %dma_wait3A_241 = arith.constant 0 : i32
    %dma_wait3A_242 = arith.constant 0 : i32
    %dma_wait3A_243 = tpu.memref_slice %arg5[%dma_wait3A_241, %dma_wait3A_242] : memref<65536x128xf32, #tpu.memory_space<hbm>> -> memref<128x128xf32, #tpu.memory_space<hbm>>
    %dma_wait3A_244 = arith.constant 0 : i32
    %dma_wait3A_245 = arith.constant 0 : i32
    %dma_wait3A_246 = tpu.memref_slice %arg10[%dma_wait3A_233, %dma_wait3A_244, %dma_wait3A_245] : memref<2x128x128xf32, #tpu.memory_space<vmem>> -> memref<1x128x128xf32, #tpu.memory_space<vmem>>
    %dma_wait3A_247 = tpu.memref_squeeze %dma_wait3A_246 : memref<1x128x128xf32, #tpu.memory_space<vmem>> -> memref<128x128xf32, #tpu.memory_space<vmem>>
    tpu.wait_dma2 semaphore(%arg15 : memref<!tpu.dma_semaphore, #tpu.memory_space<semaphore_mem>>) src(%dma_wait3A_247 : memref<128x128xf32, #tpu.memory_space<vmem>>) dst(%dma_wait3A_243 : memref<128x128xf32, #tpu.memory_space<hbm>>)
    %dma_start3A_248 = arith.constant 5 : i32
    %dma_start3A_249 = arith.constant 1 : i32
    %dma_start3A_250 = arith.constant 0 : i32
    %dma_start3A_251 = arith.constant 0 : i32
    %dma_start3A_252 = tpu.memref_slice %arg10[%dma_start3A_249, %dma_start3A_250, %dma_start3A_251] : memref<2x128x128xf32, #tpu.memory_space<vmem>> -> memref<1x128x128xf32, #tpu.memory_space<vmem>>
    %dma_start3A_253 = tpu.memref_squeeze %dma_start3A_252 : memref<1x128x128xf32, #tpu.memory_space<vmem>> -> memref<128x128xf32, #tpu.memory_space<vmem>>
    %dma_start3A_254 = arith.constant 0 : i32
    %dma_start3A_255 = tpu.memref_slice %arg8[%dma_start3A_248, %dma_start3A_254] : memref<16x128xi32, #tpu.memory_space<vmem>> -> memref<1x128xi32, #tpu.memory_space<vmem>>
    %dma_start3A_256 = tpu.memref_squeeze %dma_start3A_255 : memref<1x128xi32, #tpu.memory_space<vmem>> -> memref<128xi32, #tpu.memory_space<vmem>>
    %dma_start3A_257 = arith.constant 0 : i32
    %dma_start3A_258 = arith.constant 0 : i32
    %dma_start3A_259 = tpu.memref_slice %arg4[%dma_start3A_257, %dma_start3A_258] : memref<100000x128xf32, #tpu.memory_space<hbm>> -> memref<100000x128xf32, #tpu.memory_space<hbm>>
    tpu.enqueue_indirect_dma source(%dma_start3A_259 : memref<100000x128xf32, #tpu.memory_space<hbm>>) target(%dma_start3A_253 : memref<128x128xf32, #tpu.memory_space<vmem>>) offsets(%dma_start3A_256 : memref<128xi32, #tpu.memory_space<vmem>>) semaphore(%arg13 : memref<!tpu.dma_semaphore, #tpu.memory_space<semaphore_mem>>)
    %dma_wait3A_260 = arith.constant 0 : i32
    %dma_wait3A_261 = arith.constant 0 : i32
    %dma_wait3A_262 = arith.constant 0 : i32
    %dma_wait3A_263 = arith.constant 0 : i32
    %dma_wait3A_264 = tpu.memref_slice %arg10[%dma_wait3A_261, %dma_wait3A_262, %dma_wait3A_263] : memref<2x128x128xf32, #tpu.memory_space<vmem>> -> memref<1x128x128xf32, #tpu.memory_space<vmem>>
    %dma_wait3A_265 = tpu.memref_squeeze %dma_wait3A_264 : memref<1x128x128xf32, #tpu.memory_space<vmem>> -> memref<128x128xf32, #tpu.memory_space<vmem>>
    %dma_wait3A_266 = arith.constant 0 : i32
    %dma_wait3A_267 = tpu.memref_slice %arg8[%dma_wait3A_260, %dma_wait3A_266] : memref<16x128xi32, #tpu.memory_space<vmem>> -> memref<1x128xi32, #tpu.memory_space<vmem>>
    %dma_wait3A_268 = tpu.memref_squeeze %dma_wait3A_267 : memref<1x128xi32, #tpu.memory_space<vmem>> -> memref<128xi32, #tpu.memory_space<vmem>>
    %dma_wait3A_269 = arith.constant 0 : i32
    %dma_wait3A_270 = arith.constant 0 : i32
    %dma_wait3A_271 = tpu.memref_slice %arg4[%dma_wait3A_269, %dma_wait3A_270] : memref<100000x128xf32, #tpu.memory_space<hbm>> -> memref<100000x128xf32, #tpu.memory_space<hbm>>
    tpu.wait_indirect_dma semaphore(%arg12 : memref<!tpu.dma_semaphore, #tpu.memory_space<semaphore_mem>>) src(%dma_wait3A_271 : memref<100000x128xf32, #tpu.memory_space<hbm>>) dst(%dma_wait3A_265 : memref<128x128xf32, #tpu.memory_space<vmem>>)
    %mul3A_272 = arith.constant 16 : i32
    %mul3A_273 = arith.muli %mul3A_2, %mul3A_272 : i32
    %add3A_274 = arith.constant 512 : i32
    %add3A_275 = arith.addi %mul3A_273, %add3A_274 : i32
    %dma_start3A_276 = arith.constant 0 : i32
    %dma_start3A_277 = arith.constant 0 : i32
    %dma_start3A_278 = arith.constant 0 : i32
    %dma_start3A_279 = tpu.memref_slice %arg10[%dma_start3A_276, %dma_start3A_277, %dma_start3A_278] : memref<2x128x128xf32, #tpu.memory_space<vmem>> -> memref<1x128x128xf32, #tpu.memory_space<vmem>>
    %dma_start3A_280 = tpu.memref_squeeze %dma_start3A_279 : memref<1x128x128xf32, #tpu.memory_space<vmem>> -> memref<128x128xf32, #tpu.memory_space<vmem>>
    %dma_start3A_281 = arith.constant 0 : i32
    %dma_start3A_282 = tpu.memref_slice %arg5[%add3A_275, %dma_start3A_281] : memref<65536x128xf32, #tpu.memory_space<hbm>> -> memref<128x128xf32, #tpu.memory_space<hbm>>
    %dma_start3A_283 = arith.constant 0 : i32
    %dma_start3A_284 = tpu.memref_slice %arg5[%add3A_275, %dma_start3A_283] : memref<65536x128xf32, #tpu.memory_space<hbm>> -> memref<128x128xf32, #tpu.memory_space<hbm>>
    %dma_start3A_285 = arith.constant 0 : i32
    %dma_start3A_286 = arith.constant 0 : i32
    %dma_start3A_287 = tpu.memref_slice %arg10[%dma_start3A_276, %dma_start3A_285, %dma_start3A_286] : memref<2x128x128xf32, #tpu.memory_space<vmem>> -> memref<1x128x128xf32, #tpu.memory_space<vmem>>
    %dma_start3A_288 = tpu.memref_squeeze %dma_start3A_287 : memref<1x128x128xf32, #tpu.memory_space<vmem>> -> memref<128x128xf32, #tpu.memory_space<vmem>>
    tpu.enqueue_dma source(%dma_start3A_288 : memref<128x128xf32, #tpu.memory_space<vmem>>) target(%dma_start3A_284 : memref<128x128xf32, #tpu.memory_space<hbm>>) target_semaphore(%arg14 : memref<!tpu.dma_semaphore, #tpu.memory_space<semaphore_mem>>)
    %dma_wait3A_289 = arith.constant 0 : i32
    %dma_wait3A_290 = arith.constant 0 : i32
    %dma_wait3A_291 = arith.constant 0 : i32
    %dma_wait3A_292 = tpu.memref_slice %arg10[%dma_wait3A_289, %dma_wait3A_290, %dma_wait3A_291] : memref<2x128x128xf32, #tpu.memory_space<vmem>> -> memref<1x128x128xf32, #tpu.memory_space<vmem>>
    %dma_wait3A_293 = tpu.memref_squeeze %dma_wait3A_292 : memref<1x128x128xf32, #tpu.memory_space<vmem>> -> memref<128x128xf32, #tpu.memory_space<vmem>>
    %dma_wait3A_294 = arith.constant 0 : i32
    %dma_wait3A_295 = arith.constant 0 : i32
    %dma_wait3A_296 = tpu.memref_slice %arg5[%dma_wait3A_294, %dma_wait3A_295] : memref<65536x128xf32, #tpu.memory_space<hbm>> -> memref<128x128xf32, #tpu.memory_space<hbm>>
    %dma_wait3A_297 = arith.constant 0 : i32
    %dma_wait3A_298 = arith.constant 0 : i32
    %dma_wait3A_299 = tpu.memref_slice %arg5[%dma_wait3A_297, %dma_wait3A_298] : memref<65536x128xf32, #tpu.memory_space<hbm>> -> memref<128x128xf32, #tpu.memory_space<hbm>>
    %dma_wait3A_300 = arith.constant 0 : i32
    %dma_wait3A_301 = arith.constant 0 : i32
    %dma_wait3A_302 = tpu.memref_slice %arg10[%dma_wait3A_289, %dma_wait3A_300, %dma_wait3A_301] : memref<2x128x128xf32, #tpu.memory_space<vmem>> -> memref<1x128x128xf32, #tpu.memory_space<vmem>>
    %dma_wait3A_303 = tpu.memref_squeeze %dma_wait3A_302 : memref<1x128x128xf32, #tpu.memory_space<vmem>> -> memref<128x128xf32, #tpu.memory_space<vmem>>
    tpu.wait_dma2 semaphore(%arg14 : memref<!tpu.dma_semaphore, #tpu.memory_space<semaphore_mem>>) src(%dma_wait3A_303 : memref<128x128xf32, #tpu.memory_space<vmem>>) dst(%dma_wait3A_299 : memref<128x128xf32, #tpu.memory_space<hbm>>)
    %dma_start3A_304 = arith.constant 6 : i32
    %dma_start3A_305 = arith.constant 0 : i32
    %dma_start3A_306 = arith.constant 0 : i32
    %dma_start3A_307 = arith.constant 0 : i32
    %dma_start3A_308 = tpu.memref_slice %arg10[%dma_start3A_305, %dma_start3A_306, %dma_start3A_307] : memref<2x128x128xf32, #tpu.memory_space<vmem>> -> memref<1x128x128xf32, #tpu.memory_space<vmem>>
    %dma_start3A_309 = tpu.memref_squeeze %dma_start3A_308 : memref<1x128x128xf32, #tpu.memory_space<vmem>> -> memref<128x128xf32, #tpu.memory_space<vmem>>
    %dma_start3A_310 = arith.constant 0 : i32
    %dma_start3A_311 = tpu.memref_slice %arg8[%dma_start3A_304, %dma_start3A_310] : memref<16x128xi32, #tpu.memory_space<vmem>> -> memref<1x128xi32, #tpu.memory_space<vmem>>
    %dma_start3A_312 = tpu.memref_squeeze %dma_start3A_311 : memref<1x128xi32, #tpu.memory_space<vmem>> -> memref<128xi32, #tpu.memory_space<vmem>>
    %dma_start3A_313 = arith.constant 0 : i32
    %dma_start3A_314 = arith.constant 0 : i32
    %dma_start3A_315 = tpu.memref_slice %arg4[%dma_start3A_313, %dma_start3A_314] : memref<100000x128xf32, #tpu.memory_space<hbm>> -> memref<100000x128xf32, #tpu.memory_space<hbm>>
    tpu.enqueue_indirect_dma source(%dma_start3A_315 : memref<100000x128xf32, #tpu.memory_space<hbm>>) target(%dma_start3A_309 : memref<128x128xf32, #tpu.memory_space<vmem>>) offsets(%dma_start3A_312 : memref<128xi32, #tpu.memory_space<vmem>>) semaphore(%arg12 : memref<!tpu.dma_semaphore, #tpu.memory_space<semaphore_mem>>)
    %dma_wait3A_316 = arith.constant 0 : i32
    %dma_wait3A_317 = arith.constant 1 : i32
    %dma_wait3A_318 = arith.constant 0 : i32
    %dma_wait3A_319 = arith.constant 0 : i32
    %dma_wait3A_320 = tpu.memref_slice %arg10[%dma_wait3A_317, %dma_wait3A_318, %dma_wait3A_319] : memref<2x128x128xf32, #tpu.memory_space<vmem>> -> memref<1x128x128xf32, #tpu.memory_space<vmem>>
    %dma_wait3A_321 = tpu.memref_squeeze %dma_wait3A_320 : memref<1x128x128xf32, #tpu.memory_space<vmem>> -> memref<128x128xf32, #tpu.memory_space<vmem>>
    %dma_wait3A_322 = arith.constant 0 : i32
    %dma_wait3A_323 = tpu.memref_slice %arg8[%dma_wait3A_316, %dma_wait3A_322] : memref<16x128xi32, #tpu.memory_space<vmem>> -> memref<1x128xi32, #tpu.memory_space<vmem>>
    %dma_wait3A_324 = tpu.memref_squeeze %dma_wait3A_323 : memref<1x128xi32, #tpu.memory_space<vmem>> -> memref<128xi32, #tpu.memory_space<vmem>>
    %dma_wait3A_325 = arith.constant 0 : i32
    %dma_wait3A_326 = arith.constant 0 : i32
    %dma_wait3A_327 = tpu.memref_slice %arg4[%dma_wait3A_325, %dma_wait3A_326] : memref<100000x128xf32, #tpu.memory_space<hbm>> -> memref<100000x128xf32, #tpu.memory_space<hbm>>
    tpu.wait_indirect_dma semaphore(%arg13 : memref<!tpu.dma_semaphore, #tpu.memory_space<semaphore_mem>>) src(%dma_wait3A_327 : memref<100000x128xf32, #tpu.memory_space<hbm>>) dst(%dma_wait3A_321 : memref<128x128xf32, #tpu.memory_space<vmem>>)
    %mul3A_328 = arith.constant 16 : i32
    %mul3A_329 = arith.muli %mul3A_2, %mul3A_328 : i32
    %add3A_330 = arith.constant 640 : i32
    %add3A_331 = arith.addi %mul3A_329, %add3A_330 : i32
    %dma_start3A_332 = arith.constant 1 : i32
    %dma_start3A_333 = arith.constant 0 : i32
    %dma_start3A_334 = arith.constant 0 : i32
    %dma_start3A_335 = tpu.memref_slice %arg10[%dma_start3A_332, %dma_start3A_333, %dma_start3A_334] : memref<2x128x128xf32, #tpu.memory_space<vmem>> -> memref<1x128x128xf32, #tpu.memory_space<vmem>>
    %dma_start3A_336 = tpu.memref_squeeze %dma_start3A_335 : memref<1x128x128xf32, #tpu.memory_space<vmem>> -> memref<128x128xf32, #tpu.memory_space<vmem>>
    %dma_start3A_337 = arith.constant 0 : i32
    %dma_start3A_338 = tpu.memref_slice %arg5[%add3A_331, %dma_start3A_337] : memref<65536x128xf32, #tpu.memory_space<hbm>> -> memref<128x128xf32, #tpu.memory_space<hbm>>
    %dma_start3A_339 = arith.constant 0 : i32
    %dma_start3A_340 = tpu.memref_slice %arg5[%add3A_331, %dma_start3A_339] : memref<65536x128xf32, #tpu.memory_space<hbm>> -> memref<128x128xf32, #tpu.memory_space<hbm>>
    %dma_start3A_341 = arith.constant 0 : i32
    %dma_start3A_342 = arith.constant 0 : i32
    %dma_start3A_343 = tpu.memref_slice %arg10[%dma_start3A_332, %dma_start3A_341, %dma_start3A_342] : memref<2x128x128xf32, #tpu.memory_space<vmem>> -> memref<1x128x128xf32, #tpu.memory_space<vmem>>
    %dma_start3A_344 = tpu.memref_squeeze %dma_start3A_343 : memref<1x128x128xf32, #tpu.memory_space<vmem>> -> memref<128x128xf32, #tpu.memory_space<vmem>>
    tpu.enqueue_dma source(%dma_start3A_344 : memref<128x128xf32, #tpu.memory_space<vmem>>) target(%dma_start3A_340 : memref<128x128xf32, #tpu.memory_space<hbm>>) target_semaphore(%arg15 : memref<!tpu.dma_semaphore, #tpu.memory_space<semaphore_mem>>)
    %dma_wait3A_345 = arith.constant 1 : i32
    %dma_wait3A_346 = arith.constant 0 : i32
    %dma_wait3A_347 = arith.constant 0 : i32
    %dma_wait3A_348 = tpu.memref_slice %arg10[%dma_wait3A_345, %dma_wait3A_346, %dma_wait3A_347] : memref<2x128x128xf32, #tpu.memory_space<vmem>> -> memref<1x128x128xf32, #tpu.memory_space<vmem>>
    %dma_wait3A_349 = tpu.memref_squeeze %dma_wait3A_348 : memref<1x128x128xf32, #tpu.memory_space<vmem>> -> memref<128x128xf32, #tpu.memory_space<vmem>>
    %dma_wait3A_350 = arith.constant 0 : i32
    %dma_wait3A_351 = arith.constant 0 : i32
    %dma_wait3A_352 = tpu.memref_slice %arg5[%dma_wait3A_350, %dma_wait3A_351] : memref<65536x128xf32, #tpu.memory_space<hbm>> -> memref<128x128xf32, #tpu.memory_space<hbm>>
    %dma_wait3A_353 = arith.constant 0 : i32
    %dma_wait3A_354 = arith.constant 0 : i32
    %dma_wait3A_355 = tpu.memref_slice %arg5[%dma_wait3A_353, %dma_wait3A_354] : memref<65536x128xf32, #tpu.memory_space<hbm>> -> memref<128x128xf32, #tpu.memory_space<hbm>>
    %dma_wait3A_356 = arith.constant 0 : i32
    %dma_wait3A_357 = arith.constant 0 : i32
    %dma_wait3A_358 = tpu.memref_slice %arg10[%dma_wait3A_345, %dma_wait3A_356, %dma_wait3A_357] : memref<2x128x128xf32, #tpu.memory_space<vmem>> -> memref<1x128x128xf32, #tpu.memory_space<vmem>>
    %dma_wait3A_359 = tpu.memref_squeeze %dma_wait3A_358 : memref<1x128x128xf32, #tpu.memory_space<vmem>> -> memref<128x128xf32, #tpu.memory_space<vmem>>
    tpu.wait_dma2 semaphore(%arg15 : memref<!tpu.dma_semaphore, #tpu.memory_space<semaphore_mem>>) src(%dma_wait3A_359 : memref<128x128xf32, #tpu.memory_space<vmem>>) dst(%dma_wait3A_355 : memref<128x128xf32, #tpu.memory_space<hbm>>)
    %dma_start3A_360 = arith.constant 7 : i32
    %dma_start3A_361 = arith.constant 1 : i32
    %dma_start3A_362 = arith.constant 0 : i32
    %dma_start3A_363 = arith.constant 0 : i32
    %dma_start3A_364 = tpu.memref_slice %arg10[%dma_start3A_361, %dma_start3A_362, %dma_start3A_363] : memref<2x128x128xf32, #tpu.memory_space<vmem>> -> memref<1x128x128xf32, #tpu.memory_space<vmem>>
    %dma_start3A_365 = tpu.memref_squeeze %dma_start3A_364 : memref<1x128x128xf32, #tpu.memory_space<vmem>> -> memref<128x128xf32, #tpu.memory_space<vmem>>
    %dma_start3A_366 = arith.constant 0 : i32
    %dma_start3A_367 = tpu.memref_slice %arg8[%dma_start3A_360, %dma_start3A_366] : memref<16x128xi32, #tpu.memory_space<vmem>> -> memref<1x128xi32, #tpu.memory_space<vmem>>
    %dma_start3A_368 = tpu.memref_squeeze %dma_start3A_367 : memref<1x128xi32, #tpu.memory_space<vmem>> -> memref<128xi32, #tpu.memory_space<vmem>>
    %dma_start3A_369 = arith.constant 0 : i32
    %dma_start3A_370 = arith.constant 0 : i32
    %dma_start3A_371 = tpu.memref_slice %arg4[%dma_start3A_369, %dma_start3A_370] : memref<100000x128xf32, #tpu.memory_space<hbm>> -> memref<100000x128xf32, #tpu.memory_space<hbm>>
    tpu.enqueue_indirect_dma source(%dma_start3A_371 : memref<100000x128xf32, #tpu.memory_space<hbm>>) target(%dma_start3A_365 : memref<128x128xf32, #tpu.memory_space<vmem>>) offsets(%dma_start3A_368 : memref<128xi32, #tpu.memory_space<vmem>>) semaphore(%arg13 : memref<!tpu.dma_semaphore, #tpu.memory_space<semaphore_mem>>)
    %dma_wait3A_372 = arith.constant 0 : i32
    %dma_wait3A_373 = arith.constant 0 : i32
    %dma_wait3A_374 = arith.constant 0 : i32
    %dma_wait3A_375 = arith.constant 0 : i32
    %dma_wait3A_376 = tpu.memref_slice %arg10[%dma_wait3A_373, %dma_wait3A_374, %dma_wait3A_375] : memref<2x128x128xf32, #tpu.memory_space<vmem>> -> memref<1x128x128xf32, #tpu.memory_space<vmem>>
    %dma_wait3A_377 = tpu.memref_squeeze %dma_wait3A_376 : memref<1x128x128xf32, #tpu.memory_space<vmem>> -> memref<128x128xf32, #tpu.memory_space<vmem>>
    %dma_wait3A_378 = arith.constant 0 : i32
    %dma_wait3A_379 = tpu.memref_slice %arg8[%dma_wait3A_372, %dma_wait3A_378] : memref<16x128xi32, #tpu.memory_space<vmem>> -> memref<1x128xi32, #tpu.memory_space<vmem>>
    %dma_wait3A_380 = tpu.memref_squeeze %dma_wait3A_379 : memref<1x128xi32, #tpu.memory_space<vmem>> -> memref<128xi32, #tpu.memory_space<vmem>>
    %dma_wait3A_381 = arith.constant 0 : i32
    %dma_wait3A_382 = arith.constant 0 : i32
    %dma_wait3A_383 = tpu.memref_slice %arg4[%dma_wait3A_381, %dma_wait3A_382] : memref<100000x128xf32, #tpu.memory_space<hbm>> -> memref<100000x128xf32, #tpu.memory_space<hbm>>
    tpu.wait_indirect_dma semaphore(%arg12 : memref<!tpu.dma_semaphore, #tpu.memory_space<semaphore_mem>>) src(%dma_wait3A_383 : memref<100000x128xf32, #tpu.memory_space<hbm>>) dst(%dma_wait3A_377 : memref<128x128xf32, #tpu.memory_space<vmem>>)
    %mul3A_384 = arith.constant 16 : i32
    %mul3A_385 = arith.muli %mul3A_2, %mul3A_384 : i32
    %add3A_386 = arith.constant 768 : i32
    %add3A_387 = arith.addi %mul3A_385, %add3A_386 : i32
    %dma_start3A_388 = arith.constant 0 : i32
    %dma_start3A_389 = arith.constant 0 : i32
    %dma_start3A_390 = arith.constant 0 : i32
    %dma_start3A_391 = tpu.memref_slice %arg10[%dma_start3A_388, %dma_start3A_389, %dma_start3A_390] : memref<2x128x128xf32, #tpu.memory_space<vmem>> -> memref<1x128x128xf32, #tpu.memory_space<vmem>>
    %dma_start3A_392 = tpu.memref_squeeze %dma_start3A_391 : memref<1x128x128xf32, #tpu.memory_space<vmem>> -> memref<128x128xf32, #tpu.memory_space<vmem>>
    %dma_start3A_393 = arith.constant 0 : i32
    %dma_start3A_394 = tpu.memref_slice %arg5[%add3A_387, %dma_start3A_393] : memref<65536x128xf32, #tpu.memory_space<hbm>> -> memref<128x128xf32, #tpu.memory_space<hbm>>
    %dma_start3A_395 = arith.constant 0 : i32
    %dma_start3A_396 = tpu.memref_slice %arg5[%add3A_387, %dma_start3A_395] : memref<65536x128xf32, #tpu.memory_space<hbm>> -> memref<128x128xf32, #tpu.memory_space<hbm>>
    %dma_start3A_397 = arith.constant 0 : i32
    %dma_start3A_398 = arith.constant 0 : i32
    %dma_start3A_399 = tpu.memref_slice %arg10[%dma_start3A_388, %dma_start3A_397, %dma_start3A_398] : memref<2x128x128xf32, #tpu.memory_space<vmem>> -> memref<1x128x128xf32, #tpu.memory_space<vmem>>
    %dma_start3A_400 = tpu.memref_squeeze %dma_start3A_399 : memref<1x128x128xf32, #tpu.memory_space<vmem>> -> memref<128x128xf32, #tpu.memory_space<vmem>>
    tpu.enqueue_dma source(%dma_start3A_400 : memref<128x128xf32, #tpu.memory_space<vmem>>) target(%dma_start3A_396 : memref<128x128xf32, #tpu.memory_space<hbm>>) target_semaphore(%arg14 : memref<!tpu.dma_semaphore, #tpu.memory_space<semaphore_mem>>)
    %dma_wait3A_401 = arith.constant 0 : i32
    %dma_wait3A_402 = arith.constant 0 : i32
    %dma_wait3A_403 = arith.constant 0 : i32
    %dma_wait3A_404 = tpu.memref_slice %arg10[%dma_wait3A_401, %dma_wait3A_402, %dma_wait3A_403] : memref<2x128x128xf32, #tpu.memory_space<vmem>> -> memref<1x128x128xf32, #tpu.memory_space<vmem>>
    %dma_wait3A_405 = tpu.memref_squeeze %dma_wait3A_404 : memref<1x128x128xf32, #tpu.memory_space<vmem>> -> memref<128x128xf32, #tpu.memory_space<vmem>>
    %dma_wait3A_406 = arith.constant 0 : i32
    %dma_wait3A_407 = arith.constant 0 : i32
    %dma_wait3A_408 = tpu.memref_slice %arg5[%dma_wait3A_406, %dma_wait3A_407] : memref<65536x128xf32, #tpu.memory_space<hbm>> -> memref<128x128xf32, #tpu.memory_space<hbm>>
    %dma_wait3A_409 = arith.constant 0 : i32
    %dma_wait3A_410 = arith.constant 0 : i32
    %dma_wait3A_411 = tpu.memref_slice %arg5[%dma_wait3A_409, %dma_wait3A_410] : memref<65536x128xf32, #tpu.memory_space<hbm>> -> memref<128x128xf32, #tpu.memory_space<hbm>>
    %dma_wait3A_412 = arith.constant 0 : i32
    %dma_wait3A_413 = arith.constant 0 : i32
    %dma_wait3A_414 = tpu.memref_slice %arg10[%dma_wait3A_401, %dma_wait3A_412, %dma_wait3A_413] : memref<2x128x128xf32, #tpu.memory_space<vmem>> -> memref<1x128x128xf32, #tpu.memory_space<vmem>>
    %dma_wait3A_415 = tpu.memref_squeeze %dma_wait3A_414 : memref<1x128x128xf32, #tpu.memory_space<vmem>> -> memref<128x128xf32, #tpu.memory_space<vmem>>
    tpu.wait_dma2 semaphore(%arg14 : memref<!tpu.dma_semaphore, #tpu.memory_space<semaphore_mem>>) src(%dma_wait3A_415 : memref<128x128xf32, #tpu.memory_space<vmem>>) dst(%dma_wait3A_411 : memref<128x128xf32, #tpu.memory_space<hbm>>)
    %dma_start3A_416 = arith.constant 8 : i32
    %dma_start3A_417 = arith.constant 0 : i32
    %dma_start3A_418 = arith.constant 0 : i32
    %dma_start3A_419 = arith.constant 0 : i32
    %dma_start3A_420 = tpu.memref_slice %arg10[%dma_start3A_417, %dma_start3A_418, %dma_start3A_419] : memref<2x128x128xf32, #tpu.memory_space<vmem>> -> memref<1x128x128xf32, #tpu.memory_space<vmem>>
    %dma_start3A_421 = tpu.memref_squeeze %dma_start3A_420 : memref<1x128x128xf32, #tpu.memory_space<vmem>> -> memref<128x128xf32, #tpu.memory_space<vmem>>
    %dma_start3A_422 = arith.constant 0 : i32
    %dma_start3A_423 = tpu.memref_slice %arg8[%dma_start3A_416, %dma_start3A_422] : memref<16x128xi32, #tpu.memory_space<vmem>> -> memref<1x128xi32, #tpu.memory_space<vmem>>
    %dma_start3A_424 = tpu.memref_squeeze %dma_start3A_423 : memref<1x128xi32, #tpu.memory_space<vmem>> -> memref<128xi32, #tpu.memory_space<vmem>>
    %dma_start3A_425 = arith.constant 0 : i32
    %dma_start3A_426 = arith.constant 0 : i32
    %dma_start3A_427 = tpu.memref_slice %arg4[%dma_start3A_425, %dma_start3A_426] : memref<100000x128xf32, #tpu.memory_space<hbm>> -> memref<100000x128xf32, #tpu.memory_space<hbm>>
    tpu.enqueue_indirect_dma source(%dma_start3A_427 : memref<100000x128xf32, #tpu.memory_space<hbm>>) target(%dma_start3A_421 : memref<128x128xf32, #tpu.memory_space<vmem>>) offsets(%dma_start3A_424 : memref<128xi32, #tpu.memory_space<vmem>>) semaphore(%arg12 : memref<!tpu.dma_semaphore, #tpu.memory_space<semaphore_mem>>)
    %dma_wait3A_428 = arith.constant 0 : i32
    %dma_wait3A_429 = arith.constant 1 : i32
    %dma_wait3A_430 = arith.constant 0 : i32
    %dma_wait3A_431 = arith.constant 0 : i32
    %dma_wait3A_432 = tpu.memref_slice %arg10[%dma_wait3A_429, %dma_wait3A_430, %dma_wait3A_431] : memref<2x128x128xf32, #tpu.memory_space<vmem>> -> memref<1x128x128xf32, #tpu.memory_space<vmem>>
    %dma_wait3A_433 = tpu.memref_squeeze %dma_wait3A_432 : memref<1x128x128xf32, #tpu.memory_space<vmem>> -> memref<128x128xf32, #tpu.memory_space<vmem>>
    %dma_wait3A_434 = arith.constant 0 : i32
    %dma_wait3A_435 = tpu.memref_slice %arg8[%dma_wait3A_428, %dma_wait3A_434] : memref<16x128xi32, #tpu.memory_space<vmem>> -> memref<1x128xi32, #tpu.memory_space<vmem>>
    %dma_wait3A_436 = tpu.memref_squeeze %dma_wait3A_435 : memref<1x128xi32, #tpu.memory_space<vmem>> -> memref<128xi32, #tpu.memory_space<vmem>>
    %dma_wait3A_437 = arith.constant 0 : i32
    %dma_wait3A_438 = arith.constant 0 : i32
    %dma_wait3A_439 = tpu.memref_slice %arg4[%dma_wait3A_437, %dma_wait3A_438] : memref<100000x128xf32, #tpu.memory_space<hbm>> -> memref<100000x128xf32, #tpu.memory_space<hbm>>
    tpu.wait_indirect_dma semaphore(%arg13 : memref<!tpu.dma_semaphore, #tpu.memory_space<semaphore_mem>>) src(%dma_wait3A_439 : memref<100000x128xf32, #tpu.memory_space<hbm>>) dst(%dma_wait3A_433 : memref<128x128xf32, #tpu.memory_space<vmem>>)
    %mul3A_440 = arith.constant 16 : i32
    %mul3A_441 = arith.muli %mul3A_2, %mul3A_440 : i32
    %add3A_442 = arith.constant 896 : i32
    %add3A_443 = arith.addi %mul3A_441, %add3A_442 : i32
    %dma_start3A_444 = arith.constant 1 : i32
    %dma_start3A_445 = arith.constant 0 : i32
    %dma_start3A_446 = arith.constant 0 : i32
    %dma_start3A_447 = tpu.memref_slice %arg10[%dma_start3A_444, %dma_start3A_445, %dma_start3A_446] : memref<2x128x128xf32, #tpu.memory_space<vmem>> -> memref<1x128x128xf32, #tpu.memory_space<vmem>>
    %dma_start3A_448 = tpu.memref_squeeze %dma_start3A_447 : memref<1x128x128xf32, #tpu.memory_space<vmem>> -> memref<128x128xf32, #tpu.memory_space<vmem>>
    %dma_start3A_449 = arith.constant 0 : i32
    %dma_start3A_450 = tpu.memref_slice %arg5[%add3A_443, %dma_start3A_449] : memref<65536x128xf32, #tpu.memory_space<hbm>> -> memref<128x128xf32, #tpu.memory_space<hbm>>
    %dma_start3A_451 = arith.constant 0 : i32
    %dma_start3A_452 = tpu.memref_slice %arg5[%add3A_443, %dma_start3A_451] : memref<65536x128xf32, #tpu.memory_space<hbm>> -> memref<128x128xf32, #tpu.memory_space<hbm>>
    %dma_start3A_453 = arith.constant 0 : i32
    %dma_start3A_454 = arith.constant 0 : i32
    %dma_start3A_455 = tpu.memref_slice %arg10[%dma_start3A_444, %dma_start3A_453, %dma_start3A_454] : memref<2x128x128xf32, #tpu.memory_space<vmem>> -> memref<1x128x128xf32, #tpu.memory_space<vmem>>
    %dma_start3A_456 = tpu.memref_squeeze %dma_start3A_455 : memref<1x128x128xf32, #tpu.memory_space<vmem>> -> memref<128x128xf32, #tpu.memory_space<vmem>>
    tpu.enqueue_dma source(%dma_start3A_456 : memref<128x128xf32, #tpu.memory_space<vmem>>) target(%dma_start3A_452 : memref<128x128xf32, #tpu.memory_space<hbm>>) target_semaphore(%arg15 : memref<!tpu.dma_semaphore, #tpu.memory_space<semaphore_mem>>)
    %dma_wait3A_457 = arith.constant 1 : i32
    %dma_wait3A_458 = arith.constant 0 : i32
    %dma_wait3A_459 = arith.constant 0 : i32
    %dma_wait3A_460 = tpu.memref_slice %arg10[%dma_wait3A_457, %dma_wait3A_458, %dma_wait3A_459] : memref<2x128x128xf32, #tpu.memory_space<vmem>> -> memref<1x128x128xf32, #tpu.memory_space<vmem>>
    %dma_wait3A_461 = tpu.memref_squeeze %dma_wait3A_460 : memref<1x128x128xf32, #tpu.memory_space<vmem>> -> memref<128x128xf32, #tpu.memory_space<vmem>>
    %dma_wait3A_462 = arith.constant 0 : i32
    %dma_wait3A_463 = arith.constant 0 : i32
    %dma_wait3A_464 = tpu.memref_slice %arg5[%dma_wait3A_462, %dma_wait3A_463] : memref<65536x128xf32, #tpu.memory_space<hbm>> -> memref<128x128xf32, #tpu.memory_space<hbm>>
    %dma_wait3A_465 = arith.constant 0 : i32
    %dma_wait3A_466 = arith.constant 0 : i32
    %dma_wait3A_467 = tpu.memref_slice %arg5[%dma_wait3A_465, %dma_wait3A_466] : memref<65536x128xf32, #tpu.memory_space<hbm>> -> memref<128x128xf32, #tpu.memory_space<hbm>>
    %dma_wait3A_468 = arith.constant 0 : i32
    %dma_wait3A_469 = arith.constant 0 : i32
    %dma_wait3A_470 = tpu.memref_slice %arg10[%dma_wait3A_457, %dma_wait3A_468, %dma_wait3A_469] : memref<2x128x128xf32, #tpu.memory_space<vmem>> -> memref<1x128x128xf32, #tpu.memory_space<vmem>>
    %dma_wait3A_471 = tpu.memref_squeeze %dma_wait3A_470 : memref<1x128x128xf32, #tpu.memory_space<vmem>> -> memref<128x128xf32, #tpu.memory_space<vmem>>
    tpu.wait_dma2 semaphore(%arg15 : memref<!tpu.dma_semaphore, #tpu.memory_space<semaphore_mem>>) src(%dma_wait3A_471 : memref<128x128xf32, #tpu.memory_space<vmem>>) dst(%dma_wait3A_467 : memref<128x128xf32, #tpu.memory_space<hbm>>)
    %dma_start3A_472 = arith.constant 9 : i32
    %dma_start3A_473 = arith.constant 1 : i32
    %dma_start3A_474 = arith.constant 0 : i32
    %dma_start3A_475 = arith.constant 0 : i32
    %dma_start3A_476 = tpu.memref_slice %arg10[%dma_start3A_473, %dma_start3A_474, %dma_start3A_475] : memref<2x128x128xf32, #tpu.memory_space<vmem>> -> memref<1x128x128xf32, #tpu.memory_space<vmem>>
    %dma_start3A_477 = tpu.memref_squeeze %dma_start3A_476 : memref<1x128x128xf32, #tpu.memory_space<vmem>> -> memref<128x128xf32, #tpu.memory_space<vmem>>
    %dma_start3A_478 = arith.constant 0 : i32
    %dma_start3A_479 = tpu.memref_slice %arg8[%dma_start3A_472, %dma_start3A_478] : memref<16x128xi32, #tpu.memory_space<vmem>> -> memref<1x128xi32, #tpu.memory_space<vmem>>
    %dma_start3A_480 = tpu.memref_squeeze %dma_start3A_479 : memref<1x128xi32, #tpu.memory_space<vmem>> -> memref<128xi32, #tpu.memory_space<vmem>>
    %dma_start3A_481 = arith.constant 0 : i32
    %dma_start3A_482 = arith.constant 0 : i32
    %dma_start3A_483 = tpu.memref_slice %arg4[%dma_start3A_481, %dma_start3A_482] : memref<100000x128xf32, #tpu.memory_space<hbm>> -> memref<100000x128xf32, #tpu.memory_space<hbm>>
    tpu.enqueue_indirect_dma source(%dma_start3A_483 : memref<100000x128xf32, #tpu.memory_space<hbm>>) target(%dma_start3A_477 : memref<128x128xf32, #tpu.memory_space<vmem>>) offsets(%dma_start3A_480 : memref<128xi32, #tpu.memory_space<vmem>>) semaphore(%arg13 : memref<!tpu.dma_semaphore, #tpu.memory_space<semaphore_mem>>)
    %dma_wait3A_484 = arith.constant 0 : i32
    %dma_wait3A_485 = arith.constant 0 : i32
    %dma_wait3A_486 = arith.constant 0 : i32
    %dma_wait3A_487 = arith.constant 0 : i32
    %dma_wait3A_488 = tpu.memref_slice %arg10[%dma_wait3A_485, %dma_wait3A_486, %dma_wait3A_487] : memref<2x128x128xf32, #tpu.memory_space<vmem>> -> memref<1x128x128xf32, #tpu.memory_space<vmem>>
    %dma_wait3A_489 = tpu.memref_squeeze %dma_wait3A_488 : memref<1x128x128xf32, #tpu.memory_space<vmem>> -> memref<128x128xf32, #tpu.memory_space<vmem>>
    %dma_wait3A_490 = arith.constant 0 : i32
    %dma_wait3A_491 = tpu.memref_slice %arg8[%dma_wait3A_484, %dma_wait3A_490] : memref<16x128xi32, #tpu.memory_space<vmem>> -> memref<1x128xi32, #tpu.memory_space<vmem>>
    %dma_wait3A_492 = tpu.memref_squeeze %dma_wait3A_491 : memref<1x128xi32, #tpu.memory_space<vmem>> -> memref<128xi32, #tpu.memory_space<vmem>>
    %dma_wait3A_493 = arith.constant 0 : i32
    %dma_wait3A_494 = arith.constant 0 : i32
    %dma_wait3A_495 = tpu.memref_slice %arg4[%dma_wait3A_493, %dma_wait3A_494] : memref<100000x128xf32, #tpu.memory_space<hbm>> -> memref<100000x128xf32, #tpu.memory_space<hbm>>
    tpu.wait_indirect_dma semaphore(%arg12 : memref<!tpu.dma_semaphore, #tpu.memory_space<semaphore_mem>>) src(%dma_wait3A_495 : memref<100000x128xf32, #tpu.memory_space<hbm>>) dst(%dma_wait3A_489 : memref<128x128xf32, #tpu.memory_space<vmem>>)
    %mul3A_496 = arith.constant 16 : i32
    %mul3A_497 = arith.muli %mul3A_2, %mul3A_496 : i32
    %add3A_498 = arith.constant 1024 : i32
    %add3A_499 = arith.addi %mul3A_497, %add3A_498 : i32
    %dma_start3A_500 = arith.constant 0 : i32
    %dma_start3A_501 = arith.constant 0 : i32
    %dma_start3A_502 = arith.constant 0 : i32
    %dma_start3A_503 = tpu.memref_slice %arg10[%dma_start3A_500, %dma_start3A_501, %dma_start3A_502] : memref<2x128x128xf32, #tpu.memory_space<vmem>> -> memref<1x128x128xf32, #tpu.memory_space<vmem>>
    %dma_start3A_504 = tpu.memref_squeeze %dma_start3A_503 : memref<1x128x128xf32, #tpu.memory_space<vmem>> -> memref<128x128xf32, #tpu.memory_space<vmem>>
    %dma_start3A_505 = arith.constant 0 : i32
    %dma_start3A_506 = tpu.memref_slice %arg5[%add3A_499, %dma_start3A_505] : memref<65536x128xf32, #tpu.memory_space<hbm>> -> memref<128x128xf32, #tpu.memory_space<hbm>>
    %dma_start3A_507 = arith.constant 0 : i32
    %dma_start3A_508 = tpu.memref_slice %arg5[%add3A_499, %dma_start3A_507] : memref<65536x128xf32, #tpu.memory_space<hbm>> -> memref<128x128xf32, #tpu.memory_space<hbm>>
    %dma_start3A_509 = arith.constant 0 : i32
    %dma_start3A_510 = arith.constant 0 : i32
    %dma_start3A_511 = tpu.memref_slice %arg10[%dma_start3A_500, %dma_start3A_509, %dma_start3A_510] : memref<2x128x128xf32, #tpu.memory_space<vmem>> -> memref<1x128x128xf32, #tpu.memory_space<vmem>>
    %dma_start3A_512 = tpu.memref_squeeze %dma_start3A_511 : memref<1x128x128xf32, #tpu.memory_space<vmem>> -> memref<128x128xf32, #tpu.memory_space<vmem>>
    tpu.enqueue_dma source(%dma_start3A_512 : memref<128x128xf32, #tpu.memory_space<vmem>>) target(%dma_start3A_508 : memref<128x128xf32, #tpu.memory_space<hbm>>) target_semaphore(%arg14 : memref<!tpu.dma_semaphore, #tpu.memory_space<semaphore_mem>>)
    %dma_wait3A_513 = arith.constant 0 : i32
    %dma_wait3A_514 = arith.constant 0 : i32
    %dma_wait3A_515 = arith.constant 0 : i32
    %dma_wait3A_516 = tpu.memref_slice %arg10[%dma_wait3A_513, %dma_wait3A_514, %dma_wait3A_515] : memref<2x128x128xf32, #tpu.memory_space<vmem>> -> memref<1x128x128xf32, #tpu.memory_space<vmem>>
    %dma_wait3A_517 = tpu.memref_squeeze %dma_wait3A_516 : memref<1x128x128xf32, #tpu.memory_space<vmem>> -> memref<128x128xf32, #tpu.memory_space<vmem>>
    %dma_wait3A_518 = arith.constant 0 : i32
    %dma_wait3A_519 = arith.constant 0 : i32
    %dma_wait3A_520 = tpu.memref_slice %arg5[%dma_wait3A_518, %dma_wait3A_519] : memref<65536x128xf32, #tpu.memory_space<hbm>> -> memref<128x128xf32, #tpu.memory_space<hbm>>
    %dma_wait3A_521 = arith.constant 0 : i32
    %dma_wait3A_522 = arith.constant 0 : i32
    %dma_wait3A_523 = tpu.memref_slice %arg5[%dma_wait3A_521, %dma_wait3A_522] : memref<65536x128xf32, #tpu.memory_space<hbm>> -> memref<128x128xf32, #tpu.memory_space<hbm>>
    %dma_wait3A_524 = arith.constant 0 : i32
    %dma_wait3A_525 = arith.constant 0 : i32
    %dma_wait3A_526 = tpu.memref_slice %arg10[%dma_wait3A_513, %dma_wait3A_524, %dma_wait3A_525] : memref<2x128x128xf32, #tpu.memory_space<vmem>> -> memref<1x128x128xf32, #tpu.memory_space<vmem>>
    %dma_wait3A_527 = tpu.memref_squeeze %dma_wait3A_526 : memref<1x128x128xf32, #tpu.memory_space<vmem>> -> memref<128x128xf32, #tpu.memory_space<vmem>>
    tpu.wait_dma2 semaphore(%arg14 : memref<!tpu.dma_semaphore, #tpu.memory_space<semaphore_mem>>) src(%dma_wait3A_527 : memref<128x128xf32, #tpu.memory_space<vmem>>) dst(%dma_wait3A_523 : memref<128x128xf32, #tpu.memory_space<hbm>>)
    %dma_start3A_528 = arith.constant 10 : i32
    %dma_start3A_529 = arith.constant 0 : i32
    %dma_start3A_530 = arith.constant 0 : i32
    %dma_start3A_531 = arith.constant 0 : i32
    %dma_start3A_532 = tpu.memref_slice %arg10[%dma_start3A_529, %dma_start3A_530, %dma_start3A_531] : memref<2x128x128xf32, #tpu.memory_space<vmem>> -> memref<1x128x128xf32, #tpu.memory_space<vmem>>
    %dma_start3A_533 = tpu.memref_squeeze %dma_start3A_532 : memref<1x128x128xf32, #tpu.memory_space<vmem>> -> memref<128x128xf32, #tpu.memory_space<vmem>>
    %dma_start3A_534 = arith.constant 0 : i32
    %dma_start3A_535 = tpu.memref_slice %arg8[%dma_start3A_528, %dma_start3A_534] : memref<16x128xi32, #tpu.memory_space<vmem>> -> memref<1x128xi32, #tpu.memory_space<vmem>>
    %dma_start3A_536 = tpu.memref_squeeze %dma_start3A_535 : memref<1x128xi32, #tpu.memory_space<vmem>> -> memref<128xi32, #tpu.memory_space<vmem>>
    %dma_start3A_537 = arith.constant 0 : i32
    %dma_start3A_538 = arith.constant 0 : i32
    %dma_start3A_539 = tpu.memref_slice %arg4[%dma_start3A_537, %dma_start3A_538] : memref<100000x128xf32, #tpu.memory_space<hbm>> -> memref<100000x128xf32, #tpu.memory_space<hbm>>
    tpu.enqueue_indirect_dma source(%dma_start3A_539 : memref<100000x128xf32, #tpu.memory_space<hbm>>) target(%dma_start3A_533 : memref<128x128xf32, #tpu.memory_space<vmem>>) offsets(%dma_start3A_536 : memref<128xi32, #tpu.memory_space<vmem>>) semaphore(%arg12 : memref<!tpu.dma_semaphore, #tpu.memory_space<semaphore_mem>>)
    %dma_wait3A_540 = arith.constant 0 : i32
    %dma_wait3A_541 = arith.constant 1 : i32
    %dma_wait3A_542 = arith.constant 0 : i32
    %dma_wait3A_543 = arith.constant 0 : i32
    %dma_wait3A_544 = tpu.memref_slice %arg10[%dma_wait3A_541, %dma_wait3A_542, %dma_wait3A_543] : memref<2x128x128xf32, #tpu.memory_space<vmem>> -> memref<1x128x128xf32, #tpu.memory_space<vmem>>
    %dma_wait3A_545 = tpu.memref_squeeze %dma_wait3A_544 : memref<1x128x128xf32, #tpu.memory_space<vmem>> -> memref<128x128xf32, #tpu.memory_space<vmem>>
    %dma_wait3A_546 = arith.constant 0 : i32
    %dma_wait3A_547 = tpu.memref_slice %arg8[%dma_wait3A_540, %dma_wait3A_546] : memref<16x128xi32, #tpu.memory_space<vmem>> -> memref<1x128xi32, #tpu.memory_space<vmem>>
    %dma_wait3A_548 = tpu.memref_squeeze %dma_wait3A_547 : memref<1x128xi32, #tpu.memory_space<vmem>> -> memref<128xi32, #tpu.memory_space<vmem>>
    %dma_wait3A_549 = arith.constant 0 : i32
    %dma_wait3A_550 = arith.constant 0 : i32
    %dma_wait3A_551 = tpu.memref_slice %arg4[%dma_wait3A_549, %dma_wait3A_550] : memref<100000x128xf32, #tpu.memory_space<hbm>> -> memref<100000x128xf32, #tpu.memory_space<hbm>>
    tpu.wait_indirect_dma semaphore(%arg13 : memref<!tpu.dma_semaphore, #tpu.memory_space<semaphore_mem>>) src(%dma_wait3A_551 : memref<100000x128xf32, #tpu.memory_space<hbm>>) dst(%dma_wait3A_545 : memref<128x128xf32, #tpu.memory_space<vmem>>)
    %mul3A_552 = arith.constant 16 : i32
    %mul3A_553 = arith.muli %mul3A_2, %mul3A_552 : i32
    %add3A_554 = arith.constant 1152 : i32
    %add3A_555 = arith.addi %mul3A_553, %add3A_554 : i32
    %dma_start3A_556 = arith.constant 1 : i32
    %dma_start3A_557 = arith.constant 0 : i32
    %dma_start3A_558 = arith.constant 0 : i32
    %dma_start3A_559 = tpu.memref_slice %arg10[%dma_start3A_556, %dma_start3A_557, %dma_start3A_558] : memref<2x128x128xf32, #tpu.memory_space<vmem>> -> memref<1x128x128xf32, #tpu.memory_space<vmem>>
    %dma_start3A_560 = tpu.memref_squeeze %dma_start3A_559 : memref<1x128x128xf32, #tpu.memory_space<vmem>> -> memref<128x128xf32, #tpu.memory_space<vmem>>
    %dma_start3A_561 = arith.constant 0 : i32
    %dma_start3A_562 = tpu.memref_slice %arg5[%add3A_555, %dma_start3A_561] : memref<65536x128xf32, #tpu.memory_space<hbm>> -> memref<128x128xf32, #tpu.memory_space<hbm>>
    %dma_start3A_563 = arith.constant 0 : i32
    %dma_start3A_564 = tpu.memref_slice %arg5[%add3A_555, %dma_start3A_563] : memref<65536x128xf32, #tpu.memory_space<hbm>> -> memref<128x128xf32, #tpu.memory_space<hbm>>
    %dma_start3A_565 = arith.constant 0 : i32
    %dma_start3A_566 = arith.constant 0 : i32
    %dma_start3A_567 = tpu.memref_slice %arg10[%dma_start3A_556, %dma_start3A_565, %dma_start3A_566] : memref<2x128x128xf32, #tpu.memory_space<vmem>> -> memref<1x128x128xf32, #tpu.memory_space<vmem>>
    %dma_start3A_568 = tpu.memref_squeeze %dma_start3A_567 : memref<1x128x128xf32, #tpu.memory_space<vmem>> -> memref<128x128xf32, #tpu.memory_space<vmem>>
    tpu.enqueue_dma source(%dma_start3A_568 : memref<128x128xf32, #tpu.memory_space<vmem>>) target(%dma_start3A_564 : memref<128x128xf32, #tpu.memory_space<hbm>>) target_semaphore(%arg15 : memref<!tpu.dma_semaphore, #tpu.memory_space<semaphore_mem>>)
    %dma_wait3A_569 = arith.constant 1 : i32
    %dma_wait3A_570 = arith.constant 0 : i32
    %dma_wait3A_571 = arith.constant 0 : i32
    %dma_wait3A_572 = tpu.memref_slice %arg10[%dma_wait3A_569, %dma_wait3A_570, %dma_wait3A_571] : memref<2x128x128xf32, #tpu.memory_space<vmem>> -> memref<1x128x128xf32, #tpu.memory_space<vmem>>
    %dma_wait3A_573 = tpu.memref_squeeze %dma_wait3A_572 : memref<1x128x128xf32, #tpu.memory_space<vmem>> -> memref<128x128xf32, #tpu.memory_space<vmem>>
    %dma_wait3A_574 = arith.constant 0 : i32
    %dma_wait3A_575 = arith.constant 0 : i32
    %dma_wait3A_576 = tpu.memref_slice %arg5[%dma_wait3A_574, %dma_wait3A_575] : memref<65536x128xf32, #tpu.memory_space<hbm>> -> memref<128x128xf32, #tpu.memory_space<hbm>>
    %dma_wait3A_577 = arith.constant 0 : i32
    %dma_wait3A_578 = arith.constant 0 : i32
    %dma_wait3A_579 = tpu.memref_slice %arg5[%dma_wait3A_577, %dma_wait3A_578] : memref<65536x128xf32, #tpu.memory_space<hbm>> -> memref<128x128xf32, #tpu.memory_space<hbm>>
    %dma_wait3A_580 = arith.constant 0 : i32
    %dma_wait3A_581 = arith.constant 0 : i32
    %dma_wait3A_582 = tpu.memref_slice %arg10[%dma_wait3A_569, %dma_wait3A_580, %dma_wait3A_581] : memref<2x128x128xf32, #tpu.memory_space<vmem>> -> memref<1x128x128xf32, #tpu.memory_space<vmem>>
    %dma_wait3A_583 = tpu.memref_squeeze %dma_wait3A_582 : memref<1x128x128xf32, #tpu.memory_space<vmem>> -> memref<128x128xf32, #tpu.memory_space<vmem>>
    tpu.wait_dma2 semaphore(%arg15 : memref<!tpu.dma_semaphore, #tpu.memory_space<semaphore_mem>>) src(%dma_wait3A_583 : memref<128x128xf32, #tpu.memory_space<vmem>>) dst(%dma_wait3A_579 : memref<128x128xf32, #tpu.memory_space<hbm>>)
    %dma_start3A_584 = arith.constant 11 : i32
    %dma_start3A_585 = arith.constant 1 : i32
    %dma_start3A_586 = arith.constant 0 : i32
    %dma_start3A_587 = arith.constant 0 : i32
    %dma_start3A_588 = tpu.memref_slice %arg10[%dma_start3A_585, %dma_start3A_586, %dma_start3A_587] : memref<2x128x128xf32, #tpu.memory_space<vmem>> -> memref<1x128x128xf32, #tpu.memory_space<vmem>>
    %dma_start3A_589 = tpu.memref_squeeze %dma_start3A_588 : memref<1x128x128xf32, #tpu.memory_space<vmem>> -> memref<128x128xf32, #tpu.memory_space<vmem>>
    %dma_start3A_590 = arith.constant 0 : i32
    %dma_start3A_591 = tpu.memref_slice %arg8[%dma_start3A_584, %dma_start3A_590] : memref<16x128xi32, #tpu.memory_space<vmem>> -> memref<1x128xi32, #tpu.memory_space<vmem>>
    %dma_start3A_592 = tpu.memref_squeeze %dma_start3A_591 : memref<1x128xi32, #tpu.memory_space<vmem>> -> memref<128xi32, #tpu.memory_space<vmem>>
    %dma_start3A_593 = arith.constant 0 : i32
    %dma_start3A_594 = arith.constant 0 : i32
    %dma_start3A_595 = tpu.memref_slice %arg4[%dma_start3A_593, %dma_start3A_594] : memref<100000x128xf32, #tpu.memory_space<hbm>> -> memref<100000x128xf32, #tpu.memory_space<hbm>>
    tpu.enqueue_indirect_dma source(%dma_start3A_595 : memref<100000x128xf32, #tpu.memory_space<hbm>>) target(%dma_start3A_589 : memref<128x128xf32, #tpu.memory_space<vmem>>) offsets(%dma_start3A_592 : memref<128xi32, #tpu.memory_space<vmem>>) semaphore(%arg13 : memref<!tpu.dma_semaphore, #tpu.memory_space<semaphore_mem>>)
    %dma_wait3A_596 = arith.constant 0 : i32
    %dma_wait3A_597 = arith.constant 0 : i32
    %dma_wait3A_598 = arith.constant 0 : i32
    %dma_wait3A_599 = arith.constant 0 : i32
    %dma_wait3A_600 = tpu.memref_slice %arg10[%dma_wait3A_597, %dma_wait3A_598, %dma_wait3A_599] : memref<2x128x128xf32, #tpu.memory_space<vmem>> -> memref<1x128x128xf32, #tpu.memory_space<vmem>>
    %dma_wait3A_601 = tpu.memref_squeeze %dma_wait3A_600 : memref<1x128x128xf32, #tpu.memory_space<vmem>> -> memref<128x128xf32, #tpu.memory_space<vmem>>
    %dma_wait3A_602 = arith.constant 0 : i32
    %dma_wait3A_603 = tpu.memref_slice %arg8[%dma_wait3A_596, %dma_wait3A_602] : memref<16x128xi32, #tpu.memory_space<vmem>> -> memref<1x128xi32, #tpu.memory_space<vmem>>
    %dma_wait3A_604 = tpu.memref_squeeze %dma_wait3A_603 : memref<1x128xi32, #tpu.memory_space<vmem>> -> memref<128xi32, #tpu.memory_space<vmem>>
    %dma_wait3A_605 = arith.constant 0 : i32
    %dma_wait3A_606 = arith.constant 0 : i32
    %dma_wait3A_607 = tpu.memref_slice %arg4[%dma_wait3A_605, %dma_wait3A_606] : memref<100000x128xf32, #tpu.memory_space<hbm>> -> memref<100000x128xf32, #tpu.memory_space<hbm>>
    tpu.wait_indirect_dma semaphore(%arg12 : memref<!tpu.dma_semaphore, #tpu.memory_space<semaphore_mem>>) src(%dma_wait3A_607 : memref<100000x128xf32, #tpu.memory_space<hbm>>) dst(%dma_wait3A_601 : memref<128x128xf32, #tpu.memory_space<vmem>>)
    %mul3A_608 = arith.constant 16 : i32
    %mul3A_609 = arith.muli %mul3A_2, %mul3A_608 : i32
    %add3A_610 = arith.constant 1280 : i32
    %add3A_611 = arith.addi %mul3A_609, %add3A_610 : i32
    %dma_start3A_612 = arith.constant 0 : i32
    %dma_start3A_613 = arith.constant 0 : i32
    %dma_start3A_614 = arith.constant 0 : i32
    %dma_start3A_615 = tpu.memref_slice %arg10[%dma_start3A_612, %dma_start3A_613, %dma_start3A_614] : memref<2x128x128xf32, #tpu.memory_space<vmem>> -> memref<1x128x128xf32, #tpu.memory_space<vmem>>
    %dma_start3A_616 = tpu.memref_squeeze %dma_start3A_615 : memref<1x128x128xf32, #tpu.memory_space<vmem>> -> memref<128x128xf32, #tpu.memory_space<vmem>>
    %dma_start3A_617 = arith.constant 0 : i32
    %dma_start3A_618 = tpu.memref_slice %arg5[%add3A_611, %dma_start3A_617] : memref<65536x128xf32, #tpu.memory_space<hbm>> -> memref<128x128xf32, #tpu.memory_space<hbm>>
    %dma_start3A_619 = arith.constant 0 : i32
    %dma_start3A_620 = tpu.memref_slice %arg5[%add3A_611, %dma_start3A_619] : memref<65536x128xf32, #tpu.memory_space<hbm>> -> memref<128x128xf32, #tpu.memory_space<hbm>>
    %dma_start3A_621 = arith.constant 0 : i32
    %dma_start3A_622 = arith.constant 0 : i32
    %dma_start3A_623 = tpu.memref_slice %arg10[%dma_start3A_612, %dma_start3A_621, %dma_start3A_622] : memref<2x128x128xf32, #tpu.memory_space<vmem>> -> memref<1x128x128xf32, #tpu.memory_space<vmem>>
    %dma_start3A_624 = tpu.memref_squeeze %dma_start3A_623 : memref<1x128x128xf32, #tpu.memory_space<vmem>> -> memref<128x128xf32, #tpu.memory_space<vmem>>
    tpu.enqueue_dma source(%dma_start3A_624 : memref<128x128xf32, #tpu.memory_space<vmem>>) target(%dma_start3A_620 : memref<128x128xf32, #tpu.memory_space<hbm>>) target_semaphore(%arg14 : memref<!tpu.dma_semaphore, #tpu.memory_space<semaphore_mem>>)
    %dma_wait3A_625 = arith.constant 0 : i32
    %dma_wait3A_626 = arith.constant 0 : i32
    %dma_wait3A_627 = arith.constant 0 : i32
    %dma_wait3A_628 = tpu.memref_slice %arg10[%dma_wait3A_625, %dma_wait3A_626, %dma_wait3A_627] : memref<2x128x128xf32, #tpu.memory_space<vmem>> -> memref<1x128x128xf32, #tpu.memory_space<vmem>>
    %dma_wait3A_629 = tpu.memref_squeeze %dma_wait3A_628 : memref<1x128x128xf32, #tpu.memory_space<vmem>> -> memref<128x128xf32, #tpu.memory_space<vmem>>
    %dma_wait3A_630 = arith.constant 0 : i32
    %dma_wait3A_631 = arith.constant 0 : i32
    %dma_wait3A_632 = tpu.memref_slice %arg5[%dma_wait3A_630, %dma_wait3A_631] : memref<65536x128xf32, #tpu.memory_space<hbm>> -> memref<128x128xf32, #tpu.memory_space<hbm>>
    %dma_wait3A_633 = arith.constant 0 : i32
    %dma_wait3A_634 = arith.constant 0 : i32
    %dma_wait3A_635 = tpu.memref_slice %arg5[%dma_wait3A_633, %dma_wait3A_634] : memref<65536x128xf32, #tpu.memory_space<hbm>> -> memref<128x128xf32, #tpu.memory_space<hbm>>
    %dma_wait3A_636 = arith.constant 0 : i32
    %dma_wait3A_637 = arith.constant 0 : i32
    %dma_wait3A_638 = tpu.memref_slice %arg10[%dma_wait3A_625, %dma_wait3A_636, %dma_wait3A_637] : memref<2x128x128xf32, #tpu.memory_space<vmem>> -> memref<1x128x128xf32, #tpu.memory_space<vmem>>
    %dma_wait3A_639 = tpu.memref_squeeze %dma_wait3A_638 : memref<1x128x128xf32, #tpu.memory_space<vmem>> -> memref<128x128xf32, #tpu.memory_space<vmem>>
    tpu.wait_dma2 semaphore(%arg14 : memref<!tpu.dma_semaphore, #tpu.memory_space<semaphore_mem>>) src(%dma_wait3A_639 : memref<128x128xf32, #tpu.memory_space<vmem>>) dst(%dma_wait3A_635 : memref<128x128xf32, #tpu.memory_space<hbm>>)
    %dma_start3A_640 = arith.constant 12 : i32
    %dma_start3A_641 = arith.constant 0 : i32
    %dma_start3A_642 = arith.constant 0 : i32
    %dma_start3A_643 = arith.constant 0 : i32
    %dma_start3A_644 = tpu.memref_slice %arg10[%dma_start3A_641, %dma_start3A_642, %dma_start3A_643] : memref<2x128x128xf32, #tpu.memory_space<vmem>> -> memref<1x128x128xf32, #tpu.memory_space<vmem>>
    %dma_start3A_645 = tpu.memref_squeeze %dma_start3A_644 : memref<1x128x128xf32, #tpu.memory_space<vmem>> -> memref<128x128xf32, #tpu.memory_space<vmem>>
    %dma_start3A_646 = arith.constant 0 : i32
    %dma_start3A_647 = tpu.memref_slice %arg8[%dma_start3A_640, %dma_start3A_646] : memref<16x128xi32, #tpu.memory_space<vmem>> -> memref<1x128xi32, #tpu.memory_space<vmem>>
    %dma_start3A_648 = tpu.memref_squeeze %dma_start3A_647 : memref<1x128xi32, #tpu.memory_space<vmem>> -> memref<128xi32, #tpu.memory_space<vmem>>
    %dma_start3A_649 = arith.constant 0 : i32
    %dma_start3A_650 = arith.constant 0 : i32
    %dma_start3A_651 = tpu.memref_slice %arg4[%dma_start3A_649, %dma_start3A_650] : memref<100000x128xf32, #tpu.memory_space<hbm>> -> memref<100000x128xf32, #tpu.memory_space<hbm>>
    tpu.enqueue_indirect_dma source(%dma_start3A_651 : memref<100000x128xf32, #tpu.memory_space<hbm>>) target(%dma_start3A_645 : memref<128x128xf32, #tpu.memory_space<vmem>>) offsets(%dma_start3A_648 : memref<128xi32, #tpu.memory_space<vmem>>) semaphore(%arg12 : memref<!tpu.dma_semaphore, #tpu.memory_space<semaphore_mem>>)
    %dma_wait3A_652 = arith.constant 0 : i32
    %dma_wait3A_653 = arith.constant 1 : i32
    %dma_wait3A_654 = arith.constant 0 : i32
    %dma_wait3A_655 = arith.constant 0 : i32
    %dma_wait3A_656 = tpu.memref_slice %arg10[%dma_wait3A_653, %dma_wait3A_654, %dma_wait3A_655] : memref<2x128x128xf32, #tpu.memory_space<vmem>> -> memref<1x128x128xf32, #tpu.memory_space<vmem>>
    %dma_wait3A_657 = tpu.memref_squeeze %dma_wait3A_656 : memref<1x128x128xf32, #tpu.memory_space<vmem>> -> memref<128x128xf32, #tpu.memory_space<vmem>>
    %dma_wait3A_658 = arith.constant 0 : i32
    %dma_wait3A_659 = tpu.memref_slice %arg8[%dma_wait3A_652, %dma_wait3A_658] : memref<16x128xi32, #tpu.memory_space<vmem>> -> memref<1x128xi32, #tpu.memory_space<vmem>>
    %dma_wait3A_660 = tpu.memref_squeeze %dma_wait3A_659 : memref<1x128xi32, #tpu.memory_space<vmem>> -> memref<128xi32, #tpu.memory_space<vmem>>
    %dma_wait3A_661 = arith.constant 0 : i32
    %dma_wait3A_662 = arith.constant 0 : i32
    %dma_wait3A_663 = tpu.memref_slice %arg4[%dma_wait3A_661, %dma_wait3A_662] : memref<100000x128xf32, #tpu.memory_space<hbm>> -> memref<100000x128xf32, #tpu.memory_space<hbm>>
    tpu.wait_indirect_dma semaphore(%arg13 : memref<!tpu.dma_semaphore, #tpu.memory_space<semaphore_mem>>) src(%dma_wait3A_663 : memref<100000x128xf32, #tpu.memory_space<hbm>>) dst(%dma_wait3A_657 : memref<128x128xf32, #tpu.memory_space<vmem>>)
    %mul3A_664 = arith.constant 16 : i32
    %mul3A_665 = arith.muli %mul3A_2, %mul3A_664 : i32
    %add3A_666 = arith.constant 1408 : i32
    %add3A_667 = arith.addi %mul3A_665, %add3A_666 : i32
    %dma_start3A_668 = arith.constant 1 : i32
    %dma_start3A_669 = arith.constant 0 : i32
    %dma_start3A_670 = arith.constant 0 : i32
    %dma_start3A_671 = tpu.memref_slice %arg10[%dma_start3A_668, %dma_start3A_669, %dma_start3A_670] : memref<2x128x128xf32, #tpu.memory_space<vmem>> -> memref<1x128x128xf32, #tpu.memory_space<vmem>>
    %dma_start3A_672 = tpu.memref_squeeze %dma_start3A_671 : memref<1x128x128xf32, #tpu.memory_space<vmem>> -> memref<128x128xf32, #tpu.memory_space<vmem>>
    %dma_start3A_673 = arith.constant 0 : i32
    %dma_start3A_674 = tpu.memref_slice %arg5[%add3A_667, %dma_start3A_673] : memref<65536x128xf32, #tpu.memory_space<hbm>> -> memref<128x128xf32, #tpu.memory_space<hbm>>
    %dma_start3A_675 = arith.constant 0 : i32
    %dma_start3A_676 = tpu.memref_slice %arg5[%add3A_667, %dma_start3A_675] : memref<65536x128xf32, #tpu.memory_space<hbm>> -> memref<128x128xf32, #tpu.memory_space<hbm>>
    %dma_start3A_677 = arith.constant 0 : i32
    %dma_start3A_678 = arith.constant 0 : i32
    %dma_start3A_679 = tpu.memref_slice %arg10[%dma_start3A_668, %dma_start3A_677, %dma_start3A_678] : memref<2x128x128xf32, #tpu.memory_space<vmem>> -> memref<1x128x128xf32, #tpu.memory_space<vmem>>
    %dma_start3A_680 = tpu.memref_squeeze %dma_start3A_679 : memref<1x128x128xf32, #tpu.memory_space<vmem>> -> memref<128x128xf32, #tpu.memory_space<vmem>>
    tpu.enqueue_dma source(%dma_start3A_680 : memref<128x128xf32, #tpu.memory_space<vmem>>) target(%dma_start3A_676 : memref<128x128xf32, #tpu.memory_space<hbm>>) target_semaphore(%arg15 : memref<!tpu.dma_semaphore, #tpu.memory_space<semaphore_mem>>)
    %dma_wait3A_681 = arith.constant 1 : i32
    %dma_wait3A_682 = arith.constant 0 : i32
    %dma_wait3A_683 = arith.constant 0 : i32
    %dma_wait3A_684 = tpu.memref_slice %arg10[%dma_wait3A_681, %dma_wait3A_682, %dma_wait3A_683] : memref<2x128x128xf32, #tpu.memory_space<vmem>> -> memref<1x128x128xf32, #tpu.memory_space<vmem>>
    %dma_wait3A_685 = tpu.memref_squeeze %dma_wait3A_684 : memref<1x128x128xf32, #tpu.memory_space<vmem>> -> memref<128x128xf32, #tpu.memory_space<vmem>>
    %dma_wait3A_686 = arith.constant 0 : i32
    %dma_wait3A_687 = arith.constant 0 : i32
    %dma_wait3A_688 = tpu.memref_slice %arg5[%dma_wait3A_686, %dma_wait3A_687] : memref<65536x128xf32, #tpu.memory_space<hbm>> -> memref<128x128xf32, #tpu.memory_space<hbm>>
    %dma_wait3A_689 = arith.constant 0 : i32
    %dma_wait3A_690 = arith.constant 0 : i32
    %dma_wait3A_691 = tpu.memref_slice %arg5[%dma_wait3A_689, %dma_wait3A_690] : memref<65536x128xf32, #tpu.memory_space<hbm>> -> memref<128x128xf32, #tpu.memory_space<hbm>>
    %dma_wait3A_692 = arith.constant 0 : i32
    %dma_wait3A_693 = arith.constant 0 : i32
    %dma_wait3A_694 = tpu.memref_slice %arg10[%dma_wait3A_681, %dma_wait3A_692, %dma_wait3A_693] : memref<2x128x128xf32, #tpu.memory_space<vmem>> -> memref<1x128x128xf32, #tpu.memory_space<vmem>>
    %dma_wait3A_695 = tpu.memref_squeeze %dma_wait3A_694 : memref<1x128x128xf32, #tpu.memory_space<vmem>> -> memref<128x128xf32, #tpu.memory_space<vmem>>
    tpu.wait_dma2 semaphore(%arg15 : memref<!tpu.dma_semaphore, #tpu.memory_space<semaphore_mem>>) src(%dma_wait3A_695 : memref<128x128xf32, #tpu.memory_space<vmem>>) dst(%dma_wait3A_691 : memref<128x128xf32, #tpu.memory_space<hbm>>)
    %dma_start3A_696 = arith.constant 13 : i32
    %dma_start3A_697 = arith.constant 1 : i32
    %dma_start3A_698 = arith.constant 0 : i32
    %dma_start3A_699 = arith.constant 0 : i32
    %dma_start3A_700 = tpu.memref_slice %arg10[%dma_start3A_697, %dma_start3A_698, %dma_start3A_699] : memref<2x128x128xf32, #tpu.memory_space<vmem>> -> memref<1x128x128xf32, #tpu.memory_space<vmem>>
    %dma_start3A_701 = tpu.memref_squeeze %dma_start3A_700 : memref<1x128x128xf32, #tpu.memory_space<vmem>> -> memref<128x128xf32, #tpu.memory_space<vmem>>
    %dma_start3A_702 = arith.constant 0 : i32
    %dma_start3A_703 = tpu.memref_slice %arg8[%dma_start3A_696, %dma_start3A_702] : memref<16x128xi32, #tpu.memory_space<vmem>> -> memref<1x128xi32, #tpu.memory_space<vmem>>
    %dma_start3A_704 = tpu.memref_squeeze %dma_start3A_703 : memref<1x128xi32, #tpu.memory_space<vmem>> -> memref<128xi32, #tpu.memory_space<vmem>>
    %dma_start3A_705 = arith.constant 0 : i32
    %dma_start3A_706 = arith.constant 0 : i32
    %dma_start3A_707 = tpu.memref_slice %arg4[%dma_start3A_705, %dma_start3A_706] : memref<100000x128xf32, #tpu.memory_space<hbm>> -> memref<100000x128xf32, #tpu.memory_space<hbm>>
    tpu.enqueue_indirect_dma source(%dma_start3A_707 : memref<100000x128xf32, #tpu.memory_space<hbm>>) target(%dma_start3A_701 : memref<128x128xf32, #tpu.memory_space<vmem>>) offsets(%dma_start3A_704 : memref<128xi32, #tpu.memory_space<vmem>>) semaphore(%arg13 : memref<!tpu.dma_semaphore, #tpu.memory_space<semaphore_mem>>)
    %dma_wait3A_708 = arith.constant 0 : i32
    %dma_wait3A_709 = arith.constant 0 : i32
    %dma_wait3A_710 = arith.constant 0 : i32
    %dma_wait3A_711 = arith.constant 0 : i32
    %dma_wait3A_712 = tpu.memref_slice %arg10[%dma_wait3A_709, %dma_wait3A_710, %dma_wait3A_711] : memref<2x128x128xf32, #tpu.memory_space<vmem>> -> memref<1x128x128xf32, #tpu.memory_space<vmem>>
    %dma_wait3A_713 = tpu.memref_squeeze %dma_wait3A_712 : memref<1x128x128xf32, #tpu.memory_space<vmem>> -> memref<128x128xf32, #tpu.memory_space<vmem>>
    %dma_wait3A_714 = arith.constant 0 : i32
    %dma_wait3A_715 = tpu.memref_slice %arg8[%dma_wait3A_708, %dma_wait3A_714] : memref<16x128xi32, #tpu.memory_space<vmem>> -> memref<1x128xi32, #tpu.memory_space<vmem>>
    %dma_wait3A_716 = tpu.memref_squeeze %dma_wait3A_715 : memref<1x128xi32, #tpu.memory_space<vmem>> -> memref<128xi32, #tpu.memory_space<vmem>>
    %dma_wait3A_717 = arith.constant 0 : i32
    %dma_wait3A_718 = arith.constant 0 : i32
    %dma_wait3A_719 = tpu.memref_slice %arg4[%dma_wait3A_717, %dma_wait3A_718] : memref<100000x128xf32, #tpu.memory_space<hbm>> -> memref<100000x128xf32, #tpu.memory_space<hbm>>
    tpu.wait_indirect_dma semaphore(%arg12 : memref<!tpu.dma_semaphore, #tpu.memory_space<semaphore_mem>>) src(%dma_wait3A_719 : memref<100000x128xf32, #tpu.memory_space<hbm>>) dst(%dma_wait3A_713 : memref<128x128xf32, #tpu.memory_space<vmem>>)
    %mul3A_720 = arith.constant 16 : i32
    %mul3A_721 = arith.muli %mul3A_2, %mul3A_720 : i32
    %add3A_722 = arith.constant 1536 : i32
    %add3A_723 = arith.addi %mul3A_721, %add3A_722 : i32
    %dma_start3A_724 = arith.constant 0 : i32
    %dma_start3A_725 = arith.constant 0 : i32
    %dma_start3A_726 = arith.constant 0 : i32
    %dma_start3A_727 = tpu.memref_slice %arg10[%dma_start3A_724, %dma_start3A_725, %dma_start3A_726] : memref<2x128x128xf32, #tpu.memory_space<vmem>> -> memref<1x128x128xf32, #tpu.memory_space<vmem>>
    %dma_start3A_728 = tpu.memref_squeeze %dma_start3A_727 : memref<1x128x128xf32, #tpu.memory_space<vmem>> -> memref<128x128xf32, #tpu.memory_space<vmem>>
    %dma_start3A_729 = arith.constant 0 : i32
    %dma_start3A_730 = tpu.memref_slice %arg5[%add3A_723, %dma_start3A_729] : memref<65536x128xf32, #tpu.memory_space<hbm>> -> memref<128x128xf32, #tpu.memory_space<hbm>>
    %dma_start3A_731 = arith.constant 0 : i32
    %dma_start3A_732 = tpu.memref_slice %arg5[%add3A_723, %dma_start3A_731] : memref<65536x128xf32, #tpu.memory_space<hbm>> -> memref<128x128xf32, #tpu.memory_space<hbm>>
    %dma_start3A_733 = arith.constant 0 : i32
    %dma_start3A_734 = arith.constant 0 : i32
    %dma_start3A_735 = tpu.memref_slice %arg10[%dma_start3A_724, %dma_start3A_733, %dma_start3A_734] : memref<2x128x128xf32, #tpu.memory_space<vmem>> -> memref<1x128x128xf32, #tpu.memory_space<vmem>>
    %dma_start3A_736 = tpu.memref_squeeze %dma_start3A_735 : memref<1x128x128xf32, #tpu.memory_space<vmem>> -> memref<128x128xf32, #tpu.memory_space<vmem>>
    tpu.enqueue_dma source(%dma_start3A_736 : memref<128x128xf32, #tpu.memory_space<vmem>>) target(%dma_start3A_732 : memref<128x128xf32, #tpu.memory_space<hbm>>) target_semaphore(%arg14 : memref<!tpu.dma_semaphore, #tpu.memory_space<semaphore_mem>>)
    %dma_wait3A_737 = arith.constant 0 : i32
    %dma_wait3A_738 = arith.constant 0 : i32
    %dma_wait3A_739 = arith.constant 0 : i32
    %dma_wait3A_740 = tpu.memref_slice %arg10[%dma_wait3A_737, %dma_wait3A_738, %dma_wait3A_739] : memref<2x128x128xf32, #tpu.memory_space<vmem>> -> memref<1x128x128xf32, #tpu.memory_space<vmem>>
    %dma_wait3A_741 = tpu.memref_squeeze %dma_wait3A_740 : memref<1x128x128xf32, #tpu.memory_space<vmem>> -> memref<128x128xf32, #tpu.memory_space<vmem>>
    %dma_wait3A_742 = arith.constant 0 : i32
    %dma_wait3A_743 = arith.constant 0 : i32
    %dma_wait3A_744 = tpu.memref_slice %arg5[%dma_wait3A_742, %dma_wait3A_743] : memref<65536x128xf32, #tpu.memory_space<hbm>> -> memref<128x128xf32, #tpu.memory_space<hbm>>
    %dma_wait3A_745 = arith.constant 0 : i32
    %dma_wait3A_746 = arith.constant 0 : i32
    %dma_wait3A_747 = tpu.memref_slice %arg5[%dma_wait3A_745, %dma_wait3A_746] : memref<65536x128xf32, #tpu.memory_space<hbm>> -> memref<128x128xf32, #tpu.memory_space<hbm>>
    %dma_wait3A_748 = arith.constant 0 : i32
    %dma_wait3A_749 = arith.constant 0 : i32
    %dma_wait3A_750 = tpu.memref_slice %arg10[%dma_wait3A_737, %dma_wait3A_748, %dma_wait3A_749] : memref<2x128x128xf32, #tpu.memory_space<vmem>> -> memref<1x128x128xf32, #tpu.memory_space<vmem>>
    %dma_wait3A_751 = tpu.memref_squeeze %dma_wait3A_750 : memref<1x128x128xf32, #tpu.memory_space<vmem>> -> memref<128x128xf32, #tpu.memory_space<vmem>>
    tpu.wait_dma2 semaphore(%arg14 : memref<!tpu.dma_semaphore, #tpu.memory_space<semaphore_mem>>) src(%dma_wait3A_751 : memref<128x128xf32, #tpu.memory_space<vmem>>) dst(%dma_wait3A_747 : memref<128x128xf32, #tpu.memory_space<hbm>>)
    %dma_start3A_752 = arith.constant 14 : i32
    %dma_start3A_753 = arith.constant 0 : i32
    %dma_start3A_754 = arith.constant 0 : i32
    %dma_start3A_755 = arith.constant 0 : i32
    %dma_start3A_756 = tpu.memref_slice %arg10[%dma_start3A_753, %dma_start3A_754, %dma_start3A_755] : memref<2x128x128xf32, #tpu.memory_space<vmem>> -> memref<1x128x128xf32, #tpu.memory_space<vmem>>
    %dma_start3A_757 = tpu.memref_squeeze %dma_start3A_756 : memref<1x128x128xf32, #tpu.memory_space<vmem>> -> memref<128x128xf32, #tpu.memory_space<vmem>>
    %dma_start3A_758 = arith.constant 0 : i32
    %dma_start3A_759 = tpu.memref_slice %arg8[%dma_start3A_752, %dma_start3A_758] : memref<16x128xi32, #tpu.memory_space<vmem>> -> memref<1x128xi32, #tpu.memory_space<vmem>>
    %dma_start3A_760 = tpu.memref_squeeze %dma_start3A_759 : memref<1x128xi32, #tpu.memory_space<vmem>> -> memref<128xi32, #tpu.memory_space<vmem>>
    %dma_start3A_761 = arith.constant 0 : i32
    %dma_start3A_762 = arith.constant 0 : i32
    %dma_start3A_763 = tpu.memref_slice %arg4[%dma_start3A_761, %dma_start3A_762] : memref<100000x128xf32, #tpu.memory_space<hbm>> -> memref<100000x128xf32, #tpu.memory_space<hbm>>
    tpu.enqueue_indirect_dma source(%dma_start3A_763 : memref<100000x128xf32, #tpu.memory_space<hbm>>) target(%dma_start3A_757 : memref<128x128xf32, #tpu.memory_space<vmem>>) offsets(%dma_start3A_760 : memref<128xi32, #tpu.memory_space<vmem>>) semaphore(%arg12 : memref<!tpu.dma_semaphore, #tpu.memory_space<semaphore_mem>>)
    %dma_wait3A_764 = arith.constant 0 : i32
    %dma_wait3A_765 = arith.constant 1 : i32
    %dma_wait3A_766 = arith.constant 0 : i32
    %dma_wait3A_767 = arith.constant 0 : i32
    %dma_wait3A_768 = tpu.memref_slice %arg10[%dma_wait3A_765, %dma_wait3A_766, %dma_wait3A_767] : memref<2x128x128xf32, #tpu.memory_space<vmem>> -> memref<1x128x128xf32, #tpu.memory_space<vmem>>
    %dma_wait3A_769 = tpu.memref_squeeze %dma_wait3A_768 : memref<1x128x128xf32, #tpu.memory_space<vmem>> -> memref<128x128xf32, #tpu.memory_space<vmem>>
    %dma_wait3A_770 = arith.constant 0 : i32
    %dma_wait3A_771 = tpu.memref_slice %arg8[%dma_wait3A_764, %dma_wait3A_770] : memref<16x128xi32, #tpu.memory_space<vmem>> -> memref<1x128xi32, #tpu.memory_space<vmem>>
    %dma_wait3A_772 = tpu.memref_squeeze %dma_wait3A_771 : memref<1x128xi32, #tpu.memory_space<vmem>> -> memref<128xi32, #tpu.memory_space<vmem>>
    %dma_wait3A_773 = arith.constant 0 : i32
    %dma_wait3A_774 = arith.constant 0 : i32
    %dma_wait3A_775 = tpu.memref_slice %arg4[%dma_wait3A_773, %dma_wait3A_774] : memref<100000x128xf32, #tpu.memory_space<hbm>> -> memref<100000x128xf32, #tpu.memory_space<hbm>>
    tpu.wait_indirect_dma semaphore(%arg13 : memref<!tpu.dma_semaphore, #tpu.memory_space<semaphore_mem>>) src(%dma_wait3A_775 : memref<100000x128xf32, #tpu.memory_space<hbm>>) dst(%dma_wait3A_769 : memref<128x128xf32, #tpu.memory_space<vmem>>)
    %mul3A_776 = arith.constant 16 : i32
    %mul3A_777 = arith.muli %mul3A_2, %mul3A_776 : i32
    %add3A_778 = arith.constant 1664 : i32
    %add3A_779 = arith.addi %mul3A_777, %add3A_778 : i32
    %dma_start3A_780 = arith.constant 1 : i32
    %dma_start3A_781 = arith.constant 0 : i32
    %dma_start3A_782 = arith.constant 0 : i32
    %dma_start3A_783 = tpu.memref_slice %arg10[%dma_start3A_780, %dma_start3A_781, %dma_start3A_782] : memref<2x128x128xf32, #tpu.memory_space<vmem>> -> memref<1x128x128xf32, #tpu.memory_space<vmem>>
    %dma_start3A_784 = tpu.memref_squeeze %dma_start3A_783 : memref<1x128x128xf32, #tpu.memory_space<vmem>> -> memref<128x128xf32, #tpu.memory_space<vmem>>
    %dma_start3A_785 = arith.constant 0 : i32
    %dma_start3A_786 = tpu.memref_slice %arg5[%add3A_779, %dma_start3A_785] : memref<65536x128xf32, #tpu.memory_space<hbm>> -> memref<128x128xf32, #tpu.memory_space<hbm>>
    %dma_start3A_787 = arith.constant 0 : i32
    %dma_start3A_788 = tpu.memref_slice %arg5[%add3A_779, %dma_start3A_787] : memref<65536x128xf32, #tpu.memory_space<hbm>> -> memref<128x128xf32, #tpu.memory_space<hbm>>
    %dma_start3A_789 = arith.constant 0 : i32
    %dma_start3A_790 = arith.constant 0 : i32
    %dma_start3A_791 = tpu.memref_slice %arg10[%dma_start3A_780, %dma_start3A_789, %dma_start3A_790] : memref<2x128x128xf32, #tpu.memory_space<vmem>> -> memref<1x128x128xf32, #tpu.memory_space<vmem>>
    %dma_start3A_792 = tpu.memref_squeeze %dma_start3A_791 : memref<1x128x128xf32, #tpu.memory_space<vmem>> -> memref<128x128xf32, #tpu.memory_space<vmem>>
    tpu.enqueue_dma source(%dma_start3A_792 : memref<128x128xf32, #tpu.memory_space<vmem>>) target(%dma_start3A_788 : memref<128x128xf32, #tpu.memory_space<hbm>>) target_semaphore(%arg15 : memref<!tpu.dma_semaphore, #tpu.memory_space<semaphore_mem>>)
    %dma_wait3A_793 = arith.constant 1 : i32
    %dma_wait3A_794 = arith.constant 0 : i32
    %dma_wait3A_795 = arith.constant 0 : i32
    %dma_wait3A_796 = tpu.memref_slice %arg10[%dma_wait3A_793, %dma_wait3A_794, %dma_wait3A_795] : memref<2x128x128xf32, #tpu.memory_space<vmem>> -> memref<1x128x128xf32, #tpu.memory_space<vmem>>
    %dma_wait3A_797 = tpu.memref_squeeze %dma_wait3A_796 : memref<1x128x128xf32, #tpu.memory_space<vmem>> -> memref<128x128xf32, #tpu.memory_space<vmem>>
    %dma_wait3A_798 = arith.constant 0 : i32
    %dma_wait3A_799 = arith.constant 0 : i32
    %dma_wait3A_800 = tpu.memref_slice %arg5[%dma_wait3A_798, %dma_wait3A_799] : memref<65536x128xf32, #tpu.memory_space<hbm>> -> memref<128x128xf32, #tpu.memory_space<hbm>>
    %dma_wait3A_801 = arith.constant 0 : i32
    %dma_wait3A_802 = arith.constant 0 : i32
    %dma_wait3A_803 = tpu.memref_slice %arg5[%dma_wait3A_801, %dma_wait3A_802] : memref<65536x128xf32, #tpu.memory_space<hbm>> -> memref<128x128xf32, #tpu.memory_space<hbm>>
    %dma_wait3A_804 = arith.constant 0 : i32
    %dma_wait3A_805 = arith.constant 0 : i32
    %dma_wait3A_806 = tpu.memref_slice %arg10[%dma_wait3A_793, %dma_wait3A_804, %dma_wait3A_805] : memref<2x128x128xf32, #tpu.memory_space<vmem>> -> memref<1x128x128xf32, #tpu.memory_space<vmem>>
    %dma_wait3A_807 = tpu.memref_squeeze %dma_wait3A_806 : memref<1x128x128xf32, #tpu.memory_space<vmem>> -> memref<128x128xf32, #tpu.memory_space<vmem>>
    tpu.wait_dma2 semaphore(%arg15 : memref<!tpu.dma_semaphore, #tpu.memory_space<semaphore_mem>>) src(%dma_wait3A_807 : memref<128x128xf32, #tpu.memory_space<vmem>>) dst(%dma_wait3A_803 : memref<128x128xf32, #tpu.memory_space<hbm>>)
    %dma_start3A_808 = arith.constant 15 : i32
    %dma_start3A_809 = arith.constant 1 : i32
    %dma_start3A_810 = arith.constant 0 : i32
    %dma_start3A_811 = arith.constant 0 : i32
    %dma_start3A_812 = tpu.memref_slice %arg10[%dma_start3A_809, %dma_start3A_810, %dma_start3A_811] : memref<2x128x128xf32, #tpu.memory_space<vmem>> -> memref<1x128x128xf32, #tpu.memory_space<vmem>>
    %dma_start3A_813 = tpu.memref_squeeze %dma_start3A_812 : memref<1x128x128xf32, #tpu.memory_space<vmem>> -> memref<128x128xf32, #tpu.memory_space<vmem>>
    %dma_start3A_814 = arith.constant 0 : i32
    %dma_start3A_815 = tpu.memref_slice %arg8[%dma_start3A_808, %dma_start3A_814] : memref<16x128xi32, #tpu.memory_space<vmem>> -> memref<1x128xi32, #tpu.memory_space<vmem>>
    %dma_start3A_816 = tpu.memref_squeeze %dma_start3A_815 : memref<1x128xi32, #tpu.memory_space<vmem>> -> memref<128xi32, #tpu.memory_space<vmem>>
    %dma_start3A_817 = arith.constant 0 : i32
    %dma_start3A_818 = arith.constant 0 : i32
    %dma_start3A_819 = tpu.memref_slice %arg4[%dma_start3A_817, %dma_start3A_818] : memref<100000x128xf32, #tpu.memory_space<hbm>> -> memref<100000x128xf32, #tpu.memory_space<hbm>>
    tpu.enqueue_indirect_dma source(%dma_start3A_819 : memref<100000x128xf32, #tpu.memory_space<hbm>>) target(%dma_start3A_813 : memref<128x128xf32, #tpu.memory_space<vmem>>) offsets(%dma_start3A_816 : memref<128xi32, #tpu.memory_space<vmem>>) semaphore(%arg13 : memref<!tpu.dma_semaphore, #tpu.memory_space<semaphore_mem>>)
    %dma_wait3A_820 = arith.constant 0 : i32
    %dma_wait3A_821 = arith.constant 0 : i32
    %dma_wait3A_822 = arith.constant 0 : i32
    %dma_wait3A_823 = arith.constant 0 : i32
    %dma_wait3A_824 = tpu.memref_slice %arg10[%dma_wait3A_821, %dma_wait3A_822, %dma_wait3A_823] : memref<2x128x128xf32, #tpu.memory_space<vmem>> -> memref<1x128x128xf32, #tpu.memory_space<vmem>>
    %dma_wait3A_825 = tpu.memref_squeeze %dma_wait3A_824 : memref<1x128x128xf32, #tpu.memory_space<vmem>> -> memref<128x128xf32, #tpu.memory_space<vmem>>
    %dma_wait3A_826 = arith.constant 0 : i32
    %dma_wait3A_827 = tpu.memref_slice %arg8[%dma_wait3A_820, %dma_wait3A_826] : memref<16x128xi32, #tpu.memory_space<vmem>> -> memref<1x128xi32, #tpu.memory_space<vmem>>
    %dma_wait3A_828 = tpu.memref_squeeze %dma_wait3A_827 : memref<1x128xi32, #tpu.memory_space<vmem>> -> memref<128xi32, #tpu.memory_space<vmem>>
    %dma_wait3A_829 = arith.constant 0 : i32
    %dma_wait3A_830 = arith.constant 0 : i32
    %dma_wait3A_831 = tpu.memref_slice %arg4[%dma_wait3A_829, %dma_wait3A_830] : memref<100000x128xf32, #tpu.memory_space<hbm>> -> memref<100000x128xf32, #tpu.memory_space<hbm>>
    tpu.wait_indirect_dma semaphore(%arg12 : memref<!tpu.dma_semaphore, #tpu.memory_space<semaphore_mem>>) src(%dma_wait3A_831 : memref<100000x128xf32, #tpu.memory_space<hbm>>) dst(%dma_wait3A_825 : memref<128x128xf32, #tpu.memory_space<vmem>>)
    %mul3A_832 = arith.constant 16 : i32
    %mul3A_833 = arith.muli %mul3A_2, %mul3A_832 : i32
    %add3A_834 = arith.constant 1792 : i32
    %add3A_835 = arith.addi %mul3A_833, %add3A_834 : i32
    %dma_start3A_836 = arith.constant 0 : i32
    %dma_start3A_837 = arith.constant 0 : i32
    %dma_start3A_838 = arith.constant 0 : i32
    %dma_start3A_839 = tpu.memref_slice %arg10[%dma_start3A_836, %dma_start3A_837, %dma_start3A_838] : memref<2x128x128xf32, #tpu.memory_space<vmem>> -> memref<1x128x128xf32, #tpu.memory_space<vmem>>
    %dma_start3A_840 = tpu.memref_squeeze %dma_start3A_839 : memref<1x128x128xf32, #tpu.memory_space<vmem>> -> memref<128x128xf32, #tpu.memory_space<vmem>>
    %dma_start3A_841 = arith.constant 0 : i32
    %dma_start3A_842 = tpu.memref_slice %arg5[%add3A_835, %dma_start3A_841] : memref<65536x128xf32, #tpu.memory_space<hbm>> -> memref<128x128xf32, #tpu.memory_space<hbm>>
    %dma_start3A_843 = arith.constant 0 : i32
    %dma_start3A_844 = tpu.memref_slice %arg5[%add3A_835, %dma_start3A_843] : memref<65536x128xf32, #tpu.memory_space<hbm>> -> memref<128x128xf32, #tpu.memory_space<hbm>>
    %dma_start3A_845 = arith.constant 0 : i32
    %dma_start3A_846 = arith.constant 0 : i32
    %dma_start3A_847 = tpu.memref_slice %arg10[%dma_start3A_836, %dma_start3A_845, %dma_start3A_846] : memref<2x128x128xf32, #tpu.memory_space<vmem>> -> memref<1x128x128xf32, #tpu.memory_space<vmem>>
    %dma_start3A_848 = tpu.memref_squeeze %dma_start3A_847 : memref<1x128x128xf32, #tpu.memory_space<vmem>> -> memref<128x128xf32, #tpu.memory_space<vmem>>
    tpu.enqueue_dma source(%dma_start3A_848 : memref<128x128xf32, #tpu.memory_space<vmem>>) target(%dma_start3A_844 : memref<128x128xf32, #tpu.memory_space<hbm>>) target_semaphore(%arg14 : memref<!tpu.dma_semaphore, #tpu.memory_space<semaphore_mem>>)
    %dma_wait3A_849 = arith.constant 0 : i32
    %dma_wait3A_850 = arith.constant 1 : i32
    %dma_wait3A_851 = arith.constant 0 : i32
    %dma_wait3A_852 = arith.constant 0 : i32
    %dma_wait3A_853 = tpu.memref_slice %arg10[%dma_wait3A_850, %dma_wait3A_851, %dma_wait3A_852] : memref<2x128x128xf32, #tpu.memory_space<vmem>> -> memref<1x128x128xf32, #tpu.memory_space<vmem>>
    %dma_wait3A_854 = tpu.memref_squeeze %dma_wait3A_853 : memref<1x128x128xf32, #tpu.memory_space<vmem>> -> memref<128x128xf32, #tpu.memory_space<vmem>>
    %dma_wait3A_855 = arith.constant 0 : i32
    %dma_wait3A_856 = tpu.memref_slice %arg8[%dma_wait3A_849, %dma_wait3A_855] : memref<16x128xi32, #tpu.memory_space<vmem>> -> memref<1x128xi32, #tpu.memory_space<vmem>>
    %dma_wait3A_857 = tpu.memref_squeeze %dma_wait3A_856 : memref<1x128xi32, #tpu.memory_space<vmem>> -> memref<128xi32, #tpu.memory_space<vmem>>
    %dma_wait3A_858 = arith.constant 0 : i32
    %dma_wait3A_859 = arith.constant 0 : i32
    %dma_wait3A_860 = tpu.memref_slice %arg4[%dma_wait3A_858, %dma_wait3A_859] : memref<100000x128xf32, #tpu.memory_space<hbm>> -> memref<100000x128xf32, #tpu.memory_space<hbm>>
    tpu.wait_indirect_dma semaphore(%arg13 : memref<!tpu.dma_semaphore, #tpu.memory_space<semaphore_mem>>) src(%dma_wait3A_860 : memref<100000x128xf32, #tpu.memory_space<hbm>>) dst(%dma_wait3A_854 : memref<128x128xf32, #tpu.memory_space<vmem>>)
    %mul3A_861 = arith.constant 16 : i32
    %mul3A_862 = arith.muli %mul3A_2, %mul3A_861 : i32
    %add3A_863 = arith.constant 1920 : i32
    %add3A_864 = arith.addi %mul3A_862, %add3A_863 : i32
    %dma_start3A_865 = arith.constant 1 : i32
    %dma_start3A_866 = arith.constant 0 : i32
    %dma_start3A_867 = arith.constant 0 : i32
    %dma_start3A_868 = tpu.memref_slice %arg10[%dma_start3A_865, %dma_start3A_866, %dma_start3A_867] : memref<2x128x128xf32, #tpu.memory_space<vmem>> -> memref<1x128x128xf32, #tpu.memory_space<vmem>>
    %dma_start3A_869 = tpu.memref_squeeze %dma_start3A_868 : memref<1x128x128xf32, #tpu.memory_space<vmem>> -> memref<128x128xf32, #tpu.memory_space<vmem>>
    %dma_start3A_870 = arith.constant 0 : i32
    %dma_start3A_871 = tpu.memref_slice %arg5[%add3A_864, %dma_start3A_870] : memref<65536x128xf32, #tpu.memory_space<hbm>> -> memref<128x128xf32, #tpu.memory_space<hbm>>
    %dma_start3A_872 = arith.constant 0 : i32
    %dma_start3A_873 = tpu.memref_slice %arg5[%add3A_864, %dma_start3A_872] : memref<65536x128xf32, #tpu.memory_space<hbm>> -> memref<128x128xf32, #tpu.memory_space<hbm>>
    %dma_start3A_874 = arith.constant 0 : i32
    %dma_start3A_875 = arith.constant 0 : i32
    %dma_start3A_876 = tpu.memref_slice %arg10[%dma_start3A_865, %dma_start3A_874, %dma_start3A_875] : memref<2x128x128xf32, #tpu.memory_space<vmem>> -> memref<1x128x128xf32, #tpu.memory_space<vmem>>
    %dma_start3A_877 = tpu.memref_squeeze %dma_start3A_876 : memref<1x128x128xf32, #tpu.memory_space<vmem>> -> memref<128x128xf32, #tpu.memory_space<vmem>>
    tpu.enqueue_dma source(%dma_start3A_877 : memref<128x128xf32, #tpu.memory_space<vmem>>) target(%dma_start3A_873 : memref<128x128xf32, #tpu.memory_space<hbm>>) target_semaphore(%arg15 : memref<!tpu.dma_semaphore, #tpu.memory_space<semaphore_mem>>)
    %dma_wait3A_878 = arith.constant 0 : i32
    %dma_wait3A_879 = arith.constant 0 : i32
    %dma_wait3A_880 = arith.constant 0 : i32
    %dma_wait3A_881 = tpu.memref_slice %arg10[%dma_wait3A_878, %dma_wait3A_879, %dma_wait3A_880] : memref<2x128x128xf32, #tpu.memory_space<vmem>> -> memref<1x128x128xf32, #tpu.memory_space<vmem>>
    %dma_wait3A_882 = tpu.memref_squeeze %dma_wait3A_881 : memref<1x128x128xf32, #tpu.memory_space<vmem>> -> memref<128x128xf32, #tpu.memory_space<vmem>>
    %dma_wait3A_883 = arith.constant 0 : i32
    %dma_wait3A_884 = arith.constant 0 : i32
    %dma_wait3A_885 = tpu.memref_slice %arg5[%dma_wait3A_883, %dma_wait3A_884] : memref<65536x128xf32, #tpu.memory_space<hbm>> -> memref<128x128xf32, #tpu.memory_space<hbm>>
    %dma_wait3A_886 = arith.constant 0 : i32
    %dma_wait3A_887 = arith.constant 0 : i32
    %dma_wait3A_888 = tpu.memref_slice %arg5[%dma_wait3A_886, %dma_wait3A_887] : memref<65536x128xf32, #tpu.memory_space<hbm>> -> memref<128x128xf32, #tpu.memory_space<hbm>>
    %dma_wait3A_889 = arith.constant 0 : i32
    %dma_wait3A_890 = arith.constant 0 : i32
    %dma_wait3A_891 = tpu.memref_slice %arg10[%dma_wait3A_878, %dma_wait3A_889, %dma_wait3A_890] : memref<2x128x128xf32, #tpu.memory_space<vmem>> -> memref<1x128x128xf32, #tpu.memory_space<vmem>>
    %dma_wait3A_892 = tpu.memref_squeeze %dma_wait3A_891 : memref<1x128x128xf32, #tpu.memory_space<vmem>> -> memref<128x128xf32, #tpu.memory_space<vmem>>
    tpu.wait_dma2 semaphore(%arg14 : memref<!tpu.dma_semaphore, #tpu.memory_space<semaphore_mem>>) src(%dma_wait3A_892 : memref<128x128xf32, #tpu.memory_space<vmem>>) dst(%dma_wait3A_888 : memref<128x128xf32, #tpu.memory_space<hbm>>)
    %dma_wait3A_893 = arith.constant 1 : i32
    %dma_wait3A_894 = arith.constant 0 : i32
    %dma_wait3A_895 = arith.constant 0 : i32
    %dma_wait3A_896 = tpu.memref_slice %arg10[%dma_wait3A_893, %dma_wait3A_894, %dma_wait3A_895] : memref<2x128x128xf32, #tpu.memory_space<vmem>> -> memref<1x128x128xf32, #tpu.memory_space<vmem>>
    %dma_wait3A_897 = tpu.memref_squeeze %dma_wait3A_896 : memref<1x128x128xf32, #tpu.memory_space<vmem>> -> memref<128x128xf32, #tpu.memory_space<vmem>>
    %dma_wait3A_898 = arith.constant 0 : i32
    %dma_wait3A_899 = arith.constant 0 : i32
    %dma_wait3A_900 = tpu.memref_slice %arg5[%dma_wait3A_898, %dma_wait3A_899] : memref<65536x128xf32, #tpu.memory_space<hbm>> -> memref<128x128xf32, #tpu.memory_space<hbm>>
    %dma_wait3A_901 = arith.constant 0 : i32
    %dma_wait3A_902 = arith.constant 0 : i32
    %dma_wait3A_903 = tpu.memref_slice %arg5[%dma_wait3A_901, %dma_wait3A_902] : memref<65536x128xf32, #tpu.memory_space<hbm>> -> memref<128x128xf32, #tpu.memory_space<hbm>>
    %dma_wait3A_904 = arith.constant 0 : i32
    %dma_wait3A_905 = arith.constant 0 : i32
    %dma_wait3A_906 = tpu.memref_slice %arg10[%dma_wait3A_893, %dma_wait3A_904, %dma_wait3A_905] : memref<2x128x128xf32, #tpu.memory_space<vmem>> -> memref<1x128x128xf32, #tpu.memory_space<vmem>>
    %dma_wait3A_907 = tpu.memref_squeeze %dma_wait3A_906 : memref<1x128x128xf32, #tpu.memory_space<vmem>> -> memref<128x128xf32, #tpu.memory_space<vmem>>
    tpu.wait_dma2 semaphore(%arg15 : memref<!tpu.dma_semaphore, #tpu.memory_space<semaphore_mem>>) src(%dma_wait3A_907 : memref<128x128xf32, #tpu.memory_space<vmem>>) dst(%dma_wait3A_903 : memref<128x128xf32, #tpu.memory_space<hbm>>)
    return
  }
}

#map = affine_map<(d0, d1) -> (0)>
#map1 = affine_map<(d0, d1) -> (0, 0)>
module attributes {stable_mosaic.version = 14 : i64} {
  func.func @gekg_user_emb_sc(%arg0: i32, %arg1: i32, %arg2: memref<4096xi32, #tpu.memory_space<hbm>>, %arg3: memref<100352x128xi32, #tpu.memory_space<hbm>>, %arg4: memref<100352x128xi32, #tpu.memory_space<hbm>>, %arg5: memref<100000x128xf32, #tpu.memory_space<hbm>>, %arg6: memref<4096x128xf32, #tpu.memory_space<hbm>>, %arg7: memref<128xi32, #tpu.memory_space<vmem>>, %arg8: memref<128x128xi32, #tpu.memory_space<vmem>>, %arg9: memref<128x128xi32, #tpu.memory_space<vmem>>, %arg10: memref<2x200x128xf32, #tpu.memory_space<vmem>>, %arg11: memref<128x128xf32, #tpu.memory_space<vmem>>, %arg12: memref<2x128xi32, #tpu.memory_space<vmem>>, %arg13: memref<2048x128xf32, #tpu.memory_space<vmem_shared>>, %arg14: memref<!tpu.dma_semaphore, #tpu.memory_space<semaphore_mem>>, %arg15: memref<!tpu.dma_semaphore, #tpu.memory_space<semaphore_mem>>, %arg16: memref<!tpu.dma_semaphore, #tpu.memory_space<semaphore_mem>>, %arg17: memref<!tpu.dma_semaphore, #tpu.memory_space<semaphore_mem>>, %arg18: memref<!tpu.dma_semaphore, #tpu.memory_space<semaphore_mem>>, %arg19: memref<!tpu.dma_semaphore, #tpu.memory_space<semaphore_mem>>) attributes {dimension_semantics = [#tpu.dimension_semantics<core_parallel>, #tpu.dimension_semantics<subcore_parallel>], iteration_bounds = array<i64: 2, 16>, scalar_prefetch = 0 : i64, scratch_operands = 13 : i64, tpu.core_type = #tpu.core_type<sc_vector_subcore>, window_params = [{transform_indices = #map}, {transform_indices = #map1}, {transform_indices = #map1}, {transform_indices = #map1}, {transform_indices = #map1}]} {
    %mul3A = arith.constant 2 : i32
    %mul3A_0 = arith.muli %arg1, %mul3A : i32
    %add3A = arith.addi %mul3A_0, %arg0 : i32
    %mul3A_1 = arith.constant 128 : i32
    %mul3A_2 = arith.muli %add3A, %mul3A_1 : i32
    %mul3A_3 = arith.constant 128 : i32
    %mul3A_4 = arith.muli %arg1, %mul3A_3 : i32
    "tpu.region"() ({
      %run_scoped3A = tpu.sem_alloc : memref<!tpu.dma_semaphore, #tpu.memory_space<semaphore_mem>>
      %dma_start3A_99 = tpu.memref_slice %arg2[%mul3A_2] : memref<4096xi32, #tpu.memory_space<hbm>> -> memref<128xi32, #tpu.memory_space<hbm>>
      %dma_start3A_100 = tpu.memref_slice %arg2[%mul3A_2] : memref<4096xi32, #tpu.memory_space<hbm>> -> memref<128xi32, #tpu.memory_space<hbm>>
      tpu.enqueue_dma source(%dma_start3A_100 : memref<128xi32, #tpu.memory_space<hbm>>) target(%arg7 : memref<128xi32, #tpu.memory_space<vmem>>) target_semaphore(%run_scoped3A : memref<!tpu.dma_semaphore, #tpu.memory_space<semaphore_mem>>)
      %dma_wait3A_101 = tpu.memref_slice %arg2[%mul3A_2] : memref<4096xi32, #tpu.memory_space<hbm>> -> memref<128xi32, #tpu.memory_space<hbm>>
      %dma_wait3A_102 = tpu.memref_slice %arg2[%mul3A_2] : memref<4096xi32, #tpu.memory_space<hbm>> -> memref<128xi32, #tpu.memory_space<hbm>>
      tpu.wait_dma2 semaphore(%run_scoped3A : memref<!tpu.dma_semaphore, #tpu.memory_space<semaphore_mem>>) src(%dma_wait3A_102 : memref<128xi32, #tpu.memory_space<hbm>>) dst(%arg7 : memref<128xi32, #tpu.memory_space<vmem>>)
      tpu.yield
    }) : () -> ()
    %dma_start3A = arith.constant 0 : i32
    %dma_start3A_5 = arith.constant 0 : i32
    %dma_start3A_6 = tpu.memref_slice %arg3[%dma_start3A, %dma_start3A_5] : memref<100352x128xi32, #tpu.memory_space<hbm>> -> memref<100352x128xi32, #tpu.memory_space<hbm>>
    tpu.enqueue_indirect_dma source(%dma_start3A_6 : memref<100352x128xi32, #tpu.memory_space<hbm>>) target(%arg8 : memref<128x128xi32, #tpu.memory_space<vmem>>) offsets(%arg7 : memref<128xi32, #tpu.memory_space<vmem>>) semaphore(%arg14 : memref<!tpu.dma_semaphore, #tpu.memory_space<semaphore_mem>>)
    %dma_start3A_7 = arith.constant 0 : i32
    %dma_start3A_8 = arith.constant 0 : i32
    %dma_start3A_9 = tpu.memref_slice %arg4[%dma_start3A_7, %dma_start3A_8] : memref<100352x128xi32, #tpu.memory_space<hbm>> -> memref<100352x128xi32, #tpu.memory_space<hbm>>
    tpu.enqueue_indirect_dma source(%dma_start3A_9 : memref<100352x128xi32, #tpu.memory_space<hbm>>) target(%arg9 : memref<128x128xi32, #tpu.memory_space<vmem>>) offsets(%arg7 : memref<128xi32, #tpu.memory_space<vmem>>) semaphore(%arg15 : memref<!tpu.dma_semaphore, #tpu.memory_space<semaphore_mem>>)
    %broadcast_in_dim3A = arith.constant 0.000000e+00 : f32
    %broadcast_in_dim3A_10 = vector.broadcast %broadcast_in_dim3A : f32 to vector<16xf32>
    %scan3A = arith.constant 0 : i32
    %scan3A_11 = arith.constant 0 : i32
    %scan3A_12 = arith.constant 128 : i32
    %scan3A_13 = arith.addi %scan3A_11, %scan3A_12 : i32
    %scan3A_14 = arith.constant 1 : i32
    scf.for %scan3A_99 = %scan3A_11 to %scan3A_13 step %scan3A_14  : i32 {
      %swap3A = arith.index_cast %scan3A_99 : i32 to index
      %swap3A_100 = arith.constant 0 : index
      %swap3A_101 = tpu.vector_load %arg11[%swap3A, %swap3A_100] {strides = array<i32>} : memref<128x128xf32, #tpu.memory_space<vmem>>, vector<1x16xf32>,
      %swap3A_102 = vector.shape_cast %swap3A_101 : vector<1x16xf32> to vector<16xf32>
      %swap3A_103 = vector.shape_cast %broadcast_in_dim3A_10 : vector<16xf32> to vector<1x16xf32>
      tpu.vector_store %arg11[%swap3A, %swap3A_100], %swap3A_103 {strides = array<i32>} : memref<128x128xf32, #tpu.memory_space<vmem>>, vector<1x16xf32>,
      %swap3A_104 = arith.index_cast %scan3A_99 : i32 to index
      %swap3A_105 = arith.constant 16 : index
      %swap3A_106 = tpu.vector_load %arg11[%swap3A_104, %swap3A_105] {strides = array<i32>} : memref<128x128xf32, #tpu.memory_space<vmem>>, vector<1x16xf32>,
      %swap3A_107 = vector.shape_cast %swap3A_106 : vector<1x16xf32> to vector<16xf32>
      %swap3A_108 = vector.shape_cast %broadcast_in_dim3A_10 : vector<16xf32> to vector<1x16xf32>
      tpu.vector_store %arg11[%swap3A_104, %swap3A_105], %swap3A_108 {strides = array<i32>} : memref<128x128xf32, #tpu.memory_space<vmem>>, vector<1x16xf32>,
      %swap3A_109 = arith.index_cast %scan3A_99 : i32 to index
      %swap3A_110 = arith.constant 32 : index
      %swap3A_111 = tpu.vector_load %arg11[%swap3A_109, %swap3A_110] {strides = array<i32>} : memref<128x128xf32, #tpu.memory_space<vmem>>, vector<1x16xf32>,
      %swap3A_112 = vector.shape_cast %swap3A_111 : vector<1x16xf32> to vector<16xf32>
      %swap3A_113 = vector.shape_cast %broadcast_in_dim3A_10 : vector<16xf32> to vector<1x16xf32>
      tpu.vector_store %arg11[%swap3A_109, %swap3A_110], %swap3A_113 {strides = array<i32>} : memref<128x128xf32, #tpu.memory_space<vmem>>, vector<1x16xf32>,
      %swap3A_114 = arith.index_cast %scan3A_99 : i32 to index
      %swap3A_115 = arith.constant 48 : index
      %swap3A_116 = tpu.vector_load %arg11[%swap3A_114, %swap3A_115] {strides = array<i32>} : memref<128x128xf32, #tpu.memory_space<vmem>>, vector<1x16xf32>,
      %swap3A_117 = vector.shape_cast %swap3A_116 : vector<1x16xf32> to vector<16xf32>
      %swap3A_118 = vector.shape_cast %broadcast_in_dim3A_10 : vector<16xf32> to vector<1x16xf32>
      tpu.vector_store %arg11[%swap3A_114, %swap3A_115], %swap3A_118 {strides = array<i32>} : memref<128x128xf32, #tpu.memory_space<vmem>>, vector<1x16xf32>,
      %swap3A_119 = arith.index_cast %scan3A_99 : i32 to index
      %swap3A_120 = arith.constant 64 : index
      %swap3A_121 = tpu.vector_load %arg11[%swap3A_119, %swap3A_120] {strides = array<i32>} : memref<128x128xf32, #tpu.memory_space<vmem>>, vector<1x16xf32>,
      %swap3A_122 = vector.shape_cast %swap3A_121 : vector<1x16xf32> to vector<16xf32>
      %swap3A_123 = vector.shape_cast %broadcast_in_dim3A_10 : vector<16xf32> to vector<1x16xf32>
      tpu.vector_store %arg11[%swap3A_119, %swap3A_120], %swap3A_123 {strides = array<i32>} : memref<128x128xf32, #tpu.memory_space<vmem>>, vector<1x16xf32>,
      %swap3A_124 = arith.index_cast %scan3A_99 : i32 to index
      %swap3A_125 = arith.constant 80 : index
      %swap3A_126 = tpu.vector_load %arg11[%swap3A_124, %swap3A_125] {strides = array<i32>} : memref<128x128xf32, #tpu.memory_space<vmem>>, vector<1x16xf32>,
      %swap3A_127 = vector.shape_cast %swap3A_126 : vector<1x16xf32> to vector<16xf32>
      %swap3A_128 = vector.shape_cast %broadcast_in_dim3A_10 : vector<16xf32> to vector<1x16xf32>
      tpu.vector_store %arg11[%swap3A_124, %swap3A_125], %swap3A_128 {strides = array<i32>} : memref<128x128xf32, #tpu.memory_space<vmem>>, vector<1x16xf32>,
      %swap3A_129 = arith.index_cast %scan3A_99 : i32 to index
      %swap3A_130 = arith.constant 96 : index
      %swap3A_131 = tpu.vector_load %arg11[%swap3A_129, %swap3A_130] {strides = array<i32>} : memref<128x128xf32, #tpu.memory_space<vmem>>, vector<1x16xf32>,
      %swap3A_132 = vector.shape_cast %swap3A_131 : vector<1x16xf32> to vector<16xf32>
      %swap3A_133 = vector.shape_cast %broadcast_in_dim3A_10 : vector<16xf32> to vector<1x16xf32>
      tpu.vector_store %arg11[%swap3A_129, %swap3A_130], %swap3A_133 {strides = array<i32>} : memref<128x128xf32, #tpu.memory_space<vmem>>, vector<1x16xf32>,
      %swap3A_134 = arith.index_cast %scan3A_99 : i32 to index
      %swap3A_135 = arith.constant 112 : index
      %swap3A_136 = tpu.vector_load %arg11[%swap3A_134, %swap3A_135] {strides = array<i32>} : memref<128x128xf32, #tpu.memory_space<vmem>>, vector<1x16xf32>,
      %swap3A_137 = vector.shape_cast %swap3A_136 : vector<1x16xf32> to vector<16xf32>
      %swap3A_138 = vector.shape_cast %broadcast_in_dim3A_10 : vector<16xf32> to vector<1x16xf32>
      tpu.vector_store %arg11[%swap3A_134, %swap3A_135], %swap3A_138 {strides = array<i32>} : memref<128x128xf32, #tpu.memory_space<vmem>>, vector<1x16xf32>,
    }
    %scan3A_15 = arith.constant 128 : i32
    "tpu.region"() ({
      %run_scoped3A = tpu.sem_alloc : memref<!tpu.dma_semaphore, #tpu.memory_space<semaphore_mem>>
      %dma_start3A_99 = arith.constant 0 : i32
      %dma_start3A_100 = tpu.memref_slice %arg13[%mul3A_4, %dma_start3A_99] : memref<2048x128xf32, #tpu.memory_space<vmem_shared>> -> memref<128x128xf32, #tpu.memory_space<vmem_shared>>
      %dma_start3A_101 = arith.constant 0 : i32
      %dma_start3A_102 = tpu.memref_slice %arg13[%mul3A_4, %dma_start3A_101] : memref<2048x128xf32, #tpu.memory_space<vmem_shared>> -> memref<128x128xf32, #tpu.memory_space<vmem_shared>>
      tpu.enqueue_dma source(%arg11 : memref<128x128xf32, #tpu.memory_space<vmem>>) target(%dma_start3A_102 : memref<128x128xf32, #tpu.memory_space<vmem_shared>>) target_semaphore(%run_scoped3A : memref<!tpu.dma_semaphore, #tpu.memory_space<semaphore_mem>>)
      %dma_wait3A_103 = arith.constant 0 : i32
      %dma_wait3A_104 = tpu.memref_slice %arg13[%mul3A_4, %dma_wait3A_103] : memref<2048x128xf32, #tpu.memory_space<vmem_shared>> -> memref<128x128xf32, #tpu.memory_space<vmem_shared>>
      %dma_wait3A_105 = arith.constant 0 : i32
      %dma_wait3A_106 = tpu.memref_slice %arg13[%mul3A_4, %dma_wait3A_105] : memref<2048x128xf32, #tpu.memory_space<vmem_shared>> -> memref<128x128xf32, #tpu.memory_space<vmem_shared>>
      tpu.wait_dma2 semaphore(%run_scoped3A : memref<!tpu.dma_semaphore, #tpu.memory_space<semaphore_mem>>) src(%arg11 : memref<128x128xf32, #tpu.memory_space<vmem>>) dst(%dma_wait3A_106 : memref<128x128xf32, #tpu.memory_space<vmem_shared>>)
      tpu.yield
    }) : () -> ()
    %dma_wait3A = arith.constant 0 : i32
    %dma_wait3A_16 = arith.constant 0 : i32
    %dma_wait3A_17 = tpu.memref_slice %arg3[%dma_wait3A, %dma_wait3A_16] : memref<100352x128xi32, #tpu.memory_space<hbm>> -> memref<100352x128xi32, #tpu.memory_space<hbm>>
    tpu.wait_indirect_dma semaphore(%arg14 : memref<!tpu.dma_semaphore, #tpu.memory_space<semaphore_mem>>) src(%dma_wait3A_17 : memref<100352x128xi32, #tpu.memory_space<hbm>>) dst(%arg8 : memref<128x128xi32, #tpu.memory_space<vmem>>)
    %dma_wait3A_18 = arith.constant 0 : i32
    %dma_wait3A_19 = arith.constant 0 : i32
    %dma_wait3A_20 = tpu.memref_slice %arg4[%dma_wait3A_18, %dma_wait3A_19] : memref<100352x128xi32, #tpu.memory_space<hbm>> -> memref<100352x128xi32, #tpu.memory_space<hbm>>
    tpu.wait_indirect_dma semaphore(%arg15 : memref<!tpu.dma_semaphore, #tpu.memory_space<semaphore_mem>>) src(%dma_wait3A_20 : memref<100352x128xi32, #tpu.memory_space<hbm>>) dst(%arg9 : memref<128x128xi32, #tpu.memory_space<vmem>>)
    %dma_start3A_21 = arith.constant 0 : i32
    %dma_start3A_22 = arith.constant 0 : i32
    %dma_start3A_23 = arith.constant 0 : i32
    %dma_start3A_24 = arith.constant 0 : i32
    %dma_start3A_25 = tpu.memref_slice %arg10[%dma_start3A_22, %dma_start3A_23, %dma_start3A_24] : memref<2x200x128xf32, #tpu.memory_space<vmem>> -> memref<1x128x128xf32, #tpu.memory_space<vmem>>
    %dma_start3A_26 = tpu.memref_squeeze %dma_start3A_25 : memref<1x128x128xf32, #tpu.memory_space<vmem>> -> memref<128x128xf32, #tpu.memory_space<vmem>>
    %dma_start3A_27 = arith.constant 0 : i32
    %dma_start3A_28 = tpu.memref_slice %arg8[%dma_start3A_21, %dma_start3A_27] : memref<128x128xi32, #tpu.memory_space<vmem>> -> memref<1x128xi32, #tpu.memory_space<vmem>>
    %dma_start3A_29 = tpu.memref_squeeze %dma_start3A_28 : memref<1x128xi32, #tpu.memory_space<vmem>> -> memref<128xi32, #tpu.memory_space<vmem>>
    %dma_start3A_30 = arith.constant 0 : i32
    %dma_start3A_31 = arith.constant 0 : i32
    %dma_start3A_32 = tpu.memref_slice %arg5[%dma_start3A_30, %dma_start3A_31] : memref<100000x128xf32, #tpu.memory_space<hbm>> -> memref<100000x128xf32, #tpu.memory_space<hbm>>
    tpu.enqueue_indirect_dma source(%dma_start3A_32 : memref<100000x128xf32, #tpu.memory_space<hbm>>) target(%dma_start3A_26 : memref<128x128xf32, #tpu.memory_space<vmem>>) offsets(%dma_start3A_29 : memref<128xi32, #tpu.memory_space<vmem>>) semaphore(%arg16 : memref<!tpu.dma_semaphore, #tpu.memory_space<semaphore_mem>>)
    %dma_start3A_33 = arith.constant 0 : i32
    %dma_start3A_34 = arith.constant 0 : i32
    %dma_start3A_35 = arith.constant 128 : i32
    %dma_start3A_36 = arith.constant 0 : i32
    %dma_start3A_37 = tpu.memref_slice %arg10[%dma_start3A_34, %dma_start3A_35, %dma_start3A_36] : memref<2x200x128xf32, #tpu.memory_space<vmem>> -> memref<1x72x128xf32, #tpu.memory_space<vmem>>
    %dma_start3A_38 = tpu.memref_squeeze %dma_start3A_37 : memref<1x72x128xf32, #tpu.memory_space<vmem>> -> memref<72x128xf32, #tpu.memory_space<vmem>>
    %dma_start3A_39 = arith.constant 0 : i32
    %dma_start3A_40 = tpu.memref_slice %arg9[%dma_start3A_33, %dma_start3A_39] : memref<128x128xi32, #tpu.memory_space<vmem>> -> memref<1x72xi32, #tpu.memory_space<vmem>>
    %dma_start3A_41 = tpu.memref_squeeze %dma_start3A_40 : memref<1x72xi32, #tpu.memory_space<vmem>> -> memref<72xi32, #tpu.memory_space<vmem>>
    %dma_start3A_42 = arith.constant 0 : i32
    %dma_start3A_43 = arith.constant 0 : i32
    %dma_start3A_44 = tpu.memref_slice %arg5[%dma_start3A_42, %dma_start3A_43] : memref<100000x128xf32, #tpu.memory_space<hbm>> -> memref<100000x128xf32, #tpu.memory_space<hbm>>
    tpu.enqueue_indirect_dma source(%dma_start3A_44 : memref<100000x128xf32, #tpu.memory_space<hbm>>) target(%dma_start3A_38 : memref<72x128xf32, #tpu.memory_space<vmem>>) offsets(%dma_start3A_41 : memref<72xi32, #tpu.memory_space<vmem>>) semaphore(%arg16 : memref<!tpu.dma_semaphore, #tpu.memory_space<semaphore_mem>>)
    %scan3A_45 = arith.constant 0 : i32
    %scan3A_46 = arith.constant 0 : i32
    %scan3A_47 = arith.constant 64 : i32
    %scan3A_48 = arith.addi %scan3A_46, %scan3A_47 : i32
    %scan3A_49 = arith.constant 1 : i32
    scf.for %scan3A_99 = %scan3A_46 to %scan3A_48 step %scan3A_49  : i32 {
      %mul3A_100 = arith.constant 2 : i32
      %mul3A_101 = arith.muli %mul3A_100, %scan3A_99 : i32
      %add3A_102 = arith.constant 0 : i32
      %add3A_103 = arith.addi %mul3A_101, %add3A_102 : i32
      %add3A_104 = arith.constant 1 : i32
      %add3A_105 = arith.addi %add3A_103, %add3A_104 : i32
      %lt3A = arith.constant 128 : i32
      %lt3A_106 = arith.cmpi slt, %add3A_105, %lt3A : i32
      %convert_element_type3A = arith.extui %lt3A_106 : i1 to i32
      %cond3A = arith.constant 0 : i32
      %cond3A_107 = arith.cmpi ne, %convert_element_type3A, %cond3A : i32
      scf.if %cond3A_107 {
        %ge3A = arith.constant 1 : i32
        %ge3A_314 = arith.cmpi sge, %add3A_103, %ge3A : i32
        %convert_element_type3A_315 = arith.extui %ge3A_314 : i1 to i32
        %cond3A_316 = arith.constant 0 : i32
        %cond3A_317 = arith.cmpi ne, %convert_element_type3A_315, %cond3A_316 : i32
        scf.if %cond3A_317 {
          %dma_wait3A_342 = arith.constant 1 : i32
          %dma_wait3A_343 = arith.constant 1 : i32
          %dma_wait3A_344 = arith.constant 0 : i32
          %dma_wait3A_345 = arith.constant 0 : i32
          %dma_wait3A_346 = tpu.memref_slice %arg10[%dma_wait3A_342, %dma_wait3A_344, %dma_wait3A_345] : memref<2x200x128xf32, #tpu.memory_space<vmem>> -> memref<1x128x128xf32, #tpu.memory_space<vmem>>
          %dma_wait3A_347 = tpu.memref_squeeze %dma_wait3A_346 : memref<1x128x128xf32, #tpu.memory_space<vmem>> -> memref<128x128xf32, #tpu.memory_space<vmem>>
          %dma_wait3A_348 = arith.constant 0 : i32
          %dma_wait3A_349 = tpu.memref_slice %arg12[%dma_wait3A_343, %dma_wait3A_348] : memref<2x128xi32, #tpu.memory_space<vmem>> -> memref<1x128xi32, #tpu.memory_space<vmem>>
          %dma_wait3A_350 = tpu.memref_squeeze %dma_wait3A_349 : memref<1x128xi32, #tpu.memory_space<vmem>> -> memref<128xi32, #tpu.memory_space<vmem>>
          %dma_wait3A_351 = arith.constant 0 : i32
          %dma_wait3A_352 = arith.constant 0 : i32
          %dma_wait3A_353 = tpu.memref_slice %arg13[%dma_wait3A_351, %dma_wait3A_352] : memref<2048x128xf32, #tpu.memory_space<vmem_shared>> -> memref<2048x128xf32, #tpu.memory_space<vmem_shared>>
          tpu.wait_indirect_dma semaphore(%arg19 : memref<!tpu.dma_semaphore, #tpu.memory_space<semaphore_mem>>) src(%dma_wait3A_347 : memref<128x128xf32, #tpu.memory_space<vmem>>) dst(%dma_wait3A_353 : memref<2048x128xf32, #tpu.memory_space<vmem_shared>>)
          %dma_wait3A_354 = arith.constant 1 : i32
          %dma_wait3A_355 = arith.constant 1 : i32
          %dma_wait3A_356 = arith.constant 128 : i32
          %dma_wait3A_357 = arith.constant 0 : i32
          %dma_wait3A_358 = tpu.memref_slice %arg10[%dma_wait3A_354, %dma_wait3A_356, %dma_wait3A_357] : memref<2x200x128xf32, #tpu.memory_space<vmem>> -> memref<1x72x128xf32, #tpu.memory_space<vmem>>
          %dma_wait3A_359 = tpu.memref_squeeze %dma_wait3A_358 : memref<1x72x128xf32, #tpu.memory_space<vmem>> -> memref<72x128xf32, #tpu.memory_space<vmem>>
          %dma_wait3A_360 = arith.constant 0 : i32
          %dma_wait3A_361 = tpu.memref_slice %arg12[%dma_wait3A_355, %dma_wait3A_360] : memref<2x128xi32, #tpu.memory_space<vmem>> -> memref<1x72xi32, #tpu.memory_space<vmem>>
          %dma_wait3A_362 = tpu.memref_squeeze %dma_wait3A_361 : memref<1x72xi32, #tpu.memory_space<vmem>> -> memref<72xi32, #tpu.memory_space<vmem>>
          %dma_wait3A_363 = arith.constant 0 : i32
          %dma_wait3A_364 = arith.constant 0 : i32
          %dma_wait3A_365 = tpu.memref_slice %arg13[%dma_wait3A_363, %dma_wait3A_364] : memref<2048x128xf32, #tpu.memory_space<vmem_shared>> -> memref<2048x128xf32, #tpu.memory_space<vmem_shared>>
          tpu.wait_indirect_dma semaphore(%arg19 : memref<!tpu.dma_semaphore, #tpu.memory_space<semaphore_mem>>) src(%dma_wait3A_359 : memref<72x128xf32, #tpu.memory_space<vmem>>) dst(%dma_wait3A_365 : memref<2048x128xf32, #tpu.memory_space<vmem_shared>>)
        } else {
        }
        %add3A_318 = arith.constant 1 : i32
        %add3A_319 = arith.addi %add3A_103, %add3A_318 : i32
        %dma_start3A_320 = arith.constant 1 : i32
        %dma_start3A_321 = arith.constant 0 : i32
        %dma_start3A_322 = arith.constant 0 : i32
        %dma_start3A_323 = tpu.memref_slice %arg10[%dma_start3A_320, %dma_start3A_321, %dma_start3A_322] : memref<2x200x128xf32, #tpu.memory_space<vmem>> -> memref<1x128x128xf32, #tpu.memory_space<vmem>>
        %dma_start3A_324 = tpu.memref_squeeze %dma_start3A_323 : memref<1x128x128xf32, #tpu.memory_space<vmem>> -> memref<128x128xf32, #tpu.memory_space<vmem>>
        %dma_start3A_325 = arith.constant 0 : i32
        %dma_start3A_326 = tpu.memref_slice %arg8[%add3A_319, %dma_start3A_325] : memref<128x128xi32, #tpu.memory_space<vmem>> -> memref<1x128xi32, #tpu.memory_space<vmem>>
        %dma_start3A_327 = tpu.memref_squeeze %dma_start3A_326 : memref<1x128xi32, #tpu.memory_space<vmem>> -> memref<128xi32, #tpu.memory_space<vmem>>
        %dma_start3A_328 = arith.constant 0 : i32
        %dma_start3A_329 = arith.constant 0 : i32
        %dma_start3A_330 = tpu.memref_slice %arg5[%dma_start3A_328, %dma_start3A_329] : memref<100000x128xf32, #tpu.memory_space<hbm>> -> memref<100000x128xf32, #tpu.memory_space<hbm>>
        tpu.enqueue_indirect_dma source(%dma_start3A_330 : memref<100000x128xf32, #tpu.memory_space<hbm>>) target(%dma_start3A_324 : memref<128x128xf32, #tpu.memory_space<vmem>>) offsets(%dma_start3A_327 : memref<128xi32, #tpu.memory_space<vmem>>) semaphore(%arg17 : memref<!tpu.dma_semaphore, #tpu.memory_space<semaphore_mem>>)
        %dma_start3A_331 = arith.constant 1 : i32
        %dma_start3A_332 = arith.constant 128 : i32
        %dma_start3A_333 = arith.constant 0 : i32
        %dma_start3A_334 = tpu.memref_slice %arg10[%dma_start3A_331, %dma_start3A_332, %dma_start3A_333] : memref<2x200x128xf32, #tpu.memory_space<vmem>> -> memref<1x72x128xf32, #tpu.memory_space<vmem>>
        %dma_start3A_335 = tpu.memref_squeeze %dma_start3A_334 : memref<1x72x128xf32, #tpu.memory_space<vmem>> -> memref<72x128xf32, #tpu.memory_space<vmem>>
        %dma_start3A_336 = arith.constant 0 : i32
        %dma_start3A_337 = tpu.memref_slice %arg9[%add3A_319, %dma_start3A_336] : memref<128x128xi32, #tpu.memory_space<vmem>> -> memref<1x72xi32, #tpu.memory_space<vmem>>
        %dma_start3A_338 = tpu.memref_squeeze %dma_start3A_337 : memref<1x72xi32, #tpu.memory_space<vmem>> -> memref<72xi32, #tpu.memory_space<vmem>>
        %dma_start3A_339 = arith.constant 0 : i32
        %dma_start3A_340 = arith.constant 0 : i32
        %dma_start3A_341 = tpu.memref_slice %arg5[%dma_start3A_339, %dma_start3A_340] : memref<100000x128xf32, #tpu.memory_space<hbm>> -> memref<100000x128xf32, #tpu.memory_space<hbm>>
        tpu.enqueue_indirect_dma source(%dma_start3A_341 : memref<100000x128xf32, #tpu.memory_space<hbm>>) target(%dma_start3A_335 : memref<72x128xf32, #tpu.memory_space<vmem>>) offsets(%dma_start3A_338 : memref<72xi32, #tpu.memory_space<vmem>>) semaphore(%arg17 : memref<!tpu.dma_semaphore, #tpu.memory_space<semaphore_mem>>)
      } else {
      }
      %dma_wait3A_108 = arith.constant 0 : i32
      %dma_wait3A_109 = arith.constant 0 : i32
      %dma_wait3A_110 = arith.constant 0 : i32
      %dma_wait3A_111 = arith.constant 0 : i32
      %dma_wait3A_112 = tpu.memref_slice %arg10[%dma_wait3A_109, %dma_wait3A_110, %dma_wait3A_111] : memref<2x200x128xf32, #tpu.memory_space<vmem>> -> memref<1x128x128xf32, #tpu.memory_space<vmem>>
      %dma_wait3A_113 = tpu.memref_squeeze %dma_wait3A_112 : memref<1x128x128xf32, #tpu.memory_space<vmem>> -> memref<128x128xf32, #tpu.memory_space<vmem>>
      %dma_wait3A_114 = arith.constant 0 : i32
      %dma_wait3A_115 = tpu.memref_slice %arg8[%dma_wait3A_108, %dma_wait3A_114] : memref<128x128xi32, #tpu.memory_space<vmem>> -> memref<1x128xi32, #tpu.memory_space<vmem>>
      %dma_wait3A_116 = tpu.memref_squeeze %dma_wait3A_115 : memref<1x128xi32, #tpu.memory_space<vmem>> -> memref<128xi32, #tpu.memory_space<vmem>>
      %dma_wait3A_117 = arith.constant 0 : i32
      %dma_wait3A_118 = arith.constant 0 : i32
      %dma_wait3A_119 = tpu.memref_slice %arg5[%dma_wait3A_117, %dma_wait3A_118] : memref<100000x128xf32, #tpu.memory_space<hbm>> -> memref<100000x128xf32, #tpu.memory_space<hbm>>
      tpu.wait_indirect_dma semaphore(%arg16 : memref<!tpu.dma_semaphore, #tpu.memory_space<semaphore_mem>>) src(%dma_wait3A_119 : memref<100000x128xf32, #tpu.memory_space<hbm>>) dst(%dma_wait3A_113 : memref<128x128xf32, #tpu.memory_space<vmem>>)
      %dma_wait3A_120 = arith.constant 0 : i32
      %dma_wait3A_121 = arith.constant 0 : i32
      %dma_wait3A_122 = arith.constant 128 : i32
      %dma_wait3A_123 = arith.constant 0 : i32
      %dma_wait3A_124 = tpu.memref_slice %arg10[%dma_wait3A_121, %dma_wait3A_122, %dma_wait3A_123] : memref<2x200x128xf32, #tpu.memory_space<vmem>> -> memref<1x72x128xf32, #tpu.memory_space<vmem>>
      %dma_wait3A_125 = tpu.memref_squeeze %dma_wait3A_124 : memref<1x72x128xf32, #tpu.memory_space<vmem>> -> memref<72x128xf32, #tpu.memory_space<vmem>>
      %dma_wait3A_126 = arith.constant 0 : i32
      %dma_wait3A_127 = tpu.memref_slice %arg9[%dma_wait3A_120, %dma_wait3A_126] : memref<128x128xi32, #tpu.memory_space<vmem>> -> memref<1x72xi32, #tpu.memory_space<vmem>>
      %dma_wait3A_128 = tpu.memref_squeeze %dma_wait3A_127 : memref<1x72xi32, #tpu.memory_space<vmem>> -> memref<72xi32, #tpu.memory_space<vmem>>
      %dma_wait3A_129 = arith.constant 0 : i32
      %dma_wait3A_130 = arith.constant 0 : i32
      %dma_wait3A_131 = tpu.memref_slice %arg5[%dma_wait3A_129, %dma_wait3A_130] : memref<100000x128xf32, #tpu.memory_space<hbm>> -> memref<100000x128xf32, #tpu.memory_space<hbm>>
      tpu.wait_indirect_dma semaphore(%arg16 : memref<!tpu.dma_semaphore, #tpu.memory_space<semaphore_mem>>) src(%dma_wait3A_131 : memref<100000x128xf32, #tpu.memory_space<hbm>>) dst(%dma_wait3A_125 : memref<72x128xf32, #tpu.memory_space<vmem>>)
      %add3A_132 = arith.addi %mul3A_4, %add3A_103 : i32
      %broadcast_in_dim3A_133 = vector.broadcast %add3A_132 : i32 to vector<16xi32>
      %swap3A = arith.constant 0 : i32
      %swap3A_134 = arith.index_cast %swap3A : i32 to index
      %swap3A_135 = arith.constant 0 : index
      %swap3A_136 = tpu.vector_load %arg12[%swap3A_134, %swap3A_135] {strides = array<i32>} : memref<2x128xi32, #tpu.memory_space<vmem>>, vector<1x16xi32>,
      %swap3A_137 = vector.shape_cast %swap3A_136 : vector<1x16xi32> to vector<16xi32>
      %swap3A_138 = vector.shape_cast %broadcast_in_dim3A_133 : vector<16xi32> to vector<1x16xi32>
      tpu.vector_store %arg12[%swap3A_134, %swap3A_135], %swap3A_138 {strides = array<i32>} : memref<2x128xi32, #tpu.memory_space<vmem>>, vector<1x16xi32>,
      %swap3A_139 = arith.constant 0 : i32
      %swap3A_140 = arith.index_cast %swap3A_139 : i32 to index
      %swap3A_141 = arith.constant 16 : index
      %swap3A_142 = tpu.vector_load %arg12[%swap3A_140, %swap3A_141] {strides = array<i32>} : memref<2x128xi32, #tpu.memory_space<vmem>>, vector<1x16xi32>,
      %swap3A_143 = vector.shape_cast %swap3A_142 : vector<1x16xi32> to vector<16xi32>
      %swap3A_144 = vector.shape_cast %broadcast_in_dim3A_133 : vector<16xi32> to vector<1x16xi32>
      tpu.vector_store %arg12[%swap3A_140, %swap3A_141], %swap3A_144 {strides = array<i32>} : memref<2x128xi32, #tpu.memory_space<vmem>>, vector<1x16xi32>,
      %swap3A_145 = arith.constant 0 : i32
      %swap3A_146 = arith.index_cast %swap3A_145 : i32 to index
      %swap3A_147 = arith.constant 32 : index
      %swap3A_148 = tpu.vector_load %arg12[%swap3A_146, %swap3A_147] {strides = array<i32>} : memref<2x128xi32, #tpu.memory_space<vmem>>, vector<1x16xi32>,
      %swap3A_149 = vector.shape_cast %swap3A_148 : vector<1x16xi32> to vector<16xi32>
      %swap3A_150 = vector.shape_cast %broadcast_in_dim3A_133 : vector<16xi32> to vector<1x16xi32>
      tpu.vector_store %arg12[%swap3A_146, %swap3A_147], %swap3A_150 {strides = array<i32>} : memref<2x128xi32, #tpu.memory_space<vmem>>, vector<1x16xi32>,
      %swap3A_151 = arith.constant 0 : i32
      %swap3A_152 = arith.index_cast %swap3A_151 : i32 to index
      %swap3A_153 = arith.constant 48 : index
      %swap3A_154 = tpu.vector_load %arg12[%swap3A_152, %swap3A_153] {strides = array<i32>} : memref<2x128xi32, #tpu.memory_space<vmem>>, vector<1x16xi32>,
      %swap3A_155 = vector.shape_cast %swap3A_154 : vector<1x16xi32> to vector<16xi32>
      %swap3A_156 = vector.shape_cast %broadcast_in_dim3A_133 : vector<16xi32> to vector<1x16xi32>
      tpu.vector_store %arg12[%swap3A_152, %swap3A_153], %swap3A_156 {strides = array<i32>} : memref<2x128xi32, #tpu.memory_space<vmem>>, vector<1x16xi32>,
      %swap3A_157 = arith.constant 0 : i32
      %swap3A_158 = arith.index_cast %swap3A_157 : i32 to index
      %swap3A_159 = arith.constant 64 : index
      %swap3A_160 = tpu.vector_load %arg12[%swap3A_158, %swap3A_159] {strides = array<i32>} : memref<2x128xi32, #tpu.memory_space<vmem>>, vector<1x16xi32>,
      %swap3A_161 = vector.shape_cast %swap3A_160 : vector<1x16xi32> to vector<16xi32>
      %swap3A_162 = vector.shape_cast %broadcast_in_dim3A_133 : vector<16xi32> to vector<1x16xi32>
      tpu.vector_store %arg12[%swap3A_158, %swap3A_159], %swap3A_162 {strides = array<i32>} : memref<2x128xi32, #tpu.memory_space<vmem>>, vector<1x16xi32>,
      %swap3A_163 = arith.constant 0 : i32
      %swap3A_164 = arith.index_cast %swap3A_163 : i32 to index
      %swap3A_165 = arith.constant 80 : index
      %swap3A_166 = tpu.vector_load %arg12[%swap3A_164, %swap3A_165] {strides = array<i32>} : memref<2x128xi32, #tpu.memory_space<vmem>>, vector<1x16xi32>,
      %swap3A_167 = vector.shape_cast %swap3A_166 : vector<1x16xi32> to vector<16xi32>
      %swap3A_168 = vector.shape_cast %broadcast_in_dim3A_133 : vector<16xi32> to vector<1x16xi32>
      tpu.vector_store %arg12[%swap3A_164, %swap3A_165], %swap3A_168 {strides = array<i32>} : memref<2x128xi32, #tpu.memory_space<vmem>>, vector<1x16xi32>,
      %swap3A_169 = arith.constant 0 : i32
      %swap3A_170 = arith.index_cast %swap3A_169 : i32 to index
      %swap3A_171 = arith.constant 96 : index
      %swap3A_172 = tpu.vector_load %arg12[%swap3A_170, %swap3A_171] {strides = array<i32>} : memref<2x128xi32, #tpu.memory_space<vmem>>, vector<1x16xi32>,
      %swap3A_173 = vector.shape_cast %swap3A_172 : vector<1x16xi32> to vector<16xi32>
      %swap3A_174 = vector.shape_cast %broadcast_in_dim3A_133 : vector<16xi32> to vector<1x16xi32>
      tpu.vector_store %arg12[%swap3A_170, %swap3A_171], %swap3A_174 {strides = array<i32>} : memref<2x128xi32, #tpu.memory_space<vmem>>, vector<1x16xi32>,
      %swap3A_175 = arith.constant 0 : i32
      %swap3A_176 = arith.index_cast %swap3A_175 : i32 to index
      %swap3A_177 = arith.constant 112 : index
      %swap3A_178 = tpu.vector_load %arg12[%swap3A_176, %swap3A_177] {strides = array<i32>} : memref<2x128xi32, #tpu.memory_space<vmem>>, vector<1x16xi32>,
      %swap3A_179 = vector.shape_cast %swap3A_178 : vector<1x16xi32> to vector<16xi32>
      %swap3A_180 = vector.shape_cast %broadcast_in_dim3A_133 : vector<16xi32> to vector<1x16xi32>
      tpu.vector_store %arg12[%swap3A_176, %swap3A_177], %swap3A_180 {strides = array<i32>} : memref<2x128xi32, #tpu.memory_space<vmem>>, vector<1x16xi32>,
      %dma_start3A_181 = arith.constant 0 : i32
      %dma_start3A_182 = arith.constant 0 : i32
      %dma_start3A_183 = arith.constant 0 : i32
      %dma_start3A_184 = arith.constant 0 : i32
      %dma_start3A_185 = tpu.memref_slice %arg10[%dma_start3A_181, %dma_start3A_183, %dma_start3A_184] : memref<2x200x128xf32, #tpu.memory_space<vmem>> -> memref<1x128x128xf32, #tpu.memory_space<vmem>>
      %dma_start3A_186 = tpu.memref_squeeze %dma_start3A_185 : memref<1x128x128xf32, #tpu.memory_space<vmem>> -> memref<128x128xf32, #tpu.memory_space<vmem>>
      %dma_start3A_187 = arith.constant 0 : i32
      %dma_start3A_188 = tpu.memref_slice %arg12[%dma_start3A_182, %dma_start3A_187] : memref<2x128xi32, #tpu.memory_space<vmem>> -> memref<1x128xi32, #tpu.memory_space<vmem>>
      %dma_start3A_189 = tpu.memref_squeeze %dma_start3A_188 : memref<1x128xi32, #tpu.memory_space<vmem>> -> memref<128xi32, #tpu.memory_space<vmem>>
      %dma_start3A_190 = arith.constant 0 : i32
      %dma_start3A_191 = arith.constant 0 : i32
      %dma_start3A_192 = tpu.memref_slice %arg13[%dma_start3A_190, %dma_start3A_191] : memref<2048x128xf32, #tpu.memory_space<vmem_shared>> -> memref<2048x128xf32, #tpu.memory_space<vmem_shared>>
      tpu.enqueue_indirect_dma source(%dma_start3A_186 : memref<128x128xf32, #tpu.memory_space<vmem>>) target(%dma_start3A_192 : memref<2048x128xf32, #tpu.memory_space<vmem_shared>>) offsets(%dma_start3A_189 : memref<128xi32, #tpu.memory_space<vmem>>) semaphore(%arg18 : memref<!tpu.dma_semaphore, #tpu.memory_space<semaphore_mem>>) {add = true}
      %dma_start3A_193 = arith.constant 0 : i32
      %dma_start3A_194 = arith.constant 0 : i32
      %dma_start3A_195 = arith.constant 128 : i32
      %dma_start3A_196 = arith.constant 0 : i32
      %dma_start3A_197 = tpu.memref_slice %arg10[%dma_start3A_193, %dma_start3A_195, %dma_start3A_196] : memref<2x200x128xf32, #tpu.memory_space<vmem>> -> memref<1x72x128xf32, #tpu.memory_space<vmem>>
      %dma_start3A_198 = tpu.memref_squeeze %dma_start3A_197 : memref<1x72x128xf32, #tpu.memory_space<vmem>> -> memref<72x128xf32, #tpu.memory_space<vmem>>
      %dma_start3A_199 = arith.constant 0 : i32
      %dma_start3A_200 = tpu.memref_slice %arg12[%dma_start3A_194, %dma_start3A_199] : memref<2x128xi32, #tpu.memory_space<vmem>> -> memref<1x72xi32, #tpu.memory_space<vmem>>
      %dma_start3A_201 = tpu.memref_squeeze %dma_start3A_200 : memref<1x72xi32, #tpu.memory_space<vmem>> -> memref<72xi32, #tpu.memory_space<vmem>>
      %dma_start3A_202 = arith.constant 0 : i32
      %dma_start3A_203 = arith.constant 0 : i32
      %dma_start3A_204 = tpu.memref_slice %arg13[%dma_start3A_202, %dma_start3A_203] : memref<2048x128xf32, #tpu.memory_space<vmem_shared>> -> memref<2048x128xf32, #tpu.memory_space<vmem_shared>>
      tpu.enqueue_indirect_dma source(%dma_start3A_198 : memref<72x128xf32, #tpu.memory_space<vmem>>) target(%dma_start3A_204 : memref<2048x128xf32, #tpu.memory_space<vmem_shared>>) offsets(%dma_start3A_201 : memref<72xi32, #tpu.memory_space<vmem>>) semaphore(%arg18 : memref<!tpu.dma_semaphore, #tpu.memory_space<semaphore_mem>>) {add = true}
      %mul3A_205 = arith.constant 2 : i32
      %mul3A_206 = arith.muli %mul3A_205, %scan3A_99 : i32
      %add3A_207 = arith.constant 1 : i32
      %add3A_208 = arith.addi %mul3A_206, %add3A_207 : i32
      %add3A_209 = arith.constant 1 : i32
      %add3A_210 = arith.addi %add3A_208, %add3A_209 : i32
      %lt3A_211 = arith.constant 128 : i32
      %lt3A_212 = arith.cmpi slt, %add3A_210, %lt3A_211 : i32
      %convert_element_type3A_213 = arith.extui %lt3A_212 : i1 to i32
      %cond3A_214 = arith.constant 0 : i32
      %cond3A_215 = arith.cmpi ne, %convert_element_type3A_213, %cond3A_214 : i32
      scf.if %cond3A_215 {
        %ge3A = arith.constant 1 : i32
        %ge3A_314 = arith.cmpi sge, %add3A_208, %ge3A : i32
        %convert_element_type3A_315 = arith.extui %ge3A_314 : i1 to i32
        %cond3A_316 = arith.constant 0 : i32
        %cond3A_317 = arith.cmpi ne, %convert_element_type3A_315, %cond3A_316 : i32
        scf.if %cond3A_317 {
          %dma_wait3A_342 = arith.constant 0 : i32
          %dma_wait3A_343 = arith.constant 0 : i32
          %dma_wait3A_344 = arith.constant 0 : i32
          %dma_wait3A_345 = arith.constant 0 : i32
          %dma_wait3A_346 = tpu.memref_slice %arg10[%dma_wait3A_342, %dma_wait3A_344, %dma_wait3A_345] : memref<2x200x128xf32, #tpu.memory_space<vmem>> -> memref<1x128x128xf32, #tpu.memory_space<vmem>>
          %dma_wait3A_347 = tpu.memref_squeeze %dma_wait3A_346 : memref<1x128x128xf32, #tpu.memory_space<vmem>> -> memref<128x128xf32, #tpu.memory_space<vmem>>
          %dma_wait3A_348 = arith.constant 0 : i32
          %dma_wait3A_349 = tpu.memref_slice %arg12[%dma_wait3A_343, %dma_wait3A_348] : memref<2x128xi32, #tpu.memory_space<vmem>> -> memref<1x128xi32, #tpu.memory_space<vmem>>
          %dma_wait3A_350 = tpu.memref_squeeze %dma_wait3A_349 : memref<1x128xi32, #tpu.memory_space<vmem>> -> memref<128xi32, #tpu.memory_space<vmem>>
          %dma_wait3A_351 = arith.constant 0 : i32
          %dma_wait3A_352 = arith.constant 0 : i32
          %dma_wait3A_353 = tpu.memref_slice %arg13[%dma_wait3A_351, %dma_wait3A_352] : memref<2048x128xf32, #tpu.memory_space<vmem_shared>> -> memref<2048x128xf32, #tpu.memory_space<vmem_shared>>
          tpu.wait_indirect_dma semaphore(%arg18 : memref<!tpu.dma_semaphore, #tpu.memory_space<semaphore_mem>>) src(%dma_wait3A_347 : memref<128x128xf32, #tpu.memory_space<vmem>>) dst(%dma_wait3A_353 : memref<2048x128xf32, #tpu.memory_space<vmem_shared>>)
          %dma_wait3A_354 = arith.constant 0 : i32
          %dma_wait3A_355 = arith.constant 0 : i32
          %dma_wait3A_356 = arith.constant 128 : i32
          %dma_wait3A_357 = arith.constant 0 : i32
          %dma_wait3A_358 = tpu.memref_slice %arg10[%dma_wait3A_354, %dma_wait3A_356, %dma_wait3A_357] : memref<2x200x128xf32, #tpu.memory_space<vmem>> -> memref<1x72x128xf32, #tpu.memory_space<vmem>>
          %dma_wait3A_359 = tpu.memref_squeeze %dma_wait3A_358 : memref<1x72x128xf32, #tpu.memory_space<vmem>> -> memref<72x128xf32, #tpu.memory_space<vmem>>
          %dma_wait3A_360 = arith.constant 0 : i32
          %dma_wait3A_361 = tpu.memref_slice %arg12[%dma_wait3A_355, %dma_wait3A_360] : memref<2x128xi32, #tpu.memory_space<vmem>> -> memref<1x72xi32, #tpu.memory_space<vmem>>
          %dma_wait3A_362 = tpu.memref_squeeze %dma_wait3A_361 : memref<1x72xi32, #tpu.memory_space<vmem>> -> memref<72xi32, #tpu.memory_space<vmem>>
          %dma_wait3A_363 = arith.constant 0 : i32
          %dma_wait3A_364 = arith.constant 0 : i32
          %dma_wait3A_365 = tpu.memref_slice %arg13[%dma_wait3A_363, %dma_wait3A_364] : memref<2048x128xf32, #tpu.memory_space<vmem_shared>> -> memref<2048x128xf32, #tpu.memory_space<vmem_shared>>
          tpu.wait_indirect_dma semaphore(%arg18 : memref<!tpu.dma_semaphore, #tpu.memory_space<semaphore_mem>>) src(%dma_wait3A_359 : memref<72x128xf32, #tpu.memory_space<vmem>>) dst(%dma_wait3A_365 : memref<2048x128xf32, #tpu.memory_space<vmem_shared>>)
        } else {
        }
        %add3A_318 = arith.constant 1 : i32
        %add3A_319 = arith.addi %add3A_208, %add3A_318 : i32
        %dma_start3A_320 = arith.constant 0 : i32
        %dma_start3A_321 = arith.constant 0 : i32
        %dma_start3A_322 = arith.constant 0 : i32
        %dma_start3A_323 = tpu.memref_slice %arg10[%dma_start3A_320, %dma_start3A_321, %dma_start3A_322] : memref<2x200x128xf32, #tpu.memory_space<vmem>> -> memref<1x128x128xf32, #tpu.memory_space<vmem>>
        %dma_start3A_324 = tpu.memref_squeeze %dma_start3A_323 : memref<1x128x128xf32, #tpu.memory_space<vmem>> -> memref<128x128xf32, #tpu.memory_space<vmem>>
        %dma_start3A_325 = arith.constant 0 : i32
        %dma_start3A_326 = tpu.memref_slice %arg8[%add3A_319, %dma_start3A_325] : memref<128x128xi32, #tpu.memory_space<vmem>> -> memref<1x128xi32, #tpu.memory_space<vmem>>
        %dma_start3A_327 = tpu.memref_squeeze %dma_start3A_326 : memref<1x128xi32, #tpu.memory_space<vmem>> -> memref<128xi32, #tpu.memory_space<vmem>>
        %dma_start3A_328 = arith.constant 0 : i32
        %dma_start3A_329 = arith.constant 0 : i32
        %dma_start3A_330 = tpu.memref_slice %arg5[%dma_start3A_328, %dma_start3A_329] : memref<100000x128xf32, #tpu.memory_space<hbm>> -> memref<100000x128xf32, #tpu.memory_space<hbm>>
        tpu.enqueue_indirect_dma source(%dma_start3A_330 : memref<100000x128xf32, #tpu.memory_space<hbm>>) target(%dma_start3A_324 : memref<128x128xf32, #tpu.memory_space<vmem>>) offsets(%dma_start3A_327 : memref<128xi32, #tpu.memory_space<vmem>>) semaphore(%arg16 : memref<!tpu.dma_semaphore, #tpu.memory_space<semaphore_mem>>)
        %dma_start3A_331 = arith.constant 0 : i32
        %dma_start3A_332 = arith.constant 128 : i32
        %dma_start3A_333 = arith.constant 0 : i32
        %dma_start3A_334 = tpu.memref_slice %arg10[%dma_start3A_331, %dma_start3A_332, %dma_start3A_333] : memref<2x200x128xf32, #tpu.memory_space<vmem>> -> memref<1x72x128xf32, #tpu.memory_space<vmem>>
        %dma_start3A_335 = tpu.memref_squeeze %dma_start3A_334 : memref<1x72x128xf32, #tpu.memory_space<vmem>> -> memref<72x128xf32, #tpu.memory_space<vmem>>
        %dma_start3A_336 = arith.constant 0 : i32
        %dma_start3A_337 = tpu.memref_slice %arg9[%add3A_319, %dma_start3A_336] : memref<128x128xi32, #tpu.memory_space<vmem>> -> memref<1x72xi32, #tpu.memory_space<vmem>>
        %dma_start3A_338 = tpu.memref_squeeze %dma_start3A_337 : memref<1x72xi32, #tpu.memory_space<vmem>> -> memref<72xi32, #tpu.memory_space<vmem>>
        %dma_start3A_339 = arith.constant 0 : i32
        %dma_start3A_340 = arith.constant 0 : i32
        %dma_start3A_341 = tpu.memref_slice %arg5[%dma_start3A_339, %dma_start3A_340] : memref<100000x128xf32, #tpu.memory_space<hbm>> -> memref<100000x128xf32, #tpu.memory_space<hbm>>
        tpu.enqueue_indirect_dma source(%dma_start3A_341 : memref<100000x128xf32, #tpu.memory_space<hbm>>) target(%dma_start3A_335 : memref<72x128xf32, #tpu.memory_space<vmem>>) offsets(%dma_start3A_338 : memref<72xi32, #tpu.memory_space<vmem>>) semaphore(%arg16 : memref<!tpu.dma_semaphore, #tpu.memory_space<semaphore_mem>>)
      } else {
      }
      %dma_wait3A_216 = arith.constant 0 : i32
      %dma_wait3A_217 = arith.constant 1 : i32
      %dma_wait3A_218 = arith.constant 0 : i32
      %dma_wait3A_219 = arith.constant 0 : i32
      %dma_wait3A_220 = tpu.memref_slice %arg10[%dma_wait3A_217, %dma_wait3A_218, %dma_wait3A_219] : memref<2x200x128xf32, #tpu.memory_space<vmem>> -> memref<1x128x128xf32, #tpu.memory_space<vmem>>
      %dma_wait3A_221 = tpu.memref_squeeze %dma_wait3A_220 : memref<1x128x128xf32, #tpu.memory_space<vmem>> -> memref<128x128xf32, #tpu.memory_space<vmem>>
      %dma_wait3A_222 = arith.constant 0 : i32
      %dma_wait3A_223 = tpu.memref_slice %arg8[%dma_wait3A_216, %dma_wait3A_222] : memref<128x128xi32, #tpu.memory_space<vmem>> -> memref<1x128xi32, #tpu.memory_space<vmem>>
      %dma_wait3A_224 = tpu.memref_squeeze %dma_wait3A_223 : memref<1x128xi32, #tpu.memory_space<vmem>> -> memref<128xi32, #tpu.memory_space<vmem>>
      %dma_wait3A_225 = arith.constant 0 : i32
      %dma_wait3A_226 = arith.constant 0 : i32
      %dma_wait3A_227 = tpu.memref_slice %arg5[%dma_wait3A_225, %dma_wait3A_226] : memref<100000x128xf32, #tpu.memory_space<hbm>> -> memref<100000x128xf32, #tpu.memory_space<hbm>>
      tpu.wait_indirect_dma semaphore(%arg17 : memref<!tpu.dma_semaphore, #tpu.memory_space<semaphore_mem>>) src(%dma_wait3A_227 : memref<100000x128xf32, #tpu.memory_space<hbm>>) dst(%dma_wait3A_221 : memref<128x128xf32, #tpu.memory_space<vmem>>)
      %dma_wait3A_228 = arith.constant 0 : i32
      %dma_wait3A_229 = arith.constant 1 : i32
      %dma_wait3A_230 = arith.constant 128 : i32
      %dma_wait3A_231 = arith.constant 0 : i32
      %dma_wait3A_232 = tpu.memref_slice %arg10[%dma_wait3A_229, %dma_wait3A_230, %dma_wait3A_231] : memref<2x200x128xf32, #tpu.memory_space<vmem>> -> memref<1x72x128xf32, #tpu.memory_space<vmem>>
      %dma_wait3A_233 = tpu.memref_squeeze %dma_wait3A_232 : memref<1x72x128xf32, #tpu.memory_space<vmem>> -> memref<72x128xf32, #tpu.memory_space<vmem>>
      %dma_wait3A_234 = arith.constant 0 : i32
      %dma_wait3A_235 = tpu.memref_slice %arg9[%dma_wait3A_228, %dma_wait3A_234] : memref<128x128xi32, #tpu.memory_space<vmem>> -> memref<1x72xi32, #tpu.memory_space<vmem>>
      %dma_wait3A_236 = tpu.memref_squeeze %dma_wait3A_235 : memref<1x72xi32, #tpu.memory_space<vmem>> -> memref<72xi32, #tpu.memory_space<vmem>>
      %dma_wait3A_237 = arith.constant 0 : i32
      %dma_wait3A_238 = arith.constant 0 : i32
      %dma_wait3A_239 = tpu.memref_slice %arg5[%dma_wait3A_237, %dma_wait3A_238] : memref<100000x128xf32, #tpu.memory_space<hbm>> -> memref<100000x128xf32, #tpu.memory_space<hbm>>
      tpu.wait_indirect_dma semaphore(%arg17 : memref<!tpu.dma_semaphore, #tpu.memory_space<semaphore_mem>>) src(%dma_wait3A_239 : memref<100000x128xf32, #tpu.memory_space<hbm>>) dst(%dma_wait3A_233 : memref<72x128xf32, #tpu.memory_space<vmem>>)
      %add3A_240 = arith.addi %mul3A_4, %add3A_208 : i32
      %broadcast_in_dim3A_241 = vector.broadcast %add3A_240 : i32 to vector<16xi32>
      %swap3A_242 = arith.constant 1 : i32
      %swap3A_243 = arith.index_cast %swap3A_242 : i32 to index
      %swap3A_244 = arith.constant 0 : index
      %swap3A_245 = tpu.vector_load %arg12[%swap3A_243, %swap3A_244] {strides = array<i32>} : memref<2x128xi32, #tpu.memory_space<vmem>>, vector<1x16xi32>,
      %swap3A_246 = vector.shape_cast %swap3A_245 : vector<1x16xi32> to vector<16xi32>
      %swap3A_247 = vector.shape_cast %broadcast_in_dim3A_241 : vector<16xi32> to vector<1x16xi32>
      tpu.vector_store %arg12[%swap3A_243, %swap3A_244], %swap3A_247 {strides = array<i32>} : memref<2x128xi32, #tpu.memory_space<vmem>>, vector<1x16xi32>,
      %swap3A_248 = arith.constant 1 : i32
      %swap3A_249 = arith.index_cast %swap3A_248 : i32 to index
      %swap3A_250 = arith.constant 16 : index
      %swap3A_251 = tpu.vector_load %arg12[%swap3A_249, %swap3A_250] {strides = array<i32>} : memref<2x128xi32, #tpu.memory_space<vmem>>, vector<1x16xi32>,
      %swap3A_252 = vector.shape_cast %swap3A_251 : vector<1x16xi32> to vector<16xi32>
      %swap3A_253 = vector.shape_cast %broadcast_in_dim3A_241 : vector<16xi32> to vector<1x16xi32>
      tpu.vector_store %arg12[%swap3A_249, %swap3A_250], %swap3A_253 {strides = array<i32>} : memref<2x128xi32, #tpu.memory_space<vmem>>, vector<1x16xi32>,
      %swap3A_254 = arith.constant 1 : i32
      %swap3A_255 = arith.index_cast %swap3A_254 : i32 to index
      %swap3A_256 = arith.constant 32 : index
      %swap3A_257 = tpu.vector_load %arg12[%swap3A_255, %swap3A_256] {strides = array<i32>} : memref<2x128xi32, #tpu.memory_space<vmem>>, vector<1x16xi32>,
      %swap3A_258 = vector.shape_cast %swap3A_257 : vector<1x16xi32> to vector<16xi32>
      %swap3A_259 = vector.shape_cast %broadcast_in_dim3A_241 : vector<16xi32> to vector<1x16xi32>
      tpu.vector_store %arg12[%swap3A_255, %swap3A_256], %swap3A_259 {strides = array<i32>} : memref<2x128xi32, #tpu.memory_space<vmem>>, vector<1x16xi32>,
      %swap3A_260 = arith.constant 1 : i32
      %swap3A_261 = arith.index_cast %swap3A_260 : i32 to index
      %swap3A_262 = arith.constant 48 : index
      %swap3A_263 = tpu.vector_load %arg12[%swap3A_261, %swap3A_262] {strides = array<i32>} : memref<2x128xi32, #tpu.memory_space<vmem>>, vector<1x16xi32>,
      %swap3A_264 = vector.shape_cast %swap3A_263 : vector<1x16xi32> to vector<16xi32>
      %swap3A_265 = vector.shape_cast %broadcast_in_dim3A_241 : vector<16xi32> to vector<1x16xi32>
      tpu.vector_store %arg12[%swap3A_261, %swap3A_262], %swap3A_265 {strides = array<i32>} : memref<2x128xi32, #tpu.memory_space<vmem>>, vector<1x16xi32>,
      %swap3A_266 = arith.constant 1 : i32
      %swap3A_267 = arith.index_cast %swap3A_266 : i32 to index
      %swap3A_268 = arith.constant 64 : index
      %swap3A_269 = tpu.vector_load %arg12[%swap3A_267, %swap3A_268] {strides = array<i32>} : memref<2x128xi32, #tpu.memory_space<vmem>>, vector<1x16xi32>,
      %swap3A_270 = vector.shape_cast %swap3A_269 : vector<1x16xi32> to vector<16xi32>
      %swap3A_271 = vector.shape_cast %broadcast_in_dim3A_241 : vector<16xi32> to vector<1x16xi32>
      tpu.vector_store %arg12[%swap3A_267, %swap3A_268], %swap3A_271 {strides = array<i32>} : memref<2x128xi32, #tpu.memory_space<vmem>>, vector<1x16xi32>,
      %swap3A_272 = arith.constant 1 : i32
      %swap3A_273 = arith.index_cast %swap3A_272 : i32 to index
      %swap3A_274 = arith.constant 80 : index
      %swap3A_275 = tpu.vector_load %arg12[%swap3A_273, %swap3A_274] {strides = array<i32>} : memref<2x128xi32, #tpu.memory_space<vmem>>, vector<1x16xi32>,
      %swap3A_276 = vector.shape_cast %swap3A_275 : vector<1x16xi32> to vector<16xi32>
      %swap3A_277 = vector.shape_cast %broadcast_in_dim3A_241 : vector<16xi32> to vector<1x16xi32>
      tpu.vector_store %arg12[%swap3A_273, %swap3A_274], %swap3A_277 {strides = array<i32>} : memref<2x128xi32, #tpu.memory_space<vmem>>, vector<1x16xi32>,
      %swap3A_278 = arith.constant 1 : i32
      %swap3A_279 = arith.index_cast %swap3A_278 : i32 to index
      %swap3A_280 = arith.constant 96 : index
      %swap3A_281 = tpu.vector_load %arg12[%swap3A_279, %swap3A_280] {strides = array<i32>} : memref<2x128xi32, #tpu.memory_space<vmem>>, vector<1x16xi32>,
      %swap3A_282 = vector.shape_cast %swap3A_281 : vector<1x16xi32> to vector<16xi32>
      %swap3A_283 = vector.shape_cast %broadcast_in_dim3A_241 : vector<16xi32> to vector<1x16xi32>
      tpu.vector_store %arg12[%swap3A_279, %swap3A_280], %swap3A_283 {strides = array<i32>} : memref<2x128xi32, #tpu.memory_space<vmem>>, vector<1x16xi32>,
      %swap3A_284 = arith.constant 1 : i32
      %swap3A_285 = arith.index_cast %swap3A_284 : i32 to index
      %swap3A_286 = arith.constant 112 : index
      %swap3A_287 = tpu.vector_load %arg12[%swap3A_285, %swap3A_286] {strides = array<i32>} : memref<2x128xi32, #tpu.memory_space<vmem>>, vector<1x16xi32>,
      %swap3A_288 = vector.shape_cast %swap3A_287 : vector<1x16xi32> to vector<16xi32>
      %swap3A_289 = vector.shape_cast %broadcast_in_dim3A_241 : vector<16xi32> to vector<1x16xi32>
      tpu.vector_store %arg12[%swap3A_285, %swap3A_286], %swap3A_289 {strides = array<i32>} : memref<2x128xi32, #tpu.memory_space<vmem>>, vector<1x16xi32>,
      %dma_start3A_290 = arith.constant 1 : i32
      %dma_start3A_291 = arith.constant 1 : i32
      %dma_start3A_292 = arith.constant 0 : i32
      %dma_start3A_293 = arith.constant 0 : i32
      %dma_start3A_294 = tpu.memref_slice %arg10[%dma_start3A_290, %dma_start3A_292, %dma_start3A_293] : memref<2x200x128xf32, #tpu.memory_space<vmem>> -> memref<1x128x128xf32, #tpu.memory_space<vmem>>
      %dma_start3A_295 = tpu.memref_squeeze %dma_start3A_294 : memref<1x128x128xf32, #tpu.memory_space<vmem>> -> memref<128x128xf32, #tpu.memory_space<vmem>>
      %dma_start3A_296 = arith.constant 0 : i32
      %dma_start3A_297 = tpu.memref_slice %arg12[%dma_start3A_291, %dma_start3A_296] : memref<2x128xi32, #tpu.memory_space<vmem>> -> memref<1x128xi32, #tpu.memory_space<vmem>>
      %dma_start3A_298 = tpu.memref_squeeze %dma_start3A_297 : memref<1x128xi32, #tpu.memory_space<vmem>> -> memref<128xi32, #tpu.memory_space<vmem>>
      %dma_start3A_299 = arith.constant 0 : i32
      %dma_start3A_300 = arith.constant 0 : i32
      %dma_start3A_301 = tpu.memref_slice %arg13[%dma_start3A_299, %dma_start3A_300] : memref<2048x128xf32, #tpu.memory_space<vmem_shared>> -> memref<2048x128xf32, #tpu.memory_space<vmem_shared>>
      tpu.enqueue_indirect_dma source(%dma_start3A_295 : memref<128x128xf32, #tpu.memory_space<vmem>>) target(%dma_start3A_301 : memref<2048x128xf32, #tpu.memory_space<vmem_shared>>) offsets(%dma_start3A_298 : memref<128xi32, #tpu.memory_space<vmem>>) semaphore(%arg19 : memref<!tpu.dma_semaphore, #tpu.memory_space<semaphore_mem>>) {add = true}
      %dma_start3A_302 = arith.constant 1 : i32
      %dma_start3A_303 = arith.constant 1 : i32
      %dma_start3A_304 = arith.constant 128 : i32
      %dma_start3A_305 = arith.constant 0 : i32
      %dma_start3A_306 = tpu.memref_slice %arg10[%dma_start3A_302, %dma_start3A_304, %dma_start3A_305] : memref<2x200x128xf32, #tpu.memory_space<vmem>> -> memref<1x72x128xf32, #tpu.memory_space<vmem>>
      %dma_start3A_307 = tpu.memref_squeeze %dma_start3A_306 : memref<1x72x128xf32, #tpu.memory_space<vmem>> -> memref<72x128xf32, #tpu.memory_space<vmem>>
      %dma_start3A_308 = arith.constant 0 : i32
      %dma_start3A_309 = tpu.memref_slice %arg12[%dma_start3A_303, %dma_start3A_308] : memref<2x128xi32, #tpu.memory_space<vmem>> -> memref<1x72xi32, #tpu.memory_space<vmem>>
      %dma_start3A_310 = tpu.memref_squeeze %dma_start3A_309 : memref<1x72xi32, #tpu.memory_space<vmem>> -> memref<72xi32, #tpu.memory_space<vmem>>
      %dma_start3A_311 = arith.constant 0 : i32
      %dma_start3A_312 = arith.constant 0 : i32
      %dma_start3A_313 = tpu.memref_slice %arg13[%dma_start3A_311, %dma_start3A_312] : memref<2048x128xf32, #tpu.memory_space<vmem_shared>> -> memref<2048x128xf32, #tpu.memory_space<vmem_shared>>
      tpu.enqueue_indirect_dma source(%dma_start3A_307 : memref<72x128xf32, #tpu.memory_space<vmem>>) target(%dma_start3A_313 : memref<2048x128xf32, #tpu.memory_space<vmem_shared>>) offsets(%dma_start3A_310 : memref<72xi32, #tpu.memory_space<vmem>>) semaphore(%arg19 : memref<!tpu.dma_semaphore, #tpu.memory_space<semaphore_mem>>) {add = true}
    }
    %scan3A_50 = arith.constant 64 : i32
    %dma_wait3A_51 = arith.constant 0 : i32
    %dma_wait3A_52 = arith.constant 0 : i32
    %dma_wait3A_53 = arith.constant 0 : i32
    %dma_wait3A_54 = arith.constant 0 : i32
    %dma_wait3A_55 = tpu.memref_slice %arg10[%dma_wait3A_51, %dma_wait3A_53, %dma_wait3A_54] : memref<2x200x128xf32, #tpu.memory_space<vmem>> -> memref<1x128x128xf32, #tpu.memory_space<vmem>>
    %dma_wait3A_56 = tpu.memref_squeeze %dma_wait3A_55 : memref<1x128x128xf32, #tpu.memory_space<vmem>> -> memref<128x128xf32, #tpu.memory_space<vmem>>
    %dma_wait3A_57 = arith.constant 0 : i32
    %dma_wait3A_58 = tpu.memref_slice %arg12[%dma_wait3A_52, %dma_wait3A_57] : memref<2x128xi32, #tpu.memory_space<vmem>> -> memref<1x128xi32, #tpu.memory_space<vmem>>
    %dma_wait3A_59 = tpu.memref_squeeze %dma_wait3A_58 : memref<1x128xi32, #tpu.memory_space<vmem>> -> memref<128xi32, #tpu.memory_space<vmem>>
    %dma_wait3A_60 = arith.constant 0 : i32
    %dma_wait3A_61 = arith.constant 0 : i32
    %dma_wait3A_62 = tpu.memref_slice %arg13[%dma_wait3A_60, %dma_wait3A_61] : memref<2048x128xf32, #tpu.memory_space<vmem_shared>> -> memref<2048x128xf32, #tpu.memory_space<vmem_shared>>
    tpu.wait_indirect_dma semaphore(%arg18 : memref<!tpu.dma_semaphore, #tpu.memory_space<semaphore_mem>>) src(%dma_wait3A_56 : memref<128x128xf32, #tpu.memory_space<vmem>>) dst(%dma_wait3A_62 : memref<2048x128xf32, #tpu.memory_space<vmem_shared>>)
    %dma_wait3A_63 = arith.constant 0 : i32
    %dma_wait3A_64 = arith.constant 0 : i32
    %dma_wait3A_65 = arith.constant 128 : i32
    %dma_wait3A_66 = arith.constant 0 : i32
    %dma_wait3A_67 = tpu.memref_slice %arg10[%dma_wait3A_63, %dma_wait3A_65, %dma_wait3A_66] : memref<2x200x128xf32, #tpu.memory_space<vmem>> -> memref<1x72x128xf32, #tpu.memory_space<vmem>>
    %dma_wait3A_68 = tpu.memref_squeeze %dma_wait3A_67 : memref<1x72x128xf32, #tpu.memory_space<vmem>> -> memref<72x128xf32, #tpu.memory_space<vmem>>
    %dma_wait3A_69 = arith.constant 0 : i32
    %dma_wait3A_70 = tpu.memref_slice %arg12[%dma_wait3A_64, %dma_wait3A_69] : memref<2x128xi32, #tpu.memory_space<vmem>> -> memref<1x72xi32, #tpu.memory_space<vmem>>
    %dma_wait3A_71 = tpu.memref_squeeze %dma_wait3A_70 : memref<1x72xi32, #tpu.memory_space<vmem>> -> memref<72xi32, #tpu.memory_space<vmem>>
    %dma_wait3A_72 = arith.constant 0 : i32
    %dma_wait3A_73 = arith.constant 0 : i32
    %dma_wait3A_74 = tpu.memref_slice %arg13[%dma_wait3A_72, %dma_wait3A_73] : memref<2048x128xf32, #tpu.memory_space<vmem_shared>> -> memref<2048x128xf32, #tpu.memory_space<vmem_shared>>
    tpu.wait_indirect_dma semaphore(%arg18 : memref<!tpu.dma_semaphore, #tpu.memory_space<semaphore_mem>>) src(%dma_wait3A_68 : memref<72x128xf32, #tpu.memory_space<vmem>>) dst(%dma_wait3A_74 : memref<2048x128xf32, #tpu.memory_space<vmem_shared>>)
    %dma_wait3A_75 = arith.constant 1 : i32
    %dma_wait3A_76 = arith.constant 1 : i32
    %dma_wait3A_77 = arith.constant 0 : i32
    %dma_wait3A_78 = arith.constant 0 : i32
    %dma_wait3A_79 = tpu.memref_slice %arg10[%dma_wait3A_75, %dma_wait3A_77, %dma_wait3A_78] : memref<2x200x128xf32, #tpu.memory_space<vmem>> -> memref<1x128x128xf32, #tpu.memory_space<vmem>>
    %dma_wait3A_80 = tpu.memref_squeeze %dma_wait3A_79 : memref<1x128x128xf32, #tpu.memory_space<vmem>> -> memref<128x128xf32, #tpu.memory_space<vmem>>
    %dma_wait3A_81 = arith.constant 0 : i32
    %dma_wait3A_82 = tpu.memref_slice %arg12[%dma_wait3A_76, %dma_wait3A_81] : memref<2x128xi32, #tpu.memory_space<vmem>> -> memref<1x128xi32, #tpu.memory_space<vmem>>
    %dma_wait3A_83 = tpu.memref_squeeze %dma_wait3A_82 : memref<1x128xi32, #tpu.memory_space<vmem>> -> memref<128xi32, #tpu.memory_space<vmem>>
    %dma_wait3A_84 = arith.constant 0 : i32
    %dma_wait3A_85 = arith.constant 0 : i32
    %dma_wait3A_86 = tpu.memref_slice %arg13[%dma_wait3A_84, %dma_wait3A_85] : memref<2048x128xf32, #tpu.memory_space<vmem_shared>> -> memref<2048x128xf32, #tpu.memory_space<vmem_shared>>
    tpu.wait_indirect_dma semaphore(%arg19 : memref<!tpu.dma_semaphore, #tpu.memory_space<semaphore_mem>>) src(%dma_wait3A_80 : memref<128x128xf32, #tpu.memory_space<vmem>>) dst(%dma_wait3A_86 : memref<2048x128xf32, #tpu.memory_space<vmem_shared>>)
    %dma_wait3A_87 = arith.constant 1 : i32
    %dma_wait3A_88 = arith.constant 1 : i32
    %dma_wait3A_89 = arith.constant 128 : i32
    %dma_wait3A_90 = arith.constant 0 : i32
    %dma_wait3A_91 = tpu.memref_slice %arg10[%dma_wait3A_87, %dma_wait3A_89, %dma_wait3A_90] : memref<2x200x128xf32, #tpu.memory_space<vmem>> -> memref<1x72x128xf32, #tpu.memory_space<vmem>>
    %dma_wait3A_92 = tpu.memref_squeeze %dma_wait3A_91 : memref<1x72x128xf32, #tpu.memory_space<vmem>> -> memref<72x128xf32, #tpu.memory_space<vmem>>
    %dma_wait3A_93 = arith.constant 0 : i32
    %dma_wait3A_94 = tpu.memref_slice %arg12[%dma_wait3A_88, %dma_wait3A_93] : memref<2x128xi32, #tpu.memory_space<vmem>> -> memref<1x72xi32, #tpu.memory_space<vmem>>
    %dma_wait3A_95 = tpu.memref_squeeze %dma_wait3A_94 : memref<1x72xi32, #tpu.memory_space<vmem>> -> memref<72xi32, #tpu.memory_space<vmem>>
    %dma_wait3A_96 = arith.constant 0 : i32
    %dma_wait3A_97 = arith.constant 0 : i32
    %dma_wait3A_98 = tpu.memref_slice %arg13[%dma_wait3A_96, %dma_wait3A_97] : memref<2048x128xf32, #tpu.memory_space<vmem_shared>> -> memref<2048x128xf32, #tpu.memory_space<vmem_shared>>
    tpu.wait_indirect_dma semaphore(%arg19 : memref<!tpu.dma_semaphore, #tpu.memory_space<semaphore_mem>>) src(%dma_wait3A_92 : memref<72x128xf32, #tpu.memory_space<vmem>>) dst(%dma_wait3A_98 : memref<2048x128xf32, #tpu.memory_space<vmem_shared>>)
    "tpu.region"() ({
      %run_scoped3A = tpu.sem_alloc : memref<!tpu.dma_semaphore, #tpu.memory_space<semaphore_mem>>
      %dma_start3A_99 = arith.constant 0 : i32
      %dma_start3A_100 = tpu.memref_slice %arg6[%mul3A_2, %dma_start3A_99] : memref<4096x128xf32, #tpu.memory_space<hbm>> -> memref<128x128xf32, #tpu.memory_space<hbm>>
      %dma_start3A_101 = arith.constant 0 : i32
      %dma_start3A_102 = tpu.memref_slice %arg13[%mul3A_4, %dma_start3A_101] : memref<2048x128xf32, #tpu.memory_space<vmem_shared>> -> memref<128x128xf32, #tpu.memory_space<vmem_shared>>
      tpu.enqueue_dma source(%dma_start3A_102 : memref<128x128xf32, #tpu.memory_space<vmem_shared>>) target(%dma_start3A_100 : memref<128x128xf32, #tpu.memory_space<hbm>>) target_semaphore(%run_scoped3A : memref<!tpu.dma_semaphore, #tpu.memory_space<semaphore_mem>>)
      %dma_wait3A_103 = arith.constant 0 : i32
      %dma_wait3A_104 = tpu.memref_slice %arg6[%mul3A_2, %dma_wait3A_103] : memref<4096x128xf32, #tpu.memory_space<hbm>> -> memref<128x128xf32, #tpu.memory_space<hbm>>
      %dma_wait3A_105 = arith.constant 0 : i32
      %dma_wait3A_106 = tpu.memref_slice %arg13[%mul3A_4, %dma_wait3A_105] : memref<2048x128xf32, #tpu.memory_space<vmem_shared>> -> memref<128x128xf32, #tpu.memory_space<vmem_shared>>
      tpu.wait_dma2 semaphore(%run_scoped3A : memref<!tpu.dma_semaphore, #tpu.memory_space<semaphore_mem>>) src(%dma_wait3A_106 : memref<128x128xf32, #tpu.memory_space<vmem_shared>>) dst(%dma_wait3A_104 : memref<128x128xf32, #tpu.memory_space<hbm>>)
      tpu.yield
    }) : () -> ()
    return
  }
}

module attributes {stable_mosaic.version = 14 : i64} {
  func.func @gekg_rec_tr_tc(%arg0: i32, %arg1: memref<256x2048xi32, #tpu.memory_space<vmem>>, %arg2: memref<2048x128xi32, #tpu.memory_space<vmem>>, %arg3: memref<2048x128xi32, #tpu.memory_space<vmem>>) attributes {dimension_semantics = [#tpu.dimension_semantics<arbitrary>], iteration_bounds = array<i64: 49>, scalar_prefetch = 0 : i64, scratch_operands = 0 : i64, tpu.core_type = #tpu.core_type<tc>, window_params = [{transform_indices = @transform_0, window_bounds = array<i64: 256, 2048>}, {transform_indices = @transform_1, window_bounds = array<i64: 2048, 128>}, {transform_indices = @transform_2, window_bounds = array<i64: 2048, 128>}]} {
    %get3A = arith.constant 0 : index
    %get3A_0 = arith.constant 0 : index
    %get3A_1 = vector.load %arg1[%get3A, %get3A_0] : memref<256x2048xi32, #tpu.memory_space<vmem>>, vector<256x2048xi32>
    %transpose3A = tpu.transpose %get3A_1, [1, 0] : vector<256x2048xi32> -> vector<2048x256xi32>
    %slice3A = vector.extract_strided_slice %transpose3A {offsets = [0, 0], sizes = [2048, 128], strides = [1, 1]} : vector<2048x256xi32> to vector<2048x128xi32>
    %swap3A = arith.constant 0 : index
    %swap3A_2 = arith.constant 0 : index
    %swap3A_3 = vector.load %arg2[%swap3A, %swap3A_2] : memref<2048x128xi32, #tpu.memory_space<vmem>>, vector<2048x128xi32>
    tpu.vector_store %arg2[%swap3A, %swap3A_2], %slice3A {strides = array<i32>} : memref<2048x128xi32, #tpu.memory_space<vmem>>, vector<2048x128xi32>,
    %slice3A_4 = vector.extract_strided_slice %transpose3A {offsets = [0, 128], sizes = [2048, 128], strides = [1, 1]} : vector<2048x256xi32> to vector<2048x128xi32>
    %swap3A_5 = arith.constant 0 : index
    %swap3A_6 = arith.constant 0 : index
    %swap3A_7 = vector.load %arg3[%swap3A_5, %swap3A_6] : memref<2048x128xi32, #tpu.memory_space<vmem>>, vector<2048x128xi32>
    tpu.vector_store %arg3[%swap3A_5, %swap3A_6], %slice3A_4 {strides = array<i32>} : memref<2048x128xi32, #tpu.memory_space<vmem>>, vector<2048x128xi32>,
    return
  }
  func.func @transform_0(%arg0: i32) -> (i32, i32) {
    %c0_i32 = arith.constant 0 : i32
    %c0_i32_0 = arith.constant 0 : i32
    return %c0_i32, %arg0 : i32, i32
  }
  func.func @transform_1(%arg0: i32) -> (i32, i32) {
    %c0_i32 = arith.constant 0 : i32
    %c0_i32_0 = arith.constant 0 : i32
    return %arg0, %c0_i32 : i32, i32
  }
  func.func @transform_2(%arg0: i32) -> (i32, i32) {
    %c0_i32 = arith.constant 0 : i32
    %c0_i32_0 = arith.constant 0 : i32
    return %arg0, %c0_i32 : i32, i32
  }
}

module attributes {stable_mosaic.version = 14 : i64} {
  func.func @gekg_attn_tc(%arg0: i32, %arg1: memref<16x256x128xf32, #tpu.memory_space<vmem>>, %arg2: memref<256x16xi32, #tpu.memory_space<vmem>>, %arg3: memref<256x128xf32, #tpu.memory_space<vmem>>, %arg4: memref<32x128xf32, #tpu.memory_space<vmem>>, %arg5: memref<128x128xf32, #tpu.memory_space<vmem>>, %arg6: memref<128x128xf32, #tpu.memory_space<vmem>>, %arg7: memref<1x128xf32, #tpu.memory_space<vmem>>, %arg8: memref<1x128xf32, #tpu.memory_space<vmem>>, %arg9: memref<1x128xf32, #tpu.memory_space<vmem>>, %arg10: memref<1x1xf32, #tpu.memory_space<vmem>>, %arg11: memref<256x128xf32, #tpu.memory_space<vmem>>, %arg12: memref<16x256x128xf32, #tpu.memory_space<vmem>>) attributes {dimension_semantics = [#tpu.dimension_semantics<arbitrary>], iteration_bounds = array<i64: 16>, scalar_prefetch = 0 : i64, scratch_operands = 1 : i64, tpu.core_type = #tpu.core_type<tc>, window_params = [{transform_indices = @transform_0, window_bounds = array<i64: 16, 256, 128>}, {transform_indices = @transform_1, window_bounds = array<i64: 256, 16>}, {transform_indices = @transform_2, window_bounds = array<i64: 256, 128>}, {pipeline_mode = #tpu.pipeline_mode<synchronous>, transform_indices = @transform_3, window_bounds = array<i64: 32, 128>}, {pipeline_mode = #tpu.pipeline_mode<synchronous>, transform_indices = @transform_4, window_bounds = array<i64: 128, 128>}, {pipeline_mode = #tpu.pipeline_mode<synchronous>, transform_indices = @transform_5, window_bounds = array<i64: 128, 128>}, {pipeline_mode = #tpu.pipeline_mode<synchronous>, transform_indices = @transform_6, window_bounds = array<i64: 1, 128>}, {pipeline_mode = #tpu.pipeline_mode<synchronous>, transform_indices = @transform_7, window_bounds = array<i64: 1, 128>}, {pipeline_mode = #tpu.pipeline_mode<synchronous>, transform_indices = @transform_8, window_bounds = array<i64: 1, 128>}, {pipeline_mode = #tpu.pipeline_mode<synchronous>, transform_indices = @transform_9, window_bounds = array<i64: 1, 1>}, {transform_indices = @transform_10, window_bounds = array<i64: 256, 128>}]} {
    %iota3A = tpu.iota {dimensions = array<i32: 1>} : vector<1x32xi32>
    %get3A = arith.constant 0 : index
    %get3A_0 = arith.constant 0 : index
    %get3A_1 = vector.load %arg7[%get3A, %get3A_0] : memref<1x128xf32, #tpu.memory_space<vmem>>, vector<1x128xf32>
    %get3A_2 = arith.constant 0 : index
    %get3A_3 = arith.constant 0 : index
    %get3A_4 = vector.load %arg8[%get3A_2, %get3A_3] : memref<1x128xf32, #tpu.memory_space<vmem>>, vector<1x128xf32>
    %get3A_5 = arith.constant 0 : index
    %get3A_6 = arith.constant 0 : index
    %get3A_7 = vector.load %arg9[%get3A_5, %get3A_6] : memref<1x128xf32, #tpu.memory_space<vmem>>, vector<1x128xf32>
    %get3A_8 = arith.constant 0 : index
    %get3A_9 = arith.constant 0 : index
    %get3A_10 = vector.load %arg10[%get3A_8, %get3A_9] : memref<1x1xf32, #tpu.memory_space<vmem>>, vector<1x1xf32>
    %get3A_11 = vector.extract %get3A_10[0, 0] : f32 from vector<1x1xf32>
    %get3A_12 = arith.constant 0 : index
    %get3A_13 = arith.constant 0 : index
    %get3A_14 = vector.load %arg4[%get3A_12, %get3A_13] : memref<32x128xf32, #tpu.memory_space<vmem>>, vector<32x128xf32>
    %get3A_15 = arith.constant 0 : index
    %get3A_16 = arith.constant 0 : index
    %get3A_17 = vector.load %arg5[%get3A_15, %get3A_16] : memref<128x128xf32, #tpu.memory_space<vmem>>, vector<128x128xf32>
    %get3A_18 = arith.constant 0 : index
    %get3A_19 = arith.constant 0 : index
    %get3A_20 = vector.load %arg6[%get3A_18, %get3A_19] : memref<128x128xf32, #tpu.memory_space<vmem>>, vector<128x128xf32>
    %get3A_21 = arith.constant 0 : index
    %get3A_22 = arith.constant 0 : index
    %get3A_23 = arith.constant 0 : index
    %get3A_24 = vector.load %arg1[%get3A_21, %get3A_22, %get3A_23] : memref<16x256x128xf32, #tpu.memory_space<vmem>>, vector<1x256x128xf32>
    %get3A_25 = vector.shape_cast %get3A_24 : vector<1x256x128xf32> to vector<256x128xf32>
    %get3A_26 = arith.constant 0 : index
    %get3A_27 = arith.constant 0 : index
    %get3A_28 = vector.load %arg2[%get3A_26, %get3A_27] : memref<256x16xi32, #tpu.memory_space<vmem>>, vector<256x1xi32>
    %eq3A = vector.broadcast %get3A_28 : vector<256x1xi32> to vector<256x32xi32>
    %eq3A_29 = vector.broadcast %iota3A : vector<1x32xi32> to vector<256x32xi32>
    %eq3A_30 = arith.cmpi eq, %eq3A, %eq3A_29 : vector<256x32xi32>
    %convert_element_type3A = arith.extui %eq3A_30 : vector<256x32xi1> to vector<256x32xi32>
    %convert_element_type3A_31 = arith.sitofp %convert_element_type3A : vector<256x32xi32> to vector<256x32xf32>
    %dot_general3A = arith.constant dense<0.000000e+00> : vector<256x128xf32>
    %dot_general3A_32 = tpu.matmul %convert_element_type3A_31, %get3A_14, %dot_general3A {dimension_numbers = #tpu.dot_dimension_numbers<[1], [0], [0], [1], [0, 0, 1, 1], [], []>, transpose_lhs_hint = false} : vector<256x32xf32>, vector<32x128xf32>, vector<256x128xf32> -> vector<256x128xf32>
    %mul3A = vector.broadcast %get3A_4 : vector<1x128xf32> to vector<256x128xf32>
    %mul3A_33 = arith.mulf %dot_general3A_32, %mul3A : vector<256x128xf32>
    %reduce_sum3A = arith.constant dense<0.000000e+00> : vector<256xf32>
    %reduce_sum3A_34 = vector.multi_reduction <add>, %mul3A_33, %reduce_sum3A [1] : vector<256x128xf32> to vector<256xf32>
    %broadcast_in_dim3A = vector.shape_cast %reduce_sum3A_34 : vector<256xf32> to vector<256x1xf32>
    %mul3A_35 = vector.broadcast %get3A_1 : vector<1x128xf32> to vector<256x128xf32>
    %mul3A_36 = arith.mulf %get3A_25, %mul3A_35 : vector<256x128xf32>
    %reduce_sum3A_37 = arith.constant dense<0.000000e+00> : vector<256xf32>
    %reduce_sum3A_38 = vector.multi_reduction <add>, %mul3A_36, %reduce_sum3A_37 [1] : vector<256x128xf32> to vector<256xf32>
    %broadcast_in_dim3A_39 = vector.shape_cast %reduce_sum3A_38 : vector<256xf32> to vector<256x1xf32>
    %add3A = arith.addf %broadcast_in_dim3A_39, %broadcast_in_dim3A : vector<256x1xf32>
    %add3A_40 = vector.broadcast %get3A_11 : f32 to vector<256x1xf32>
    %add3A_41 = arith.addf %add3A, %add3A_40 : vector<256x1xf32>
    %dot_general3A_42 = arith.constant dense<0.000000e+00> : vector<256x128xf32>
    %dot_general3A_43 = tpu.matmul %get3A_25, %get3A_17, %dot_general3A_42 {dimension_numbers = #tpu.dot_dimension_numbers<[1], [0], [0], [1], [0, 0, 1, 1], [], []>, transpose_lhs_hint = false} : vector<256x128xf32>, vector<128x128xf32>, vector<256x128xf32> -> vector<256x128xf32>
    %dot_general3A_44 = arith.constant dense<0.000000e+00> : vector<256x128xf32>
    %dot_general3A_45 = tpu.matmul %dot_general3A_32, %get3A_20, %dot_general3A_44 {dimension_numbers = #tpu.dot_dimension_numbers<[1], [0], [0], [1], [0, 0, 1, 1], [], []>, transpose_lhs_hint = false} : vector<256x128xf32>, vector<128x128xf32>, vector<256x128xf32> -> vector<256x128xf32>
    %add3A_46 = arith.addf %dot_general3A_43, %dot_general3A_45 : vector<256x128xf32>
    %add3A_47 = vector.broadcast %get3A_7 : vector<1x128xf32> to vector<256x128xf32>
    %add3A_48 = arith.addf %add3A_46, %add3A_47 : vector<256x128xf32>
    %logistic3A = arith.negf %add3A_48 : vector<256x128xf32>
    %logistic3A_49 = math.exp %logistic3A : vector<256x128xf32>
    %logistic3A_50 = arith.constant 1.000000e+00 : f32
    %logistic3A_51 = vector.broadcast %logistic3A_50 : f32 to vector<256x128xf32>
    %logistic3A_52 = arith.addf %logistic3A_51, %logistic3A_49 : vector<256x128xf32>
    %logistic3A_53 = arith.divf %logistic3A_51, %logistic3A_52 : vector<256x128xf32>
    %swap3A = arith.constant 0 : index
    %swap3A_54 = arith.constant 0 : index
    %swap3A_55 = arith.constant 0 : index
    %swap3A_56 = vector.load %arg12[%swap3A, %swap3A_54, %swap3A_55] : memref<16x256x128xf32, #tpu.memory_space<vmem>>, vector<1x256x128xf32>
    %swap3A_57 = vector.shape_cast %swap3A_56 : vector<1x256x128xf32> to vector<256x128xf32>
    %swap3A_58 = vector.shape_cast %logistic3A_53 : vector<256x128xf32> to vector<1x256x128xf32>
    tpu.vector_store %arg12[%swap3A, %swap3A_54, %swap3A_55], %swap3A_58 {strides = array<i32>} : memref<16x256x128xf32, #tpu.memory_space<vmem>>, vector<1x256x128xf32>,
    %mul3A_59 = vector.broadcast %get3A_1 : vector<1x128xf32> to vector<256x128xf32>
    %mul3A_60 = arith.mulf %logistic3A_53, %mul3A_59 : vector<256x128xf32>
    %reduce_sum3A_61 = arith.constant dense<0.000000e+00> : vector<256xf32>
    %reduce_sum3A_62 = vector.multi_reduction <add>, %mul3A_60, %reduce_sum3A_61 [1] : vector<256x128xf32> to vector<256xf32>
    %broadcast_in_dim3A_63 = vector.shape_cast %reduce_sum3A_62 : vector<256xf32> to vector<256x1xf32>
    %add3A_64 = arith.addf %broadcast_in_dim3A_63, %broadcast_in_dim3A : vector<256x1xf32>
    %add3A_65 = vector.broadcast %get3A_11 : f32 to vector<256x1xf32>
    %add3A_66 = arith.addf %add3A_64, %add3A_65 : vector<256x1xf32>
    %get3A_67 = arith.constant 1 : index
    %get3A_68 = arith.constant 0 : index
    %get3A_69 = arith.constant 0 : index
    %get3A_70 = vector.load %arg1[%get3A_67, %get3A_68, %get3A_69] : memref<16x256x128xf32, #tpu.memory_space<vmem>>, vector<1x256x128xf32>
    %get3A_71 = vector.shape_cast %get3A_70 : vector<1x256x128xf32> to vector<256x128xf32>
    %get3A_72 = arith.constant 0 : index
    %get3A_73 = arith.constant 1 : index
    %get3A_74 = vector.load %arg2[%get3A_72, %get3A_73] : memref<256x16xi32, #tpu.memory_space<vmem>>, vector<256x1xi32>
    %eq3A_75 = vector.broadcast %get3A_74 : vector<256x1xi32> to vector<256x32xi32>
    %eq3A_76 = vector.broadcast %iota3A : vector<1x32xi32> to vector<256x32xi32>
    %eq3A_77 = arith.cmpi eq, %eq3A_75, %eq3A_76 : vector<256x32xi32>
    %convert_element_type3A_78 = arith.extui %eq3A_77 : vector<256x32xi1> to vector<256x32xi32>
    %convert_element_type3A_79 = arith.sitofp %convert_element_type3A_78 : vector<256x32xi32> to vector<256x32xf32>
    %dot_general3A_80 = arith.constant dense<0.000000e+00> : vector<256x128xf32>
    %dot_general3A_81 = tpu.matmul %convert_element_type3A_79, %get3A_14, %dot_general3A_80 {dimension_numbers = #tpu.dot_dimension_numbers<[1], [0], [0], [1], [0, 0, 1, 1], [], []>, transpose_lhs_hint = false} : vector<256x32xf32>, vector<32x128xf32>, vector<256x128xf32> -> vector<256x128xf32>
    %mul3A_82 = vector.broadcast %get3A_4 : vector<1x128xf32> to vector<256x128xf32>
    %mul3A_83 = arith.mulf %dot_general3A_81, %mul3A_82 : vector<256x128xf32>
    %reduce_sum3A_84 = arith.constant dense<0.000000e+00> : vector<256xf32>
    %reduce_sum3A_85 = vector.multi_reduction <add>, %mul3A_83, %reduce_sum3A_84 [1] : vector<256x128xf32> to vector<256xf32>
    %broadcast_in_dim3A_86 = vector.shape_cast %reduce_sum3A_85 : vector<256xf32> to vector<256x1xf32>
    %mul3A_87 = vector.broadcast %get3A_1 : vector<1x128xf32> to vector<256x128xf32>
    %mul3A_88 = arith.mulf %get3A_71, %mul3A_87 : vector<256x128xf32>
    %reduce_sum3A_89 = arith.constant dense<0.000000e+00> : vector<256xf32>
    %reduce_sum3A_90 = vector.multi_reduction <add>, %mul3A_88, %reduce_sum3A_89 [1] : vector<256x128xf32> to vector<256xf32>
    %broadcast_in_dim3A_91 = vector.shape_cast %reduce_sum3A_90 : vector<256xf32> to vector<256x1xf32>
    %add3A_92 = arith.addf %broadcast_in_dim3A_91, %broadcast_in_dim3A_86 : vector<256x1xf32>
    %add3A_93 = vector.broadcast %get3A_11 : f32 to vector<256x1xf32>
    %add3A_94 = arith.addf %add3A_92, %add3A_93 : vector<256x1xf32>
    %dot_general3A_95 = arith.constant dense<0.000000e+00> : vector<256x128xf32>
    %dot_general3A_96 = tpu.matmul %get3A_71, %get3A_17, %dot_general3A_95 {dimension_numbers = #tpu.dot_dimension_numbers<[1], [0], [0], [1], [0, 0, 1, 1], [], []>, transpose_lhs_hint = false} : vector<256x128xf32>, vector<128x128xf32>, vector<256x128xf32> -> vector<256x128xf32>
    %dot_general3A_97 = arith.constant dense<0.000000e+00> : vector<256x128xf32>
    %dot_general3A_98 = tpu.matmul %dot_general3A_81, %get3A_20, %dot_general3A_97 {dimension_numbers = #tpu.dot_dimension_numbers<[1], [0], [0], [1], [0, 0, 1, 1], [], []>, transpose_lhs_hint = false} : vector<256x128xf32>, vector<128x128xf32>, vector<256x128xf32> -> vector<256x128xf32>
    %add3A_99 = arith.addf %dot_general3A_96, %dot_general3A_98 : vector<256x128xf32>
    %add3A_100 = vector.broadcast %get3A_7 : vector<1x128xf32> to vector<256x128xf32>
    %add3A_101 = arith.addf %add3A_99, %add3A_100 : vector<256x128xf32>
    %logistic3A_102 = arith.negf %add3A_101 : vector<256x128xf32>
    %logistic3A_103 = math.exp %logistic3A_102 : vector<256x128xf32>
    %logistic3A_104 = arith.constant 1.000000e+00 : f32
    %logistic3A_105 = vector.broadcast %logistic3A_104 : f32 to vector<256x128xf32>
    %logistic3A_106 = arith.addf %logistic3A_105, %logistic3A_103 : vector<256x128xf32>
    %logistic3A_107 = arith.divf %logistic3A_105, %logistic3A_106 : vector<256x128xf32>
    %swap3A_108 = arith.constant 1 : index
    %swap3A_109 = arith.constant 0 : index
    %swap3A_110 = arith.constant 0 : index
    %swap3A_111 = vector.load %arg12[%swap3A_108, %swap3A_109, %swap3A_110] : memref<16x256x128xf32, #tpu.memory_space<vmem>>, vector<1x256x128xf32>
    %swap3A_112 = vector.shape_cast %swap3A_111 : vector<1x256x128xf32> to vector<256x128xf32>
    %swap3A_113 = vector.shape_cast %logistic3A_107 : vector<256x128xf32> to vector<1x256x128xf32>
    tpu.vector_store %arg12[%swap3A_108, %swap3A_109, %swap3A_110], %swap3A_113 {strides = array<i32>} : memref<16x256x128xf32, #tpu.memory_space<vmem>>, vector<1x256x128xf32>,
    %mul3A_114 = vector.broadcast %get3A_1 : vector<1x128xf32> to vector<256x128xf32>
    %mul3A_115 = arith.mulf %logistic3A_107, %mul3A_114 : vector<256x128xf32>
    %reduce_sum3A_116 = arith.constant dense<0.000000e+00> : vector<256xf32>
    %reduce_sum3A_117 = vector.multi_reduction <add>, %mul3A_115, %reduce_sum3A_116 [1] : vector<256x128xf32> to vector<256xf32>
    %broadcast_in_dim3A_118 = vector.shape_cast %reduce_sum3A_117 : vector<256xf32> to vector<256x1xf32>
    %add3A_119 = arith.addf %broadcast_in_dim3A_118, %broadcast_in_dim3A_86 : vector<256x1xf32>
    %add3A_120 = vector.broadcast %get3A_11 : f32 to vector<256x1xf32>
    %add3A_121 = arith.addf %add3A_119, %add3A_120 : vector<256x1xf32>
    %get3A_122 = arith.constant 2 : index
    %get3A_123 = arith.constant 0 : index
    %get3A_124 = arith.constant 0 : index
    %get3A_125 = vector.load %arg1[%get3A_122, %get3A_123, %get3A_124] : memref<16x256x128xf32, #tpu.memory_space<vmem>>, vector<1x256x128xf32>
    %get3A_126 = vector.shape_cast %get3A_125 : vector<1x256x128xf32> to vector<256x128xf32>
    %get3A_127 = arith.constant 0 : index
    %get3A_128 = arith.constant 2 : index
    %get3A_129 = vector.load %arg2[%get3A_127, %get3A_128] : memref<256x16xi32, #tpu.memory_space<vmem>>, vector<256x1xi32>
    %eq3A_130 = vector.broadcast %get3A_129 : vector<256x1xi32> to vector<256x32xi32>
    %eq3A_131 = vector.broadcast %iota3A : vector<1x32xi32> to vector<256x32xi32>
    %eq3A_132 = arith.cmpi eq, %eq3A_130, %eq3A_131 : vector<256x32xi32>
    %convert_element_type3A_133 = arith.extui %eq3A_132 : vector<256x32xi1> to vector<256x32xi32>
    %convert_element_type3A_134 = arith.sitofp %convert_element_type3A_133 : vector<256x32xi32> to vector<256x32xf32>
    %dot_general3A_135 = arith.constant dense<0.000000e+00> : vector<256x128xf32>
    %dot_general3A_136 = tpu.matmul %convert_element_type3A_134, %get3A_14, %dot_general3A_135 {dimension_numbers = #tpu.dot_dimension_numbers<[1], [0], [0], [1], [0, 0, 1, 1], [], []>, transpose_lhs_hint = false} : vector<256x32xf32>, vector<32x128xf32>, vector<256x128xf32> -> vector<256x128xf32>
    %mul3A_137 = vector.broadcast %get3A_4 : vector<1x128xf32> to vector<256x128xf32>
    %mul3A_138 = arith.mulf %dot_general3A_136, %mul3A_137 : vector<256x128xf32>
    %reduce_sum3A_139 = arith.constant dense<0.000000e+00> : vector<256xf32>
    %reduce_sum3A_140 = vector.multi_reduction <add>, %mul3A_138, %reduce_sum3A_139 [1] : vector<256x128xf32> to vector<256xf32>
    %broadcast_in_dim3A_141 = vector.shape_cast %reduce_sum3A_140 : vector<256xf32> to vector<256x1xf32>
    %mul3A_142 = vector.broadcast %get3A_1 : vector<1x128xf32> to vector<256x128xf32>
    %mul3A_143 = arith.mulf %get3A_126, %mul3A_142 : vector<256x128xf32>
    %reduce_sum3A_144 = arith.constant dense<0.000000e+00> : vector<256xf32>
    %reduce_sum3A_145 = vector.multi_reduction <add>, %mul3A_143, %reduce_sum3A_144 [1] : vector<256x128xf32> to vector<256xf32>
    %broadcast_in_dim3A_146 = vector.shape_cast %reduce_sum3A_145 : vector<256xf32> to vector<256x1xf32>
    %add3A_147 = arith.addf %broadcast_in_dim3A_146, %broadcast_in_dim3A_141 : vector<256x1xf32>
    %add3A_148 = vector.broadcast %get3A_11 : f32 to vector<256x1xf32>
    %add3A_149 = arith.addf %add3A_147, %add3A_148 : vector<256x1xf32>
    %dot_general3A_150 = arith.constant dense<0.000000e+00> : vector<256x128xf32>
    %dot_general3A_151 = tpu.matmul %get3A_126, %get3A_17, %dot_general3A_150 {dimension_numbers = #tpu.dot_dimension_numbers<[1], [0], [0], [1], [0, 0, 1, 1], [], []>, transpose_lhs_hint = false} : vector<256x128xf32>, vector<128x128xf32>, vector<256x128xf32> -> vector<256x128xf32>
    %dot_general3A_152 = arith.constant dense<0.000000e+00> : vector<256x128xf32>
    %dot_general3A_153 = tpu.matmul %dot_general3A_136, %get3A_20, %dot_general3A_152 {dimension_numbers = #tpu.dot_dimension_numbers<[1], [0], [0], [1], [0, 0, 1, 1], [], []>, transpose_lhs_hint = false} : vector<256x128xf32>, vector<128x128xf32>, vector<256x128xf32> -> vector<256x128xf32>
    %add3A_154 = arith.addf %dot_general3A_151, %dot_general3A_153 : vector<256x128xf32>
    %add3A_155 = vector.broadcast %get3A_7 : vector<1x128xf32> to vector<256x128xf32>
    %add3A_156 = arith.addf %add3A_154, %add3A_155 : vector<256x128xf32>
    %logistic3A_157 = arith.negf %add3A_156 : vector<256x128xf32>
    %logistic3A_158 = math.exp %logistic3A_157 : vector<256x128xf32>
    %logistic3A_159 = arith.constant 1.000000e+00 : f32
    %logistic3A_160 = vector.broadcast %logistic3A_159 : f32 to vector<256x128xf32>
    %logistic3A_161 = arith.addf %logistic3A_160, %logistic3A_158 : vector<256x128xf32>
    %logistic3A_162 = arith.divf %logistic3A_160, %logistic3A_161 : vector<256x128xf32>
    %swap3A_163 = arith.constant 2 : index
    %swap3A_164 = arith.constant 0 : index
    %swap3A_165 = arith.constant 0 : index
    %swap3A_166 = vector.load %arg12[%swap3A_163, %swap3A_164, %swap3A_165] : memref<16x256x128xf32, #tpu.memory_space<vmem>>, vector<1x256x128xf32>
    %swap3A_167 = vector.shape_cast %swap3A_166 : vector<1x256x128xf32> to vector<256x128xf32>
    %swap3A_168 = vector.shape_cast %logistic3A_162 : vector<256x128xf32> to vector<1x256x128xf32>
    tpu.vector_store %arg12[%swap3A_163, %swap3A_164, %swap3A_165], %swap3A_168 {strides = array<i32>} : memref<16x256x128xf32, #tpu.memory_space<vmem>>, vector<1x256x128xf32>,
    %mul3A_169 = vector.broadcast %get3A_1 : vector<1x128xf32> to vector<256x128xf32>
    %mul3A_170 = arith.mulf %logistic3A_162, %mul3A_169 : vector<256x128xf32>
    %reduce_sum3A_171 = arith.constant dense<0.000000e+00> : vector<256xf32>
    %reduce_sum3A_172 = vector.multi_reduction <add>, %mul3A_170, %reduce_sum3A_171 [1] : vector<256x128xf32> to vector<256xf32>
    %broadcast_in_dim3A_173 = vector.shape_cast %reduce_sum3A_172 : vector<256xf32> to vector<256x1xf32>
    %add3A_174 = arith.addf %broadcast_in_dim3A_173, %broadcast_in_dim3A_141 : vector<256x1xf32>
    %add3A_175 = vector.broadcast %get3A_11 : f32 to vector<256x1xf32>
    %add3A_176 = arith.addf %add3A_174, %add3A_175 : vector<256x1xf32>
    %get3A_177 = arith.constant 3 : index
    %get3A_178 = arith.constant 0 : index
    %get3A_179 = arith.constant 0 : index
    %get3A_180 = vector.load %arg1[%get3A_177, %get3A_178, %get3A_179] : memref<16x256x128xf32, #tpu.memory_space<vmem>>, vector<1x256x128xf32>
    %get3A_181 = vector.shape_cast %get3A_180 : vector<1x256x128xf32> to vector<256x128xf32>
    %get3A_182 = arith.constant 0 : index
    %get3A_183 = arith.constant 3 : index
    %get3A_184 = vector.load %arg2[%get3A_182, %get3A_183] : memref<256x16xi32, #tpu.memory_space<vmem>>, vector<256x1xi32>
    %eq3A_185 = vector.broadcast %get3A_184 : vector<256x1xi32> to vector<256x32xi32>
    %eq3A_186 = vector.broadcast %iota3A : vector<1x32xi32> to vector<256x32xi32>
    %eq3A_187 = arith.cmpi eq, %eq3A_185, %eq3A_186 : vector<256x32xi32>
    %convert_element_type3A_188 = arith.extui %eq3A_187 : vector<256x32xi1> to vector<256x32xi32>
    %convert_element_type3A_189 = arith.sitofp %convert_element_type3A_188 : vector<256x32xi32> to vector<256x32xf32>
    %dot_general3A_190 = arith.constant dense<0.000000e+00> : vector<256x128xf32>
    %dot_general3A_191 = tpu.matmul %convert_element_type3A_189, %get3A_14, %dot_general3A_190 {dimension_numbers = #tpu.dot_dimension_numbers<[1], [0], [0], [1], [0, 0, 1, 1], [], []>, transpose_lhs_hint = false} : vector<256x32xf32>, vector<32x128xf32>, vector<256x128xf32> -> vector<256x128xf32>
    %mul3A_192 = vector.broadcast %get3A_4 : vector<1x128xf32> to vector<256x128xf32>
    %mul3A_193 = arith.mulf %dot_general3A_191, %mul3A_192 : vector<256x128xf32>
    %reduce_sum3A_194 = arith.constant dense<0.000000e+00> : vector<256xf32>
    %reduce_sum3A_195 = vector.multi_reduction <add>, %mul3A_193, %reduce_sum3A_194 [1] : vector<256x128xf32> to vector<256xf32>
    %broadcast_in_dim3A_196 = vector.shape_cast %reduce_sum3A_195 : vector<256xf32> to vector<256x1xf32>
    %mul3A_197 = vector.broadcast %get3A_1 : vector<1x128xf32> to vector<256x128xf32>
    %mul3A_198 = arith.mulf %get3A_181, %mul3A_197 : vector<256x128xf32>
    %reduce_sum3A_199 = arith.constant dense<0.000000e+00> : vector<256xf32>
    %reduce_sum3A_200 = vector.multi_reduction <add>, %mul3A_198, %reduce_sum3A_199 [1] : vector<256x128xf32> to vector<256xf32>
    %broadcast_in_dim3A_201 = vector.shape_cast %reduce_sum3A_200 : vector<256xf32> to vector<256x1xf32>
    %add3A_202 = arith.addf %broadcast_in_dim3A_201, %broadcast_in_dim3A_196 : vector<256x1xf32>
    %add3A_203 = vector.broadcast %get3A_11 : f32 to vector<256x1xf32>
    %add3A_204 = arith.addf %add3A_202, %add3A_203 : vector<256x1xf32>
    %dot_general3A_205 = arith.constant dense<0.000000e+00> : vector<256x128xf32>
    %dot_general3A_206 = tpu.matmul %get3A_181, %get3A_17, %dot_general3A_205 {dimension_numbers = #tpu.dot_dimension_numbers<[1], [0], [0], [1], [0, 0, 1, 1], [], []>, transpose_lhs_hint = false} : vector<256x128xf32>, vector<128x128xf32>, vector<256x128xf32> -> vector<256x128xf32>
    %dot_general3A_207 = arith.constant dense<0.000000e+00> : vector<256x128xf32>
    %dot_general3A_208 = tpu.matmul %dot_general3A_191, %get3A_20, %dot_general3A_207 {dimension_numbers = #tpu.dot_dimension_numbers<[1], [0], [0], [1], [0, 0, 1, 1], [], []>, transpose_lhs_hint = false} : vector<256x128xf32>, vector<128x128xf32>, vector<256x128xf32> -> vector<256x128xf32>
    %add3A_209 = arith.addf %dot_general3A_206, %dot_general3A_208 : vector<256x128xf32>
    %add3A_210 = vector.broadcast %get3A_7 : vector<1x128xf32> to vector<256x128xf32>
    %add3A_211 = arith.addf %add3A_209, %add3A_210 : vector<256x128xf32>
    %logistic3A_212 = arith.negf %add3A_211 : vector<256x128xf32>
    %logistic3A_213 = math.exp %logistic3A_212 : vector<256x128xf32>
    %logistic3A_214 = arith.constant 1.000000e+00 : f32
    %logistic3A_215 = vector.broadcast %logistic3A_214 : f32 to vector<256x128xf32>
    %logistic3A_216 = arith.addf %logistic3A_215, %logistic3A_213 : vector<256x128xf32>
    %logistic3A_217 = arith.divf %logistic3A_215, %logistic3A_216 : vector<256x128xf32>
    %swap3A_218 = arith.constant 3 : index
    %swap3A_219 = arith.constant 0 : index
    %swap3A_220 = arith.constant 0 : index
    %swap3A_221 = vector.load %arg12[%swap3A_218, %swap3A_219, %swap3A_220] : memref<16x256x128xf32, #tpu.memory_space<vmem>>, vector<1x256x128xf32>
    %swap3A_222 = vector.shape_cast %swap3A_221 : vector<1x256x128xf32> to vector<256x128xf32>
    %swap3A_223 = vector.shape_cast %logistic3A_217 : vector<256x128xf32> to vector<1x256x128xf32>
    tpu.vector_store %arg12[%swap3A_218, %swap3A_219, %swap3A_220], %swap3A_223 {strides = array<i32>} : memref<16x256x128xf32, #tpu.memory_space<vmem>>, vector<1x256x128xf32>,
    %mul3A_224 = vector.broadcast %get3A_1 : vector<1x128xf32> to vector<256x128xf32>
    %mul3A_225 = arith.mulf %logistic3A_217, %mul3A_224 : vector<256x128xf32>
    %reduce_sum3A_226 = arith.constant dense<0.000000e+00> : vector<256xf32>
    %reduce_sum3A_227 = vector.multi_reduction <add>, %mul3A_225, %reduce_sum3A_226 [1] : vector<256x128xf32> to vector<256xf32>
    %broadcast_in_dim3A_228 = vector.shape_cast %reduce_sum3A_227 : vector<256xf32> to vector<256x1xf32>
    %add3A_229 = arith.addf %broadcast_in_dim3A_228, %broadcast_in_dim3A_196 : vector<256x1xf32>
    %add3A_230 = vector.broadcast %get3A_11 : f32 to vector<256x1xf32>
    %add3A_231 = arith.addf %add3A_229, %add3A_230 : vector<256x1xf32>
    %get3A_232 = arith.constant 4 : index
    %get3A_233 = arith.constant 0 : index
    %get3A_234 = arith.constant 0 : index
    %get3A_235 = vector.load %arg1[%get3A_232, %get3A_233, %get3A_234] : memref<16x256x128xf32, #tpu.memory_space<vmem>>, vector<1x256x128xf32>
    %get3A_236 = vector.shape_cast %get3A_235 : vector<1x256x128xf32> to vector<256x128xf32>
    %get3A_237 = arith.constant 0 : index
    %get3A_238 = arith.constant 4 : index
    %get3A_239 = vector.load %arg2[%get3A_237, %get3A_238] : memref<256x16xi32, #tpu.memory_space<vmem>>, vector<256x1xi32>
    %eq3A_240 = vector.broadcast %get3A_239 : vector<256x1xi32> to vector<256x32xi32>
    %eq3A_241 = vector.broadcast %iota3A : vector<1x32xi32> to vector<256x32xi32>
    %eq3A_242 = arith.cmpi eq, %eq3A_240, %eq3A_241 : vector<256x32xi32>
    %convert_element_type3A_243 = arith.extui %eq3A_242 : vector<256x32xi1> to vector<256x32xi32>
    %convert_element_type3A_244 = arith.sitofp %convert_element_type3A_243 : vector<256x32xi32> to vector<256x32xf32>
    %dot_general3A_245 = arith.constant dense<0.000000e+00> : vector<256x128xf32>
    %dot_general3A_246 = tpu.matmul %convert_element_type3A_244, %get3A_14, %dot_general3A_245 {dimension_numbers = #tpu.dot_dimension_numbers<[1], [0], [0], [1], [0, 0, 1, 1], [], []>, transpose_lhs_hint = false} : vector<256x32xf32>, vector<32x128xf32>, vector<256x128xf32> -> vector<256x128xf32>
    %mul3A_247 = vector.broadcast %get3A_4 : vector<1x128xf32> to vector<256x128xf32>
    %mul3A_248 = arith.mulf %dot_general3A_246, %mul3A_247 : vector<256x128xf32>
    %reduce_sum3A_249 = arith.constant dense<0.000000e+00> : vector<256xf32>
    %reduce_sum3A_250 = vector.multi_reduction <add>, %mul3A_248, %reduce_sum3A_249 [1] : vector<256x128xf32> to vector<256xf32>
    %broadcast_in_dim3A_251 = vector.shape_cast %reduce_sum3A_250 : vector<256xf32> to vector<256x1xf32>
    %mul3A_252 = vector.broadcast %get3A_1 : vector<1x128xf32> to vector<256x128xf32>
    %mul3A_253 = arith.mulf %get3A_236, %mul3A_252 : vector<256x128xf32>
    %reduce_sum3A_254 = arith.constant dense<0.000000e+00> : vector<256xf32>
    %reduce_sum3A_255 = vector.multi_reduction <add>, %mul3A_253, %reduce_sum3A_254 [1] : vector<256x128xf32> to vector<256xf32>
    %broadcast_in_dim3A_256 = vector.shape_cast %reduce_sum3A_255 : vector<256xf32> to vector<256x1xf32>
    %add3A_257 = arith.addf %broadcast_in_dim3A_256, %broadcast_in_dim3A_251 : vector<256x1xf32>
    %add3A_258 = vector.broadcast %get3A_11 : f32 to vector<256x1xf32>
    %add3A_259 = arith.addf %add3A_257, %add3A_258 : vector<256x1xf32>
    %dot_general3A_260 = arith.constant dense<0.000000e+00> : vector<256x128xf32>
    %dot_general3A_261 = tpu.matmul %get3A_236, %get3A_17, %dot_general3A_260 {dimension_numbers = #tpu.dot_dimension_numbers<[1], [0], [0], [1], [0, 0, 1, 1], [], []>, transpose_lhs_hint = false} : vector<256x128xf32>, vector<128x128xf32>, vector<256x128xf32> -> vector<256x128xf32>
    %dot_general3A_262 = arith.constant dense<0.000000e+00> : vector<256x128xf32>
    %dot_general3A_263 = tpu.matmul %dot_general3A_246, %get3A_20, %dot_general3A_262 {dimension_numbers = #tpu.dot_dimension_numbers<[1], [0], [0], [1], [0, 0, 1, 1], [], []>, transpose_lhs_hint = false} : vector<256x128xf32>, vector<128x128xf32>, vector<256x128xf32> -> vector<256x128xf32>
    %add3A_264 = arith.addf %dot_general3A_261, %dot_general3A_263 : vector<256x128xf32>
    %add3A_265 = vector.broadcast %get3A_7 : vector<1x128xf32> to vector<256x128xf32>
    %add3A_266 = arith.addf %add3A_264, %add3A_265 : vector<256x128xf32>
    %logistic3A_267 = arith.negf %add3A_266 : vector<256x128xf32>
    %logistic3A_268 = math.exp %logistic3A_267 : vector<256x128xf32>
    %logistic3A_269 = arith.constant 1.000000e+00 : f32
    %logistic3A_270 = vector.broadcast %logistic3A_269 : f32 to vector<256x128xf32>
    %logistic3A_271 = arith.addf %logistic3A_270, %logistic3A_268 : vector<256x128xf32>
    %logistic3A_272 = arith.divf %logistic3A_270, %logistic3A_271 : vector<256x128xf32>
    %swap3A_273 = arith.constant 4 : index
    %swap3A_274 = arith.constant 0 : index
    %swap3A_275 = arith.constant 0 : index
    %swap3A_276 = vector.load %arg12[%swap3A_273, %swap3A_274, %swap3A_275] : memref<16x256x128xf32, #tpu.memory_space<vmem>>, vector<1x256x128xf32>
    %swap3A_277 = vector.shape_cast %swap3A_276 : vector<1x256x128xf32> to vector<256x128xf32>
    %swap3A_278 = vector.shape_cast %logistic3A_272 : vector<256x128xf32> to vector<1x256x128xf32>
    tpu.vector_store %arg12[%swap3A_273, %swap3A_274, %swap3A_275], %swap3A_278 {strides = array<i32>} : memref<16x256x128xf32, #tpu.memory_space<vmem>>, vector<1x256x128xf32>,
    %mul3A_279 = vector.broadcast %get3A_1 : vector<1x128xf32> to vector<256x128xf32>
    %mul3A_280 = arith.mulf %logistic3A_272, %mul3A_279 : vector<256x128xf32>
    %reduce_sum3A_281 = arith.constant dense<0.000000e+00> : vector<256xf32>
    %reduce_sum3A_282 = vector.multi_reduction <add>, %mul3A_280, %reduce_sum3A_281 [1] : vector<256x128xf32> to vector<256xf32>
    %broadcast_in_dim3A_283 = vector.shape_cast %reduce_sum3A_282 : vector<256xf32> to vector<256x1xf32>
    %add3A_284 = arith.addf %broadcast_in_dim3A_283, %broadcast_in_dim3A_251 : vector<256x1xf32>
    %add3A_285 = vector.broadcast %get3A_11 : f32 to vector<256x1xf32>
    %add3A_286 = arith.addf %add3A_284, %add3A_285 : vector<256x1xf32>
    %get3A_287 = arith.constant 5 : index
    %get3A_288 = arith.constant 0 : index
    %get3A_289 = arith.constant 0 : index
    %get3A_290 = vector.load %arg1[%get3A_287, %get3A_288, %get3A_289] : memref<16x256x128xf32, #tpu.memory_space<vmem>>, vector<1x256x128xf32>
    %get3A_291 = vector.shape_cast %get3A_290 : vector<1x256x128xf32> to vector<256x128xf32>
    %get3A_292 = arith.constant 0 : index
    %get3A_293 = arith.constant 5 : index
    %get3A_294 = vector.load %arg2[%get3A_292, %get3A_293] : memref<256x16xi32, #tpu.memory_space<vmem>>, vector<256x1xi32>
    %eq3A_295 = vector.broadcast %get3A_294 : vector<256x1xi32> to vector<256x32xi32>
    %eq3A_296 = vector.broadcast %iota3A : vector<1x32xi32> to vector<256x32xi32>
    %eq3A_297 = arith.cmpi eq, %eq3A_295, %eq3A_296 : vector<256x32xi32>
    %convert_element_type3A_298 = arith.extui %eq3A_297 : vector<256x32xi1> to vector<256x32xi32>
    %convert_element_type3A_299 = arith.sitofp %convert_element_type3A_298 : vector<256x32xi32> to vector<256x32xf32>
    %dot_general3A_300 = arith.constant dense<0.000000e+00> : vector<256x128xf32>
    %dot_general3A_301 = tpu.matmul %convert_element_type3A_299, %get3A_14, %dot_general3A_300 {dimension_numbers = #tpu.dot_dimension_numbers<[1], [0], [0], [1], [0, 0, 1, 1], [], []>, transpose_lhs_hint = false} : vector<256x32xf32>, vector<32x128xf32>, vector<256x128xf32> -> vector<256x128xf32>
    %mul3A_302 = vector.broadcast %get3A_4 : vector<1x128xf32> to vector<256x128xf32>
    %mul3A_303 = arith.mulf %dot_general3A_301, %mul3A_302 : vector<256x128xf32>
    %reduce_sum3A_304 = arith.constant dense<0.000000e+00> : vector<256xf32>
    %reduce_sum3A_305 = vector.multi_reduction <add>, %mul3A_303, %reduce_sum3A_304 [1] : vector<256x128xf32> to vector<256xf32>
    %broadcast_in_dim3A_306 = vector.shape_cast %reduce_sum3A_305 : vector<256xf32> to vector<256x1xf32>
    %mul3A_307 = vector.broadcast %get3A_1 : vector<1x128xf32> to vector<256x128xf32>
    %mul3A_308 = arith.mulf %get3A_291, %mul3A_307 : vector<256x128xf32>
    %reduce_sum3A_309 = arith.constant dense<0.000000e+00> : vector<256xf32>
    %reduce_sum3A_310 = vector.multi_reduction <add>, %mul3A_308, %reduce_sum3A_309 [1] : vector<256x128xf32> to vector<256xf32>
    %broadcast_in_dim3A_311 = vector.shape_cast %reduce_sum3A_310 : vector<256xf32> to vector<256x1xf32>
    %add3A_312 = arith.addf %broadcast_in_dim3A_311, %broadcast_in_dim3A_306 : vector<256x1xf32>
    %add3A_313 = vector.broadcast %get3A_11 : f32 to vector<256x1xf32>
    %add3A_314 = arith.addf %add3A_312, %add3A_313 : vector<256x1xf32>
    %dot_general3A_315 = arith.constant dense<0.000000e+00> : vector<256x128xf32>
    %dot_general3A_316 = tpu.matmul %get3A_291, %get3A_17, %dot_general3A_315 {dimension_numbers = #tpu.dot_dimension_numbers<[1], [0], [0], [1], [0, 0, 1, 1], [], []>, transpose_lhs_hint = false} : vector<256x128xf32>, vector<128x128xf32>, vector<256x128xf32> -> vector<256x128xf32>
    %dot_general3A_317 = arith.constant dense<0.000000e+00> : vector<256x128xf32>
    %dot_general3A_318 = tpu.matmul %dot_general3A_301, %get3A_20, %dot_general3A_317 {dimension_numbers = #tpu.dot_dimension_numbers<[1], [0], [0], [1], [0, 0, 1, 1], [], []>, transpose_lhs_hint = false} : vector<256x128xf32>, vector<128x128xf32>, vector<256x128xf32> -> vector<256x128xf32>
    %add3A_319 = arith.addf %dot_general3A_316, %dot_general3A_318 : vector<256x128xf32>
    %add3A_320 = vector.broadcast %get3A_7 : vector<1x128xf32> to vector<256x128xf32>
    %add3A_321 = arith.addf %add3A_319, %add3A_320 : vector<256x128xf32>
    %logistic3A_322 = arith.negf %add3A_321 : vector<256x128xf32>
    %logistic3A_323 = math.exp %logistic3A_322 : vector<256x128xf32>
    %logistic3A_324 = arith.constant 1.000000e+00 : f32
    %logistic3A_325 = vector.broadcast %logistic3A_324 : f32 to vector<256x128xf32>
    %logistic3A_326 = arith.addf %logistic3A_325, %logistic3A_323 : vector<256x128xf32>
    %logistic3A_327 = arith.divf %logistic3A_325, %logistic3A_326 : vector<256x128xf32>
    %swap3A_328 = arith.constant 5 : index
    %swap3A_329 = arith.constant 0 : index
    %swap3A_330 = arith.constant 0 : index
    %swap3A_331 = vector.load %arg12[%swap3A_328, %swap3A_329, %swap3A_330] : memref<16x256x128xf32, #tpu.memory_space<vmem>>, vector<1x256x128xf32>
    %swap3A_332 = vector.shape_cast %swap3A_331 : vector<1x256x128xf32> to vector<256x128xf32>
    %swap3A_333 = vector.shape_cast %logistic3A_327 : vector<256x128xf32> to vector<1x256x128xf32>
    tpu.vector_store %arg12[%swap3A_328, %swap3A_329, %swap3A_330], %swap3A_333 {strides = array<i32>} : memref<16x256x128xf32, #tpu.memory_space<vmem>>, vector<1x256x128xf32>,
    %mul3A_334 = vector.broadcast %get3A_1 : vector<1x128xf32> to vector<256x128xf32>
    %mul3A_335 = arith.mulf %logistic3A_327, %mul3A_334 : vector<256x128xf32>
    %reduce_sum3A_336 = arith.constant dense<0.000000e+00> : vector<256xf32>
    %reduce_sum3A_337 = vector.multi_reduction <add>, %mul3A_335, %reduce_sum3A_336 [1] : vector<256x128xf32> to vector<256xf32>
    %broadcast_in_dim3A_338 = vector.shape_cast %reduce_sum3A_337 : vector<256xf32> to vector<256x1xf32>
    %add3A_339 = arith.addf %broadcast_in_dim3A_338, %broadcast_in_dim3A_306 : vector<256x1xf32>
    %add3A_340 = vector.broadcast %get3A_11 : f32 to vector<256x1xf32>
    %add3A_341 = arith.addf %add3A_339, %add3A_340 : vector<256x1xf32>
    %get3A_342 = arith.constant 6 : index
    %get3A_343 = arith.constant 0 : index
    %get3A_344 = arith.constant 0 : index
    %get3A_345 = vector.load %arg1[%get3A_342, %get3A_343, %get3A_344] : memref<16x256x128xf32, #tpu.memory_space<vmem>>, vector<1x256x128xf32>
    %get3A_346 = vector.shape_cast %get3A_345 : vector<1x256x128xf32> to vector<256x128xf32>
    %get3A_347 = arith.constant 0 : index
    %get3A_348 = arith.constant 6 : index
    %get3A_349 = vector.load %arg2[%get3A_347, %get3A_348] : memref<256x16xi32, #tpu.memory_space<vmem>>, vector<256x1xi32>
    %eq3A_350 = vector.broadcast %get3A_349 : vector<256x1xi32> to vector<256x32xi32>
    %eq3A_351 = vector.broadcast %iota3A : vector<1x32xi32> to vector<256x32xi32>
    %eq3A_352 = arith.cmpi eq, %eq3A_350, %eq3A_351 : vector<256x32xi32>
    %convert_element_type3A_353 = arith.extui %eq3A_352 : vector<256x32xi1> to vector<256x32xi32>
    %convert_element_type3A_354 = arith.sitofp %convert_element_type3A_353 : vector<256x32xi32> to vector<256x32xf32>
    %dot_general3A_355 = arith.constant dense<0.000000e+00> : vector<256x128xf32>
    %dot_general3A_356 = tpu.matmul %convert_element_type3A_354, %get3A_14, %dot_general3A_355 {dimension_numbers = #tpu.dot_dimension_numbers<[1], [0], [0], [1], [0, 0, 1, 1], [], []>, transpose_lhs_hint = false} : vector<256x32xf32>, vector<32x128xf32>, vector<256x128xf32> -> vector<256x128xf32>
    %mul3A_357 = vector.broadcast %get3A_4 : vector<1x128xf32> to vector<256x128xf32>
    %mul3A_358 = arith.mulf %dot_general3A_356, %mul3A_357 : vector<256x128xf32>
    %reduce_sum3A_359 = arith.constant dense<0.000000e+00> : vector<256xf32>
    %reduce_sum3A_360 = vector.multi_reduction <add>, %mul3A_358, %reduce_sum3A_359 [1] : vector<256x128xf32> to vector<256xf32>
    %broadcast_in_dim3A_361 = vector.shape_cast %reduce_sum3A_360 : vector<256xf32> to vector<256x1xf32>
    %mul3A_362 = vector.broadcast %get3A_1 : vector<1x128xf32> to vector<256x128xf32>
    %mul3A_363 = arith.mulf %get3A_346, %mul3A_362 : vector<256x128xf32>
    %reduce_sum3A_364 = arith.constant dense<0.000000e+00> : vector<256xf32>
    %reduce_sum3A_365 = vector.multi_reduction <add>, %mul3A_363, %reduce_sum3A_364 [1] : vector<256x128xf32> to vector<256xf32>
    %broadcast_in_dim3A_366 = vector.shape_cast %reduce_sum3A_365 : vector<256xf32> to vector<256x1xf32>
    %add3A_367 = arith.addf %broadcast_in_dim3A_366, %broadcast_in_dim3A_361 : vector<256x1xf32>
    %add3A_368 = vector.broadcast %get3A_11 : f32 to vector<256x1xf32>
    %add3A_369 = arith.addf %add3A_367, %add3A_368 : vector<256x1xf32>
    %dot_general3A_370 = arith.constant dense<0.000000e+00> : vector<256x128xf32>
    %dot_general3A_371 = tpu.matmul %get3A_346, %get3A_17, %dot_general3A_370 {dimension_numbers = #tpu.dot_dimension_numbers<[1], [0], [0], [1], [0, 0, 1, 1], [], []>, transpose_lhs_hint = false} : vector<256x128xf32>, vector<128x128xf32>, vector<256x128xf32> -> vector<256x128xf32>
    %dot_general3A_372 = arith.constant dense<0.000000e+00> : vector<256x128xf32>
    %dot_general3A_373 = tpu.matmul %dot_general3A_356, %get3A_20, %dot_general3A_372 {dimension_numbers = #tpu.dot_dimension_numbers<[1], [0], [0], [1], [0, 0, 1, 1], [], []>, transpose_lhs_hint = false} : vector<256x128xf32>, vector<128x128xf32>, vector<256x128xf32> -> vector<256x128xf32>
    %add3A_374 = arith.addf %dot_general3A_371, %dot_general3A_373 : vector<256x128xf32>
    %add3A_375 = vector.broadcast %get3A_7 : vector<1x128xf32> to vector<256x128xf32>
    %add3A_376 = arith.addf %add3A_374, %add3A_375 : vector<256x128xf32>
    %logistic3A_377 = arith.negf %add3A_376 : vector<256x128xf32>
    %logistic3A_378 = math.exp %logistic3A_377 : vector<256x128xf32>
    %logistic3A_379 = arith.constant 1.000000e+00 : f32
    %logistic3A_380 = vector.broadcast %logistic3A_379 : f32 to vector<256x128xf32>
    %logistic3A_381 = arith.addf %logistic3A_380, %logistic3A_378 : vector<256x128xf32>
    %logistic3A_382 = arith.divf %logistic3A_380, %logistic3A_381 : vector<256x128xf32>
    %swap3A_383 = arith.constant 6 : index
    %swap3A_384 = arith.constant 0 : index
    %swap3A_385 = arith.constant 0 : index
    %swap3A_386 = vector.load %arg12[%swap3A_383, %swap3A_384, %swap3A_385] : memref<16x256x128xf32, #tpu.memory_space<vmem>>, vector<1x256x128xf32>
    %swap3A_387 = vector.shape_cast %swap3A_386 : vector<1x256x128xf32> to vector<256x128xf32>
    %swap3A_388 = vector.shape_cast %logistic3A_382 : vector<256x128xf32> to vector<1x256x128xf32>
    tpu.vector_store %arg12[%swap3A_383, %swap3A_384, %swap3A_385], %swap3A_388 {strides = array<i32>} : memref<16x256x128xf32, #tpu.memory_space<vmem>>, vector<1x256x128xf32>,
    %mul3A_389 = vector.broadcast %get3A_1 : vector<1x128xf32> to vector<256x128xf32>
    %mul3A_390 = arith.mulf %logistic3A_382, %mul3A_389 : vector<256x128xf32>
    %reduce_sum3A_391 = arith.constant dense<0.000000e+00> : vector<256xf32>
    %reduce_sum3A_392 = vector.multi_reduction <add>, %mul3A_390, %reduce_sum3A_391 [1] : vector<256x128xf32> to vector<256xf32>
    %broadcast_in_dim3A_393 = vector.shape_cast %reduce_sum3A_392 : vector<256xf32> to vector<256x1xf32>
    %add3A_394 = arith.addf %broadcast_in_dim3A_393, %broadcast_in_dim3A_361 : vector<256x1xf32>
    %add3A_395 = vector.broadcast %get3A_11 : f32 to vector<256x1xf32>
    %add3A_396 = arith.addf %add3A_394, %add3A_395 : vector<256x1xf32>
    %get3A_397 = arith.constant 7 : index
    %get3A_398 = arith.constant 0 : index
    %get3A_399 = arith.constant 0 : index
    %get3A_400 = vector.load %arg1[%get3A_397, %get3A_398, %get3A_399] : memref<16x256x128xf32, #tpu.memory_space<vmem>>, vector<1x256x128xf32>
    %get3A_401 = vector.shape_cast %get3A_400 : vector<1x256x128xf32> to vector<256x128xf32>
    %get3A_402 = arith.constant 0 : index
    %get3A_403 = arith.constant 7 : index
    %get3A_404 = vector.load %arg2[%get3A_402, %get3A_403] : memref<256x16xi32, #tpu.memory_space<vmem>>, vector<256x1xi32>
    %eq3A_405 = vector.broadcast %get3A_404 : vector<256x1xi32> to vector<256x32xi32>
    %eq3A_406 = vector.broadcast %iota3A : vector<1x32xi32> to vector<256x32xi32>
    %eq3A_407 = arith.cmpi eq, %eq3A_405, %eq3A_406 : vector<256x32xi32>
    %convert_element_type3A_408 = arith.extui %eq3A_407 : vector<256x32xi1> to vector<256x32xi32>
    %convert_element_type3A_409 = arith.sitofp %convert_element_type3A_408 : vector<256x32xi32> to vector<256x32xf32>
    %dot_general3A_410 = arith.constant dense<0.000000e+00> : vector<256x128xf32>
    %dot_general3A_411 = tpu.matmul %convert_element_type3A_409, %get3A_14, %dot_general3A_410 {dimension_numbers = #tpu.dot_dimension_numbers<[1], [0], [0], [1], [0, 0, 1, 1], [], []>, transpose_lhs_hint = false} : vector<256x32xf32>, vector<32x128xf32>, vector<256x128xf32> -> vector<256x128xf32>
    %mul3A_412 = vector.broadcast %get3A_4 : vector<1x128xf32> to vector<256x128xf32>
    %mul3A_413 = arith.mulf %dot_general3A_411, %mul3A_412 : vector<256x128xf32>
    %reduce_sum3A_414 = arith.constant dense<0.000000e+00> : vector<256xf32>
    %reduce_sum3A_415 = vector.multi_reduction <add>, %mul3A_413, %reduce_sum3A_414 [1] : vector<256x128xf32> to vector<256xf32>
    %broadcast_in_dim3A_416 = vector.shape_cast %reduce_sum3A_415 : vector<256xf32> to vector<256x1xf32>
    %mul3A_417 = vector.broadcast %get3A_1 : vector<1x128xf32> to vector<256x128xf32>
    %mul3A_418 = arith.mulf %get3A_401, %mul3A_417 : vector<256x128xf32>
    %reduce_sum3A_419 = arith.constant dense<0.000000e+00> : vector<256xf32>
    %reduce_sum3A_420 = vector.multi_reduction <add>, %mul3A_418, %reduce_sum3A_419 [1] : vector<256x128xf32> to vector<256xf32>
    %broadcast_in_dim3A_421 = vector.shape_cast %reduce_sum3A_420 : vector<256xf32> to vector<256x1xf32>
    %add3A_422 = arith.addf %broadcast_in_dim3A_421, %broadcast_in_dim3A_416 : vector<256x1xf32>
    %add3A_423 = vector.broadcast %get3A_11 : f32 to vector<256x1xf32>
    %add3A_424 = arith.addf %add3A_422, %add3A_423 : vector<256x1xf32>
    %dot_general3A_425 = arith.constant dense<0.000000e+00> : vector<256x128xf32>
    %dot_general3A_426 = tpu.matmul %get3A_401, %get3A_17, %dot_general3A_425 {dimension_numbers = #tpu.dot_dimension_numbers<[1], [0], [0], [1], [0, 0, 1, 1], [], []>, transpose_lhs_hint = false} : vector<256x128xf32>, vector<128x128xf32>, vector<256x128xf32> -> vector<256x128xf32>
    %dot_general3A_427 = arith.constant dense<0.000000e+00> : vector<256x128xf32>
    %dot_general3A_428 = tpu.matmul %dot_general3A_411, %get3A_20, %dot_general3A_427 {dimension_numbers = #tpu.dot_dimension_numbers<[1], [0], [0], [1], [0, 0, 1, 1], [], []>, transpose_lhs_hint = false} : vector<256x128xf32>, vector<128x128xf32>, vector<256x128xf32> -> vector<256x128xf32>
    %add3A_429 = arith.addf %dot_general3A_426, %dot_general3A_428 : vector<256x128xf32>
    %add3A_430 = vector.broadcast %get3A_7 : vector<1x128xf32> to vector<256x128xf32>
    %add3A_431 = arith.addf %add3A_429, %add3A_430 : vector<256x128xf32>
    %logistic3A_432 = arith.negf %add3A_431 : vector<256x128xf32>
    %logistic3A_433 = math.exp %logistic3A_432 : vector<256x128xf32>
    %logistic3A_434 = arith.constant 1.000000e+00 : f32
    %logistic3A_435 = vector.broadcast %logistic3A_434 : f32 to vector<256x128xf32>
    %logistic3A_436 = arith.addf %logistic3A_435, %logistic3A_433 : vector<256x128xf32>
    %logistic3A_437 = arith.divf %logistic3A_435, %logistic3A_436 : vector<256x128xf32>
    %swap3A_438 = arith.constant 7 : index
    %swap3A_439 = arith.constant 0 : index
    %swap3A_440 = arith.constant 0 : index
    %swap3A_441 = vector.load %arg12[%swap3A_438, %swap3A_439, %swap3A_440] : memref<16x256x128xf32, #tpu.memory_space<vmem>>, vector<1x256x128xf32>
    %swap3A_442 = vector.shape_cast %swap3A_441 : vector<1x256x128xf32> to vector<256x128xf32>
    %swap3A_443 = vector.shape_cast %logistic3A_437 : vector<256x128xf32> to vector<1x256x128xf32>
    tpu.vector_store %arg12[%swap3A_438, %swap3A_439, %swap3A_440], %swap3A_443 {strides = array<i32>} : memref<16x256x128xf32, #tpu.memory_space<vmem>>, vector<1x256x128xf32>,
    %mul3A_444 = vector.broadcast %get3A_1 : vector<1x128xf32> to vector<256x128xf32>
    %mul3A_445 = arith.mulf %logistic3A_437, %mul3A_444 : vector<256x128xf32>
    %reduce_sum3A_446 = arith.constant dense<0.000000e+00> : vector<256xf32>
    %reduce_sum3A_447 = vector.multi_reduction <add>, %mul3A_445, %reduce_sum3A_446 [1] : vector<256x128xf32> to vector<256xf32>
    %broadcast_in_dim3A_448 = vector.shape_cast %reduce_sum3A_447 : vector<256xf32> to vector<256x1xf32>
    %add3A_449 = arith.addf %broadcast_in_dim3A_448, %broadcast_in_dim3A_416 : vector<256x1xf32>
    %add3A_450 = vector.broadcast %get3A_11 : f32 to vector<256x1xf32>
    %add3A_451 = arith.addf %add3A_449, %add3A_450 : vector<256x1xf32>
    %get3A_452 = arith.constant 8 : index
    %get3A_453 = arith.constant 0 : index
    %get3A_454 = arith.constant 0 : index
    %get3A_455 = vector.load %arg1[%get3A_452, %get3A_453, %get3A_454] : memref<16x256x128xf32, #tpu.memory_space<vmem>>, vector<1x256x128xf32>
    %get3A_456 = vector.shape_cast %get3A_455 : vector<1x256x128xf32> to vector<256x128xf32>
    %get3A_457 = arith.constant 0 : index
    %get3A_458 = arith.constant 8 : index
    %get3A_459 = vector.load %arg2[%get3A_457, %get3A_458] : memref<256x16xi32, #tpu.memory_space<vmem>>, vector<256x1xi32>
    %eq3A_460 = vector.broadcast %get3A_459 : vector<256x1xi32> to vector<256x32xi32>
    %eq3A_461 = vector.broadcast %iota3A : vector<1x32xi32> to vector<256x32xi32>
    %eq3A_462 = arith.cmpi eq, %eq3A_460, %eq3A_461 : vector<256x32xi32>
    %convert_element_type3A_463 = arith.extui %eq3A_462 : vector<256x32xi1> to vector<256x32xi32>
    %convert_element_type3A_464 = arith.sitofp %convert_element_type3A_463 : vector<256x32xi32> to vector<256x32xf32>
    %dot_general3A_465 = arith.constant dense<0.000000e+00> : vector<256x128xf32>
    %dot_general3A_466 = tpu.matmul %convert_element_type3A_464, %get3A_14, %dot_general3A_465 {dimension_numbers = #tpu.dot_dimension_numbers<[1], [0], [0], [1], [0, 0, 1, 1], [], []>, transpose_lhs_hint = false} : vector<256x32xf32>, vector<32x128xf32>, vector<256x128xf32> -> vector<256x128xf32>
    %mul3A_467 = vector.broadcast %get3A_4 : vector<1x128xf32> to vector<256x128xf32>
    %mul3A_468 = arith.mulf %dot_general3A_466, %mul3A_467 : vector<256x128xf32>
    %reduce_sum3A_469 = arith.constant dense<0.000000e+00> : vector<256xf32>
    %reduce_sum3A_470 = vector.multi_reduction <add>, %mul3A_468, %reduce_sum3A_469 [1] : vector<256x128xf32> to vector<256xf32>
    %broadcast_in_dim3A_471 = vector.shape_cast %reduce_sum3A_470 : vector<256xf32> to vector<256x1xf32>
    %mul3A_472 = vector.broadcast %get3A_1 : vector<1x128xf32> to vector<256x128xf32>
    %mul3A_473 = arith.mulf %get3A_456, %mul3A_472 : vector<256x128xf32>
    %reduce_sum3A_474 = arith.constant dense<0.000000e+00> : vector<256xf32>
    %reduce_sum3A_475 = vector.multi_reduction <add>, %mul3A_473, %reduce_sum3A_474 [1] : vector<256x128xf32> to vector<256xf32>
    %broadcast_in_dim3A_476 = vector.shape_cast %reduce_sum3A_475 : vector<256xf32> to vector<256x1xf32>
    %add3A_477 = arith.addf %broadcast_in_dim3A_476, %broadcast_in_dim3A_471 : vector<256x1xf32>
    %add3A_478 = vector.broadcast %get3A_11 : f32 to vector<256x1xf32>
    %add3A_479 = arith.addf %add3A_477, %add3A_478 : vector<256x1xf32>
    %dot_general3A_480 = arith.constant dense<0.000000e+00> : vector<256x128xf32>
    %dot_general3A_481 = tpu.matmul %get3A_456, %get3A_17, %dot_general3A_480 {dimension_numbers = #tpu.dot_dimension_numbers<[1], [0], [0], [1], [0, 0, 1, 1], [], []>, transpose_lhs_hint = false} : vector<256x128xf32>, vector<128x128xf32>, vector<256x128xf32> -> vector<256x128xf32>
    %dot_general3A_482 = arith.constant dense<0.000000e+00> : vector<256x128xf32>
    %dot_general3A_483 = tpu.matmul %dot_general3A_466, %get3A_20, %dot_general3A_482 {dimension_numbers = #tpu.dot_dimension_numbers<[1], [0], [0], [1], [0, 0, 1, 1], [], []>, transpose_lhs_hint = false} : vector<256x128xf32>, vector<128x128xf32>, vector<256x128xf32> -> vector<256x128xf32>
    %add3A_484 = arith.addf %dot_general3A_481, %dot_general3A_483 : vector<256x128xf32>
    %add3A_485 = vector.broadcast %get3A_7 : vector<1x128xf32> to vector<256x128xf32>
    %add3A_486 = arith.addf %add3A_484, %add3A_485 : vector<256x128xf32>
    %logistic3A_487 = arith.negf %add3A_486 : vector<256x128xf32>
    %logistic3A_488 = math.exp %logistic3A_487 : vector<256x128xf32>
    %logistic3A_489 = arith.constant 1.000000e+00 : f32
    %logistic3A_490 = vector.broadcast %logistic3A_489 : f32 to vector<256x128xf32>
    %logistic3A_491 = arith.addf %logistic3A_490, %logistic3A_488 : vector<256x128xf32>
    %logistic3A_492 = arith.divf %logistic3A_490, %logistic3A_491 : vector<256x128xf32>
    %swap3A_493 = arith.constant 8 : index
    %swap3A_494 = arith.constant 0 : index
    %swap3A_495 = arith.constant 0 : index
    %swap3A_496 = vector.load %arg12[%swap3A_493, %swap3A_494, %swap3A_495] : memref<16x256x128xf32, #tpu.memory_space<vmem>>, vector<1x256x128xf32>
    %swap3A_497 = vector.shape_cast %swap3A_496 : vector<1x256x128xf32> to vector<256x128xf32>
    %swap3A_498 = vector.shape_cast %logistic3A_492 : vector<256x128xf32> to vector<1x256x128xf32>
    tpu.vector_store %arg12[%swap3A_493, %swap3A_494, %swap3A_495], %swap3A_498 {strides = array<i32>} : memref<16x256x128xf32, #tpu.memory_space<vmem>>, vector<1x256x128xf32>,
    %mul3A_499 = vector.broadcast %get3A_1 : vector<1x128xf32> to vector<256x128xf32>
    %mul3A_500 = arith.mulf %logistic3A_492, %mul3A_499 : vector<256x128xf32>
    %reduce_sum3A_501 = arith.constant dense<0.000000e+00> : vector<256xf32>
    %reduce_sum3A_502 = vector.multi_reduction <add>, %mul3A_500, %reduce_sum3A_501 [1] : vector<256x128xf32> to vector<256xf32>
    %broadcast_in_dim3A_503 = vector.shape_cast %reduce_sum3A_502 : vector<256xf32> to vector<256x1xf32>
    %add3A_504 = arith.addf %broadcast_in_dim3A_503, %broadcast_in_dim3A_471 : vector<256x1xf32>
    %add3A_505 = vector.broadcast %get3A_11 : f32 to vector<256x1xf32>
    %add3A_506 = arith.addf %add3A_504, %add3A_505 : vector<256x1xf32>
    %get3A_507 = arith.constant 9 : index
    %get3A_508 = arith.constant 0 : index
    %get3A_509 = arith.constant 0 : index
    %get3A_510 = vector.load %arg1[%get3A_507, %get3A_508, %get3A_509] : memref<16x256x128xf32, #tpu.memory_space<vmem>>, vector<1x256x128xf32>
    %get3A_511 = vector.shape_cast %get3A_510 : vector<1x256x128xf32> to vector<256x128xf32>
    %get3A_512 = arith.constant 0 : index
    %get3A_513 = arith.constant 9 : index
    %get3A_514 = vector.load %arg2[%get3A_512, %get3A_513] : memref<256x16xi32, #tpu.memory_space<vmem>>, vector<256x1xi32>
    %eq3A_515 = vector.broadcast %get3A_514 : vector<256x1xi32> to vector<256x32xi32>
    %eq3A_516 = vector.broadcast %iota3A : vector<1x32xi32> to vector<256x32xi32>
    %eq3A_517 = arith.cmpi eq, %eq3A_515, %eq3A_516 : vector<256x32xi32>
    %convert_element_type3A_518 = arith.extui %eq3A_517 : vector<256x32xi1> to vector<256x32xi32>
    %convert_element_type3A_519 = arith.sitofp %convert_element_type3A_518 : vector<256x32xi32> to vector<256x32xf32>
    %dot_general3A_520 = arith.constant dense<0.000000e+00> : vector<256x128xf32>
    %dot_general3A_521 = tpu.matmul %convert_element_type3A_519, %get3A_14, %dot_general3A_520 {dimension_numbers = #tpu.dot_dimension_numbers<[1], [0], [0], [1], [0, 0, 1, 1], [], []>, transpose_lhs_hint = false} : vector<256x32xf32>, vector<32x128xf32>, vector<256x128xf32> -> vector<256x128xf32>
    %mul3A_522 = vector.broadcast %get3A_4 : vector<1x128xf32> to vector<256x128xf32>
    %mul3A_523 = arith.mulf %dot_general3A_521, %mul3A_522 : vector<256x128xf32>
    %reduce_sum3A_524 = arith.constant dense<0.000000e+00> : vector<256xf32>
    %reduce_sum3A_525 = vector.multi_reduction <add>, %mul3A_523, %reduce_sum3A_524 [1] : vector<256x128xf32> to vector<256xf32>
    %broadcast_in_dim3A_526 = vector.shape_cast %reduce_sum3A_525 : vector<256xf32> to vector<256x1xf32>
    %mul3A_527 = vector.broadcast %get3A_1 : vector<1x128xf32> to vector<256x128xf32>
    %mul3A_528 = arith.mulf %get3A_511, %mul3A_527 : vector<256x128xf32>
    %reduce_sum3A_529 = arith.constant dense<0.000000e+00> : vector<256xf32>
    %reduce_sum3A_530 = vector.multi_reduction <add>, %mul3A_528, %reduce_sum3A_529 [1] : vector<256x128xf32> to vector<256xf32>
    %broadcast_in_dim3A_531 = vector.shape_cast %reduce_sum3A_530 : vector<256xf32> to vector<256x1xf32>
    %add3A_532 = arith.addf %broadcast_in_dim3A_531, %broadcast_in_dim3A_526 : vector<256x1xf32>
    %add3A_533 = vector.broadcast %get3A_11 : f32 to vector<256x1xf32>
    %add3A_534 = arith.addf %add3A_532, %add3A_533 : vector<256x1xf32>
    %dot_general3A_535 = arith.constant dense<0.000000e+00> : vector<256x128xf32>
    %dot_general3A_536 = tpu.matmul %get3A_511, %get3A_17, %dot_general3A_535 {dimension_numbers = #tpu.dot_dimension_numbers<[1], [0], [0], [1], [0, 0, 1, 1], [], []>, transpose_lhs_hint = false} : vector<256x128xf32>, vector<128x128xf32>, vector<256x128xf32> -> vector<256x128xf32>
    %dot_general3A_537 = arith.constant dense<0.000000e+00> : vector<256x128xf32>
    %dot_general3A_538 = tpu.matmul %dot_general3A_521, %get3A_20, %dot_general3A_537 {dimension_numbers = #tpu.dot_dimension_numbers<[1], [0], [0], [1], [0, 0, 1, 1], [], []>, transpose_lhs_hint = false} : vector<256x128xf32>, vector<128x128xf32>, vector<256x128xf32> -> vector<256x128xf32>
    %add3A_539 = arith.addf %dot_general3A_536, %dot_general3A_538 : vector<256x128xf32>
    %add3A_540 = vector.broadcast %get3A_7 : vector<1x128xf32> to vector<256x128xf32>
    %add3A_541 = arith.addf %add3A_539, %add3A_540 : vector<256x128xf32>
    %logistic3A_542 = arith.negf %add3A_541 : vector<256x128xf32>
    %logistic3A_543 = math.exp %logistic3A_542 : vector<256x128xf32>
    %logistic3A_544 = arith.constant 1.000000e+00 : f32
    %logistic3A_545 = vector.broadcast %logistic3A_544 : f32 to vector<256x128xf32>
    %logistic3A_546 = arith.addf %logistic3A_545, %logistic3A_543 : vector<256x128xf32>
    %logistic3A_547 = arith.divf %logistic3A_545, %logistic3A_546 : vector<256x128xf32>
    %swap3A_548 = arith.constant 9 : index
    %swap3A_549 = arith.constant 0 : index
    %swap3A_550 = arith.constant 0 : index
    %swap3A_551 = vector.load %arg12[%swap3A_548, %swap3A_549, %swap3A_550] : memref<16x256x128xf32, #tpu.memory_space<vmem>>, vector<1x256x128xf32>
    %swap3A_552 = vector.shape_cast %swap3A_551 : vector<1x256x128xf32> to vector<256x128xf32>
    %swap3A_553 = vector.shape_cast %logistic3A_547 : vector<256x128xf32> to vector<1x256x128xf32>
    tpu.vector_store %arg12[%swap3A_548, %swap3A_549, %swap3A_550], %swap3A_553 {strides = array<i32>} : memref<16x256x128xf32, #tpu.memory_space<vmem>>, vector<1x256x128xf32>,
    %mul3A_554 = vector.broadcast %get3A_1 : vector<1x128xf32> to vector<256x128xf32>
    %mul3A_555 = arith.mulf %logistic3A_547, %mul3A_554 : vector<256x128xf32>
    %reduce_sum3A_556 = arith.constant dense<0.000000e+00> : vector<256xf32>
    %reduce_sum3A_557 = vector.multi_reduction <add>, %mul3A_555, %reduce_sum3A_556 [1] : vector<256x128xf32> to vector<256xf32>
    %broadcast_in_dim3A_558 = vector.shape_cast %reduce_sum3A_557 : vector<256xf32> to vector<256x1xf32>
    %add3A_559 = arith.addf %broadcast_in_dim3A_558, %broadcast_in_dim3A_526 : vector<256x1xf32>
    %add3A_560 = vector.broadcast %get3A_11 : f32 to vector<256x1xf32>
    %add3A_561 = arith.addf %add3A_559, %add3A_560 : vector<256x1xf32>
    %get3A_562 = arith.constant 10 : index
    %get3A_563 = arith.constant 0 : index
    %get3A_564 = arith.constant 0 : index
    %get3A_565 = vector.load %arg1[%get3A_562, %get3A_563, %get3A_564] : memref<16x256x128xf32, #tpu.memory_space<vmem>>, vector<1x256x128xf32>
    %get3A_566 = vector.shape_cast %get3A_565 : vector<1x256x128xf32> to vector<256x128xf32>
    %get3A_567 = arith.constant 0 : index
    %get3A_568 = arith.constant 10 : index
    %get3A_569 = vector.load %arg2[%get3A_567, %get3A_568] : memref<256x16xi32, #tpu.memory_space<vmem>>, vector<256x1xi32>
    %eq3A_570 = vector.broadcast %get3A_569 : vector<256x1xi32> to vector<256x32xi32>
    %eq3A_571 = vector.broadcast %iota3A : vector<1x32xi32> to vector<256x32xi32>
    %eq3A_572 = arith.cmpi eq, %eq3A_570, %eq3A_571 : vector<256x32xi32>
    %convert_element_type3A_573 = arith.extui %eq3A_572 : vector<256x32xi1> to vector<256x32xi32>
    %convert_element_type3A_574 = arith.sitofp %convert_element_type3A_573 : vector<256x32xi32> to vector<256x32xf32>
    %dot_general3A_575 = arith.constant dense<0.000000e+00> : vector<256x128xf32>
    %dot_general3A_576 = tpu.matmul %convert_element_type3A_574, %get3A_14, %dot_general3A_575 {dimension_numbers = #tpu.dot_dimension_numbers<[1], [0], [0], [1], [0, 0, 1, 1], [], []>, transpose_lhs_hint = false} : vector<256x32xf32>, vector<32x128xf32>, vector<256x128xf32> -> vector<256x128xf32>
    %mul3A_577 = vector.broadcast %get3A_4 : vector<1x128xf32> to vector<256x128xf32>
    %mul3A_578 = arith.mulf %dot_general3A_576, %mul3A_577 : vector<256x128xf32>
    %reduce_sum3A_579 = arith.constant dense<0.000000e+00> : vector<256xf32>
    %reduce_sum3A_580 = vector.multi_reduction <add>, %mul3A_578, %reduce_sum3A_579 [1] : vector<256x128xf32> to vector<256xf32>
    %broadcast_in_dim3A_581 = vector.shape_cast %reduce_sum3A_580 : vector<256xf32> to vector<256x1xf32>
    %mul3A_582 = vector.broadcast %get3A_1 : vector<1x128xf32> to vector<256x128xf32>
    %mul3A_583 = arith.mulf %get3A_566, %mul3A_582 : vector<256x128xf32>
    %reduce_sum3A_584 = arith.constant dense<0.000000e+00> : vector<256xf32>
    %reduce_sum3A_585 = vector.multi_reduction <add>, %mul3A_583, %reduce_sum3A_584 [1] : vector<256x128xf32> to vector<256xf32>
    %broadcast_in_dim3A_586 = vector.shape_cast %reduce_sum3A_585 : vector<256xf32> to vector<256x1xf32>
    %add3A_587 = arith.addf %broadcast_in_dim3A_586, %broadcast_in_dim3A_581 : vector<256x1xf32>
    %add3A_588 = vector.broadcast %get3A_11 : f32 to vector<256x1xf32>
    %add3A_589 = arith.addf %add3A_587, %add3A_588 : vector<256x1xf32>
    %dot_general3A_590 = arith.constant dense<0.000000e+00> : vector<256x128xf32>
    %dot_general3A_591 = tpu.matmul %get3A_566, %get3A_17, %dot_general3A_590 {dimension_numbers = #tpu.dot_dimension_numbers<[1], [0], [0], [1], [0, 0, 1, 1], [], []>, transpose_lhs_hint = false} : vector<256x128xf32>, vector<128x128xf32>, vector<256x128xf32> -> vector<256x128xf32>
    %dot_general3A_592 = arith.constant dense<0.000000e+00> : vector<256x128xf32>
    %dot_general3A_593 = tpu.matmul %dot_general3A_576, %get3A_20, %dot_general3A_592 {dimension_numbers = #tpu.dot_dimension_numbers<[1], [0], [0], [1], [0, 0, 1, 1], [], []>, transpose_lhs_hint = false} : vector<256x128xf32>, vector<128x128xf32>, vector<256x128xf32> -> vector<256x128xf32>
    %add3A_594 = arith.addf %dot_general3A_591, %dot_general3A_593 : vector<256x128xf32>
    %add3A_595 = vector.broadcast %get3A_7 : vector<1x128xf32> to vector<256x128xf32>
    %add3A_596 = arith.addf %add3A_594, %add3A_595 : vector<256x128xf32>
    %logistic3A_597 = arith.negf %add3A_596 : vector<256x128xf32>
    %logistic3A_598 = math.exp %logistic3A_597 : vector<256x128xf32>
    %logistic3A_599 = arith.constant 1.000000e+00 : f32
    %logistic3A_600 = vector.broadcast %logistic3A_599 : f32 to vector<256x128xf32>
    %logistic3A_601 = arith.addf %logistic3A_600, %logistic3A_598 : vector<256x128xf32>
    %logistic3A_602 = arith.divf %logistic3A_600, %logistic3A_601 : vector<256x128xf32>
    %swap3A_603 = arith.constant 10 : index
    %swap3A_604 = arith.constant 0 : index
    %swap3A_605 = arith.constant 0 : index
    %swap3A_606 = vector.load %arg12[%swap3A_603, %swap3A_604, %swap3A_605] : memref<16x256x128xf32, #tpu.memory_space<vmem>>, vector<1x256x128xf32>
    %swap3A_607 = vector.shape_cast %swap3A_606 : vector<1x256x128xf32> to vector<256x128xf32>
    %swap3A_608 = vector.shape_cast %logistic3A_602 : vector<256x128xf32> to vector<1x256x128xf32>
    tpu.vector_store %arg12[%swap3A_603, %swap3A_604, %swap3A_605], %swap3A_608 {strides = array<i32>} : memref<16x256x128xf32, #tpu.memory_space<vmem>>, vector<1x256x128xf32>,
    %mul3A_609 = vector.broadcast %get3A_1 : vector<1x128xf32> to vector<256x128xf32>
    %mul3A_610 = arith.mulf %logistic3A_602, %mul3A_609 : vector<256x128xf32>
    %reduce_sum3A_611 = arith.constant dense<0.000000e+00> : vector<256xf32>
    %reduce_sum3A_612 = vector.multi_reduction <add>, %mul3A_610, %reduce_sum3A_611 [1] : vector<256x128xf32> to vector<256xf32>
    %broadcast_in_dim3A_613 = vector.shape_cast %reduce_sum3A_612 : vector<256xf32> to vector<256x1xf32>
    %add3A_614 = arith.addf %broadcast_in_dim3A_613, %broadcast_in_dim3A_581 : vector<256x1xf32>
    %add3A_615 = vector.broadcast %get3A_11 : f32 to vector<256x1xf32>
    %add3A_616 = arith.addf %add3A_614, %add3A_615 : vector<256x1xf32>
    %get3A_617 = arith.constant 11 : index
    %get3A_618 = arith.constant 0 : index
    %get3A_619 = arith.constant 0 : index
    %get3A_620 = vector.load %arg1[%get3A_617, %get3A_618, %get3A_619] : memref<16x256x128xf32, #tpu.memory_space<vmem>>, vector<1x256x128xf32>
    %get3A_621 = vector.shape_cast %get3A_620 : vector<1x256x128xf32> to vector<256x128xf32>
    %get3A_622 = arith.constant 0 : index
    %get3A_623 = arith.constant 11 : index
    %get3A_624 = vector.load %arg2[%get3A_622, %get3A_623] : memref<256x16xi32, #tpu.memory_space<vmem>>, vector<256x1xi32>
    %eq3A_625 = vector.broadcast %get3A_624 : vector<256x1xi32> to vector<256x32xi32>
    %eq3A_626 = vector.broadcast %iota3A : vector<1x32xi32> to vector<256x32xi32>
    %eq3A_627 = arith.cmpi eq, %eq3A_625, %eq3A_626 : vector<256x32xi32>
    %convert_element_type3A_628 = arith.extui %eq3A_627 : vector<256x32xi1> to vector<256x32xi32>
    %convert_element_type3A_629 = arith.sitofp %convert_element_type3A_628 : vector<256x32xi32> to vector<256x32xf32>
    %dot_general3A_630 = arith.constant dense<0.000000e+00> : vector<256x128xf32>
    %dot_general3A_631 = tpu.matmul %convert_element_type3A_629, %get3A_14, %dot_general3A_630 {dimension_numbers = #tpu.dot_dimension_numbers<[1], [0], [0], [1], [0, 0, 1, 1], [], []>, transpose_lhs_hint = false} : vector<256x32xf32>, vector<32x128xf32>, vector<256x128xf32> -> vector<256x128xf32>
    %mul3A_632 = vector.broadcast %get3A_4 : vector<1x128xf32> to vector<256x128xf32>
    %mul3A_633 = arith.mulf %dot_general3A_631, %mul3A_632 : vector<256x128xf32>
    %reduce_sum3A_634 = arith.constant dense<0.000000e+00> : vector<256xf32>
    %reduce_sum3A_635 = vector.multi_reduction <add>, %mul3A_633, %reduce_sum3A_634 [1] : vector<256x128xf32> to vector<256xf32>
    %broadcast_in_dim3A_636 = vector.shape_cast %reduce_sum3A_635 : vector<256xf32> to vector<256x1xf32>
    %mul3A_637 = vector.broadcast %get3A_1 : vector<1x128xf32> to vector<256x128xf32>
    %mul3A_638 = arith.mulf %get3A_621, %mul3A_637 : vector<256x128xf32>
    %reduce_sum3A_639 = arith.constant dense<0.000000e+00> : vector<256xf32>
    %reduce_sum3A_640 = vector.multi_reduction <add>, %mul3A_638, %reduce_sum3A_639 [1] : vector<256x128xf32> to vector<256xf32>
    %broadcast_in_dim3A_641 = vector.shape_cast %reduce_sum3A_640 : vector<256xf32> to vector<256x1xf32>
    %add3A_642 = arith.addf %broadcast_in_dim3A_641, %broadcast_in_dim3A_636 : vector<256x1xf32>
    %add3A_643 = vector.broadcast %get3A_11 : f32 to vector<256x1xf32>
    %add3A_644 = arith.addf %add3A_642, %add3A_643 : vector<256x1xf32>
    %dot_general3A_645 = arith.constant dense<0.000000e+00> : vector<256x128xf32>
    %dot_general3A_646 = tpu.matmul %get3A_621, %get3A_17, %dot_general3A_645 {dimension_numbers = #tpu.dot_dimension_numbers<[1], [0], [0], [1], [0, 0, 1, 1], [], []>, transpose_lhs_hint = false} : vector<256x128xf32>, vector<128x128xf32>, vector<256x128xf32> -> vector<256x128xf32>
    %dot_general3A_647 = arith.constant dense<0.000000e+00> : vector<256x128xf32>
    %dot_general3A_648 = tpu.matmul %dot_general3A_631, %get3A_20, %dot_general3A_647 {dimension_numbers = #tpu.dot_dimension_numbers<[1], [0], [0], [1], [0, 0, 1, 1], [], []>, transpose_lhs_hint = false} : vector<256x128xf32>, vector<128x128xf32>, vector<256x128xf32> -> vector<256x128xf32>
    %add3A_649 = arith.addf %dot_general3A_646, %dot_general3A_648 : vector<256x128xf32>
    %add3A_650 = vector.broadcast %get3A_7 : vector<1x128xf32> to vector<256x128xf32>
    %add3A_651 = arith.addf %add3A_649, %add3A_650 : vector<256x128xf32>
    %logistic3A_652 = arith.negf %add3A_651 : vector<256x128xf32>
    %logistic3A_653 = math.exp %logistic3A_652 : vector<256x128xf32>
    %logistic3A_654 = arith.constant 1.000000e+00 : f32
    %logistic3A_655 = vector.broadcast %logistic3A_654 : f32 to vector<256x128xf32>
    %logistic3A_656 = arith.addf %logistic3A_655, %logistic3A_653 : vector<256x128xf32>
    %logistic3A_657 = arith.divf %logistic3A_655, %logistic3A_656 : vector<256x128xf32>
    %swap3A_658 = arith.constant 11 : index
    %swap3A_659 = arith.constant 0 : index
    %swap3A_660 = arith.constant 0 : index
    %swap3A_661 = vector.load %arg12[%swap3A_658, %swap3A_659, %swap3A_660] : memref<16x256x128xf32, #tpu.memory_space<vmem>>, vector<1x256x128xf32>
    %swap3A_662 = vector.shape_cast %swap3A_661 : vector<1x256x128xf32> to vector<256x128xf32>
    %swap3A_663 = vector.shape_cast %logistic3A_657 : vector<256x128xf32> to vector<1x256x128xf32>
    tpu.vector_store %arg12[%swap3A_658, %swap3A_659, %swap3A_660], %swap3A_663 {strides = array<i32>} : memref<16x256x128xf32, #tpu.memory_space<vmem>>, vector<1x256x128xf32>,
    %mul3A_664 = vector.broadcast %get3A_1 : vector<1x128xf32> to vector<256x128xf32>
    %mul3A_665 = arith.mulf %logistic3A_657, %mul3A_664 : vector<256x128xf32>
    %reduce_sum3A_666 = arith.constant dense<0.000000e+00> : vector<256xf32>
    %reduce_sum3A_667 = vector.multi_reduction <add>, %mul3A_665, %reduce_sum3A_666 [1] : vector<256x128xf32> to vector<256xf32>
    %broadcast_in_dim3A_668 = vector.shape_cast %reduce_sum3A_667 : vector<256xf32> to vector<256x1xf32>
    %add3A_669 = arith.addf %broadcast_in_dim3A_668, %broadcast_in_dim3A_636 : vector<256x1xf32>
    %add3A_670 = vector.broadcast %get3A_11 : f32 to vector<256x1xf32>
    %add3A_671 = arith.addf %add3A_669, %add3A_670 : vector<256x1xf32>
    %get3A_672 = arith.constant 12 : index
    %get3A_673 = arith.constant 0 : index
    %get3A_674 = arith.constant 0 : index
    %get3A_675 = vector.load %arg1[%get3A_672, %get3A_673, %get3A_674] : memref<16x256x128xf32, #tpu.memory_space<vmem>>, vector<1x256x128xf32>
    %get3A_676 = vector.shape_cast %get3A_675 : vector<1x256x128xf32> to vector<256x128xf32>
    %get3A_677 = arith.constant 0 : index
    %get3A_678 = arith.constant 12 : index
    %get3A_679 = vector.load %arg2[%get3A_677, %get3A_678] : memref<256x16xi32, #tpu.memory_space<vmem>>, vector<256x1xi32>
    %eq3A_680 = vector.broadcast %get3A_679 : vector<256x1xi32> to vector<256x32xi32>
    %eq3A_681 = vector.broadcast %iota3A : vector<1x32xi32> to vector<256x32xi32>
    %eq3A_682 = arith.cmpi eq, %eq3A_680, %eq3A_681 : vector<256x32xi32>
    %convert_element_type3A_683 = arith.extui %eq3A_682 : vector<256x32xi1> to vector<256x32xi32>
    %convert_element_type3A_684 = arith.sitofp %convert_element_type3A_683 : vector<256x32xi32> to vector<256x32xf32>
    %dot_general3A_685 = arith.constant dense<0.000000e+00> : vector<256x128xf32>
    %dot_general3A_686 = tpu.matmul %convert_element_type3A_684, %get3A_14, %dot_general3A_685 {dimension_numbers = #tpu.dot_dimension_numbers<[1], [0], [0], [1], [0, 0, 1, 1], [], []>, transpose_lhs_hint = false} : vector<256x32xf32>, vector<32x128xf32>, vector<256x128xf32> -> vector<256x128xf32>
    %mul3A_687 = vector.broadcast %get3A_4 : vector<1x128xf32> to vector<256x128xf32>
    %mul3A_688 = arith.mulf %dot_general3A_686, %mul3A_687 : vector<256x128xf32>
    %reduce_sum3A_689 = arith.constant dense<0.000000e+00> : vector<256xf32>
    %reduce_sum3A_690 = vector.multi_reduction <add>, %mul3A_688, %reduce_sum3A_689 [1] : vector<256x128xf32> to vector<256xf32>
    %broadcast_in_dim3A_691 = vector.shape_cast %reduce_sum3A_690 : vector<256xf32> to vector<256x1xf32>
    %mul3A_692 = vector.broadcast %get3A_1 : vector<1x128xf32> to vector<256x128xf32>
    %mul3A_693 = arith.mulf %get3A_676, %mul3A_692 : vector<256x128xf32>
    %reduce_sum3A_694 = arith.constant dense<0.000000e+00> : vector<256xf32>
    %reduce_sum3A_695 = vector.multi_reduction <add>, %mul3A_693, %reduce_sum3A_694 [1] : vector<256x128xf32> to vector<256xf32>
    %broadcast_in_dim3A_696 = vector.shape_cast %reduce_sum3A_695 : vector<256xf32> to vector<256x1xf32>
    %add3A_697 = arith.addf %broadcast_in_dim3A_696, %broadcast_in_dim3A_691 : vector<256x1xf32>
    %add3A_698 = vector.broadcast %get3A_11 : f32 to vector<256x1xf32>
    %add3A_699 = arith.addf %add3A_697, %add3A_698 : vector<256x1xf32>
    %dot_general3A_700 = arith.constant dense<0.000000e+00> : vector<256x128xf32>
    %dot_general3A_701 = tpu.matmul %get3A_676, %get3A_17, %dot_general3A_700 {dimension_numbers = #tpu.dot_dimension_numbers<[1], [0], [0], [1], [0, 0, 1, 1], [], []>, transpose_lhs_hint = false} : vector<256x128xf32>, vector<128x128xf32>, vector<256x128xf32> -> vector<256x128xf32>
    %dot_general3A_702 = arith.constant dense<0.000000e+00> : vector<256x128xf32>
    %dot_general3A_703 = tpu.matmul %dot_general3A_686, %get3A_20, %dot_general3A_702 {dimension_numbers = #tpu.dot_dimension_numbers<[1], [0], [0], [1], [0, 0, 1, 1], [], []>, transpose_lhs_hint = false} : vector<256x128xf32>, vector<128x128xf32>, vector<256x128xf32> -> vector<256x128xf32>
    %add3A_704 = arith.addf %dot_general3A_701, %dot_general3A_703 : vector<256x128xf32>
    %add3A_705 = vector.broadcast %get3A_7 : vector<1x128xf32> to vector<256x128xf32>
    %add3A_706 = arith.addf %add3A_704, %add3A_705 : vector<256x128xf32>
    %logistic3A_707 = arith.negf %add3A_706 : vector<256x128xf32>
    %logistic3A_708 = math.exp %logistic3A_707 : vector<256x128xf32>
    %logistic3A_709 = arith.constant 1.000000e+00 : f32
    %logistic3A_710 = vector.broadcast %logistic3A_709 : f32 to vector<256x128xf32>
    %logistic3A_711 = arith.addf %logistic3A_710, %logistic3A_708 : vector<256x128xf32>
    %logistic3A_712 = arith.divf %logistic3A_710, %logistic3A_711 : vector<256x128xf32>
    %swap3A_713 = arith.constant 12 : index
    %swap3A_714 = arith.constant 0 : index
    %swap3A_715 = arith.constant 0 : index
    %swap3A_716 = vector.load %arg12[%swap3A_713, %swap3A_714, %swap3A_715] : memref<16x256x128xf32, #tpu.memory_space<vmem>>, vector<1x256x128xf32>
    %swap3A_717 = vector.shape_cast %swap3A_716 : vector<1x256x128xf32> to vector<256x128xf32>
    %swap3A_718 = vector.shape_cast %logistic3A_712 : vector<256x128xf32> to vector<1x256x128xf32>
    tpu.vector_store %arg12[%swap3A_713, %swap3A_714, %swap3A_715], %swap3A_718 {strides = array<i32>} : memref<16x256x128xf32, #tpu.memory_space<vmem>>, vector<1x256x128xf32>,
    %mul3A_719 = vector.broadcast %get3A_1 : vector<1x128xf32> to vector<256x128xf32>
    %mul3A_720 = arith.mulf %logistic3A_712, %mul3A_719 : vector<256x128xf32>
    %reduce_sum3A_721 = arith.constant dense<0.000000e+00> : vector<256xf32>
    %reduce_sum3A_722 = vector.multi_reduction <add>, %mul3A_720, %reduce_sum3A_721 [1] : vector<256x128xf32> to vector<256xf32>
    %broadcast_in_dim3A_723 = vector.shape_cast %reduce_sum3A_722 : vector<256xf32> to vector<256x1xf32>
    %add3A_724 = arith.addf %broadcast_in_dim3A_723, %broadcast_in_dim3A_691 : vector<256x1xf32>
    %add3A_725 = vector.broadcast %get3A_11 : f32 to vector<256x1xf32>
    %add3A_726 = arith.addf %add3A_724, %add3A_725 : vector<256x1xf32>
    %get3A_727 = arith.constant 13 : index
    %get3A_728 = arith.constant 0 : index
    %get3A_729 = arith.constant 0 : index
    %get3A_730 = vector.load %arg1[%get3A_727, %get3A_728, %get3A_729] : memref<16x256x128xf32, #tpu.memory_space<vmem>>, vector<1x256x128xf32>
    %get3A_731 = vector.shape_cast %get3A_730 : vector<1x256x128xf32> to vector<256x128xf32>
    %get3A_732 = arith.constant 0 : index
    %get3A_733 = arith.constant 13 : index
    %get3A_734 = vector.load %arg2[%get3A_732, %get3A_733] : memref<256x16xi32, #tpu.memory_space<vmem>>, vector<256x1xi32>
    %eq3A_735 = vector.broadcast %get3A_734 : vector<256x1xi32> to vector<256x32xi32>
    %eq3A_736 = vector.broadcast %iota3A : vector<1x32xi32> to vector<256x32xi32>
    %eq3A_737 = arith.cmpi eq, %eq3A_735, %eq3A_736 : vector<256x32xi32>
    %convert_element_type3A_738 = arith.extui %eq3A_737 : vector<256x32xi1> to vector<256x32xi32>
    %convert_element_type3A_739 = arith.sitofp %convert_element_type3A_738 : vector<256x32xi32> to vector<256x32xf32>
    %dot_general3A_740 = arith.constant dense<0.000000e+00> : vector<256x128xf32>
    %dot_general3A_741 = tpu.matmul %convert_element_type3A_739, %get3A_14, %dot_general3A_740 {dimension_numbers = #tpu.dot_dimension_numbers<[1], [0], [0], [1], [0, 0, 1, 1], [], []>, transpose_lhs_hint = false} : vector<256x32xf32>, vector<32x128xf32>, vector<256x128xf32> -> vector<256x128xf32>
    %mul3A_742 = vector.broadcast %get3A_4 : vector<1x128xf32> to vector<256x128xf32>
    %mul3A_743 = arith.mulf %dot_general3A_741, %mul3A_742 : vector<256x128xf32>
    %reduce_sum3A_744 = arith.constant dense<0.000000e+00> : vector<256xf32>
    %reduce_sum3A_745 = vector.multi_reduction <add>, %mul3A_743, %reduce_sum3A_744 [1] : vector<256x128xf32> to vector<256xf32>
    %broadcast_in_dim3A_746 = vector.shape_cast %reduce_sum3A_745 : vector<256xf32> to vector<256x1xf32>
    %mul3A_747 = vector.broadcast %get3A_1 : vector<1x128xf32> to vector<256x128xf32>
    %mul3A_748 = arith.mulf %get3A_731, %mul3A_747 : vector<256x128xf32>
    %reduce_sum3A_749 = arith.constant dense<0.000000e+00> : vector<256xf32>
    %reduce_sum3A_750 = vector.multi_reduction <add>, %mul3A_748, %reduce_sum3A_749 [1] : vector<256x128xf32> to vector<256xf32>
    %broadcast_in_dim3A_751 = vector.shape_cast %reduce_sum3A_750 : vector<256xf32> to vector<256x1xf32>
    %add3A_752 = arith.addf %broadcast_in_dim3A_751, %broadcast_in_dim3A_746 : vector<256x1xf32>
    %add3A_753 = vector.broadcast %get3A_11 : f32 to vector<256x1xf32>
    %add3A_754 = arith.addf %add3A_752, %add3A_753 : vector<256x1xf32>
    %dot_general3A_755 = arith.constant dense<0.000000e+00> : vector<256x128xf32>
    %dot_general3A_756 = tpu.matmul %get3A_731, %get3A_17, %dot_general3A_755 {dimension_numbers = #tpu.dot_dimension_numbers<[1], [0], [0], [1], [0, 0, 1, 1], [], []>, transpose_lhs_hint = false} : vector<256x128xf32>, vector<128x128xf32>, vector<256x128xf32> -> vector<256x128xf32>
    %dot_general3A_757 = arith.constant dense<0.000000e+00> : vector<256x128xf32>
    %dot_general3A_758 = tpu.matmul %dot_general3A_741, %get3A_20, %dot_general3A_757 {dimension_numbers = #tpu.dot_dimension_numbers<[1], [0], [0], [1], [0, 0, 1, 1], [], []>, transpose_lhs_hint = false} : vector<256x128xf32>, vector<128x128xf32>, vector<256x128xf32> -> vector<256x128xf32>
    %add3A_759 = arith.addf %dot_general3A_756, %dot_general3A_758 : vector<256x128xf32>
    %add3A_760 = vector.broadcast %get3A_7 : vector<1x128xf32> to vector<256x128xf32>
    %add3A_761 = arith.addf %add3A_759, %add3A_760 : vector<256x128xf32>
    %logistic3A_762 = arith.negf %add3A_761 : vector<256x128xf32>
    %logistic3A_763 = math.exp %logistic3A_762 : vector<256x128xf32>
    %logistic3A_764 = arith.constant 1.000000e+00 : f32
    %logistic3A_765 = vector.broadcast %logistic3A_764 : f32 to vector<256x128xf32>
    %logistic3A_766 = arith.addf %logistic3A_765, %logistic3A_763 : vector<256x128xf32>
    %logistic3A_767 = arith.divf %logistic3A_765, %logistic3A_766 : vector<256x128xf32>
    %swap3A_768 = arith.constant 13 : index
    %swap3A_769 = arith.constant 0 : index
    %swap3A_770 = arith.constant 0 : index
    %swap3A_771 = vector.load %arg12[%swap3A_768, %swap3A_769, %swap3A_770] : memref<16x256x128xf32, #tpu.memory_space<vmem>>, vector<1x256x128xf32>
    %swap3A_772 = vector.shape_cast %swap3A_771 : vector<1x256x128xf32> to vector<256x128xf32>
    %swap3A_773 = vector.shape_cast %logistic3A_767 : vector<256x128xf32> to vector<1x256x128xf32>
    tpu.vector_store %arg12[%swap3A_768, %swap3A_769, %swap3A_770], %swap3A_773 {strides = array<i32>} : memref<16x256x128xf32, #tpu.memory_space<vmem>>, vector<1x256x128xf32>,
    %mul3A_774 = vector.broadcast %get3A_1 : vector<1x128xf32> to vector<256x128xf32>
    %mul3A_775 = arith.mulf %logistic3A_767, %mul3A_774 : vector<256x128xf32>
    %reduce_sum3A_776 = arith.constant dense<0.000000e+00> : vector<256xf32>
    %reduce_sum3A_777 = vector.multi_reduction <add>, %mul3A_775, %reduce_sum3A_776 [1] : vector<256x128xf32> to vector<256xf32>
    %broadcast_in_dim3A_778 = vector.shape_cast %reduce_sum3A_777 : vector<256xf32> to vector<256x1xf32>
    %add3A_779 = arith.addf %broadcast_in_dim3A_778, %broadcast_in_dim3A_746 : vector<256x1xf32>
    %add3A_780 = vector.broadcast %get3A_11 : f32 to vector<256x1xf32>
    %add3A_781 = arith.addf %add3A_779, %add3A_780 : vector<256x1xf32>
    %get3A_782 = arith.constant 14 : index
    %get3A_783 = arith.constant 0 : index
    %get3A_784 = arith.constant 0 : index
    %get3A_785 = vector.load %arg1[%get3A_782, %get3A_783, %get3A_784] : memref<16x256x128xf32, #tpu.memory_space<vmem>>, vector<1x256x128xf32>
    %get3A_786 = vector.shape_cast %get3A_785 : vector<1x256x128xf32> to vector<256x128xf32>
    %get3A_787 = arith.constant 0 : index
    %get3A_788 = arith.constant 14 : index
    %get3A_789 = vector.load %arg2[%get3A_787, %get3A_788] : memref<256x16xi32, #tpu.memory_space<vmem>>, vector<256x1xi32>
    %eq3A_790 = vector.broadcast %get3A_789 : vector<256x1xi32> to vector<256x32xi32>
    %eq3A_791 = vector.broadcast %iota3A : vector<1x32xi32> to vector<256x32xi32>
    %eq3A_792 = arith.cmpi eq, %eq3A_790, %eq3A_791 : vector<256x32xi32>
    %convert_element_type3A_793 = arith.extui %eq3A_792 : vector<256x32xi1> to vector<256x32xi32>
    %convert_element_type3A_794 = arith.sitofp %convert_element_type3A_793 : vector<256x32xi32> to vector<256x32xf32>
    %dot_general3A_795 = arith.constant dense<0.000000e+00> : vector<256x128xf32>
    %dot_general3A_796 = tpu.matmul %convert_element_type3A_794, %get3A_14, %dot_general3A_795 {dimension_numbers = #tpu.dot_dimension_numbers<[1], [0], [0], [1], [0, 0, 1, 1], [], []>, transpose_lhs_hint = false} : vector<256x32xf32>, vector<32x128xf32>, vector<256x128xf32> -> vector<256x128xf32>
    %mul3A_797 = vector.broadcast %get3A_4 : vector<1x128xf32> to vector<256x128xf32>
    %mul3A_798 = arith.mulf %dot_general3A_796, %mul3A_797 : vector<256x128xf32>
    %reduce_sum3A_799 = arith.constant dense<0.000000e+00> : vector<256xf32>
    %reduce_sum3A_800 = vector.multi_reduction <add>, %mul3A_798, %reduce_sum3A_799 [1] : vector<256x128xf32> to vector<256xf32>
    %broadcast_in_dim3A_801 = vector.shape_cast %reduce_sum3A_800 : vector<256xf32> to vector<256x1xf32>
    %mul3A_802 = vector.broadcast %get3A_1 : vector<1x128xf32> to vector<256x128xf32>
    %mul3A_803 = arith.mulf %get3A_786, %mul3A_802 : vector<256x128xf32>
    %reduce_sum3A_804 = arith.constant dense<0.000000e+00> : vector<256xf32>
    %reduce_sum3A_805 = vector.multi_reduction <add>, %mul3A_803, %reduce_sum3A_804 [1] : vector<256x128xf32> to vector<256xf32>
    %broadcast_in_dim3A_806 = vector.shape_cast %reduce_sum3A_805 : vector<256xf32> to vector<256x1xf32>
    %add3A_807 = arith.addf %broadcast_in_dim3A_806, %broadcast_in_dim3A_801 : vector<256x1xf32>
    %add3A_808 = vector.broadcast %get3A_11 : f32 to vector<256x1xf32>
    %add3A_809 = arith.addf %add3A_807, %add3A_808 : vector<256x1xf32>
    %dot_general3A_810 = arith.constant dense<0.000000e+00> : vector<256x128xf32>
    %dot_general3A_811 = tpu.matmul %get3A_786, %get3A_17, %dot_general3A_810 {dimension_numbers = #tpu.dot_dimension_numbers<[1], [0], [0], [1], [0, 0, 1, 1], [], []>, transpose_lhs_hint = false} : vector<256x128xf32>, vector<128x128xf32>, vector<256x128xf32> -> vector<256x128xf32>
    %dot_general3A_812 = arith.constant dense<0.000000e+00> : vector<256x128xf32>
    %dot_general3A_813 = tpu.matmul %dot_general3A_796, %get3A_20, %dot_general3A_812 {dimension_numbers = #tpu.dot_dimension_numbers<[1], [0], [0], [1], [0, 0, 1, 1], [], []>, transpose_lhs_hint = false} : vector<256x128xf32>, vector<128x128xf32>, vector<256x128xf32> -> vector<256x128xf32>
    %add3A_814 = arith.addf %dot_general3A_811, %dot_general3A_813 : vector<256x128xf32>
    %add3A_815 = vector.broadcast %get3A_7 : vector<1x128xf32> to vector<256x128xf32>
    %add3A_816 = arith.addf %add3A_814, %add3A_815 : vector<256x128xf32>
    %logistic3A_817 = arith.negf %add3A_816 : vector<256x128xf32>
    %logistic3A_818 = math.exp %logistic3A_817 : vector<256x128xf32>
    %logistic3A_819 = arith.constant 1.000000e+00 : f32
    %logistic3A_820 = vector.broadcast %logistic3A_819 : f32 to vector<256x128xf32>
    %logistic3A_821 = arith.addf %logistic3A_820, %logistic3A_818 : vector<256x128xf32>
    %logistic3A_822 = arith.divf %logistic3A_820, %logistic3A_821 : vector<256x128xf32>
    %swap3A_823 = arith.constant 14 : index
    %swap3A_824 = arith.constant 0 : index
    %swap3A_825 = arith.constant 0 : index
    %swap3A_826 = vector.load %arg12[%swap3A_823, %swap3A_824, %swap3A_825] : memref<16x256x128xf32, #tpu.memory_space<vmem>>, vector<1x256x128xf32>
    %swap3A_827 = vector.shape_cast %swap3A_826 : vector<1x256x128xf32> to vector<256x128xf32>
    %swap3A_828 = vector.shape_cast %logistic3A_822 : vector<256x128xf32> to vector<1x256x128xf32>
    tpu.vector_store %arg12[%swap3A_823, %swap3A_824, %swap3A_825], %swap3A_828 {strides = array<i32>} : memref<16x256x128xf32, #tpu.memory_space<vmem>>, vector<1x256x128xf32>,
    %mul3A_829 = vector.broadcast %get3A_1 : vector<1x128xf32> to vector<256x128xf32>
    %mul3A_830 = arith.mulf %logistic3A_822, %mul3A_829 : vector<256x128xf32>
    %reduce_sum3A_831 = arith.constant dense<0.000000e+00> : vector<256xf32>
    %reduce_sum3A_832 = vector.multi_reduction <add>, %mul3A_830, %reduce_sum3A_831 [1] : vector<256x128xf32> to vector<256xf32>
    %broadcast_in_dim3A_833 = vector.shape_cast %reduce_sum3A_832 : vector<256xf32> to vector<256x1xf32>
    %add3A_834 = arith.addf %broadcast_in_dim3A_833, %broadcast_in_dim3A_801 : vector<256x1xf32>
    %add3A_835 = vector.broadcast %get3A_11 : f32 to vector<256x1xf32>
    %add3A_836 = arith.addf %add3A_834, %add3A_835 : vector<256x1xf32>
    %get3A_837 = arith.constant 15 : index
    %get3A_838 = arith.constant 0 : index
    %get3A_839 = arith.constant 0 : index
    %get3A_840 = vector.load %arg1[%get3A_837, %get3A_838, %get3A_839] : memref<16x256x128xf32, #tpu.memory_space<vmem>>, vector<1x256x128xf32>
    %get3A_841 = vector.shape_cast %get3A_840 : vector<1x256x128xf32> to vector<256x128xf32>
    %get3A_842 = arith.constant 0 : index
    %get3A_843 = arith.constant 15 : index
    %get3A_844 = vector.load %arg2[%get3A_842, %get3A_843] : memref<256x16xi32, #tpu.memory_space<vmem>>, vector<256x1xi32>
    %eq3A_845 = vector.broadcast %get3A_844 : vector<256x1xi32> to vector<256x32xi32>
    %eq3A_846 = vector.broadcast %iota3A : vector<1x32xi32> to vector<256x32xi32>
    %eq3A_847 = arith.cmpi eq, %eq3A_845, %eq3A_846 : vector<256x32xi32>
    %convert_element_type3A_848 = arith.extui %eq3A_847 : vector<256x32xi1> to vector<256x32xi32>
    %convert_element_type3A_849 = arith.sitofp %convert_element_type3A_848 : vector<256x32xi32> to vector<256x32xf32>
    %dot_general3A_850 = arith.constant dense<0.000000e+00> : vector<256x128xf32>
    %dot_general3A_851 = tpu.matmul %convert_element_type3A_849, %get3A_14, %dot_general3A_850 {dimension_numbers = #tpu.dot_dimension_numbers<[1], [0], [0], [1], [0, 0, 1, 1], [], []>, transpose_lhs_hint = false} : vector<256x32xf32>, vector<32x128xf32>, vector<256x128xf32> -> vector<256x128xf32>
    %mul3A_852 = vector.broadcast %get3A_4 : vector<1x128xf32> to vector<256x128xf32>
    %mul3A_853 = arith.mulf %dot_general3A_851, %mul3A_852 : vector<256x128xf32>
    %reduce_sum3A_854 = arith.constant dense<0.000000e+00> : vector<256xf32>
    %reduce_sum3A_855 = vector.multi_reduction <add>, %mul3A_853, %reduce_sum3A_854 [1] : vector<256x128xf32> to vector<256xf32>
    %broadcast_in_dim3A_856 = vector.shape_cast %reduce_sum3A_855 : vector<256xf32> to vector<256x1xf32>
    %mul3A_857 = vector.broadcast %get3A_1 : vector<1x128xf32> to vector<256x128xf32>
    %mul3A_858 = arith.mulf %get3A_841, %mul3A_857 : vector<256x128xf32>
    %reduce_sum3A_859 = arith.constant dense<0.000000e+00> : vector<256xf32>
    %reduce_sum3A_860 = vector.multi_reduction <add>, %mul3A_858, %reduce_sum3A_859 [1] : vector<256x128xf32> to vector<256xf32>
    %broadcast_in_dim3A_861 = vector.shape_cast %reduce_sum3A_860 : vector<256xf32> to vector<256x1xf32>
    %add3A_862 = arith.addf %broadcast_in_dim3A_861, %broadcast_in_dim3A_856 : vector<256x1xf32>
    %add3A_863 = vector.broadcast %get3A_11 : f32 to vector<256x1xf32>
    %add3A_864 = arith.addf %add3A_862, %add3A_863 : vector<256x1xf32>
    %dot_general3A_865 = arith.constant dense<0.000000e+00> : vector<256x128xf32>
    %dot_general3A_866 = tpu.matmul %get3A_841, %get3A_17, %dot_general3A_865 {dimension_numbers = #tpu.dot_dimension_numbers<[1], [0], [0], [1], [0, 0, 1, 1], [], []>, transpose_lhs_hint = false} : vector<256x128xf32>, vector<128x128xf32>, vector<256x128xf32> -> vector<256x128xf32>
    %dot_general3A_867 = arith.constant dense<0.000000e+00> : vector<256x128xf32>
    %dot_general3A_868 = tpu.matmul %dot_general3A_851, %get3A_20, %dot_general3A_867 {dimension_numbers = #tpu.dot_dimension_numbers<[1], [0], [0], [1], [0, 0, 1, 1], [], []>, transpose_lhs_hint = false} : vector<256x128xf32>, vector<128x128xf32>, vector<256x128xf32> -> vector<256x128xf32>
    %add3A_869 = arith.addf %dot_general3A_866, %dot_general3A_868 : vector<256x128xf32>
    %add3A_870 = vector.broadcast %get3A_7 : vector<1x128xf32> to vector<256x128xf32>
    %add3A_871 = arith.addf %add3A_869, %add3A_870 : vector<256x128xf32>
    %logistic3A_872 = arith.negf %add3A_871 : vector<256x128xf32>
    %logistic3A_873 = math.exp %logistic3A_872 : vector<256x128xf32>
    %logistic3A_874 = arith.constant 1.000000e+00 : f32
    %logistic3A_875 = vector.broadcast %logistic3A_874 : f32 to vector<256x128xf32>
    %logistic3A_876 = arith.addf %logistic3A_875, %logistic3A_873 : vector<256x128xf32>
    %logistic3A_877 = arith.divf %logistic3A_875, %logistic3A_876 : vector<256x128xf32>
    %swap3A_878 = arith.constant 15 : index
    %swap3A_879 = arith.constant 0 : index
    %swap3A_880 = arith.constant 0 : index
    %swap3A_881 = vector.load %arg12[%swap3A_878, %swap3A_879, %swap3A_880] : memref<16x256x128xf32, #tpu.memory_space<vmem>>, vector<1x256x128xf32>
    %swap3A_882 = vector.shape_cast %swap3A_881 : vector<1x256x128xf32> to vector<256x128xf32>
    %swap3A_883 = vector.shape_cast %logistic3A_877 : vector<256x128xf32> to vector<1x256x128xf32>
    tpu.vector_store %arg12[%swap3A_878, %swap3A_879, %swap3A_880], %swap3A_883 {strides = array<i32>} : memref<16x256x128xf32, #tpu.memory_space<vmem>>, vector<1x256x128xf32>,
    %mul3A_884 = vector.broadcast %get3A_1 : vector<1x128xf32> to vector<256x128xf32>
    %mul3A_885 = arith.mulf %logistic3A_877, %mul3A_884 : vector<256x128xf32>
    %reduce_sum3A_886 = arith.constant dense<0.000000e+00> : vector<256xf32>
    %reduce_sum3A_887 = vector.multi_reduction <add>, %mul3A_885, %reduce_sum3A_886 [1] : vector<256x128xf32> to vector<256xf32>
    %broadcast_in_dim3A_888 = vector.shape_cast %reduce_sum3A_887 : vector<256xf32> to vector<256x1xf32>
    %add3A_889 = arith.addf %broadcast_in_dim3A_888, %broadcast_in_dim3A_856 : vector<256x1xf32>
    %add3A_890 = vector.broadcast %get3A_11 : f32 to vector<256x1xf32>
    %add3A_891 = arith.addf %add3A_889, %add3A_890 : vector<256x1xf32>
    %concatenate3A = tpu.concatenate %add3A_41, %add3A_94, %add3A_149, %add3A_204, %add3A_259, %add3A_314, %add3A_369, %add3A_424, %add3A_479, %add3A_534, %add3A_589, %add3A_644, %add3A_699, %add3A_754, %add3A_809, %add3A_864 in 1 : vector<256x1xf32>, vector<256x1xf32>, vector<256x1xf32>, vector<256x1xf32>, vector<256x1xf32>, vector<256x1xf32>, vector<256x1xf32>, vector<256x1xf32>, vector<256x1xf32>, vector<256x1xf32>, vector<256x1xf32>, vector<256x1xf32>, vector<256x1xf32>, vector<256x1xf32>, vector<256x1xf32>, vector<256x1xf32> -> vector<256x16xf32>
    %logistic3A_892 = arith.negf %concatenate3A : vector<256x16xf32>
    %logistic3A_893 = math.exp %logistic3A_892 : vector<256x16xf32>
    %logistic3A_894 = arith.constant 1.000000e+00 : f32
    %logistic3A_895 = vector.broadcast %logistic3A_894 : f32 to vector<256x16xf32>
    %logistic3A_896 = arith.addf %logistic3A_895, %logistic3A_893 : vector<256x16xf32>
    %logistic3A_897 = arith.divf %logistic3A_895, %logistic3A_896 : vector<256x16xf32>
    %concatenate3A_898 = tpu.concatenate %add3A_66, %add3A_121, %add3A_176, %add3A_231, %add3A_286, %add3A_341, %add3A_396, %add3A_451, %add3A_506, %add3A_561, %add3A_616, %add3A_671, %add3A_726, %add3A_781, %add3A_836, %add3A_891 in 1 : vector<256x1xf32>, vector<256x1xf32>, vector<256x1xf32>, vector<256x1xf32>, vector<256x1xf32>, vector<256x1xf32>, vector<256x1xf32>, vector<256x1xf32>, vector<256x1xf32>, vector<256x1xf32>, vector<256x1xf32>, vector<256x1xf32>, vector<256x1xf32>, vector<256x1xf32>, vector<256x1xf32>, vector<256x1xf32> -> vector<256x16xf32>
    %logistic3A_899 = arith.negf %concatenate3A_898 : vector<256x16xf32>
    %logistic3A_900 = math.exp %logistic3A_899 : vector<256x16xf32>
    %logistic3A_901 = arith.constant 1.000000e+00 : f32
    %logistic3A_902 = vector.broadcast %logistic3A_901 : f32 to vector<256x16xf32>
    %logistic3A_903 = arith.addf %logistic3A_902, %logistic3A_900 : vector<256x16xf32>
    %logistic3A_904 = arith.divf %logistic3A_902, %logistic3A_903 : vector<256x16xf32>
    %reduce_max3A = arith.constant dense<0xFF800000> : vector<256xf32>
    %reduce_max3A_905 = vector.multi_reduction <maximumf>, %logistic3A_897, %reduce_max3A [1] : vector<256x16xf32> to vector<256xf32>
    %max3A = arith.constant 0xFF800000 : f32
    %max3A_906 = vector.broadcast %max3A : f32 to vector<256xf32>
    %max3A_907 = arith.maximumf %max3A_906, %reduce_max3A_905 : vector<256xf32>
    %broadcast_in_dim3A_908 = vector.shape_cast %max3A_907 : vector<256xf32> to vector<256x1xf32>
    %sub3A = vector.broadcast %broadcast_in_dim3A_908 : vector<256x1xf32> to vector<256x16xf32>
    %sub3A_909 = arith.subf %logistic3A_897, %sub3A : vector<256x16xf32>
    %exp3A = math.exp %sub3A_909 : vector<256x16xf32>
    %reduce_sum3A_910 = arith.constant dense<0.000000e+00> : vector<256xf32>
    %reduce_sum3A_911 = vector.multi_reduction <add>, %exp3A, %reduce_sum3A_910 [1] : vector<256x16xf32> to vector<256xf32>
    %broadcast_in_dim3A_912 = vector.shape_cast %reduce_sum3A_911 : vector<256xf32> to vector<256x1xf32>
    %div3A = vector.broadcast %broadcast_in_dim3A_912 : vector<256x1xf32> to vector<256x16xf32>
    %div3A_913 = arith.divf %exp3A, %div3A : vector<256x16xf32>
    %reduce_max3A_914 = arith.constant dense<0xFF800000> : vector<256xf32>
    %reduce_max3A_915 = vector.multi_reduction <maximumf>, %logistic3A_904, %reduce_max3A_914 [1] : vector<256x16xf32> to vector<256xf32>
    %max3A_916 = arith.constant 0xFF800000 : f32
    %max3A_917 = vector.broadcast %max3A_916 : f32 to vector<256xf32>
    %max3A_918 = arith.maximumf %max3A_917, %reduce_max3A_915 : vector<256xf32>
    %broadcast_in_dim3A_919 = vector.shape_cast %max3A_918 : vector<256xf32> to vector<256x1xf32>
    %sub3A_920 = vector.broadcast %broadcast_in_dim3A_919 : vector<256x1xf32> to vector<256x16xf32>
    %sub3A_921 = arith.subf %logistic3A_904, %sub3A_920 : vector<256x16xf32>
    %exp3A_922 = math.exp %sub3A_921 : vector<256x16xf32>
    %reduce_sum3A_923 = arith.constant dense<0.000000e+00> : vector<256xf32>
    %reduce_sum3A_924 = vector.multi_reduction <add>, %exp3A_922, %reduce_sum3A_923 [1] : vector<256x16xf32> to vector<256xf32>
    %broadcast_in_dim3A_925 = vector.shape_cast %reduce_sum3A_924 : vector<256xf32> to vector<256x1xf32>
    %div3A_926 = vector.broadcast %broadcast_in_dim3A_925 : vector<256x1xf32> to vector<256x16xf32>
    %div3A_927 = arith.divf %exp3A_922, %div3A_926 : vector<256x16xf32>
    %get3A_928 = arith.constant 0 : index
    %get3A_929 = arith.constant 0 : index
    %get3A_930 = vector.load %arg3[%get3A_928, %get3A_929] : memref<256x128xf32, #tpu.memory_space<vmem>>, vector<256x128xf32>
    %get3A_931 = arith.constant 0 : index
    %get3A_932 = arith.constant 0 : index
    %get3A_933 = arith.constant 0 : index
    %get3A_934 = vector.load %arg1[%get3A_931, %get3A_932, %get3A_933] : memref<16x256x128xf32, #tpu.memory_space<vmem>>, vector<1x256x128xf32>
    %get3A_935 = vector.shape_cast %get3A_934 : vector<1x256x128xf32> to vector<256x128xf32>
    %slice3A = vector.extract_strided_slice %div3A_913 {offsets = [0, 0], sizes = [256, 1], strides = [1, 1]} : vector<256x16xf32> to vector<256x1xf32>
    %mul3A_936 = vector.broadcast %slice3A : vector<256x1xf32> to vector<256x128xf32>
    %mul3A_937 = arith.mulf %get3A_935, %mul3A_936 : vector<256x128xf32>
    %add3A_938 = arith.addf %get3A_930, %mul3A_937 : vector<256x128xf32>
    %get3A_939 = arith.constant 0 : index
    %get3A_940 = arith.constant 0 : index
    %get3A_941 = arith.constant 0 : index
    %get3A_942 = vector.load %arg12[%get3A_939, %get3A_940, %get3A_941] : memref<16x256x128xf32, #tpu.memory_space<vmem>>, vector<1x256x128xf32>
    %get3A_943 = vector.shape_cast %get3A_942 : vector<1x256x128xf32> to vector<256x128xf32>
    %slice3A_944 = vector.extract_strided_slice %div3A_927 {offsets = [0, 0], sizes = [256, 1], strides = [1, 1]} : vector<256x16xf32> to vector<256x1xf32>
    %mul3A_945 = vector.broadcast %slice3A_944 : vector<256x1xf32> to vector<256x128xf32>
    %mul3A_946 = arith.mulf %get3A_943, %mul3A_945 : vector<256x128xf32>
    %add3A_947 = arith.addf %add3A_938, %mul3A_946 : vector<256x128xf32>
    %get3A_948 = arith.constant 1 : index
    %get3A_949 = arith.constant 0 : index
    %get3A_950 = arith.constant 0 : index
    %get3A_951 = vector.load %arg1[%get3A_948, %get3A_949, %get3A_950] : memref<16x256x128xf32, #tpu.memory_space<vmem>>, vector<1x256x128xf32>
    %get3A_952 = vector.shape_cast %get3A_951 : vector<1x256x128xf32> to vector<256x128xf32>
    %slice3A_953 = vector.extract_strided_slice %div3A_913 {offsets = [0, 1], sizes = [256, 1], strides = [1, 1]} : vector<256x16xf32> to vector<256x1xf32>
    %mul3A_954 = vector.broadcast %slice3A_953 : vector<256x1xf32> to vector<256x128xf32>
    %mul3A_955 = arith.mulf %get3A_952, %mul3A_954 : vector<256x128xf32>
    %add3A_956 = arith.addf %add3A_947, %mul3A_955 : vector<256x128xf32>
    %get3A_957 = arith.constant 1 : index
    %get3A_958 = arith.constant 0 : index
    %get3A_959 = arith.constant 0 : index
    %get3A_960 = vector.load %arg12[%get3A_957, %get3A_958, %get3A_959] : memref<16x256x128xf32, #tpu.memory_space<vmem>>, vector<1x256x128xf32>
    %get3A_961 = vector.shape_cast %get3A_960 : vector<1x256x128xf32> to vector<256x128xf32>
    %slice3A_962 = vector.extract_strided_slice %div3A_927 {offsets = [0, 1], sizes = [256, 1], strides = [1, 1]} : vector<256x16xf32> to vector<256x1xf32>
    %mul3A_963 = vector.broadcast %slice3A_962 : vector<256x1xf32> to vector<256x128xf32>
    %mul3A_964 = arith.mulf %get3A_961, %mul3A_963 : vector<256x128xf32>
    %add3A_965 = arith.addf %add3A_956, %mul3A_964 : vector<256x128xf32>
    %get3A_966 = arith.constant 2 : index
    %get3A_967 = arith.constant 0 : index
    %get3A_968 = arith.constant 0 : index
    %get3A_969 = vector.load %arg1[%get3A_966, %get3A_967, %get3A_968] : memref<16x256x128xf32, #tpu.memory_space<vmem>>, vector<1x256x128xf32>
    %get3A_970 = vector.shape_cast %get3A_969 : vector<1x256x128xf32> to vector<256x128xf32>
    %slice3A_971 = vector.extract_strided_slice %div3A_913 {offsets = [0, 2], sizes = [256, 1], strides = [1, 1]} : vector<256x16xf32> to vector<256x1xf32>
    %mul3A_972 = vector.broadcast %slice3A_971 : vector<256x1xf32> to vector<256x128xf32>
    %mul3A_973 = arith.mulf %get3A_970, %mul3A_972 : vector<256x128xf32>
    %add3A_974 = arith.addf %add3A_965, %mul3A_973 : vector<256x128xf32>
    %get3A_975 = arith.constant 2 : index
    %get3A_976 = arith.constant 0 : index
    %get3A_977 = arith.constant 0 : index
    %get3A_978 = vector.load %arg12[%get3A_975, %get3A_976, %get3A_977] : memref<16x256x128xf32, #tpu.memory_space<vmem>>, vector<1x256x128xf32>
    %get3A_979 = vector.shape_cast %get3A_978 : vector<1x256x128xf32> to vector<256x128xf32>
    %slice3A_980 = vector.extract_strided_slice %div3A_927 {offsets = [0, 2], sizes = [256, 1], strides = [1, 1]} : vector<256x16xf32> to vector<256x1xf32>
    %mul3A_981 = vector.broadcast %slice3A_980 : vector<256x1xf32> to vector<256x128xf32>
    %mul3A_982 = arith.mulf %get3A_979, %mul3A_981 : vector<256x128xf32>
    %add3A_983 = arith.addf %add3A_974, %mul3A_982 : vector<256x128xf32>
    %get3A_984 = arith.constant 3 : index
    %get3A_985 = arith.constant 0 : index
    %get3A_986 = arith.constant 0 : index
    %get3A_987 = vector.load %arg1[%get3A_984, %get3A_985, %get3A_986] : memref<16x256x128xf32, #tpu.memory_space<vmem>>, vector<1x256x128xf32>
    %get3A_988 = vector.shape_cast %get3A_987 : vector<1x256x128xf32> to vector<256x128xf32>
    %slice3A_989 = vector.extract_strided_slice %div3A_913 {offsets = [0, 3], sizes = [256, 1], strides = [1, 1]} : vector<256x16xf32> to vector<256x1xf32>
    %mul3A_990 = vector.broadcast %slice3A_989 : vector<256x1xf32> to vector<256x128xf32>
    %mul3A_991 = arith.mulf %get3A_988, %mul3A_990 : vector<256x128xf32>
    %add3A_992 = arith.addf %add3A_983, %mul3A_991 : vector<256x128xf32>
    %get3A_993 = arith.constant 3 : index
    %get3A_994 = arith.constant 0 : index
    %get3A_995 = arith.constant 0 : index
    %get3A_996 = vector.load %arg12[%get3A_993, %get3A_994, %get3A_995] : memref<16x256x128xf32, #tpu.memory_space<vmem>>, vector<1x256x128xf32>
    %get3A_997 = vector.shape_cast %get3A_996 : vector<1x256x128xf32> to vector<256x128xf32>
    %slice3A_998 = vector.extract_strided_slice %div3A_927 {offsets = [0, 3], sizes = [256, 1], strides = [1, 1]} : vector<256x16xf32> to vector<256x1xf32>
    %mul3A_999 = vector.broadcast %slice3A_998 : vector<256x1xf32> to vector<256x128xf32>
    %mul3A_1000 = arith.mulf %get3A_997, %mul3A_999 : vector<256x128xf32>
    %add3A_1001 = arith.addf %add3A_992, %mul3A_1000 : vector<256x128xf32>
    %get3A_1002 = arith.constant 4 : index
    %get3A_1003 = arith.constant 0 : index
    %get3A_1004 = arith.constant 0 : index
    %get3A_1005 = vector.load %arg1[%get3A_1002, %get3A_1003, %get3A_1004] : memref<16x256x128xf32, #tpu.memory_space<vmem>>, vector<1x256x128xf32>
    %get3A_1006 = vector.shape_cast %get3A_1005 : vector<1x256x128xf32> to vector<256x128xf32>
    %slice3A_1007 = vector.extract_strided_slice %div3A_913 {offsets = [0, 4], sizes = [256, 1], strides = [1, 1]} : vector<256x16xf32> to vector<256x1xf32>
    %mul3A_1008 = vector.broadcast %slice3A_1007 : vector<256x1xf32> to vector<256x128xf32>
    %mul3A_1009 = arith.mulf %get3A_1006, %mul3A_1008 : vector<256x128xf32>
    %add3A_1010 = arith.addf %add3A_1001, %mul3A_1009 : vector<256x128xf32>
    %get3A_1011 = arith.constant 4 : index
    %get3A_1012 = arith.constant 0 : index
    %get3A_1013 = arith.constant 0 : index
    %get3A_1014 = vector.load %arg12[%get3A_1011, %get3A_1012, %get3A_1013] : memref<16x256x128xf32, #tpu.memory_space<vmem>>, vector<1x256x128xf32>
    %get3A_1015 = vector.shape_cast %get3A_1014 : vector<1x256x128xf32> to vector<256x128xf32>
    %slice3A_1016 = vector.extract_strided_slice %div3A_927 {offsets = [0, 4], sizes = [256, 1], strides = [1, 1]} : vector<256x16xf32> to vector<256x1xf32>
    %mul3A_1017 = vector.broadcast %slice3A_1016 : vector<256x1xf32> to vector<256x128xf32>
    %mul3A_1018 = arith.mulf %get3A_1015, %mul3A_1017 : vector<256x128xf32>
    %add3A_1019 = arith.addf %add3A_1010, %mul3A_1018 : vector<256x128xf32>
    %get3A_1020 = arith.constant 5 : index
    %get3A_1021 = arith.constant 0 : index
    %get3A_1022 = arith.constant 0 : index
    %get3A_1023 = vector.load %arg1[%get3A_1020, %get3A_1021, %get3A_1022] : memref<16x256x128xf32, #tpu.memory_space<vmem>>, vector<1x256x128xf32>
    %get3A_1024 = vector.shape_cast %get3A_1023 : vector<1x256x128xf32> to vector<256x128xf32>
    %slice3A_1025 = vector.extract_strided_slice %div3A_913 {offsets = [0, 5], sizes = [256, 1], strides = [1, 1]} : vector<256x16xf32> to vector<256x1xf32>
    %mul3A_1026 = vector.broadcast %slice3A_1025 : vector<256x1xf32> to vector<256x128xf32>
    %mul3A_1027 = arith.mulf %get3A_1024, %mul3A_1026 : vector<256x128xf32>
    %add3A_1028 = arith.addf %add3A_1019, %mul3A_1027 : vector<256x128xf32>
    %get3A_1029 = arith.constant 5 : index
    %get3A_1030 = arith.constant 0 : index
    %get3A_1031 = arith.constant 0 : index
    %get3A_1032 = vector.load %arg12[%get3A_1029, %get3A_1030, %get3A_1031] : memref<16x256x128xf32, #tpu.memory_space<vmem>>, vector<1x256x128xf32>
    %get3A_1033 = vector.shape_cast %get3A_1032 : vector<1x256x128xf32> to vector<256x128xf32>
    %slice3A_1034 = vector.extract_strided_slice %div3A_927 {offsets = [0, 5], sizes = [256, 1], strides = [1, 1]} : vector<256x16xf32> to vector<256x1xf32>
    %mul3A_1035 = vector.broadcast %slice3A_1034 : vector<256x1xf32> to vector<256x128xf32>
    %mul3A_1036 = arith.mulf %get3A_1033, %mul3A_1035 : vector<256x128xf32>
    %add3A_1037 = arith.addf %add3A_1028, %mul3A_1036 : vector<256x128xf32>
    %get3A_1038 = arith.constant 6 : index
    %get3A_1039 = arith.constant 0 : index
    %get3A_1040 = arith.constant 0 : index
    %get3A_1041 = vector.load %arg1[%get3A_1038, %get3A_1039, %get3A_1040] : memref<16x256x128xf32, #tpu.memory_space<vmem>>, vector<1x256x128xf32>
    %get3A_1042 = vector.shape_cast %get3A_1041 : vector<1x256x128xf32> to vector<256x128xf32>
    %slice3A_1043 = vector.extract_strided_slice %div3A_913 {offsets = [0, 6], sizes = [256, 1], strides = [1, 1]} : vector<256x16xf32> to vector<256x1xf32>
    %mul3A_1044 = vector.broadcast %slice3A_1043 : vector<256x1xf32> to vector<256x128xf32>
    %mul3A_1045 = arith.mulf %get3A_1042, %mul3A_1044 : vector<256x128xf32>
    %add3A_1046 = arith.addf %add3A_1037, %mul3A_1045 : vector<256x128xf32>
    %get3A_1047 = arith.constant 6 : index
    %get3A_1048 = arith.constant 0 : index
    %get3A_1049 = arith.constant 0 : index
    %get3A_1050 = vector.load %arg12[%get3A_1047, %get3A_1048, %get3A_1049] : memref<16x256x128xf32, #tpu.memory_space<vmem>>, vector<1x256x128xf32>
    %get3A_1051 = vector.shape_cast %get3A_1050 : vector<1x256x128xf32> to vector<256x128xf32>
    %slice3A_1052 = vector.extract_strided_slice %div3A_927 {offsets = [0, 6], sizes = [256, 1], strides = [1, 1]} : vector<256x16xf32> to vector<256x1xf32>
    %mul3A_1053 = vector.broadcast %slice3A_1052 : vector<256x1xf32> to vector<256x128xf32>
    %mul3A_1054 = arith.mulf %get3A_1051, %mul3A_1053 : vector<256x128xf32>
    %add3A_1055 = arith.addf %add3A_1046, %mul3A_1054 : vector<256x128xf32>
    %get3A_1056 = arith.constant 7 : index
    %get3A_1057 = arith.constant 0 : index
    %get3A_1058 = arith.constant 0 : index
    %get3A_1059 = vector.load %arg1[%get3A_1056, %get3A_1057, %get3A_1058] : memref<16x256x128xf32, #tpu.memory_space<vmem>>, vector<1x256x128xf32>
    %get3A_1060 = vector.shape_cast %get3A_1059 : vector<1x256x128xf32> to vector<256x128xf32>
    %slice3A_1061 = vector.extract_strided_slice %div3A_913 {offsets = [0, 7], sizes = [256, 1], strides = [1, 1]} : vector<256x16xf32> to vector<256x1xf32>
    %mul3A_1062 = vector.broadcast %slice3A_1061 : vector<256x1xf32> to vector<256x128xf32>
    %mul3A_1063 = arith.mulf %get3A_1060, %mul3A_1062 : vector<256x128xf32>
    %add3A_1064 = arith.addf %add3A_1055, %mul3A_1063 : vector<256x128xf32>
    %get3A_1065 = arith.constant 7 : index
    %get3A_1066 = arith.constant 0 : index
    %get3A_1067 = arith.constant 0 : index
    %get3A_1068 = vector.load %arg12[%get3A_1065, %get3A_1066, %get3A_1067] : memref<16x256x128xf32, #tpu.memory_space<vmem>>, vector<1x256x128xf32>
    %get3A_1069 = vector.shape_cast %get3A_1068 : vector<1x256x128xf32> to vector<256x128xf32>
    %slice3A_1070 = vector.extract_strided_slice %div3A_927 {offsets = [0, 7], sizes = [256, 1], strides = [1, 1]} : vector<256x16xf32> to vector<256x1xf32>
    %mul3A_1071 = vector.broadcast %slice3A_1070 : vector<256x1xf32> to vector<256x128xf32>
    %mul3A_1072 = arith.mulf %get3A_1069, %mul3A_1071 : vector<256x128xf32>
    %add3A_1073 = arith.addf %add3A_1064, %mul3A_1072 : vector<256x128xf32>
    %get3A_1074 = arith.constant 8 : index
    %get3A_1075 = arith.constant 0 : index
    %get3A_1076 = arith.constant 0 : index
    %get3A_1077 = vector.load %arg1[%get3A_1074, %get3A_1075, %get3A_1076] : memref<16x256x128xf32, #tpu.memory_space<vmem>>, vector<1x256x128xf32>
    %get3A_1078 = vector.shape_cast %get3A_1077 : vector<1x256x128xf32> to vector<256x128xf32>
    %slice3A_1079 = vector.extract_strided_slice %div3A_913 {offsets = [0, 8], sizes = [256, 1], strides = [1, 1]} : vector<256x16xf32> to vector<256x1xf32>
    %mul3A_1080 = vector.broadcast %slice3A_1079 : vector<256x1xf32> to vector<256x128xf32>
    %mul3A_1081 = arith.mulf %get3A_1078, %mul3A_1080 : vector<256x128xf32>
    %add3A_1082 = arith.addf %add3A_1073, %mul3A_1081 : vector<256x128xf32>
    %get3A_1083 = arith.constant 8 : index
    %get3A_1084 = arith.constant 0 : index
    %get3A_1085 = arith.constant 0 : index
    %get3A_1086 = vector.load %arg12[%get3A_1083, %get3A_1084, %get3A_1085] : memref<16x256x128xf32, #tpu.memory_space<vmem>>, vector<1x256x128xf32>
    %get3A_1087 = vector.shape_cast %get3A_1086 : vector<1x256x128xf32> to vector<256x128xf32>
    %slice3A_1088 = vector.extract_strided_slice %div3A_927 {offsets = [0, 8], sizes = [256, 1], strides = [1, 1]} : vector<256x16xf32> to vector<256x1xf32>
    %mul3A_1089 = vector.broadcast %slice3A_1088 : vector<256x1xf32> to vector<256x128xf32>
    %mul3A_1090 = arith.mulf %get3A_1087, %mul3A_1089 : vector<256x128xf32>
    %add3A_1091 = arith.addf %add3A_1082, %mul3A_1090 : vector<256x128xf32>
    %get3A_1092 = arith.constant 9 : index
    %get3A_1093 = arith.constant 0 : index
    %get3A_1094 = arith.constant 0 : index
    %get3A_1095 = vector.load %arg1[%get3A_1092, %get3A_1093, %get3A_1094] : memref<16x256x128xf32, #tpu.memory_space<vmem>>, vector<1x256x128xf32>
    %get3A_1096 = vector.shape_cast %get3A_1095 : vector<1x256x128xf32> to vector<256x128xf32>
    %slice3A_1097 = vector.extract_strided_slice %div3A_913 {offsets = [0, 9], sizes = [256, 1], strides = [1, 1]} : vector<256x16xf32> to vector<256x1xf32>
    %mul3A_1098 = vector.broadcast %slice3A_1097 : vector<256x1xf32> to vector<256x128xf32>
    %mul3A_1099 = arith.mulf %get3A_1096, %mul3A_1098 : vector<256x128xf32>
    %add3A_1100 = arith.addf %add3A_1091, %mul3A_1099 : vector<256x128xf32>
    %get3A_1101 = arith.constant 9 : index
    %get3A_1102 = arith.constant 0 : index
    %get3A_1103 = arith.constant 0 : index
    %get3A_1104 = vector.load %arg12[%get3A_1101, %get3A_1102, %get3A_1103] : memref<16x256x128xf32, #tpu.memory_space<vmem>>, vector<1x256x128xf32>
    %get3A_1105 = vector.shape_cast %get3A_1104 : vector<1x256x128xf32> to vector<256x128xf32>
    %slice3A_1106 = vector.extract_strided_slice %div3A_927 {offsets = [0, 9], sizes = [256, 1], strides = [1, 1]} : vector<256x16xf32> to vector<256x1xf32>
    %mul3A_1107 = vector.broadcast %slice3A_1106 : vector<256x1xf32> to vector<256x128xf32>
    %mul3A_1108 = arith.mulf %get3A_1105, %mul3A_1107 : vector<256x128xf32>
    %add3A_1109 = arith.addf %add3A_1100, %mul3A_1108 : vector<256x128xf32>
    %get3A_1110 = arith.constant 10 : index
    %get3A_1111 = arith.constant 0 : index
    %get3A_1112 = arith.constant 0 : index
    %get3A_1113 = vector.load %arg1[%get3A_1110, %get3A_1111, %get3A_1112] : memref<16x256x128xf32, #tpu.memory_space<vmem>>, vector<1x256x128xf32>
    %get3A_1114 = vector.shape_cast %get3A_1113 : vector<1x256x128xf32> to vector<256x128xf32>
    %slice3A_1115 = vector.extract_strided_slice %div3A_913 {offsets = [0, 10], sizes = [256, 1], strides = [1, 1]} : vector<256x16xf32> to vector<256x1xf32>
    %mul3A_1116 = vector.broadcast %slice3A_1115 : vector<256x1xf32> to vector<256x128xf32>
    %mul3A_1117 = arith.mulf %get3A_1114, %mul3A_1116 : vector<256x128xf32>
    %add3A_1118 = arith.addf %add3A_1109, %mul3A_1117 : vector<256x128xf32>
    %get3A_1119 = arith.constant 10 : index
    %get3A_1120 = arith.constant 0 : index
    %get3A_1121 = arith.constant 0 : index
    %get3A_1122 = vector.load %arg12[%get3A_1119, %get3A_1120, %get3A_1121] : memref<16x256x128xf32, #tpu.memory_space<vmem>>, vector<1x256x128xf32>
    %get3A_1123 = vector.shape_cast %get3A_1122 : vector<1x256x128xf32> to vector<256x128xf32>
    %slice3A_1124 = vector.extract_strided_slice %div3A_927 {offsets = [0, 10], sizes = [256, 1], strides = [1, 1]} : vector<256x16xf32> to vector<256x1xf32>
    %mul3A_1125 = vector.broadcast %slice3A_1124 : vector<256x1xf32> to vector<256x128xf32>
    %mul3A_1126 = arith.mulf %get3A_1123, %mul3A_1125 : vector<256x128xf32>
    %add3A_1127 = arith.addf %add3A_1118, %mul3A_1126 : vector<256x128xf32>
    %get3A_1128 = arith.constant 11 : index
    %get3A_1129 = arith.constant 0 : index
    %get3A_1130 = arith.constant 0 : index
    %get3A_1131 = vector.load %arg1[%get3A_1128, %get3A_1129, %get3A_1130] : memref<16x256x128xf32, #tpu.memory_space<vmem>>, vector<1x256x128xf32>
    %get3A_1132 = vector.shape_cast %get3A_1131 : vector<1x256x128xf32> to vector<256x128xf32>
    %slice3A_1133 = vector.extract_strided_slice %div3A_913 {offsets = [0, 11], sizes = [256, 1], strides = [1, 1]} : vector<256x16xf32> to vector<256x1xf32>
    %mul3A_1134 = vector.broadcast %slice3A_1133 : vector<256x1xf32> to vector<256x128xf32>
    %mul3A_1135 = arith.mulf %get3A_1132, %mul3A_1134 : vector<256x128xf32>
    %add3A_1136 = arith.addf %add3A_1127, %mul3A_1135 : vector<256x128xf32>
    %get3A_1137 = arith.constant 11 : index
    %get3A_1138 = arith.constant 0 : index
    %get3A_1139 = arith.constant 0 : index
    %get3A_1140 = vector.load %arg12[%get3A_1137, %get3A_1138, %get3A_1139] : memref<16x256x128xf32, #tpu.memory_space<vmem>>, vector<1x256x128xf32>
    %get3A_1141 = vector.shape_cast %get3A_1140 : vector<1x256x128xf32> to vector<256x128xf32>
    %slice3A_1142 = vector.extract_strided_slice %div3A_927 {offsets = [0, 11], sizes = [256, 1], strides = [1, 1]} : vector<256x16xf32> to vector<256x1xf32>
    %mul3A_1143 = vector.broadcast %slice3A_1142 : vector<256x1xf32> to vector<256x128xf32>
    %mul3A_1144 = arith.mulf %get3A_1141, %mul3A_1143 : vector<256x128xf32>
    %add3A_1145 = arith.addf %add3A_1136, %mul3A_1144 : vector<256x128xf32>
    %get3A_1146 = arith.constant 12 : index
    %get3A_1147 = arith.constant 0 : index
    %get3A_1148 = arith.constant 0 : index
    %get3A_1149 = vector.load %arg1[%get3A_1146, %get3A_1147, %get3A_1148] : memref<16x256x128xf32, #tpu.memory_space<vmem>>, vector<1x256x128xf32>
    %get3A_1150 = vector.shape_cast %get3A_1149 : vector<1x256x128xf32> to vector<256x128xf32>
    %slice3A_1151 = vector.extract_strided_slice %div3A_913 {offsets = [0, 12], sizes = [256, 1], strides = [1, 1]} : vector<256x16xf32> to vector<256x1xf32>
    %mul3A_1152 = vector.broadcast %slice3A_1151 : vector<256x1xf32> to vector<256x128xf32>
    %mul3A_1153 = arith.mulf %get3A_1150, %mul3A_1152 : vector<256x128xf32>
    %add3A_1154 = arith.addf %add3A_1145, %mul3A_1153 : vector<256x128xf32>
    %get3A_1155 = arith.constant 12 : index
    %get3A_1156 = arith.constant 0 : index
    %get3A_1157 = arith.constant 0 : index
    %get3A_1158 = vector.load %arg12[%get3A_1155, %get3A_1156, %get3A_1157] : memref<16x256x128xf32, #tpu.memory_space<vmem>>, vector<1x256x128xf32>
    %get3A_1159 = vector.shape_cast %get3A_1158 : vector<1x256x128xf32> to vector<256x128xf32>
    %slice3A_1160 = vector.extract_strided_slice %div3A_927 {offsets = [0, 12], sizes = [256, 1], strides = [1, 1]} : vector<256x16xf32> to vector<256x1xf32>
    %mul3A_1161 = vector.broadcast %slice3A_1160 : vector<256x1xf32> to vector<256x128xf32>
    %mul3A_1162 = arith.mulf %get3A_1159, %mul3A_1161 : vector<256x128xf32>
    %add3A_1163 = arith.addf %add3A_1154, %mul3A_1162 : vector<256x128xf32>
    %get3A_1164 = arith.constant 13 : index
    %get3A_1165 = arith.constant 0 : index
    %get3A_1166 = arith.constant 0 : index
    %get3A_1167 = vector.load %arg1[%get3A_1164, %get3A_1165, %get3A_1166] : memref<16x256x128xf32, #tpu.memory_space<vmem>>, vector<1x256x128xf32>
    %get3A_1168 = vector.shape_cast %get3A_1167 : vector<1x256x128xf32> to vector<256x128xf32>
    %slice3A_1169 = vector.extract_strided_slice %div3A_913 {offsets = [0, 13], sizes = [256, 1], strides = [1, 1]} : vector<256x16xf32> to vector<256x1xf32>
    %mul3A_1170 = vector.broadcast %slice3A_1169 : vector<256x1xf32> to vector<256x128xf32>
    %mul3A_1171 = arith.mulf %get3A_1168, %mul3A_1170 : vector<256x128xf32>
    %add3A_1172 = arith.addf %add3A_1163, %mul3A_1171 : vector<256x128xf32>
    %get3A_1173 = arith.constant 13 : index
    %get3A_1174 = arith.constant 0 : index
    %get3A_1175 = arith.constant 0 : index
    %get3A_1176 = vector.load %arg12[%get3A_1173, %get3A_1174, %get3A_1175] : memref<16x256x128xf32, #tpu.memory_space<vmem>>, vector<1x256x128xf32>
    %get3A_1177 = vector.shape_cast %get3A_1176 : vector<1x256x128xf32> to vector<256x128xf32>
    %slice3A_1178 = vector.extract_strided_slice %div3A_927 {offsets = [0, 13], sizes = [256, 1], strides = [1, 1]} : vector<256x16xf32> to vector<256x1xf32>
    %mul3A_1179 = vector.broadcast %slice3A_1178 : vector<256x1xf32> to vector<256x128xf32>
    %mul3A_1180 = arith.mulf %get3A_1177, %mul3A_1179 : vector<256x128xf32>
    %add3A_1181 = arith.addf %add3A_1172, %mul3A_1180 : vector<256x128xf32>
    %get3A_1182 = arith.constant 14 : index
    %get3A_1183 = arith.constant 0 : index
    %get3A_1184 = arith.constant 0 : index
    %get3A_1185 = vector.load %arg1[%get3A_1182, %get3A_1183, %get3A_1184] : memref<16x256x128xf32, #tpu.memory_space<vmem>>, vector<1x256x128xf32>
    %get3A_1186 = vector.shape_cast %get3A_1185 : vector<1x256x128xf32> to vector<256x128xf32>
    %slice3A_1187 = vector.extract_strided_slice %div3A_913 {offsets = [0, 14], sizes = [256, 1], strides = [1, 1]} : vector<256x16xf32> to vector<256x1xf32>
    %mul3A_1188 = vector.broadcast %slice3A_1187 : vector<256x1xf32> to vector<256x128xf32>
    %mul3A_1189 = arith.mulf %get3A_1186, %mul3A_1188 : vector<256x128xf32>
    %add3A_1190 = arith.addf %add3A_1181, %mul3A_1189 : vector<256x128xf32>
    %get3A_1191 = arith.constant 14 : index
    %get3A_1192 = arith.constant 0 : index
    %get3A_1193 = arith.constant 0 : index
    %get3A_1194 = vector.load %arg12[%get3A_1191, %get3A_1192, %get3A_1193] : memref<16x256x128xf32, #tpu.memory_space<vmem>>, vector<1x256x128xf32>
    %get3A_1195 = vector.shape_cast %get3A_1194 : vector<1x256x128xf32> to vector<256x128xf32>
    %slice3A_1196 = vector.extract_strided_slice %div3A_927 {offsets = [0, 14], sizes = [256, 1], strides = [1, 1]} : vector<256x16xf32> to vector<256x1xf32>
    %mul3A_1197 = vector.broadcast %slice3A_1196 : vector<256x1xf32> to vector<256x128xf32>
    %mul3A_1198 = arith.mulf %get3A_1195, %mul3A_1197 : vector<256x128xf32>
    %add3A_1199 = arith.addf %add3A_1190, %mul3A_1198 : vector<256x128xf32>
    %get3A_1200 = arith.constant 15 : index
    %get3A_1201 = arith.constant 0 : index
    %get3A_1202 = arith.constant 0 : index
    %get3A_1203 = vector.load %arg1[%get3A_1200, %get3A_1201, %get3A_1202] : memref<16x256x128xf32, #tpu.memory_space<vmem>>, vector<1x256x128xf32>
    %get3A_1204 = vector.shape_cast %get3A_1203 : vector<1x256x128xf32> to vector<256x128xf32>
    %slice3A_1205 = vector.extract_strided_slice %div3A_913 {offsets = [0, 15], sizes = [256, 1], strides = [1, 1]} : vector<256x16xf32> to vector<256x1xf32>
    %mul3A_1206 = vector.broadcast %slice3A_1205 : vector<256x1xf32> to vector<256x128xf32>
    %mul3A_1207 = arith.mulf %get3A_1204, %mul3A_1206 : vector<256x128xf32>
    %add3A_1208 = arith.addf %add3A_1199, %mul3A_1207 : vector<256x128xf32>
    %get3A_1209 = arith.constant 15 : index
    %get3A_1210 = arith.constant 0 : index
    %get3A_1211 = arith.constant 0 : index
    %get3A_1212 = vector.load %arg12[%get3A_1209, %get3A_1210, %get3A_1211] : memref<16x256x128xf32, #tpu.memory_space<vmem>>, vector<1x256x128xf32>
    %get3A_1213 = vector.shape_cast %get3A_1212 : vector<1x256x128xf32> to vector<256x128xf32>
    %slice3A_1214 = vector.extract_strided_slice %div3A_927 {offsets = [0, 15], sizes = [256, 1], strides = [1, 1]} : vector<256x16xf32> to vector<256x1xf32>
    %mul3A_1215 = vector.broadcast %slice3A_1214 : vector<256x1xf32> to vector<256x128xf32>
    %mul3A_1216 = arith.mulf %get3A_1213, %mul3A_1215 : vector<256x128xf32>
    %add3A_1217 = arith.addf %add3A_1208, %mul3A_1216 : vector<256x128xf32>
    %swap3A_1218 = arith.constant 0 : index
    %swap3A_1219 = arith.constant 0 : index
    %swap3A_1220 = vector.load %arg11[%swap3A_1218, %swap3A_1219] : memref<256x128xf32, #tpu.memory_space<vmem>>, vector<256x128xf32>
    tpu.vector_store %arg11[%swap3A_1218, %swap3A_1219], %add3A_1217 {strides = array<i32>} : memref<256x128xf32, #tpu.memory_space<vmem>>, vector<256x128xf32>,
    return
  }
  func.func @transform_0(%arg0: i32) -> (i32, i32, i32) {
    %c0_i32 = arith.constant 0 : i32
    %c0_i32_0 = arith.constant 0 : i32
    %c0_i32_1 = arith.constant 0 : i32
    return %c0_i32, %arg0, %c0_i32_0 : i32, i32, i32
  }
  func.func @transform_1(%arg0: i32) -> (i32, i32) {
    %c0_i32 = arith.constant 0 : i32
    %c0_i32_0 = arith.constant 0 : i32
    return %arg0, %c0_i32 : i32, i32
  }
  func.func @transform_2(%arg0: i32) -> (i32, i32) {
    %c0_i32 = arith.constant 0 : i32
    %c0_i32_0 = arith.constant 0 : i32
    return %arg0, %c0_i32 : i32, i32
  }
  func.func @transform_3(%arg0: i32) -> (i32, i32) {
    %c0_i32 = arith.constant 0 : i32
    %c0_i32_0 = arith.constant 0 : i32
    %c0_i32_1 = arith.constant 0 : i32
    return %c0_i32, %c0_i32_0 : i32, i32
  }
  func.func @transform_4(%arg0: i32) -> (i32, i32) {
    %c0_i32 = arith.constant 0 : i32
    %c0_i32_0 = arith.constant 0 : i32
    %c0_i32_1 = arith.constant 0 : i32
    return %c0_i32, %c0_i32_0 : i32, i32
  }
  func.func @transform_5(%arg0: i32) -> (i32, i32) {
    %c0_i32 = arith.constant 0 : i32
    %c0_i32_0 = arith.constant 0 : i32
    %c0_i32_1 = arith.constant 0 : i32
    return %c0_i32, %c0_i32_0 : i32, i32
  }
  func.func @transform_6(%arg0: i32) -> (i32, i32) {
    %c0_i32 = arith.constant 0 : i32
    %c0_i32_0 = arith.constant 0 : i32
    %c0_i32_1 = arith.constant 0 : i32
    return %c0_i32, %c0_i32_0 : i32, i32
  }
  func.func @transform_7(%arg0: i32) -> (i32, i32) {
    %c0_i32 = arith.constant 0 : i32
    %c0_i32_0 = arith.constant 0 : i32
    %c0_i32_1 = arith.constant 0 : i32
    return %c0_i32, %c0_i32_0 : i32, i32
  }
  func.func @transform_8(%arg0: i32) -> (i32, i32) {
    %c0_i32 = arith.constant 0 : i32
    %c0_i32_0 = arith.constant 0 : i32
    %c0_i32_1 = arith.constant 0 : i32
    return %c0_i32, %c0_i32_0 : i32, i32
  }
  func.func @transform_9(%arg0: i32) -> (i32, i32) {
    %c0_i32 = arith.constant 0 : i32
    %c0_i32_0 = arith.constant 0 : i32
    %c0_i32_1 = arith.constant 0 : i32
    return %c0_i32, %c0_i32_0 : i32, i32
  }
  func.func @transform_10(%arg0: i32) -> (i32, i32) {
    %c0_i32 = arith.constant 0 : i32
    %c0_i32_0 = arith.constant 0 : i32
    return %arg0, %c0_i32 : i32, i32
  }
}

module attributes {stable_mosaic.version = 14 : i64} {
  func.func @gekg_dot_tc(%arg0: i32, %arg1: memref<1024x128xf32, #tpu.memory_space<vmem>>, %arg2: memref<1024x128xf32, #tpu.memory_space<vmem>>, %arg3: memref<128x8xf32, #tpu.memory_space<vmem>>, %arg4: memref<1024x8xf32, #tpu.memory_space<vmem>>) attributes {dimension_semantics = [#tpu.dimension_semantics<arbitrary>], iteration_bounds = array<i64: 4>, scalar_prefetch = 0 : i64, scratch_operands = 0 : i64, tpu.core_type = #tpu.core_type<tc>, window_params = [{transform_indices = @transform_0, window_bounds = array<i64: 1024, 128>}, {transform_indices = @transform_1, window_bounds = array<i64: 1024, 128>}, {pipeline_mode = #tpu.pipeline_mode<synchronous>, transform_indices = @transform_2, window_bounds = array<i64: 128, 8>}, {transform_indices = @transform_3, window_bounds = array<i64: 1024, 8>}]} {
    %get3A = arith.constant 0 : index
    %get3A_0 = arith.constant 0 : index
    %get3A_1 = vector.load %arg1[%get3A, %get3A_0] : memref<1024x128xf32, #tpu.memory_space<vmem>>, vector<1024x128xf32>
    %get3A_2 = arith.constant 0 : index
    %get3A_3 = arith.constant 0 : index
    %get3A_4 = vector.load %arg2[%get3A_2, %get3A_3] : memref<1024x128xf32, #tpu.memory_space<vmem>>, vector<1024x128xf32>
    %mul3A = arith.mulf %get3A_1, %get3A_4 : vector<1024x128xf32>
    %get3A_5 = arith.constant 0 : index
    %get3A_6 = arith.constant 0 : index
    %get3A_7 = vector.load %arg3[%get3A_5, %get3A_6] : memref<128x8xf32, #tpu.memory_space<vmem>>, vector<128x8xf32>
    %dot_general3A = arith.constant dense<0.000000e+00> : vector<1024x8xf32>
    %dot_general3A_8 = tpu.matmul %mul3A, %get3A_7, %dot_general3A {dimension_numbers = #tpu.dot_dimension_numbers<[1], [0], [0], [1], [0, 0, 1, 1], [], []>, transpose_lhs_hint = false} : vector<1024x128xf32>, vector<128x8xf32>, vector<1024x8xf32> -> vector<1024x8xf32>
    %logistic3A = arith.negf %dot_general3A_8 : vector<1024x8xf32>
    %logistic3A_9 = math.exp %logistic3A : vector<1024x8xf32>
    %logistic3A_10 = arith.constant 1.000000e+00 : f32
    %logistic3A_11 = vector.broadcast %logistic3A_10 : f32 to vector<1024x8xf32>
    %logistic3A_12 = arith.addf %logistic3A_11, %logistic3A_9 : vector<1024x8xf32>
    %logistic3A_13 = arith.divf %logistic3A_11, %logistic3A_12 : vector<1024x8xf32>
    %swap3A = arith.constant 0 : index
    %swap3A_14 = arith.constant 0 : index
    %swap3A_15 = vector.load %arg4[%swap3A, %swap3A_14] : memref<1024x8xf32, #tpu.memory_space<vmem>>, vector<1024x8xf32>
    tpu.vector_store %arg4[%swap3A, %swap3A_14], %logistic3A_13 {strides = array<i32>} : memref<1024x8xf32, #tpu.memory_space<vmem>>, vector<1024x8xf32>,
    return
  }
  func.func @transform_0(%arg0: i32) -> (i32, i32) {
    %c0_i32 = arith.constant 0 : i32
    %c0_i32_0 = arith.constant 0 : i32
    return %arg0, %c0_i32 : i32, i32
  }
  func.func @transform_1(%arg0: i32) -> (i32, i32) {
    %c0_i32 = arith.constant 0 : i32
    %c0_i32_0 = arith.constant 0 : i32
    return %arg0, %c0_i32 : i32, i32
  }
  func.func @transform_2(%arg0: i32) -> (i32, i32) {
    %c0_i32 = arith.constant 0 : i32
    %c0_i32_0 = arith.constant 0 : i32
    %c0_i32_1 = arith.constant 0 : i32
    return %c0_i32, %c0_i32_0 : i32, i32
  }
  func.func @transform_3(%arg0: i32) -> (i32, i32) {
    %c0_i32 = arith.constant 0 : i32
    %c0_i32_0 = arith.constant 0 : i32
    return %arg0, %c0_i32 : i32, i32
  }
}

</mosaic_0001>

<sc_bundles>
// kernel: gather_offload_async_start.1
scs
__scs_entry_jumppad:
0x0: {  	(pc) =	sbr.rel $0x88, $3  }
0x1: {  	(tag) =	ssettag $0x0;
	lr =	simm.s32 $0x1  }
0x2: {  	[smem:$0x3F97] =	sst lr;
	_ =	strace $0xD0000000  }
0x3: {  	_ = 	snop  }
0x4: {  	_ = 	snop  }
0x5: {  	_ = 	snop  }
0x6: {  	_ = 	snop  }
0x7: {  	_ = 	snop  }
__scs_overlays_trampoline_lowered:
0x8: {  	[smem:$0x3FA6] =	sst s0  }
0x9: {  	[smem:$0x3FA7] =	sst s1  }
0xa: {  	[smem:$0x3FA8] =	sst s2  }
0xb: {  	[smem:$0x3FA9] =	sst s3  }
0xc: {  	[smem:$0x3FAA] =	sst s4  }
0xd: {  	[smem:$0x3FAB] =	sst s5  }
0xe: {  	[smem:$0x3FAC] =	sst s6  }
0xf: {  	[smem:$0x3FAD] =	sst s7  }
0x10: {  	[smem:$0x3FAE] =	sst s8  }
0x11: {  	[smem:$0x3FAF] =	sst s9;
	s0 =	simm.s32 @!p0 $0x0  }
0x12: {  	s1 =	sld [smem:$0x3F95];
	s0 =	simm.s32 @p0 $0x1  }
0x13: {  	[smem:$0x3FB0] =	sst s0;
	s0 =	simm.s32 @!p1 $0x0  }
0x14: {  	s2 =	sld [smem:$0x3F94];
	s0 =	simm.s32 @p1 $0x1  }
0x15: {  	[smem:$0x3FB1] =	sst s0;
	s0 =	simm.s32 @!p2 $0x0  }
0x16: {  	s3 =	sld [smem:$0x3FDB];
	s0 =	simm.s32 @p2 $0x1  }
0x17: {  	s4 =	simm.s32 $0x1BF5;
	[smem:$0x3FB3] =	sst s0  }
0x18: {  	s0 =	sld [smem:$0x3F96];
	_ =	swait.ge [sflag:s4], $0x0  }
0x19: {  	s7 =	sld [smem:$0x3F97]  }
0x1a: {  	s8 =	sadd.s32 $0xFFFFE003, lr  }
0x1b: {  	s9 =	sadd.s32 $0xFFFFFEF7, lr;
	s5 =	simm.s32 $0xFFFFFFFF;
	p2 =	slt.u32 s8, $0xFFFFF086  }
0x1c: {  	p1 =	slt.u32 s9, $0xF7A;
	s5 =	simm.s32 @!p2 $0x0  }
0x1d: {  	s5 =	simm.s32 @p1 $0x1;
	p0 =	seq.s32 s7, s2  }
0x1e: {  	s7 =	smul.u32 @!p0 $0xF7A, s2;
	p2 =	seq.s32 @!p0 s5, $0x0  }
0x1f: {  	s9 =	smul.u32 $0xF7A, s1;
	s8 =	simm.s32 @!p0 $0x1BF5;
	p2 =	por !p2, p0  }
0x20: {  	[sflag:s8] =	ssyncset.s32 @!p0 $0xFFFFF086;
	s6 =	sadd.s32 @!p0 s3, s7;
	s7 =	simm.s32 @!p0 $0x108  }
0x21: {  	s3 =	sadd.s32 s3, s9;
	s6 =	sadd.s32 @!p0 $0x88, s6;
	s7 =	simm.s32 @p2 $0x1082  }
0x22: {  	[simem:s7], [sflag:s8] =	dma.local @!p0 [hbm:s6], $0xF7A  }
0x23: {  	s9 =	sor.u32 $0xD0000000, s2;
	s6 =	simm.s32 $0x108;
	_ =	swait.ge @!p0 [sflag:s8], $0x0  }
0x24: {  	s3 =	sadd.s32 $0x88, s3;
	s6 =	simm.s32 @!p1 $0x1082;
	[sflag:s4] =	ssyncset.s32 $0xFFFFF086  }
0x25: {  	[simem:s6], [sflag:s4] =	dma.local [hbm:s3], $0xF7A  }
0x26: {  	[smem:$0x3F97] =	sst s1;
	(tag) =	ssettag s2;
	_ =	strace s9  }
0x27: {  	s1 =	sld [smem:$0x3FA7]  }
0x28: {  	s2 =	sld [smem:$0x3FA8]  }
0x29: {  	s4 =	sld [smem:$0x3FAA]  }
0x2a: {  	p0 =	seq.s32 s5, $0x0;
	s5 =	sld [smem:$0x3FAB]  }
0x2b: {  	s6 =	sld [smem:$0x3FAC]  }
0x2c: {  	s7 =	sld [smem:$0x3FAD]  }
0x2d: {  	s3 =	simm.s32 $0x108;
	s8 =	sld [smem:$0x3FAE]  }
0x2e: {  	s3 =	simm.s32 @!p0 $0x1082;
	s9 =	sld [smem:$0x3FAF]  }
0x2f: {  	lr =	sadd.s32 s0, s3;
	s0 =	sld [smem:$0x3FA6]  }
0x30: {  	s3 =	sld [smem:$0x3FA9]  }
0x31: {  	[smem:$0x3FB2] =	sst s10  }
0x32: {  	s10 =	sld [smem:$0x3FB0];
	_ =	sdelay $0x3  }
0x33: {  	p0 =	seq.s32 s10, $0x1;
	s10 =	sld [smem:$0x3FB2];
	_ =	sdelay $0x3  }
0x34: {  	[smem:$0x3FB2] =	sst s10  }
0x35: {  	s10 =	sld [smem:$0x3FB1];
	_ =	sdelay $0x3  }
0x36: {  	p1 =	seq.s32 s10, $0x1;
	s10 =	sld [smem:$0x3FB2];
	_ =	sdelay $0x3  }
0x37: {  	[smem:$0x3FB2] =	sst s10  }
0x38: {  	s10 =	sld [smem:$0x3FB3]  }
0x39: {  	_ = 	snop;
	(pc) =	sbr.ind lr, $3  }
0x3a: {  	_ = 	snop  }
0x3b: {  	_ = 	snop  }
0x3c: {  	p2 =	seq.s32 s10, $0x1;
	s10 =	sld [smem:$0x3FB2]  }
0x3d: {  	_ =	shalt  }
0x3e: {  	_ =	shalt  }
0x3f: {  	_ =	shalt  }
0x40: {  	_ =	shalt  }
0x41: {  	_ =	shalt  }
0x42: {  	_ =	shalt  }
0x43: {  	_ =	shalt  }
0x44: {  	_ =	shalt  }
0x45: {  	_ =	shalt  }
0x46: {  	_ =	shalt  }
0x47: {  	_ =	shalt  }
0x48: {  	_ =	shalt  }
0x49: {  	_ =	shalt  }
0x4a: {  	_ =	shalt  }
0x4b: {  	_ =	shalt  }
0x4c: {  	_ =	shalt  }
0x4d: {  	_ =	shalt  }
0x4e: {  	_ =	shalt  }
0x4f: {  	_ =	shalt  }
0x50: {  	_ =	shalt  }
0x51: {  	_ =	shalt  }
0x52: {  	_ =	shalt  }
0x53: {  	_ =	shalt  }
0x54: {  	_ =	shalt  }
0x55: {  	_ =	shalt  }
0x56: {  	_ =	shalt  }
0x57: {  	_ =	shalt  }
0x58: {  	_ =	shalt  }
0x59: {  	_ =	shalt  }
0x5a: {  	_ =	shalt  }
0x5b: {  	_ =	shalt  }
0x5c: {  	_ =	shalt  }
0x5d: {  	_ =	shalt  }
0x5e: {  	_ =	shalt  }
0x5f: {  	_ =	shalt  }
0x60: {  	_ =	shalt  }
0x61: {  	_ =	shalt  }
0x62: {  	_ =	shalt  }
0x63: {  	_ =	shalt  }
0x64: {  	_ =	shalt  }
0x65: {  	_ =	shalt  }
0x66: {  	_ =	shalt  }
0x67: {  	_ =	shalt  }
0x68: {  	_ =	shalt  }
0x69: {  	_ =	shalt  }
0x6a: {  	_ =	shalt  }
0x6b: {  	_ =	shalt  }
0x6c: {  	_ =	shalt  }
0x6d: {  	_ =	shalt  }
0x6e: {  	_ =	shalt  }
0x6f: {  	_ =	shalt  }
0x70: {  	_ =	shalt  }
0x71: {  	_ =	shalt  }
0x72: {  	_ =	shalt  }
0x73: {  	_ =	shalt  }
0x74: {  	_ =	shalt  }
0x75: {  	_ =	shalt  }
0x76: {  	_ =	shalt  }
0x77: {  	_ =	shalt  }
0x78: {  	_ =	shalt  }
0x79: {  	_ =	shalt  }
0x7a: {  	_ =	shalt  }
0x7b: {  	_ =	shalt  }
0x7c: {  	_ =	shalt  }
0x7d: {  	_ =	shalt  }
0x7e: {  	_ =	shalt  }
0x7f: {  	_ =	shalt  }
0x80: {  	_ =	shalt  }
0x81: {  	_ =	shalt  }
0x82: {  	_ =	shalt  }
0x83: {  	_ =	shalt  }
0x84: {  	_ =	shalt  }
0x85: {  	_ =	shalt  }
0x86: {  	_ =	shalt  }
0x87: {  	_ =	shalt  }
.Lfunc_end0:
.L_simem_size_0:
called_computation.1_lowered:
.L_overlay_start_0:
0x88: {  	s2 =	sld [smem:$0x3FD9]  }
0x89: {  	s3 =	sld [smem:$0x3FFE];
	_ =	sdelay $0x1  }
0x8a: {  	s1 =	srdreg.scid  }
0x8b: {  	s0 =	sand.u32 $0x1, s1  }
0x8c: {  	s16 =	sshll.u32 s0, $0xA;
	s2 =	sadd.s32 s3, s2  }
0x8d: {  	s2 =	sadd.s32 s2, s16  }
0x8e: {  	[smem:$0x3FBE] =	sst s2  }
0x8f: {  	_ = 	snop  }
0x90: {  	(tm) =	ssettm $0x1  }
0x91: {  	s17 =	sld [smem:$0x3FFB];
	_ =	sdelay $0x3  }
0x92: {  	_ =	strace s17  }
0x93: {  	s2 =	sld [smem:$0x3FFC];
	_ =	sdelay $0x3  }
0x94: {  	_ =	strace s2  }
0x95: {  	s2 =	sld [smem:$0x3FFD];
	_ =	sdelay $0x3  }
0x96: {  	_ =	strace s2  }
0x97: {  	_ =	strace $0x8FFFFFFF  }
0x98: {  	s18 =	sld [smem:$0x3FDB];
	_ =	sdelay $0x1  }
0x99: {  	s19 =	simm.s32 $_scs_section_size  }
0x9a: {  	s4 =	simm.s32 $_size__tile_overlayer_lowered;
	s5 =	simm.s32 $_tile_overlayer_lowered  }
0x9b: {  	s22 =	simm.s32 $0x1BFF;
	s21 =	sshll.u32 s5, $0x1;
	s2 =	sadd.s32 s19, s18  }
0x9c: {  	s6 =	simm.s32 $0x0;
	s20 =	sshll.u32 s4, $0x1;
	s4 =	sadd.s32 s21, s2  }
0x9d: {  	[timem:s6], [sflag:s22] =	dma.local [hbm:s4], s20  }
0x9e: {  	_ =	swait.ge [sflag:s22], s20  }
0x9f: {  	s3 =	ssub.s32 $0x0, s20;
	[sflag:s22] =	ssyncset.done $0x0  }
0xa0: {  	[sflag:s22] =	ssyncadd.s32 s3;
	_ =	sdelay $0x1  }
0xa1: {  	s23 =	simm.s32 $0x1B8B  }
0xa2: {  	_ =	swait.ge [sflag:s23], $0x1  }
0xa3: {  	[sflag:s23] =	ssyncset.done $0x0  }
0xa4: {  	s25 =	simm.s32 $0x1B8E;
	s24 =	sld [smem:$0x3FFE];
	[sflag:s23] =	ssyncadd.s32 $0xFFFFFFFF  }
0xa5: {  	s26 =	simm.s32 $execute0_lowered;
	[smem:$0x3FD2] =	sst s25  }
0xa6: {  	s4 =	sshll.u32 s26, $0x1;
	_ =	strace $0x80000046;
	[dreg:$0x1] =	wrdreg $0xFFFFFFFF  }
0xa7: {  	s28 =	simm.s32 $_size_execute0_lowered;
	s2 =	sadd.s32 s2, s4;
	[dreg:$0x0] =	wrdreg $0x0  }
0xa8: {  	s4 =	sshll.u32 s28, $0x1;
	[dreg:$0x2] =	wrdreg s2  }
0xa9: {  	[dreg:$0x3] =	wrdreg s4  }
0xaa: {  	[dreg:$0x4] =	wrdreg $0xC0  }
0xab: {  	_ =	task [dreg:s6], $0x5FFFF  }
0xac: {  	[dreg:$0x1] =	wrdreg $0xFFFFFFFF  }
0xad: {  	[dreg:$0x0] =	wrdreg $0x60  }
0xae: {  	[dreg:$0x2] =	wrdreg s24  }
0xaf: {  	[dreg:$0x3] =	wrdreg $0xA  }
0xb0: {  	_ =	task.clear_ibuf [dreg:s6], $0x4FFFF;
	_ =	strace $0x90000046  }
0xb1: {  	s29 =	simm.s32 $0xA;
	_ =	strace $0x80000048  }
0xb2: {  	_ =	swait.ge [sflag:s29], $0x1  }
0xb3: {  	[sflag:s29] =	ssyncadd.s32 $0xFFFFFFFF  }
0xb4: {  	_ =	strace $0x90000048  }
0xb5: {  	_ =	sfence  }
0xb6: {  	s30 =	sld [smem:$0x0];
	_ =	sdelay $0x2  }
0xb7: {  	s31 =	sshll.u32 s1, $0xD;
	s1 =	sshrl.u32 s1, $0x2  }
0xb8: {  	s3 =	sand.u32 $0x4000, s31;
	s1 =	sadd.s32 s1, s30  }
0xb9: {  	s0 =	sor.u32 s3, s0;
	s1 =	sshll.u32 s1, $0x11  }
0xba: {  	s0 =	sor.u32 s1, s0  }
0xbb: {  	s0 =	sadd.s32 $0x8F2B, s0  }
0xbc: {  	[sflag:s0] =	ssyncadd.remote.s32 $0x1  }
0xbd: {  	_ =	sfence.sel $0xFFFF  }
0xbe: {  	[dreg:$0x0] =	wrdreg $0xFFFFFFFF;
	(pc) =	sbr.abs _section_cstart, $3  }
0xbf: {  	[dreg:$0x1] =	wrdreg $0xFFFFFFFF  }
0xc0: {  	_ =	task.clear_ibuf [dreg:s6], $0x2FFFF;
	_ =	strace $0x9FFFFFFF  }
0xc1: {  	(tm) =	ssettm $0x7FFFFFFF  }
tec
execute0_lowered:
.L_overlay_start_1:
0x0: {  	(tag) =	ssettag $0x1  }
0x1: {  	s7 =	rddreg [dreg:$0x0]  }
0x2: {  	s0 =	rddreg [dreg:$0x1];
	_ =	strace $0x80000047  }
0x3: {  	s1 =	srdreg.scid;
	s4 =	simm.s32 $0x1;
	s9 =	simm.s32 $0x3  }
0x4: {  	s12 =	simm.s32 $0x0;
	s10 =	simm.s32 $0x0;
	s5 =	sshll.u32 s1, $0x4  }
.Ltmp0:
0x5: {  	s1 =	stileid.u32;
	s5 =	sand.u32 $0x10, s5;
	(pc) =	sbr.rel .LBB2_1-.Ltmp0, $4  }
0x6: {  	s2 =	sadd.s32 $0x3400, s7;
	s3 =	sadd.s32 $0x189E00, s7;
	s6 =	sor.u32 s1, s5  }
0x7: {  	[sflag:s4] =	ssyncpa.u1 $0x0;
	s5 =	simm.s32 $0x2;
	s6 =	sshll.u32 s6, $0x7  }
0x8: {  	s7 =	sadd.s32 $0x18A000, s7;
	[sflag:s5] =	ssyncpa.u1 $0x0;
	s8 =	sadd.s32 $0x80, s6  }
0x9: {  	vm0 =	vmmov $0xff;
	vm1 =	vcmask $0x3F20;
	[sflag:s9] =	ssyncpa.u1 $0x0;
	s9 =	simm.s32 $0x80;
	s11 =	smov.u32 s6  }
.LBB2_9:
0xa: {  	p0 =	seq.s32 s10, $0x2  }
.Ltmp1:
0xb: {  	_ = 	snop;
	(pc) =	sbr.rel @p0 .LBB2_11-.Ltmp1, $1  }
0xc: {  	_ =	sdelay $0x3  }
.LBB2_10:
0xd: {  	s12 =	sadd.s32 $0x80, s11  }
0xe: {  	s13 =	smov.u32 s6;
	p0 =	slt.s32 s12, s8  }
0xf: {  	s13 =	smov.u32 @p0 s12  }
0x10: {  	s10 =	sadd.s32 $0x1, s10;
	s12 =	smov.u32 s11;
	s11 =	smov.u32 s13  }
.LBB2_1:
0x11: {  	p0 =	sne.s32 s10, $0x0  }
.Ltmp2:
0x12: {  	_ = 	snop;
	(pc) =	sbr.rel @!p0 .LBB2_2-.Ltmp2, $1  }
0x13: {  	_ =	sdelay $0x3  }
0x14: {  	s13 =	sand.u32 $0x1, s10  }
0x15: {  	p0 =	seq.s32 s13, $0x0  }
.Ltmp3:
0x16: {  	_ = 	snop;
	(pc) =	sbr.rel @p0 .LBB2_9-.Ltmp3, $1  }
0x17: {  	_ =	sdelay $0x3  }
0x18: {  	_ =	swait.ge [sflag:s5], $0x80  }
0x19: {  	[sflag:s5] =	ssyncset.done $0x0  }
0x1a: {  	s13 =	simm.s32 $0x0;
	[sflag:s5] =	ssyncadd.s32 $0xFFFFFF80  }
0x1b: {  	v0 =	vld.msk [tilespmem:s13+$0x80 ss:$0x1], $0xffff;
	_ =	sdelay $0x4  }
0x1c: {  	vm2 =	vgt.s32 v0, $0x0  }
0x1d: {  	v0 =	vnsel vm2, $0x0, v0  }
0x1e: {  	v0 =	vmin.u32 v0, $0x1869F  }
0x1f: {  	v0 =	vshll.u32 v0, $0x4;
	_ =	sdelay $0x3  }
0x20: {  	s13 =	simm.s32 $0x4100  }
0x21: {  	[tilespmem:s13], [sflag:$0x1] =	stream.indirect_vreg.gather [hbm:s2], $0x80, v0, vm0, $0x38;
	[tilespmem:$0x8100] =	vst v63  }
0x22: {  	s14 =	simm.s32 $0x4500;
	s31 =	simm.s32 $0x10  }
0x23: {  	[tilespmem:s14], [sflag:$0x1] =	stream.indirect_vreg.gather [hbm:s2], $0x80, v0, vm1, $0x38;
	[tilespmem:$0x8100] =	vst v63  }
0x24: {  	s14 =	simm.s32 $0x80;
	v0 =	vld.msk [tilespmem:s31+$0x80 ss:$0x1], $0xffff  }
.LBB2_5:
0x25: {  	p0 =	sne.s32 s14, $0x1C0;
	_ =	sdelay $0x4  }
0x26: {  	vm2 =	vgt.s32 v0, $0x0  }
0x27: {  	v0 =	vnsel vm2, $0x0, v0  }
0x28: {  	v0 =	vmin.u32 v0, $0x1869F  }
0x29: {  	v0 =	vshll.u32 v0, $0x4;
	_ =	sdelay $0x3  }
.Ltmp4:
0x2a: {  	s13 =	sadd.s32 $0x800, s13;
	(pc) =	sbr.rel @p0 .LBB2_5-.Ltmp4, $4  }
0x2b: {  	[tilespmem:s13], [sflag:$0x1] =	stream.indirect_vreg.gather [hbm:s2], $0x80, v0, vm0, $0x38;
	[tilespmem:$0x8100] =	vst v63  }
0x2c: {  	s15 =	sshra.s32 s14, $0x2;
	s16 =	sadd.s32 $0x400, s13  }
0x2d: {  	[tilespmem:s16], [sflag:$0x1] =	stream.indirect_vreg.gather [hbm:s2], $0x80, v0, vm1, $0x38;
	[tilespmem:$0x8100] =	vst v63  }
0x2e: {  	s14 =	sadd.s32 $0x40, s14;
	v0 =	vld.msk [tilespmem:s15+$0x80 ss:$0x1], $0xffff  }
0x2f: {  	_ =	sdelay $0x3  }
0x30: {  	vm2 =	vgt.s32 v0, $0x0  }
0x31: {  	v0 =	vnsel vm2, $0x0, v0  }
0x32: {  	v0 =	vmin.u32 v0, $0x1869F  }
0x33: {  	v0 =	vshll.u32 v0, $0x4;
	_ =	sdelay $0x3  }
0x34: {  	s13 =	sadd.s32 $0x800, s13  }
0x35: {  	[tilespmem:s13], [sflag:$0x1] =	stream.indirect_vreg.gather [hbm:s2], $0x80, v0, vm0, $0x38;
	[tilespmem:$0x8100] =	vst v63  }
0x36: {  	s13 =	sadd.s32 $0x400, s13  }
0x37: {  	[tilespmem:s13], [sflag:$0x1] =	stream.indirect_vreg.gather [hbm:s2], $0x80, v0, vm1, $0x38;
	[tilespmem:$0x8100] =	vst v63  }
0x38: {  	s12 =	sshll.u32 s12, $0x4;
	s14 =	simm.s32 $0x80;
	_ =	swait.ge [sflag:s4], $0x4000  }
0x39: {  	s15 =	simm.s32 $0x4500;
	s12 =	sadd.s32 s12, s7;
	[sflag:s4] =	ssyncset.done $0x0  }
0x3a: {  	s16 =	sadd.s32 $0x0, s12;
	s13 =	simm.s32 $0x4100;
	[sflag:s4] =	ssyncadd.s32 $0xFFFFC000  }
.LBB2_7:
0x3b: {  	[hbm:s16] =	stream.linear.scatter [tilespmem:s13], [sflag:$0x3], $0x400, $0x38;
	[tilespmem:$0x8100] =	vst v63  }
0x3c: {  	s16 =	smov.u32 s14;
	s13 =	smov.u32 s15;
	p0 =	sne.s32 s14, $0x780  }
.Ltmp5:
0x3d: {  	s14 =	sadd.s32 $0x80, s14;
	(pc) =	sbr.rel @p0 .LBB2_7-.Ltmp5, $2  }
0x3e: {  	_ =	sdelay $0x2  }
0x3f: {  	s15 =	sadd.s32 $0x400, s15;
	s16 =	sadd.s32 s16, s12  }
.Ltmp6:
0x40: {  	(pc) =	sbr.rel .LBB2_9-.Ltmp6, $2  }
0x41: {  	_ =	sdelay $0x2  }
0x42: {  	[hbm:s16] =	stream.linear.scatter [tilespmem:s13], [sflag:$0x3], $0x400, $0x38;
	[tilespmem:$0x8100] =	vst v63  }
.LBB2_2:
.Ltmp7:
0x43: {  	(pc) =	sbr.rel .LBB2_10-.Ltmp7, $4  }
0x44: {  	_ = 	snop  }
0x45: {  	s12 =	sshrl.u32 s11, $0x3  }
0x46: {  	s13 =	sand.u32 $0x7, s11;
	s12 =	sadd.s32 s3, s12  }
0x47: {  	[tilespmem:s9], [sflag:$0x2] =	stream.linear.gather [hbm4b:s12+s13], $0x80, $0x38;
	[tilespmem:$0x8100] =	vst v63  }
.LBB2_11:
0x48: {  	s2 =	simm.s32 $0x3  }
0x49: {  	_ =	swait.ge [sflag:s2], $0x4000  }
0x4a: {  	[sflag:s2] =	ssyncset.done $0x0  }
0x4b: {  	[sflag:s2] =	ssyncadd.s32 $0xFFFFC000  }
0x4c: {  	_ =	sfence.sel $0x180000  }
0x4d: {  	s3 =	simm.s32 $0x2;
	[bflag:$0x0] =	sbarrier.arrive $0xFFFF  }
0x4e: {  	[sflag:s3] =	ssyncpa.u1 $0x1  }
0x4f: {  	s31 =	simm.s32 $0x1;
	[sflag:s2] =	ssyncpa.u1 $0x1  }
0x50: {  	[sflag:s31] =	ssyncpa.u1 $0x1  }
0x51: {  	p0 =	sne.s32 s1, $0x0;
	_ =	strace $0x90000047  }
0x52: {  	s0 =	sadd.s32 @!p0 $0x100000, s0;
	[bflag:$0x2] =	sbarrier.arrive $0xFFFF  }
0x53: {  	[sflag:s0] =	ssyncadd.tile.s32 @!p0 $0x1;
	_ =	shalt  }
.Lfunc_end2:
_tile_overlayer_lowered:
.L_overlay_start_2:
0x54: {  	(tag) =	ssettag $0x2  }
0x55: {  	s0 =	rddreg [dreg:$0x0];
	s2 =	stileid.u32  }
0x56: {  	s1 =	rddreg [dreg:$0x1];
	p0 =	sne.s32 s2, $0x0  }
0x57: {  	s3 =	rddreg [dreg:$0x2];
	[bflag:$0x3] =	sbarrier.arrive $0xFFFF;
	s2 =	simm.s32 @!p0 $0x1C01  }
0x58: {  	[timem:s3], [sflag:s2] =	dma.local @!p0 [hbm:s0], s1  }
0x59: {  	s0 =	simm.s32 @!p0 $0x1  }
0x5a: {  	_ =	swait.ge @!p0 [sflag:s0], s1  }
0x5b: {  	s1 =	ssub.s32 @!p0 $0x0, s1;
	[sflag:s0] =	ssyncset.done @!p0 $0x0  }
0x5c: {  	[sflag:s0] =	ssyncadd.s32 @!p0 s1  }
0x5d: {  	[bflag:$0x3] =	sbarrier.arrive $0xFFFF  }
0x5e: {  	_ =	shalt  }

// kernel: gather_offload_async_start
scs
__scs_entry_jumppad:
0x0: {  	(pc) =	sbr.rel $0x88, $3  }
0x1: {  	(tag) =	ssettag $0x0;
	lr =	simm.s32 $0x1  }
0x2: {  	[smem:$0x3F97] =	sst lr;
	_ =	strace $0xD0000000  }
0x3: {  	_ = 	snop  }
0x4: {  	_ = 	snop  }
0x5: {  	_ = 	snop  }
0x6: {  	_ = 	snop  }
0x7: {  	_ = 	snop  }
__scs_overlays_trampoline_lowered:
0x8: {  	[smem:$0x3FA6] =	sst s0  }
0x9: {  	[smem:$0x3FA7] =	sst s1  }
0xa: {  	[smem:$0x3FA8] =	sst s2  }
0xb: {  	[smem:$0x3FA9] =	sst s3  }
0xc: {  	[smem:$0x3FAA] =	sst s4  }
0xd: {  	[smem:$0x3FAB] =	sst s5  }
0xe: {  	[smem:$0x3FAC] =	sst s6  }
0xf: {  	[smem:$0x3FAD] =	sst s7  }
0x10: {  	[smem:$0x3FAE] =	sst s8  }
0x11: {  	[smem:$0x3FAF] =	sst s9;
	s0 =	simm.s32 @!p0 $0x0  }
0x12: {  	s1 =	sld [smem:$0x3F95];
	s0 =	simm.s32 @p0 $0x1  }
0x13: {  	[smem:$0x3FB0] =	sst s0;
	s0 =	simm.s32 @!p1 $0x0  }
0x14: {  	s2 =	sld [smem:$0x3F94];
	s0 =	simm.s32 @p1 $0x1  }
0x15: {  	[smem:$0x3FB1] =	sst s0;
	s0 =	simm.s32 @!p2 $0x0  }
0x16: {  	s3 =	sld [smem:$0x3FDB];
	s0 =	simm.s32 @p2 $0x1  }
0x17: {  	s4 =	simm.s32 $0x1BF5;
	[smem:$0x3FB3] =	sst s0  }
0x18: {  	s0 =	sld [smem:$0x3F96];
	_ =	swait.ge [sflag:s4], $0x0  }
0x19: {  	s7 =	sld [smem:$0x3F97]  }
0x1a: {  	s8 =	sadd.s32 $0xFFFFE003, lr  }
0x1b: {  	s9 =	sadd.s32 $0xFFFFFEF7, lr;
	s5 =	simm.s32 $0xFFFFFFFF;
	p2 =	slt.u32 s8, $0xFFFFF086  }
0x1c: {  	p1 =	slt.u32 s9, $0xF7A;
	s5 =	simm.s32 @!p2 $0x0  }
0x1d: {  	s5 =	simm.s32 @p1 $0x1;
	p0 =	seq.s32 s7, s2  }
0x1e: {  	s7 =	smul.u32 @!p0 $0xF7A, s2;
	p2 =	seq.s32 @!p0 s5, $0x0  }
0x1f: {  	s9 =	smul.u32 $0xF7A, s1;
	s8 =	simm.s32 @!p0 $0x1BF5;
	p2 =	por !p2, p0  }
0x20: {  	[sflag:s8] =	ssyncset.s32 @!p0 $0xFFFFF086;
	s6 =	sadd.s32 @!p0 s3, s7;
	s7 =	simm.s32 @!p0 $0x108  }
0x21: {  	s3 =	sadd.s32 s3, s9;
	s6 =	sadd.s32 @!p0 $0x88, s6;
	s7 =	simm.s32 @p2 $0x1082  }
0x22: {  	[simem:s7], [sflag:s8] =	dma.local @!p0 [hbm:s6], $0xF7A  }
0x23: {  	s9 =	sor.u32 $0xD0000000, s2;
	s6 =	simm.s32 $0x108;
	_ =	swait.ge @!p0 [sflag:s8], $0x0  }
0x24: {  	s3 =	sadd.s32 $0x88, s3;
	s6 =	simm.s32 @!p1 $0x1082;
	[sflag:s4] =	ssyncset.s32 $0xFFFFF086  }
0x25: {  	[simem:s6], [sflag:s4] =	dma.local [hbm:s3], $0xF7A  }
0x26: {  	[smem:$0x3F97] =	sst s1;
	(tag) =	ssettag s2;
	_ =	strace s9  }
0x27: {  	s1 =	sld [smem:$0x3FA7]  }
0x28: {  	s2 =	sld [smem:$0x3FA8]  }
0x29: {  	s4 =	sld [smem:$0x3FAA]  }
0x2a: {  	p0 =	seq.s32 s5, $0x0;
	s5 =	sld [smem:$0x3FAB]  }
0x2b: {  	s6 =	sld [smem:$0x3FAC]  }
0x2c: {  	s7 =	sld [smem:$0x3FAD]  }
0x2d: {  	s3 =	simm.s32 $0x108;
	s8 =	sld [smem:$0x3FAE]  }
0x2e: {  	s3 =	simm.s32 @!p0 $0x1082;
	s9 =	sld [smem:$0x3FAF]  }
0x2f: {  	lr =	sadd.s32 s0, s3;
	s0 =	sld [smem:$0x3FA6]  }
0x30: {  	s3 =	sld [smem:$0x3FA9]  }
0x31: {  	[smem:$0x3FB2] =	sst s10  }
0x32: {  	s10 =	sld [smem:$0x3FB0];
	_ =	sdelay $0x3  }
0x33: {  	p0 =	seq.s32 s10, $0x1;
	s10 =	sld [smem:$0x3FB2];
	_ =	sdelay $0x3  }
0x34: {  	[smem:$0x3FB2] =	sst s10  }
0x35: {  	s10 =	sld [smem:$0x3FB1];
	_ =	sdelay $0x3  }
0x36: {  	p1 =	seq.s32 s10, $0x1;
	s10 =	sld [smem:$0x3FB2];
	_ =	sdelay $0x3  }
0x37: {  	[smem:$0x3FB2] =	sst s10  }
0x38: {  	s10 =	sld [smem:$0x3FB3]  }
0x39: {  	_ = 	snop;
	(pc) =	sbr.ind lr, $3  }
0x3a: {  	_ = 	snop  }
0x3b: {  	_ = 	snop  }
0x3c: {  	p2 =	seq.s32 s10, $0x1;
	s10 =	sld [smem:$0x3FB2]  }
0x3d: {  	_ =	shalt  }
0x3e: {  	_ =	shalt  }
0x3f: {  	_ =	shalt  }
0x40: {  	_ =	shalt  }
0x41: {  	_ =	shalt  }
0x42: {  	_ =	shalt  }
0x43: {  	_ =	shalt  }
0x44: {  	_ =	shalt  }
0x45: {  	_ =	shalt  }
0x46: {  	_ =	shalt  }
0x47: {  	_ =	shalt  }
0x48: {  	_ =	shalt  }
0x49: {  	_ =	shalt  }
0x4a: {  	_ =	shalt  }
0x4b: {  	_ =	shalt  }
0x4c: {  	_ =	shalt  }
0x4d: {  	_ =	shalt  }
0x4e: {  	_ =	shalt  }
0x4f: {  	_ =	shalt  }
0x50: {  	_ =	shalt  }
0x51: {  	_ =	shalt  }
0x52: {  	_ =	shalt  }
0x53: {  	_ =	shalt  }
0x54: {  	_ =	shalt  }
0x55: {  	_ =	shalt  }
0x56: {  	_ =	shalt  }
0x57: {  	_ =	shalt  }
0x58: {  	_ =	shalt  }
0x59: {  	_ =	shalt  }
0x5a: {  	_ =	shalt  }
0x5b: {  	_ =	shalt  }
0x5c: {  	_ =	shalt  }
0x5d: {  	_ =	shalt  }
0x5e: {  	_ =	shalt  }
0x5f: {  	_ =	shalt  }
0x60: {  	_ =	shalt  }
0x61: {  	_ =	shalt  }
0x62: {  	_ =	shalt  }
0x63: {  	_ =	shalt  }
0x64: {  	_ =	shalt  }
0x65: {  	_ =	shalt  }
0x66: {  	_ =	shalt  }
0x67: {  	_ =	shalt  }
0x68: {  	_ =	shalt  }
0x69: {  	_ =	shalt  }
0x6a: {  	_ =	shalt  }
0x6b: {  	_ =	shalt  }
0x6c: {  	_ =	shalt  }
0x6d: {  	_ =	shalt  }
0x6e: {  	_ =	shalt  }
0x6f: {  	_ =	shalt  }
0x70: {  	_ =	shalt  }
0x71: {  	_ =	shalt  }
0x72: {  	_ =	shalt  }
0x73: {  	_ =	shalt  }
0x74: {  	_ =	shalt  }
0x75: {  	_ =	shalt  }
0x76: {  	_ =	shalt  }
0x77: {  	_ =	shalt  }
0x78: {  	_ =	shalt  }
0x79: {  	_ =	shalt  }
0x7a: {  	_ =	shalt  }
0x7b: {  	_ =	shalt  }
0x7c: {  	_ =	shalt  }
0x7d: {  	_ =	shalt  }
0x7e: {  	_ =	shalt  }
0x7f: {  	_ =	shalt  }
0x80: {  	_ =	shalt  }
0x81: {  	_ =	shalt  }
0x82: {  	_ =	shalt  }
0x83: {  	_ =	shalt  }
0x84: {  	_ =	shalt  }
0x85: {  	_ =	shalt  }
0x86: {  	_ =	shalt  }
0x87: {  	_ =	shalt  }
.Lfunc_end0:
.L_simem_size_0:
called_computation_lowered:
.L_overlay_start_0:
0x88: {  	s2 =	sld [smem:$0x3FD9]  }
0x89: {  	s3 =	sld [smem:$0x3FFE];
	_ =	sdelay $0x1  }
0x8a: {  	s1 =	srdreg.scid  }
0x8b: {  	s0 =	sand.u32 $0x1, s1  }
0x8c: {  	s17 =	sshll.u32 s0, $0xA;
	s2 =	sadd.s32 s3, s2  }
0x8d: {  	s2 =	sadd.s32 s2, s17  }
0x8e: {  	[smem:$0x3FBE] =	sst s2  }
0x8f: {  	_ = 	snop  }
0x90: {  	(tm) =	ssettm $0x1  }
0x91: {  	s18 =	sld [smem:$0x3FFB];
	_ =	sdelay $0x3  }
0x92: {  	_ =	strace s18  }
0x93: {  	s2 =	sld [smem:$0x3FFC];
	_ =	sdelay $0x3  }
0x94: {  	_ =	strace s2  }
0x95: {  	s2 =	sld [smem:$0x3FFD];
	_ =	sdelay $0x3  }
0x96: {  	_ =	strace s2  }
0x97: {  	_ =	strace $0x8FFFFFFF  }
0x98: {  	s19 =	sld [smem:$0x3FDB];
	_ =	sdelay $0x1  }
0x99: {  	s20 =	simm.s32 $_scs_section_size  }
0x9a: {  	s4 =	simm.s32 $_size__tile_overlayer_lowered;
	s5 =	simm.s32 $_tile_overlayer_lowered  }
0x9b: {  	s6 =	simm.s32 $0x1BFF;
	s21 =	sshll.u32 s5, $0x1;
	s3 =	sadd.s32 s20, s19  }
0x9c: {  	s22 =	simm.s32 $0x0;
	s4 =	sshll.u32 s4, $0x1;
	s5 =	sadd.s32 s21, s3  }
0x9d: {  	[timem:s22], [sflag:s6] =	dma.local [hbm:s5], s4  }
0x9e: {  	_ =	swait.ge [sflag:s6], s4  }
0x9f: {  	s4 =	ssub.s32 $0x0, s4;
	[sflag:s6] =	ssyncset.done $0x0  }
0xa0: {  	[sflag:s6] =	ssyncadd.s32 s4;
	_ =	sdelay $0x1  }
0xa1: {  	s23 =	simm.s32 $0x1B8B  }
0xa2: {  	_ =	swait.ge [sflag:s23], $0x1  }
0xa3: {  	[sflag:s23] =	ssyncset.done $0x0  }
0xa4: {  	[sflag:s23] =	ssyncadd.s32 $0xFFFFFFFF  }
0xa5: {  	s4 =	sld [smem:$0x0]  }
0xa6: {  	s5 =	sand.u32 $0xFFFFFFFE, s1  }
0xa7: {  	p0 =	sne.s32 s1, s5  }
0xa8: {  	s5 =	sshll.u32 @p0 s5, $0xE  }
0xa9: {  	s5 =	sadd.s32 @p0 $0x11B8D, s5;
	s6 =	sshll.u32 @p0 s4, $0x11  }
0xaa: {  	s5 =	sor.u32 @p0 s6, s5  }
0xab: {  	[sflag:s5] =	ssyncadd.remote.s32 @p0 $0x1;
	_ =	sdelay $0x1  }
0xac: {  	s5 =	simm.s32 @p0 $0x1B8D  }
0xad: {  	_ =	swait.eq @p0 [sflag:s5], $0x1  }
0xae: {  	[sflag:s5] =	ssyncadd.s32 @p0 $0xFFFFFFFF  }
0xaf: {  	s6 =	sshll.u32 @!p0 s1, $0xE  }
0xb0: {  	s6 =	sor.u32 @!p0 $0x4000, s6;
	s5 =	simm.s32 @!p0 $0x1B8D  }
0xb1: {  	s4 =	sshll.u32 @!p0 s4, $0x11;
	s6 =	sadd.s32 @!p0 $0x11B8D, s6;
	_ =	swait.eq @!p0 [sflag:s5], $0x1  }
0xb2: {  	s4 =	sor.u32 @!p0 s4, s6;
	[sflag:s5] =	ssyncadd.s32 @!p0 $0xFFFFFFFF  }
0xb3: {  	s25 =	simm.s32 $0x1B8E;
	s24 =	sld [smem:$0x3FFE];
	[sflag:s4] =	ssyncadd.remote.s32 @!p0 $0x1  }
0xb4: {  	s26 =	simm.s32 $execute0_lowered;
	[smem:$0x3FD2] =	sst s25  }
0xb5: {  	s5 =	sshll.u32 s26, $0x1;
	_ =	strace $0x80000049;
	[dreg:$0x1] =	wrdreg $0xFFFFFFFF  }
0xb6: {  	s28 =	simm.s32 $_size_execute0_lowered;
	s3 =	sadd.s32 s3, s5;
	[dreg:$0x0] =	wrdreg $0x0  }
0xb7: {  	s5 =	sshll.u32 s28, $0x1;
	[dreg:$0x2] =	wrdreg s3  }
0xb8: {  	[dreg:$0x3] =	wrdreg s5  }
0xb9: {  	[dreg:$0x4] =	wrdreg $0xC0  }
0xba: {  	_ =	task [dreg:s22], $0x5FFFF  }
0xbb: {  	[dreg:$0x1] =	wrdreg $0xFFFFFFFF  }
0xbc: {  	[dreg:$0x0] =	wrdreg $0x60  }
0xbd: {  	[dreg:$0x2] =	wrdreg s24  }
0xbe: {  	[dreg:$0x3] =	wrdreg $0x9  }
0xbf: {  	_ =	task.clear_ibuf [dreg:s22], $0x4FFFF;
	_ =	strace $0x90000049  }
0xc0: {  	s29 =	simm.s32 $0x9;
	_ =	strace $0x8000004B  }
0xc1: {  	_ =	swait.ge [sflag:s29], $0x1  }
0xc2: {  	[sflag:s29] =	ssyncadd.s32 $0xFFFFFFFF  }
0xc3: {  	_ =	strace $0x9000004B  }
0xc4: {  	_ =	sfence  }
0xc5: {  	s30 =	sld [smem:$0x0];
	_ =	sdelay $0x2  }
0xc6: {  	s31 =	sshll.u32 s1, $0xD;
	s1 =	sshrl.u32 s1, $0x2  }
0xc7: {  	s4 =	sand.u32 $0x4000, s31;
	s1 =	sadd.s32 s1, s30  }
0xc8: {  	s0 =	sor.u32 s4, s0;
	s1 =	sshll.u32 s1, $0x11  }
0xc9: {  	s0 =	sor.u32 s1, s0  }
0xca: {  	s0 =	sadd.s32 $0x8F2B, s0  }
0xcb: {  	[sflag:s0] =	ssyncadd.remote.s32 $0x1  }
0xcc: {  	_ =	sfence.sel $0xFFFF  }
0xcd: {  	[dreg:$0x0] =	wrdreg $0xFFFFFFFF;
	(pc) =	sbr.abs _section_cstart, $3  }
0xce: {  	[dreg:$0x1] =	wrdreg $0xFFFFFFFF  }
0xcf: {  	_ =	task.clear_ibuf [dreg:s22], $0x2FFFF;
	_ =	strace $0x9FFFFFFF  }
0xd0: {  	(tm) =	ssettm $0x7FFFFFFF  }
0xd1: {  	_ =	shalt  }
tec
execute0_lowered:
.L_overlay_start_1:
0x0: {  	(tag) =	ssettag $0x1  }
0x1: {  	s7 =	rddreg [dreg:$0x0]  }
0x2: {  	s0 =	rddreg [dreg:$0x1];
	_ =	strace $0x8000004A  }
0x3: {  	s1 =	srdreg.scid;
	s4 =	simm.s32 $0x1;
	s9 =	simm.s32 $0x3  }
0x4: {  	s12 =	simm.s32 $0x0;
	s10 =	simm.s32 $0x0;
	s5 =	sshll.u32 s1, $0x4  }
.Ltmp0:
0x5: {  	s1 =	stileid.u32;
	s5 =	sand.u32 $0x10, s5;
	(pc) =	sbr.rel .LBB2_1-.Ltmp0, $4  }
0x6: {  	s2 =	sadd.s32 $0x19A000, s7;
	s3 =	sadd.s32 $0x189E00, s7;
	s6 =	sor.u32 s1, s5  }
0x7: {  	[sflag:s4] =	ssyncpa.u1 $0x0;
	s5 =	simm.s32 $0x2;
	s6 =	sshll.u32 s6, $0x7  }
0x8: {  	s7 =	sadd.s32 $0x320A00, s7;
	[sflag:s5] =	ssyncpa.u1 $0x0;
	s8 =	sadd.s32 $0x80, s6  }
0x9: {  	vm0 =	vmmov $0xff;
	vm1 =	vcmask $0x3F20;
	[sflag:s9] =	ssyncpa.u1 $0x0;
	s9 =	simm.s32 $0x80;
	s11 =	smov.u32 s6  }
.LBB2_9:
0xa: {  	p0 =	seq.s32 s10, $0x2  }
.Ltmp1:
0xb: {  	_ = 	snop;
	(pc) =	sbr.rel @p0 .LBB2_11-.Ltmp1, $1  }
0xc: {  	_ =	sdelay $0x3  }
.LBB2_10:
0xd: {  	s12 =	sadd.s32 $0x80, s11  }
0xe: {  	s13 =	smov.u32 s6;
	p0 =	slt.s32 s12, s8  }
0xf: {  	s13 =	smov.u32 @p0 s12  }
0x10: {  	s10 =	sadd.s32 $0x1, s10;
	s12 =	smov.u32 s11;
	s11 =	smov.u32 s13  }
.LBB2_1:
0x11: {  	p0 =	sne.s32 s10, $0x0  }
.Ltmp2:
0x12: {  	_ = 	snop;
	(pc) =	sbr.rel @!p0 .LBB2_2-.Ltmp2, $1  }
0x13: {  	_ =	sdelay $0x3  }
0x14: {  	s13 =	sand.u32 $0x1, s10  }
0x15: {  	p0 =	seq.s32 s13, $0x0  }
.Ltmp3:
0x16: {  	_ = 	snop;
	(pc) =	sbr.rel @p0 .LBB2_9-.Ltmp3, $1  }
0x17: {  	_ =	sdelay $0x3  }
0x18: {  	_ =	swait.ge [sflag:s5], $0x80  }
0x19: {  	[sflag:s5] =	ssyncset.done $0x0  }
0x1a: {  	s13 =	simm.s32 $0x0;
	[sflag:s5] =	ssyncadd.s32 $0xFFFFFF80  }
0x1b: {  	v0 =	vld.msk [tilespmem:s13+$0x80 ss:$0x1], $0xffff;
	_ =	sdelay $0x4  }
0x1c: {  	vm2 =	vgt.s32 v0, $0x0  }
0x1d: {  	v0 =	vnsel vm2, $0x0, v0  }
0x1e: {  	v0 =	vmin.u32 v0, $0x1869F  }
0x1f: {  	v0 =	vshll.u32 v0, $0x4;
	_ =	sdelay $0x3  }
0x20: {  	s13 =	simm.s32 $0x4100  }
0x21: {  	[tilespmem:s13], [sflag:$0x1] =	stream.indirect_vreg.gather [hbm:s2], $0x80, v0, vm0, $0x38;
	[tilespmem:$0x8100] =	vst v63  }
0x22: {  	s14 =	simm.s32 $0x4500;
	s31 =	simm.s32 $0x10  }
0x23: {  	[tilespmem:s14], [sflag:$0x1] =	stream.indirect_vreg.gather [hbm:s2], $0x80, v0, vm1, $0x38;
	[tilespmem:$0x8100] =	vst v63  }
0x24: {  	s14 =	simm.s32 $0x80;
	v0 =	vld.msk [tilespmem:s31+$0x80 ss:$0x1], $0xffff  }
.LBB2_5:
0x25: {  	p0 =	sne.s32 s14, $0x1C0;
	_ =	sdelay $0x4  }
0x26: {  	vm2 =	vgt.s32 v0, $0x0  }
0x27: {  	v0 =	vnsel vm2, $0x0, v0  }
0x28: {  	v0 =	vmin.u32 v0, $0x1869F  }
0x29: {  	v0 =	vshll.u32 v0, $0x4;
	_ =	sdelay $0x3  }
.Ltmp4:
0x2a: {  	s13 =	sadd.s32 $0x800, s13;
	(pc) =	sbr.rel @p0 .LBB2_5-.Ltmp4, $4  }
0x2b: {  	[tilespmem:s13], [sflag:$0x1] =	stream.indirect_vreg.gather [hbm:s2], $0x80, v0, vm0, $0x38;
	[tilespmem:$0x8100] =	vst v63  }
0x2c: {  	s15 =	sshra.s32 s14, $0x2;
	s16 =	sadd.s32 $0x400, s13  }
0x2d: {  	[tilespmem:s16], [sflag:$0x1] =	stream.indirect_vreg.gather [hbm:s2], $0x80, v0, vm1, $0x38;
	[tilespmem:$0x8100] =	vst v63  }
0x2e: {  	s14 =	sadd.s32 $0x40, s14;
	v0 =	vld.msk [tilespmem:s15+$0x80 ss:$0x1], $0xffff  }
0x2f: {  	_ =	sdelay $0x3  }
0x30: {  	vm2 =	vgt.s32 v0, $0x0  }
0x31: {  	v0 =	vnsel vm2, $0x0, v0  }
0x32: {  	v0 =	vmin.u32 v0, $0x1869F  }
0x33: {  	v0 =	vshll.u32 v0, $0x4;
	_ =	sdelay $0x3  }
0x34: {  	s13 =	sadd.s32 $0x800, s13  }
0x35: {  	[tilespmem:s13], [sflag:$0x1] =	stream.indirect_vreg.gather [hbm:s2], $0x80, v0, vm0, $0x38;
	[tilespmem:$0x8100] =	vst v63  }
0x36: {  	s13 =	sadd.s32 $0x400, s13  }
0x37: {  	[tilespmem:s13], [sflag:$0x1] =	stream.indirect_vreg.gather [hbm:s2], $0x80, v0, vm1, $0x38;
	[tilespmem:$0x8100] =	vst v63  }
0x38: {  	s12 =	sshll.u32 s12, $0x4;
	s14 =	simm.s32 $0x80;
	_ =	swait.ge [sflag:s4], $0x4000  }
0x39: {  	s15 =	simm.s32 $0x4500;
	s12 =	sadd.s32 s12, s7;
	[sflag:s4] =	ssyncset.done $0x0  }
0x3a: {  	s16 =	sadd.s32 $0x0, s12;
	s13 =	simm.s32 $0x4100;
	[sflag:s4] =	ssyncadd.s32 $0xFFFFC000  }
.LBB2_7:
0x3b: {  	[hbm:s16] =	stream.linear.scatter [tilespmem:s13], [sflag:$0x3], $0x400, $0x38;
	[tilespmem:$0x8100] =	vst v63  }
0x3c: {  	s16 =	smov.u32 s14;
	s13 =	smov.u32 s15;
	p0 =	sne.s32 s14, $0x780  }
.Ltmp5:
0x3d: {  	s14 =	sadd.s32 $0x80, s14;
	(pc) =	sbr.rel @p0 .LBB2_7-.Ltmp5, $2  }
0x3e: {  	_ =	sdelay $0x2  }
0x3f: {  	s15 =	sadd.s32 $0x400, s15;
	s16 =	sadd.s32 s16, s12  }
.Ltmp6:
0x40: {  	(pc) =	sbr.rel .LBB2_9-.Ltmp6, $2  }
0x41: {  	_ =	sdelay $0x2  }
0x42: {  	[hbm:s16] =	stream.linear.scatter [tilespmem:s13], [sflag:$0x3], $0x400, $0x38;
	[tilespmem:$0x8100] =	vst v63  }
.LBB2_2:
.Ltmp7:
0x43: {  	(pc) =	sbr.rel .LBB2_10-.Ltmp7, $4  }
0x44: {  	_ = 	snop  }
0x45: {  	s12 =	sshrl.u32 s11, $0x3  }
0x46: {  	s13 =	sand.u32 $0x7, s11;
	s12 =	sadd.s32 s3, s12  }
0x47: {  	[tilespmem:s9], [sflag:$0x2] =	stream.linear.gather [hbm4b:s12+s13], $0x80, $0x38;
	[tilespmem:$0x8100] =	vst v63  }
.LBB2_11:
0x48: {  	s2 =	simm.s32 $0x3  }
0x49: {  	_ =	swait.ge [sflag:s2], $0x4000  }
0x4a: {  	[sflag:s2] =	ssyncset.done $0x0  }
0x4b: {  	[sflag:s2] =	ssyncadd.s32 $0xFFFFC000  }
0x4c: {  	_ =	sfence.sel $0x180000  }
0x4d: {  	s3 =	simm.s32 $0x2;
	[bflag:$0x0] =	sbarrier.arrive $0xFFFF  }
0x4e: {  	[sflag:s3] =	ssyncpa.u1 $0x1  }
0x4f: {  	s31 =	simm.s32 $0x1;
	[sflag:s2] =	ssyncpa.u1 $0x1  }
0x50: {  	[sflag:s31] =	ssyncpa.u1 $0x1  }
0x51: {  	p0 =	sne.s32 s1, $0x0;
	_ =	strace $0x9000004A  }
0x52: {  	s0 =	sadd.s32 @!p0 $0x100000, s0;
	[bflag:$0x2] =	sbarrier.arrive $0xFFFF  }
0x53: {  	[sflag:s0] =	ssyncadd.tile.s32 @!p0 $0x1;
	_ =	shalt  }
.Lfunc_end2:
_tile_overlayer_lowered:
.L_overlay_start_2:
0x54: {  	(tag) =	ssettag $0x2  }
0x55: {  	s0 =	rddreg [dreg:$0x0];
	s2 =	stileid.u32  }
0x56: {  	s1 =	rddreg [dreg:$0x1];
	p0 =	sne.s32 s2, $0x0  }
0x57: {  	s3 =	rddreg [dreg:$0x2];
	[bflag:$0x3] =	sbarrier.arrive $0xFFFF;
	s2 =	simm.s32 @!p0 $0x1C01  }
0x58: {  	[timem:s3], [sflag:s2] =	dma.local @!p0 [hbm:s0], s1  }
0x59: {  	s0 =	simm.s32 @!p0 $0x1  }
0x5a: {  	_ =	swait.ge @!p0 [sflag:s0], s1  }
0x5b: {  	s1 =	ssub.s32 @!p0 $0x0, s1;
	[sflag:s0] =	ssyncset.done @!p0 $0x0  }
0x5c: {  	[sflag:s0] =	ssyncadd.s32 @!p0 s1  }
0x5d: {  	[bflag:$0x3] =	sbarrier.arrive $0xFFFF  }
0x5e: {  	_ =	shalt  }

// kernel: gekg_nbr_gather_sc.3.cloned.1.call-start
scs
__scs_entry_jumppad:
0x0: {  	(pc) =	sbr.rel $0x88, $3  }
0x1: {  	(tag) =	ssettag $0x0;
	lr =	simm.s32 $0x1  }
0x2: {  	[smem:$0x3F97] =	sst lr;
	_ =	strace $0xD0000000  }
0x3: {  	_ = 	snop  }
0x4: {  	_ = 	snop  }
0x5: {  	_ = 	snop  }
0x6: {  	_ = 	snop  }
0x7: {  	_ = 	snop  }
__scs_overlays_trampoline_lowered:
0x8: {  	[smem:$0x3FA6] =	sst s0  }
0x9: {  	[smem:$0x3FA7] =	sst s1  }
0xa: {  	[smem:$0x3FA8] =	sst s2  }
0xb: {  	[smem:$0x3FA9] =	sst s3  }
0xc: {  	[smem:$0x3FAA] =	sst s4  }
0xd: {  	[smem:$0x3FAB] =	sst s5  }
0xe: {  	[smem:$0x3FAC] =	sst s6  }
0xf: {  	[smem:$0x3FAD] =	sst s7  }
0x10: {  	[smem:$0x3FAE] =	sst s8  }
0x11: {  	[smem:$0x3FAF] =	sst s9;
	s0 =	simm.s32 @!p0 $0x0  }
0x12: {  	s1 =	sld [smem:$0x3F95];
	s0 =	simm.s32 @p0 $0x1  }
0x13: {  	[smem:$0x3FB0] =	sst s0;
	s0 =	simm.s32 @!p1 $0x0  }
0x14: {  	s2 =	sld [smem:$0x3F94];
	s0 =	simm.s32 @p1 $0x1  }
0x15: {  	[smem:$0x3FB1] =	sst s0;
	s0 =	simm.s32 @!p2 $0x0  }
0x16: {  	s3 =	sld [smem:$0x3FDB];
	s0 =	simm.s32 @p2 $0x1  }
0x17: {  	s4 =	simm.s32 $0x1BF5;
	[smem:$0x3FB3] =	sst s0  }
0x18: {  	s0 =	sld [smem:$0x3F96];
	_ =	swait.ge [sflag:s4], $0x0  }
0x19: {  	s7 =	sld [smem:$0x3F97]  }
0x1a: {  	s8 =	sadd.s32 $0xFFFFE003, lr  }
0x1b: {  	s9 =	sadd.s32 $0xFFFFFEF7, lr;
	s5 =	simm.s32 $0xFFFFFFFF;
	p2 =	slt.u32 s8, $0xFFFFF086  }
0x1c: {  	p1 =	slt.u32 s9, $0xF7A;
	s5 =	simm.s32 @!p2 $0x0  }
0x1d: {  	s5 =	simm.s32 @p1 $0x1;
	p0 =	seq.s32 s7, s2  }
0x1e: {  	s7 =	smul.u32 @!p0 $0xF7A, s2;
	p2 =	seq.s32 @!p0 s5, $0x0  }
0x1f: {  	s9 =	smul.u32 $0xF7A, s1;
	s8 =	simm.s32 @!p0 $0x1BF5;
	p2 =	por !p2, p0  }
0x20: {  	[sflag:s8] =	ssyncset.s32 @!p0 $0xFFFFF086;
	s6 =	sadd.s32 @!p0 s3, s7;
	s7 =	simm.s32 @!p0 $0x108  }
0x21: {  	s3 =	sadd.s32 s3, s9;
	s6 =	sadd.s32 @!p0 $0x88, s6;
	s7 =	simm.s32 @p2 $0x1082  }
0x22: {  	[simem:s7], [sflag:s8] =	dma.local @!p0 [hbm:s6], $0xF7A  }
0x23: {  	s9 =	sor.u32 $0xD0000000, s2;
	s6 =	simm.s32 $0x108;
	_ =	swait.ge @!p0 [sflag:s8], $0x0  }
0x24: {  	s3 =	sadd.s32 $0x88, s3;
	s6 =	simm.s32 @!p1 $0x1082;
	[sflag:s4] =	ssyncset.s32 $0xFFFFF086  }
0x25: {  	[simem:s6], [sflag:s4] =	dma.local [hbm:s3], $0xF7A  }
0x26: {  	[smem:$0x3F97] =	sst s1;
	(tag) =	ssettag s2;
	_ =	strace s9  }
0x27: {  	s1 =	sld [smem:$0x3FA7]  }
0x28: {  	s2 =	sld [smem:$0x3FA8]  }
0x29: {  	s4 =	sld [smem:$0x3FAA]  }
0x2a: {  	p0 =	seq.s32 s5, $0x0;
	s5 =	sld [smem:$0x3FAB]  }
0x2b: {  	s6 =	sld [smem:$0x3FAC]  }
0x2c: {  	s7 =	sld [smem:$0x3FAD]  }
0x2d: {  	s3 =	simm.s32 $0x108;
	s8 =	sld [smem:$0x3FAE]  }
0x2e: {  	s3 =	simm.s32 @!p0 $0x1082;
	s9 =	sld [smem:$0x3FAF]  }
0x2f: {  	lr =	sadd.s32 s0, s3;
	s0 =	sld [smem:$0x3FA6]  }
0x30: {  	s3 =	sld [smem:$0x3FA9]  }
0x31: {  	[smem:$0x3FB2] =	sst s10  }
0x32: {  	s10 =	sld [smem:$0x3FB0];
	_ =	sdelay $0x3  }
0x33: {  	p0 =	seq.s32 s10, $0x1;
	s10 =	sld [smem:$0x3FB2];
	_ =	sdelay $0x3  }
0x34: {  	[smem:$0x3FB2] =	sst s10  }
0x35: {  	s10 =	sld [smem:$0x3FB1];
	_ =	sdelay $0x3  }
0x36: {  	p1 =	seq.s32 s10, $0x1;
	s10 =	sld [smem:$0x3FB2];
	_ =	sdelay $0x3  }
0x37: {  	[smem:$0x3FB2] =	sst s10  }
0x38: {  	s10 =	sld [smem:$0x3FB3]  }
0x39: {  	_ = 	snop;
	(pc) =	sbr.ind lr, $3  }
0x3a: {  	_ = 	snop  }
0x3b: {  	_ = 	snop  }
0x3c: {  	p2 =	seq.s32 s10, $0x1;
	s10 =	sld [smem:$0x3FB2]  }
0x3d: {  	_ =	shalt  }
0x3e: {  	_ =	shalt  }
0x3f: {  	_ =	shalt  }
0x40: {  	_ =	shalt  }
0x41: {  	_ =	shalt  }
0x42: {  	_ =	shalt  }
0x43: {  	_ =	shalt  }
0x44: {  	_ =	shalt  }
0x45: {  	_ =	shalt  }
0x46: {  	_ =	shalt  }
0x47: {  	_ =	shalt  }
0x48: {  	_ =	shalt  }
0x49: {  	_ =	shalt  }
0x4a: {  	_ =	shalt  }
0x4b: {  	_ =	shalt  }
0x4c: {  	_ =	shalt  }
0x4d: {  	_ =	shalt  }
0x4e: {  	_ =	shalt  }
0x4f: {  	_ =	shalt  }
0x50: {  	_ =	shalt  }
0x51: {  	_ =	shalt  }
0x52: {  	_ =	shalt  }
0x53: {  	_ =	shalt  }
0x54: {  	_ =	shalt  }
0x55: {  	_ =	shalt  }
0x56: {  	_ =	shalt  }
0x57: {  	_ =	shalt  }
0x58: {  	_ =	shalt  }
0x59: {  	_ =	shalt  }
0x5a: {  	_ =	shalt  }
0x5b: {  	_ =	shalt  }
0x5c: {  	_ =	shalt  }
0x5d: {  	_ =	shalt  }
0x5e: {  	_ =	shalt  }
0x5f: {  	_ =	shalt  }
0x60: {  	_ =	shalt  }
0x61: {  	_ =	shalt  }
0x62: {  	_ =	shalt  }
0x63: {  	_ =	shalt  }
0x64: {  	_ =	shalt  }
0x65: {  	_ =	shalt  }
0x66: {  	_ =	shalt  }
0x67: {  	_ =	shalt  }
0x68: {  	_ =	shalt  }
0x69: {  	_ =	shalt  }
0x6a: {  	_ =	shalt  }
0x6b: {  	_ =	shalt  }
0x6c: {  	_ =	shalt  }
0x6d: {  	_ =	shalt  }
0x6e: {  	_ =	shalt  }
0x6f: {  	_ =	shalt  }
0x70: {  	_ =	shalt  }
0x71: {  	_ =	shalt  }
0x72: {  	_ =	shalt  }
0x73: {  	_ =	shalt  }
0x74: {  	_ =	shalt  }
0x75: {  	_ =	shalt  }
0x76: {  	_ =	shalt  }
0x77: {  	_ =	shalt  }
0x78: {  	_ =	shalt  }
0x79: {  	_ =	shalt  }
0x7a: {  	_ =	shalt  }
0x7b: {  	_ =	shalt  }
0x7c: {  	_ =	shalt  }
0x7d: {  	_ =	shalt  }
0x7e: {  	_ =	shalt  }
0x7f: {  	_ =	shalt  }
0x80: {  	_ =	shalt  }
0x81: {  	_ =	shalt  }
0x82: {  	_ =	shalt  }
0x83: {  	_ =	shalt  }
0x84: {  	_ =	shalt  }
0x85: {  	_ =	shalt  }
0x86: {  	_ =	shalt  }
0x87: {  	_ =	shalt  }
.Lfunc_end0:
.L_simem_size_0:
called_computation.2_lowered:
.L_overlay_start_0:
0x88: {  	s2 =	sld [smem:$0x3FD9]  }
0x89: {  	s3 =	sld [smem:$0x3FFE];
	_ =	sdelay $0x1  }
0x8a: {  	s1 =	srdreg.scid  }
0x8b: {  	s0 =	sand.u32 $0x1, s1  }
0x8c: {  	s17 =	sshll.u32 s0, $0xA;
	s2 =	sadd.s32 s3, s2  }
0x8d: {  	s2 =	sadd.s32 s2, s17  }
0x8e: {  	[smem:$0x3FBE] =	sst s2  }
0x8f: {  	_ = 	snop  }
0x90: {  	s2 =	sld [smem:$0x3FC5];
	(tm) =	ssettm $0x1  }
0x91: {  	s18 =	sld [smem:$0x3FFB];
	_ =	sdelay $0x3  }
0x92: {  	_ =	strace s18  }
0x93: {  	s3 =	sld [smem:$0x3FFC];
	_ =	sdelay $0x3  }
0x94: {  	_ =	strace s3  }
0x95: {  	s3 =	sld [smem:$0x3FFD];
	_ =	sdelay $0x3  }
0x96: {  	_ =	strace s3  }
0x97: {  	_ =	strace $0x8FFFFFFF  }
0x98: {  	s19 =	sld [smem:$0x3FDB];
	_ =	sdelay $0x1  }
0x99: {  	s4 =	simm.s32 $_scs_section_size  }
0x9a: {  	s5 =	simm.s32 $_size__tile_overlayer_lowered;
	s6 =	simm.s32 $_tile_overlayer_lowered  }
0x9b: {  	s22 =	simm.s32 $0x1BFF;
	s21 =	sshll.u32 s6, $0x1;
	s3 =	sadd.s32 s4, s19  }
0x9c: {  	s7 =	simm.s32 $0x0;
	s20 =	sshll.u32 s5, $0x1;
	s5 =	sadd.s32 s21, s3  }
0x9d: {  	[timem:s7], [sflag:s22] =	dma.local [hbm:s5], s20  }
0x9e: {  	_ =	swait.ge [sflag:s22], s20  }
0x9f: {  	s4 =	ssub.s32 $0x0, s20;
	[sflag:s22] =	ssyncset.done $0x0  }
0xa0: {  	[sflag:s22] =	ssyncadd.s32 s4;
	_ =	sdelay $0x1  }
0xa1: {  	s23 =	simm.s32 $0x1B8B  }
0xa2: {  	_ =	swait.ge [sflag:s23], $0x1  }
0xa3: {  	[sflag:s23] =	ssyncset.done $0x0  }
0xa4: {  	s25 =	simm.s32 $0x1B8E;
	s24 =	sld [smem:$0x3FFE];
	[sflag:s23] =	ssyncadd.s32 $0xFFFFFFFF  }
0xa5: {  	s26 =	simm.s32 $execute0_lowered;
	[smem:$0x3FD2] =	sst s25  }
0xa6: {  	s5 =	sshll.u32 s26, $0x1;
	_ =	strace $0x8000004C;
	[dreg:$0x1] =	wrdreg $0xFFFFFFFF  }
0xa7: {  	s28 =	simm.s32 $_size_execute0_lowered;
	s3 =	sadd.s32 s3, s5;
	[dreg:$0x0] =	wrdreg $0x0  }
0xa8: {  	s5 =	sshll.u32 s28, $0x1;
	[dreg:$0x2] =	wrdreg s3  }
0xa9: {  	[dreg:$0x3] =	wrdreg s5  }
0xaa: {  	[dreg:$0x4] =	wrdreg $0xC0  }
0xab: {  	_ =	task [dreg:s7], $0x5FFFF  }
0xac: {  	[dreg:$0x1] =	wrdreg $0xFFFFFFFF  }
0xad: {  	[dreg:$0x0] =	wrdreg $0x60  }
0xae: {  	[dreg:$0x2] =	wrdreg s24  }
0xaf: {  	[dreg:$0x3] =	wrdreg s2  }
0xb0: {  	[dreg:$0x4] =	wrdreg $0x9  }
0xb1: {  	_ =	task.clear_ibuf [dreg:s7], $0x5FFFF;
	_ =	strace $0x9000004C  }
0xb2: {  	s29 =	simm.s32 $0x9;
	_ =	strace $0x8000004E  }
0xb3: {  	_ =	swait.ge [sflag:s29], $0x1  }
0xb4: {  	[sflag:s29] =	ssyncadd.s32 $0xFFFFFFFF  }
0xb5: {  	_ =	strace $0x9000004E  }
0xb6: {  	_ =	sfence  }
0xb7: {  	s30 =	sld [smem:$0x0];
	_ =	sdelay $0x2  }
0xb8: {  	s31 =	sshll.u32 s1, $0xD;
	s1 =	sshrl.u32 s1, $0x2  }
0xb9: {  	s3 =	sand.u32 $0x4000, s31;
	s1 =	sadd.s32 s1, s30  }
0xba: {  	s0 =	sor.u32 s3, s0;
	s1 =	sshll.u32 s1, $0x11  }
0xbb: {  	s0 =	sor.u32 s1, s0  }
0xbc: {  	s0 =	sadd.s32 $0x8F2B, s0  }
0xbd: {  	[sflag:s0] =	ssyncadd.remote.s32 $0x1  }
0xbe: {  	_ =	sfence.sel $0xFFFF  }
0xbf: {  	[dreg:$0x0] =	wrdreg $0xFFFFFFFF;
	(pc) =	sbr.abs _section_cstart, $3  }
0xc0: {  	[dreg:$0x1] =	wrdreg $0xFFFFFFFF  }
0xc1: {  	_ =	task.clear_ibuf [dreg:s7], $0x2FFFF;
	_ =	strace $0x9FFFFFFF  }
0xc2: {  	(tm) =	ssettm $0x7FFFFFFF  }
0xc3: {  	_ =	shalt  }
tec
execute0_lowered:
.L_overlay_start_1:
0x0: {  	(tag) =	ssettag $0x1  }
0x1: {  	s0 =	rddreg [dreg:$0x0];
	s1 =	srdreg.scid  }
0x2: {  	s2 =	stileid.u32;
	s3 =	rddreg [dreg:$0x1]  }
0x3: {  	s28 =	simm.s32 $0x6;
	s1 =	sand.u32 $0x1, s1;
	s4 =	sshll.u32 s2, $0x1  }
0x4: {  	s30 =	simm.s32 $0x880;
	s2 =	simm.s32 $0x0;
	s4 =	sor.u32 s1, s4  }
0x5: {  	[smem:$0x7FF] =	sst s2;
	s5 =	sshll.u32 s4, $0x4;
	s6 =	sshll.u32 s4, $0x8  }
0x6: {  	_ =	strace $0x8000004D;
	s7 =	sshll.u32 s4, $0xF;
	s5 =	sadd.s32 s5, s0  }
0x7: {  	s4 =	sshll.u32 s4, $0xB;
	s6 =	sadd.s32 s6, s0;
	s5 =	sadd.s32 $0x3200, s5  }
0x8: {  	s4 =	sadd.s32 s4, s0;
	s24 =	sadd.s32 $0x3400, s6;
	[dreg:$0x3] =	wrdreg s5  }
0x9: {  	s0 =	sadd.s32 s7, s0;
	s4 =	sadd.s32 $0x5400, s4;
	[dreg:$0x4] =	wrdreg s24  }
0xa: {  	s31 =	simm.s32 $0x1;
	s25 =	sadd.s32 $0x15400, s0;
	[dreg:$0x5] =	wrdreg s4  }
0xb: {  	s29 =	simm.s32 $0x100;
	s26 =	sadd.s32 $0x15C00, s0;
	[dreg:$0x6] =	wrdreg s25  }
0xc: {  	s23 =	simm.s32 $0x300;
	s6 =	sadd.s32 $0x16C00, s0;
	[dreg:$0x7] =	wrdreg s26  }
0xd: {  	s22 =	simm.s32 $0x380;
	s7 =	sadd.s32 $0x17400, s0;
	[dreg:$0x9] =	wrdreg s6  }
0xe: {  	s21 =	simm.s32 $0x400;
	s8 =	sadd.s32 $0x17C00, s0;
	[dreg:$0xa] =	wrdreg s7  }
0xf: {  	s20 =	simm.s32 $0x480;
	s9 =	sadd.s32 $0x18400, s0;
	[dreg:$0xb] =	wrdreg s8  }
0x10: {  	s19 =	simm.s32 $0x500;
	s10 =	sadd.s32 $0x18C00, s0;
	[dreg:$0xc] =	wrdreg s9  }
0x11: {  	p0 =	por $0x0, $0x0;
	s11 =	sadd.s32 $0x19400, s0;
	[dreg:$0xd] =	wrdreg s10  }
0x12: {  	s1 =	ssub.s32 $0x2, s1;
	s12 =	sadd.s32 $0x19C00, s0;
	[dreg:$0xe] =	wrdreg s11  }
0x13: {  	s15 =	sshrl.u32 s1, $0x1;
	s13 =	sadd.s32 $0x1A400, s0;
	[dreg:$0xf] =	wrdreg s12  }
0x14: {  	s1 =	ssub.s32 s1, s15;
	s14 =	sadd.s32 $0x1AC00, s0;
	[dreg:$0x10] =	wrdreg s13  }
0x15: {  	s15 =	simm.s32 $0x700;
	s16 =	sadd.s32 $0x1B400, s0;
	[dreg:$0x11] =	wrdreg s14  }
0x16: {  	s17 =	sadd.s32 $0x1BC00, s0;
	s18 =	smax.u32 s1, $0x1;
	[dreg:$0x12] =	wrdreg s16  }
0x17: {  	s5 =	sadd.s32 $0x16400, s0;
	[dreg:$0x13] =	wrdreg s17;
	s4 =	sadd.s32 $0x1CC00, s0  }
0x18: {  	s10 =	simm.s32 $0x80;
	s9 =	simm.s32 $0x4880;
	s8 =	simm.s32 $0x8880  }
0x19: {  	s12 =	simm.s32 $0x2;
	s6 =	simm.s32 $0x4;
	p1 =	sne.s32 s18, $0x1  }
.Ltmp0:
0x1a: {  	s26 =	simm.s32 $0x180;
	s11 =	simm.s32 $0x3;
	(pc) =	sbr.rel @!p1 .LBB2_3-.Ltmp0, $4  }
0x1b: {  	s7 =	simm.s32 $0x5;
	s25 =	simm.s32 $0x200;
	s24 =	simm.s32 $0x280  }
0x1c: {  	s1 =	sadd.s32 $0xFFFFFFFF, s18;
	s18 =	simm.s32 $0x580;
	s17 =	simm.s32 $0x600  }
0x1d: {  	s16 =	simm.s32 $0x680;
	s14 =	simm.s32 $0x780;
	[dreg:$0x8] =	wrdreg s5  }
0x1e: {  	s13 =	simm.s32 $0x800;
	s5 =	sadd.s32 $0x1C400, s0;
	s0 =	rddreg [dreg:$0x3]  }
0x1f: {  	[tilespmem:s2], [sflag:$0x6] =	stream.linear.gather [hbm4b:s0+s2], $0x80, $0x38;
	[tilespmem:$0xC880] =	vst v63  }
0x20: {  	_ =	swait.ge [sflag:s28], $0x80  }
0x21: {  	[sflag:s28] =	ssyncset.done $0x0  }
0x22: {  	[sflag:s28] =	ssyncadd.s32 $0xFFFFFF80  }
0x23: {  	[tilespmem:s30], [sflag:$0x1] =	stream.indirect.gather [hbm4b:s3+s10], $0x80, s2, s10, $0xb8;
	[tilespmem:$0xC880] =	vst v63  }
0x24: {  	s0 =	rddreg [dreg:$0x4]  }
0x25: {  	[tilespmem:s10], [sflag:$0x6] =	stream.linear.gather [hbm4b:s0+s2], $0x800, $0x38;
	[tilespmem:$0xC880] =	vst v63  }
0x26: {  	_ =	swait.ge [sflag:s28], $0x800  }
0x27: {  	[sflag:s28] =	ssyncset.done $0x0  }
0x28: {  	[sflag:s28] =	ssyncadd.s32 $0xFFFFF800  }
0x29: {  	_ =	swait.ge [sflag:s31], $0x4000  }
0x2a: {  	[sflag:s31] =	ssyncset.done $0x0  }
0x2b: {  	s0 =	rddreg [dreg:$0x5];
	[sflag:s31] =	ssyncadd.s32 $0xFFFFC000  }
0x2c: {  	[hbm4b:s0+s2] =	stream.linear.scatter [tilespmem:s30], [sflag:$0x6], $0x4000, $0x38;
	[tilespmem:$0xC880] =	vst v63  }
0x2d: {  	_ =	swait.ge [sflag:s28], $0x4000  }
0x2e: {  	[sflag:s28] =	ssyncset.done $0x0  }
0x2f: {  	[sflag:s28] =	ssyncadd.s32 $0xFFFFC000  }
0x30: {  	[tilespmem:s9], [sflag:$0x2] =	stream.indirect.gather [hbm4b:s3+s10], $0x80, s10, s10, $0xb8;
	[tilespmem:$0xC880] =	vst v63  }
0x31: {  	_ = 	snop  }
0x32: {  	[tilespmem:s8], [sflag:$0x3] =	stream.indirect.gather [hbm4b:s3+s10], $0x80, s29, s10, $0xb8;
	[tilespmem:$0xC880] =	vst v63  }
0x33: {  	_ =	swait.ge [sflag:s12], $0x4000  }
0x34: {  	[sflag:s12] =	ssyncset.done $0x0  }
0x35: {  	s0 =	rddreg [dreg:$0x6];
	[sflag:s12] =	ssyncadd.s32 $0xFFFFC000  }
0x36: {  	[hbm4b:s0+s2] =	stream.linear.scatter [tilespmem:s9], [sflag:$0x4], $0x4000, $0x38;
	[tilespmem:$0xC880] =	vst v63  }
0x37: {  	_ =	swait.ge [sflag:s6], $0x4000  }
0x38: {  	[sflag:s6] =	ssyncset.done $0x0  }
0x39: {  	[sflag:s6] =	ssyncadd.s32 $0xFFFFC000  }
0x3a: {  	[tilespmem:s9], [sflag:$0x2] =	stream.indirect.gather [hbm4b:s3+s10], $0x80, s26, s10, $0xb8;
	[tilespmem:$0xC880] =	vst v63  }
0x3b: {  	_ =	swait.ge [sflag:s11], $0x4000  }
0x3c: {  	[sflag:s11] =	ssyncset.done $0x0  }
0x3d: {  	s0 =	rddreg [dreg:$0x7];
	[sflag:s11] =	ssyncadd.s32 $0xFFFFC000  }
0x3e: {  	[hbm4b:s0+s2] =	stream.linear.scatter [tilespmem:s8], [sflag:$0x5], $0x4000, $0x38;
	[tilespmem:$0xC880] =	vst v63  }
0x3f: {  	_ =	swait.ge [sflag:s7], $0x4000  }
0x40: {  	[sflag:s7] =	ssyncset.done $0x0  }
0x41: {  	[sflag:s7] =	ssyncadd.s32 $0xFFFFC000  }
0x42: {  	[tilespmem:s8], [sflag:$0x3] =	stream.indirect.gather [hbm4b:s3+s10], $0x80, s25, s10, $0xb8;
	[tilespmem:$0xC880] =	vst v63  }
0x43: {  	_ =	swait.ge [sflag:s12], $0x4000  }
0x44: {  	[sflag:s12] =	ssyncset.done $0x0  }
0x45: {  	s0 =	rddreg [dreg:$0x8];
	[sflag:s12] =	ssyncadd.s32 $0xFFFFC000  }
0x46: {  	[hbm4b:s0+s2] =	stream.linear.scatter [tilespmem:s9], [sflag:$0x4], $0x4000, $0x38;
	[tilespmem:$0xC880] =	vst v63  }
0x47: {  	_ =	swait.ge [sflag:s6], $0x4000  }
0x48: {  	[sflag:s6] =	ssyncset.done $0x0  }
0x49: {  	[sflag:s6] =	ssyncadd.s32 $0xFFFFC000  }
0x4a: {  	[tilespmem:s9], [sflag:$0x2] =	stream.indirect.gather [hbm4b:s3+s10], $0x80, s24, s10, $0xb8;
	[tilespmem:$0xC880] =	vst v63  }
0x4b: {  	_ =	swait.ge [sflag:s11], $0x4000  }
0x4c: {  	[sflag:s11] =	ssyncset.done $0x0  }
0x4d: {  	s0 =	rddreg [dreg:$0x9];
	[sflag:s11] =	ssyncadd.s32 $0xFFFFC000  }
0x4e: {  	[hbm4b:s0+s2] =	stream.linear.scatter [tilespmem:s8], [sflag:$0x5], $0x4000, $0x38;
	[tilespmem:$0xC880] =	vst v63  }
0x4f: {  	_ =	swait.ge [sflag:s7], $0x4000  }
0x50: {  	[sflag:s7] =	ssyncset.done $0x0  }
0x51: {  	[sflag:s7] =	ssyncadd.s32 $0xFFFFC000  }
0x52: {  	[tilespmem:s8], [sflag:$0x3] =	stream.indirect.gather [hbm4b:s3+s10], $0x80, s23, s10, $0xb8;
	[tilespmem:$0xC880] =	vst v63  }
0x53: {  	_ =	swait.ge [sflag:s12], $0x4000  }
0x54: {  	[sflag:s12] =	ssyncset.done $0x0  }
0x55: {  	s0 =	rddreg [dreg:$0xa];
	[sflag:s12] =	ssyncadd.s32 $0xFFFFC000  }
0x56: {  	[hbm4b:s0+s2] =	stream.linear.scatter [tilespmem:s9], [sflag:$0x4], $0x4000, $0x38;
	[tilespmem:$0xC880] =	vst v63  }
0x57: {  	_ =	swait.ge [sflag:s6], $0x4000  }
0x58: {  	[sflag:s6] =	ssyncset.done $0x0  }
0x59: {  	[sflag:s6] =	ssyncadd.s32 $0xFFFFC000  }
0x5a: {  	[tilespmem:s9], [sflag:$0x2] =	stream.indirect.gather [hbm4b:s3+s10], $0x80, s22, s10, $0xb8;
	[tilespmem:$0xC880] =	vst v63  }
0x5b: {  	_ =	swait.ge [sflag:s11], $0x4000  }
0x5c: {  	[sflag:s11] =	ssyncset.done $0x0  }
0x5d: {  	s0 =	rddreg [dreg:$0xb];
	[sflag:s11] =	ssyncadd.s32 $0xFFFFC000  }
0x5e: {  	[hbm4b:s0+s2] =	stream.linear.scatter [tilespmem:s8], [sflag:$0x5], $0x4000, $0x38;
	[tilespmem:$0xC880] =	vst v63  }
0x5f: {  	_ =	swait.ge [sflag:s7], $0x4000  }
0x60: {  	[sflag:s7] =	ssyncset.done $0x0  }
0x61: {  	[sflag:s7] =	ssyncadd.s32 $0xFFFFC000  }
0x62: {  	[tilespmem:s8], [sflag:$0x3] =	stream.indirect.gather [hbm4b:s3+s10], $0x80, s21, s10, $0xb8;
	[tilespmem:$0xC880] =	vst v63  }
0x63: {  	_ =	swait.ge [sflag:s12], $0x4000  }
0x64: {  	[sflag:s12] =	ssyncset.done $0x0  }
0x65: {  	s0 =	rddreg [dreg:$0xc];
	[sflag:s12] =	ssyncadd.s32 $0xFFFFC000  }
0x66: {  	[hbm4b:s0+s2] =	stream.linear.scatter [tilespmem:s9], [sflag:$0x4], $0x4000, $0x38;
	[tilespmem:$0xC880] =	vst v63  }
0x67: {  	_ =	swait.ge [sflag:s6], $0x4000  }
0x68: {  	[sflag:s6] =	ssyncset.done $0x0  }
0x69: {  	[sflag:s6] =	ssyncadd.s32 $0xFFFFC000  }
0x6a: {  	[tilespmem:s9], [sflag:$0x2] =	stream.indirect.gather [hbm4b:s3+s10], $0x80, s20, s10, $0xb8;
	[tilespmem:$0xC880] =	vst v63  }
0x6b: {  	_ =	swait.ge [sflag:s11], $0x4000  }
0x6c: {  	[sflag:s11] =	ssyncset.done $0x0  }
0x6d: {  	s0 =	rddreg [dreg:$0xd];
	[sflag:s11] =	ssyncadd.s32 $0xFFFFC000  }
0x6e: {  	[hbm4b:s0+s2] =	stream.linear.scatter [tilespmem:s8], [sflag:$0x5], $0x4000, $0x38;
	[tilespmem:$0xC880] =	vst v63  }
0x6f: {  	_ =	swait.ge [sflag:s7], $0x4000  }
0x70: {  	[sflag:s7] =	ssyncset.done $0x0  }
0x71: {  	[sflag:s7] =	ssyncadd.s32 $0xFFFFC000  }
0x72: {  	[tilespmem:s8], [sflag:$0x3] =	stream.indirect.gather [hbm4b:s3+s10], $0x80, s19, s10, $0xb8;
	[tilespmem:$0xC880] =	vst v63  }
0x73: {  	_ =	swait.ge [sflag:s12], $0x4000  }
0x74: {  	[sflag:s12] =	ssyncset.done $0x0  }
0x75: {  	s0 =	rddreg [dreg:$0xe];
	[sflag:s12] =	ssyncadd.s32 $0xFFFFC000  }
0x76: {  	[hbm4b:s0+s2] =	stream.linear.scatter [tilespmem:s9], [sflag:$0x4], $0x4000, $0x38;
	[tilespmem:$0xC880] =	vst v63  }
0x77: {  	_ =	swait.ge [sflag:s6], $0x4000  }
0x78: {  	[sflag:s6] =	ssyncset.done $0x0  }
0x79: {  	[sflag:s6] =	ssyncadd.s32 $0xFFFFC000  }
0x7a: {  	[tilespmem:s9], [sflag:$0x2] =	stream.indirect.gather [hbm4b:s3+s10], $0x80, s18, s10, $0xb8;
	[tilespmem:$0xC880] =	vst v63  }
0x7b: {  	_ =	swait.ge [sflag:s11], $0x4000  }
0x7c: {  	[sflag:s11] =	ssyncset.done $0x0  }
0x7d: {  	s0 =	rddreg [dreg:$0xf];
	[sflag:s11] =	ssyncadd.s32 $0xFFFFC000  }
0x7e: {  	[hbm4b:s0+s2] =	stream.linear.scatter [tilespmem:s8], [sflag:$0x5], $0x4000, $0x38;
	[tilespmem:$0xC880] =	vst v63  }
0x7f: {  	_ =	swait.ge [sflag:s7], $0x4000  }
0x80: {  	[sflag:s7] =	ssyncset.done $0x0  }
0x81: {  	[sflag:s7] =	ssyncadd.s32 $0xFFFFC000  }
0x82: {  	[tilespmem:s8], [sflag:$0x3] =	stream.indirect.gather [hbm4b:s3+s10], $0x80, s17, s10, $0xb8;
	[tilespmem:$0xC880] =	vst v63  }
0x83: {  	_ =	swait.ge [sflag:s12], $0x4000  }
0x84: {  	[sflag:s12] =	ssyncset.done $0x0  }
0x85: {  	s0 =	rddreg [dreg:$0x10];
	[sflag:s12] =	ssyncadd.s32 $0xFFFFC000  }
0x86: {  	[hbm4b:s0+s2] =	stream.linear.scatter [tilespmem:s9], [sflag:$0x4], $0x4000, $0x38;
	[tilespmem:$0xC880] =	vst v63  }
0x87: {  	_ =	swait.ge [sflag:s6], $0x4000  }
0x88: {  	[sflag:s6] =	ssyncset.done $0x0  }
0x89: {  	[sflag:s6] =	ssyncadd.s32 $0xFFFFC000  }
0x8a: {  	[tilespmem:s9], [sflag:$0x2] =	stream.indirect.gather [hbm4b:s3+s10], $0x80, s16, s10, $0xb8;
	[tilespmem:$0xC880] =	vst v63  }
0x8b: {  	_ =	swait.ge [sflag:s11], $0x4000  }
0x8c: {  	[sflag:s11] =	ssyncset.done $0x0  }
0x8d: {  	s0 =	rddreg [dreg:$0x11];
	[sflag:s11] =	ssyncadd.s32 $0xFFFFC000  }
0x8e: {  	[hbm4b:s0+s2] =	stream.linear.scatter [tilespmem:s8], [sflag:$0x5], $0x4000, $0x38;
	[tilespmem:$0xC880] =	vst v63  }
0x8f: {  	_ =	swait.ge [sflag:s7], $0x4000  }
0x90: {  	[sflag:s7] =	ssyncset.done $0x0  }
0x91: {  	[sflag:s7] =	ssyncadd.s32 $0xFFFFC000  }
0x92: {  	[tilespmem:s8], [sflag:$0x3] =	stream.indirect.gather [hbm4b:s3+s10], $0x80, s15, s10, $0xb8;
	[tilespmem:$0xC880] =	vst v63  }
0x93: {  	_ =	swait.ge [sflag:s12], $0x4000  }
0x94: {  	[sflag:s12] =	ssyncset.done $0x0  }
0x95: {  	s0 =	rddreg [dreg:$0x12];
	[sflag:s12] =	ssyncadd.s32 $0xFFFFC000  }
0x96: {  	[hbm4b:s0+s2] =	stream.linear.scatter [tilespmem:s9], [sflag:$0x4], $0x4000, $0x38;
	[tilespmem:$0xC880] =	vst v63  }
0x97: {  	_ =	swait.ge [sflag:s6], $0x4000  }
0x98: {  	[sflag:s6] =	ssyncset.done $0x0  }
0x99: {  	[sflag:s6] =	ssyncadd.s32 $0xFFFFC000  }
0x9a: {  	[tilespmem:s9], [sflag:$0x2] =	stream.indirect.gather [hbm4b:s3+s10], $0x80, s14, s10, $0xb8;
	[tilespmem:$0xC880] =	vst v63  }
0x9b: {  	_ =	swait.ge [sflag:s11], $0x4000  }
0x9c: {  	[sflag:s11] =	ssyncset.done $0x0  }
0x9d: {  	s0 =	rddreg [dreg:$0x13];
	[sflag:s11] =	ssyncadd.s32 $0xFFFFC000  }
0x9e: {  	[hbm4b:s0+s2] =	stream.linear.scatter [tilespmem:s8], [sflag:$0x5], $0x4000, $0x38;
	[tilespmem:$0xC880] =	vst v63  }
0x9f: {  	_ =	swait.ge [sflag:s7], $0x4000  }
0xa0: {  	[sflag:s7] =	ssyncset.done $0x0  }
0xa1: {  	[sflag:s7] =	ssyncadd.s32 $0xFFFFC000  }
0xa2: {  	[tilespmem:s8], [sflag:$0x3] =	stream.indirect.gather [hbm4b:s3+s10], $0x80, s13, s10, $0xb8;
	[tilespmem:$0xC880] =	vst v63  }
0xa3: {  	_ =	swait.ge [sflag:s12], $0x4000  }
0xa4: {  	[sflag:s12] =	ssyncset.done $0x0  }
0xa5: {  	[sflag:s12] =	ssyncadd.s32 $0xFFFFC000  }
0xa6: {  	[hbm4b:s5+s2] =	stream.linear.scatter [tilespmem:s9], [sflag:$0x4], $0x4000, $0x38;
	[tilespmem:$0xC880] =	vst v63  }
0xa7: {  	_ =	swait.ge [sflag:s11], $0x4000  }
0xa8: {  	[sflag:s11] =	ssyncset.done $0x0  }
0xa9: {  	p1 =	sne.s32 s1, $0x1;
	[sflag:s11] =	ssyncadd.s32 $0xFFFFC000  }
0xaa: {  	[hbm4b:s4+s2] =	stream.linear.scatter [tilespmem:s8], [sflag:$0x5], $0x4000, $0x38;
	[tilespmem:$0xC880] =	vst v63  }
.Ltmp1:
0xab: {  	_ =	swait.ge [sflag:s6], $0x4000;
	(pc) =	sbr.rel @!p1 .LBB2_3-.Ltmp1, $4  }
0xac: {  	[sflag:s6] =	ssyncset.done $0x0  }
0xad: {  	[sflag:s6] =	ssyncadd.s32 $0xFFFFC000  }
0xae: {  	s1 =	sadd.s32 $0xFFFFFFFF, s1;
	_ =	swait.ge [sflag:s7], $0x4000  }
0xaf: {  	p0 =	por $0x1, $0x1;
	s0 =	rddreg [dreg:$0x3];
	[sflag:s7] =	ssyncset.done $0x0  }
.LBB2_2:
0xb0: {  	[sflag:s7] =	ssyncadd.s32 $0xFFFFC000  }
0xb1: {  	[tilespmem:s2], [sflag:$0x6] =	stream.linear.gather [hbm4b:s0+s2], $0x80, $0x38;
	[tilespmem:$0xC880] =	vst v63  }
0xb2: {  	_ =	swait.ge [sflag:s28], $0x80  }
0xb3: {  	[sflag:s28] =	ssyncset.done $0x0  }
0xb4: {  	[sflag:s28] =	ssyncadd.s32 $0xFFFFFF80  }
0xb5: {  	[tilespmem:s30], [sflag:$0x1] =	stream.indirect.gather [hbm4b:s3+s10], $0x80, s2, s10, $0xb8;
	[tilespmem:$0xC880] =	vst v63  }
0xb6: {  	s0 =	rddreg [dreg:$0x4]  }
0xb7: {  	[tilespmem:s10], [sflag:$0x6] =	stream.linear.gather [hbm4b:s0+s2], $0x800, $0x38;
	[tilespmem:$0xC880] =	vst v63  }
0xb8: {  	_ =	swait.ge [sflag:s28], $0x800  }
0xb9: {  	[sflag:s28] =	ssyncset.done $0x0  }
0xba: {  	[sflag:s28] =	ssyncadd.s32 $0xFFFFF800  }
0xbb: {  	_ =	swait.ge [sflag:s31], $0x4000  }
0xbc: {  	[sflag:s31] =	ssyncset.done $0x0  }
0xbd: {  	s0 =	rddreg [dreg:$0x5];
	[sflag:s31] =	ssyncadd.s32 $0xFFFFC000  }
0xbe: {  	[hbm4b:s0+s2] =	stream.linear.scatter [tilespmem:s30], [sflag:$0x6], $0x4000, $0x38;
	[tilespmem:$0xC880] =	vst v63  }
0xbf: {  	_ =	swait.ge [sflag:s28], $0x4000  }
0xc0: {  	[sflag:s28] =	ssyncset.done $0x0  }
0xc1: {  	[sflag:s28] =	ssyncadd.s32 $0xFFFFC000  }
0xc2: {  	[tilespmem:s9], [sflag:$0x2] =	stream.indirect.gather [hbm4b:s3+s10], $0x80, s10, s10, $0xb8;
	[tilespmem:$0xC880] =	vst v63  }
0xc3: {  	_ = 	snop  }
0xc4: {  	[tilespmem:s8], [sflag:$0x3] =	stream.indirect.gather [hbm4b:s3+s10], $0x80, s29, s10, $0xb8;
	[tilespmem:$0xC880] =	vst v63  }
0xc5: {  	_ =	swait.ge [sflag:s12], $0x4000  }
0xc6: {  	[sflag:s12] =	ssyncset.done $0x0  }
0xc7: {  	s0 =	rddreg [dreg:$0x6];
	[sflag:s12] =	ssyncadd.s32 $0xFFFFC000  }
0xc8: {  	[hbm4b:s0+s2] =	stream.linear.scatter [tilespmem:s9], [sflag:$0x4], $0x4000, $0x38;
	[tilespmem:$0xC880] =	vst v63  }
0xc9: {  	_ =	swait.ge [sflag:s6], $0x4000  }
0xca: {  	[sflag:s6] =	ssyncset.done $0x0  }
0xcb: {  	[sflag:s6] =	ssyncadd.s32 $0xFFFFC000  }
0xcc: {  	[tilespmem:s9], [sflag:$0x2] =	stream.indirect.gather [hbm4b:s3+s10], $0x80, s26, s10, $0xb8;
	[tilespmem:$0xC880] =	vst v63  }
0xcd: {  	_ =	swait.ge [sflag:s11], $0x4000  }
0xce: {  	[sflag:s11] =	ssyncset.done $0x0  }
0xcf: {  	s0 =	rddreg [dreg:$0x7];
	[sflag:s11] =	ssyncadd.s32 $0xFFFFC000  }
0xd0: {  	[hbm4b:s0+s2] =	stream.linear.scatter [tilespmem:s8], [sflag:$0x5], $0x4000, $0x38;
	[tilespmem:$0xC880] =	vst v63  }
0xd1: {  	_ =	swait.ge [sflag:s7], $0x4000  }
0xd2: {  	[sflag:s7] =	ssyncset.done $0x0  }
0xd3: {  	[sflag:s7] =	ssyncadd.s32 $0xFFFFC000  }
0xd4: {  	[tilespmem:s8], [sflag:$0x3] =	stream.indirect.gather [hbm4b:s3+s10], $0x80, s25, s10, $0xb8;
	[tilespmem:$0xC880] =	vst v63  }
0xd5: {  	_ =	swait.ge [sflag:s12], $0x4000  }
0xd6: {  	[sflag:s12] =	ssyncset.done $0x0  }
0xd7: {  	s0 =	rddreg [dreg:$0x8];
	[sflag:s12] =	ssyncadd.s32 $0xFFFFC000  }
0xd8: {  	[hbm4b:s0+s2] =	stream.linear.scatter [tilespmem:s9], [sflag:$0x4], $0x4000, $0x38;
	[tilespmem:$0xC880] =	vst v63  }
0xd9: {  	_ =	swait.ge [sflag:s6], $0x4000  }
0xda: {  	[sflag:s6] =	ssyncset.done $0x0  }
0xdb: {  	[sflag:s6] =	ssyncadd.s32 $0xFFFFC000  }
0xdc: {  	[tilespmem:s9], [sflag:$0x2] =	stream.indirect.gather [hbm4b:s3+s10], $0x80, s24, s10, $0xb8;
	[tilespmem:$0xC880] =	vst v63  }
0xdd: {  	_ =	swait.ge [sflag:s11], $0x4000  }
0xde: {  	[sflag:s11] =	ssyncset.done $0x0  }
0xdf: {  	s0 =	rddreg [dreg:$0x9];
	[sflag:s11] =	ssyncadd.s32 $0xFFFFC000  }
0xe0: {  	[hbm4b:s0+s2] =	stream.linear.scatter [tilespmem:s8], [sflag:$0x5], $0x4000, $0x38;
	[tilespmem:$0xC880] =	vst v63  }
0xe1: {  	_ =	swait.ge [sflag:s7], $0x4000  }
0xe2: {  	[sflag:s7] =	ssyncset.done $0x0  }
0xe3: {  	[sflag:s7] =	ssyncadd.s32 $0xFFFFC000  }
0xe4: {  	[tilespmem:s8], [sflag:$0x3] =	stream.indirect.gather [hbm4b:s3+s10], $0x80, s23, s10, $0xb8;
	[tilespmem:$0xC880] =	vst v63  }
0xe5: {  	_ =	swait.ge [sflag:s12], $0x4000  }
0xe6: {  	[sflag:s12] =	ssyncset.done $0x0  }
0xe7: {  	s0 =	rddreg [dreg:$0xa];
	[sflag:s12] =	ssyncadd.s32 $0xFFFFC000  }
0xe8: {  	[hbm4b:s0+s2] =	stream.linear.scatter [tilespmem:s9], [sflag:$0x4], $0x4000, $0x38;
	[tilespmem:$0xC880] =	vst v63  }
0xe9: {  	_ =	swait.ge [sflag:s6], $0x4000  }
0xea: {  	[sflag:s6] =	ssyncset.done $0x0  }
0xeb: {  	[sflag:s6] =	ssyncadd.s32 $0xFFFFC000  }
0xec: {  	[tilespmem:s9], [sflag:$0x2] =	stream.indirect.gather [hbm4b:s3+s10], $0x80, s22, s10, $0xb8;
	[tilespmem:$0xC880] =	vst v63  }
0xed: {  	_ =	swait.ge [sflag:s11], $0x4000  }
0xee: {  	[sflag:s11] =	ssyncset.done $0x0  }
0xef: {  	s0 =	rddreg [dreg:$0xb];
	[sflag:s11] =	ssyncadd.s32 $0xFFFFC000  }
0xf0: {  	[hbm4b:s0+s2] =	stream.linear.scatter [tilespmem:s8], [sflag:$0x5], $0x4000, $0x38;
	[tilespmem:$0xC880] =	vst v63  }
0xf1: {  	_ =	swait.ge [sflag:s7], $0x4000  }
0xf2: {  	[sflag:s7] =	ssyncset.done $0x0  }
0xf3: {  	[sflag:s7] =	ssyncadd.s32 $0xFFFFC000  }
0xf4: {  	[tilespmem:s8], [sflag:$0x3] =	stream.indirect.gather [hbm4b:s3+s10], $0x80, s21, s10, $0xb8;
	[tilespmem:$0xC880] =	vst v63  }
0xf5: {  	_ =	swait.ge [sflag:s12], $0x4000  }
0xf6: {  	[sflag:s12] =	ssyncset.done $0x0  }
0xf7: {  	s0 =	rddreg [dreg:$0xc];
	[sflag:s12] =	ssyncadd.s32 $0xFFFFC000  }
0xf8: {  	[hbm4b:s0+s2] =	stream.linear.scatter [tilespmem:s9], [sflag:$0x4], $0x4000, $0x38;
	[tilespmem:$0xC880] =	vst v63  }
0xf9: {  	_ =	swait.ge [sflag:s6], $0x4000  }
0xfa: {  	[sflag:s6] =	ssyncset.done $0x0  }
0xfb: {  	[sflag:s6] =	ssyncadd.s32 $0xFFFFC000  }
0xfc: {  	[tilespmem:s9], [sflag:$0x2] =	stream.indirect.gather [hbm4b:s3+s10], $0x80, s20, s10, $0xb8;
	[tilespmem:$0xC880] =	vst v63  }
0xfd: {  	_ =	swait.ge [sflag:s11], $0x4000  }
0xfe: {  	[sflag:s11] =	ssyncset.done $0x0  }
0xff: {  	s0 =	rddreg [dreg:$0xd];
	[sflag:s11] =	ssyncadd.s32 $0xFFFFC000  }
0x100: {  	[hbm4b:s0+s2] =	stream.linear.scatter [tilespmem:s8], [sflag:$0x5], $0x4000, $0x38;
	[tilespmem:$0xC880] =	vst v63  }
0x101: {  	_ =	swait.ge [sflag:s7], $0x4000  }
0x102: {  	[sflag:s7] =	ssyncset.done $0x0  }
0x103: {  	[sflag:s7] =	ssyncadd.s32 $0xFFFFC000  }
0x104: {  	[tilespmem:s8], [sflag:$0x3] =	stream.indirect.gather [hbm4b:s3+s10], $0x80, s19, s10, $0xb8;
	[tilespmem:$0xC880] =	vst v63  }
0x105: {  	_ =	swait.ge [sflag:s12], $0x4000  }
0x106: {  	[sflag:s12] =	ssyncset.done $0x0  }
0x107: {  	s0 =	rddreg [dreg:$0xe];
	[sflag:s12] =	ssyncadd.s32 $0xFFFFC000  }
0x108: {  	[hbm4b:s0+s2] =	stream.linear.scatter [tilespmem:s9], [sflag:$0x4], $0x4000, $0x38;
	[tilespmem:$0xC880] =	vst v63  }
0x109: {  	_ =	swait.ge [sflag:s6], $0x4000  }
0x10a: {  	[sflag:s6] =	ssyncset.done $0x0  }
0x10b: {  	[sflag:s6] =	ssyncadd.s32 $0xFFFFC000  }
0x10c: {  	[tilespmem:s9], [sflag:$0x2] =	stream.indirect.gather [hbm4b:s3+s10], $0x80, s18, s10, $0xb8;
	[tilespmem:$0xC880] =	vst v63  }
0x10d: {  	_ =	swait.ge [sflag:s11], $0x4000  }
0x10e: {  	[sflag:s11] =	ssyncset.done $0x0  }
0x10f: {  	s0 =	rddreg [dreg:$0xf];
	[sflag:s11] =	ssyncadd.s32 $0xFFFFC000  }
0x110: {  	[hbm4b:s0+s2] =	stream.linear.scatter [tilespmem:s8], [sflag:$0x5], $0x4000, $0x38;
	[tilespmem:$0xC880] =	vst v63  }
0x111: {  	_ =	swait.ge [sflag:s7], $0x4000  }
0x112: {  	[sflag:s7] =	ssyncset.done $0x0  }
0x113: {  	[sflag:s7] =	ssyncadd.s32 $0xFFFFC000  }
0x114: {  	[tilespmem:s8], [sflag:$0x3] =	stream.indirect.gather [hbm4b:s3+s10], $0x80, s17, s10, $0xb8;
	[tilespmem:$0xC880] =	vst v63  }
0x115: {  	_ =	swait.ge [sflag:s12], $0x4000  }
0x116: {  	[sflag:s12] =	ssyncset.done $0x0  }
0x117: {  	s0 =	rddreg [dreg:$0x10];
	[sflag:s12] =	ssyncadd.s32 $0xFFFFC000  }
0x118: {  	[hbm4b:s0+s2] =	stream.linear.scatter [tilespmem:s9], [sflag:$0x4], $0x4000, $0x38;
	[tilespmem:$0xC880] =	vst v63  }
0x119: {  	_ =	swait.ge [sflag:s6], $0x4000  }
0x11a: {  	[sflag:s6] =	ssyncset.done $0x0  }
0x11b: {  	[sflag:s6] =	ssyncadd.s32 $0xFFFFC000  }
0x11c: {  	[tilespmem:s9], [sflag:$0x2] =	stream.indirect.gather [hbm4b:s3+s10], $0x80, s16, s10, $0xb8;
	[tilespmem:$0xC880] =	vst v63  }
0x11d: {  	_ =	swait.ge [sflag:s11], $0x4000  }
0x11e: {  	[sflag:s11] =	ssyncset.done $0x0  }
0x11f: {  	s0 =	rddreg [dreg:$0x11];
	[sflag:s11] =	ssyncadd.s32 $0xFFFFC000  }
0x120: {  	[hbm4b:s0+s2] =	stream.linear.scatter [tilespmem:s8], [sflag:$0x5], $0x4000, $0x38;
	[tilespmem:$0xC880] =	vst v63  }
0x121: {  	_ =	swait.ge [sflag:s7], $0x4000  }
0x122: {  	[sflag:s7] =	ssyncset.done $0x0  }
0x123: {  	[sflag:s7] =	ssyncadd.s32 $0xFFFFC000  }
0x124: {  	[tilespmem:s8], [sflag:$0x3] =	stream.indirect.gather [hbm4b:s3+s10], $0x80, s15, s10, $0xb8;
	[tilespmem:$0xC880] =	vst v63  }
0x125: {  	_ =	swait.ge [sflag:s12], $0x4000  }
0x126: {  	[sflag:s12] =	ssyncset.done $0x0  }
0x127: {  	s0 =	rddreg [dreg:$0x12];
	[sflag:s12] =	ssyncadd.s32 $0xFFFFC000  }
0x128: {  	[hbm4b:s0+s2] =	stream.linear.scatter [tilespmem:s9], [sflag:$0x4], $0x4000, $0x38;
	[tilespmem:$0xC880] =	vst v63  }
0x129: {  	_ =	swait.ge [sflag:s6], $0x4000  }
0x12a: {  	[sflag:s6] =	ssyncset.done $0x0  }
0x12b: {  	[sflag:s6] =	ssyncadd.s32 $0xFFFFC000  }
0x12c: {  	[tilespmem:s9], [sflag:$0x2] =	stream.indirect.gather [hbm4b:s3+s10], $0x80, s14, s10, $0xb8;
	[tilespmem:$0xC880] =	vst v63  }
0x12d: {  	_ =	swait.ge [sflag:s11], $0x4000  }
0x12e: {  	[sflag:s11] =	ssyncset.done $0x0  }
0x12f: {  	s0 =	rddreg [dreg:$0x13];
	[sflag:s11] =	ssyncadd.s32 $0xFFFFC000  }
0x130: {  	[hbm4b:s0+s2] =	stream.linear.scatter [tilespmem:s8], [sflag:$0x5], $0x4000, $0x38;
	[tilespmem:$0xC880] =	vst v63  }
0x131: {  	_ =	swait.ge [sflag:s7], $0x4000  }
0x132: {  	[sflag:s7] =	ssyncset.done $0x0  }
0x133: {  	[sflag:s7] =	ssyncadd.s32 $0xFFFFC000  }
0x134: {  	[tilespmem:s8], [sflag:$0x3] =	stream.indirect.gather [hbm4b:s3+s10], $0x80, s13, s10, $0xb8;
	[tilespmem:$0xC880] =	vst v63  }
0x135: {  	_ =	swait.ge [sflag:s12], $0x4000  }
0x136: {  	[sflag:s12] =	ssyncset.done $0x0  }
0x137: {  	[sflag:s12] =	ssyncadd.s32 $0xFFFFC000  }
0x138: {  	[hbm4b:s5+s2] =	stream.linear.scatter [tilespmem:s9], [sflag:$0x4], $0x4000, $0x38;
	[tilespmem:$0xC880] =	vst v63  }
0x139: {  	_ =	swait.ge [sflag:s11], $0x4000  }
0x13a: {  	[sflag:s11] =	ssyncset.done $0x0  }
0x13b: {  	p1 =	sne.s32 s1, $0x1;
	[sflag:s11] =	ssyncadd.s32 $0xFFFFC000  }
0x13c: {  	[hbm4b:s4+s2] =	stream.linear.scatter [tilespmem:s8], [sflag:$0x5], $0x4000, $0x38;
	[tilespmem:$0xC880] =	vst v63  }
.Ltmp2:
0x13d: {  	_ =	swait.ge [sflag:s6], $0x4000;
	(pc) =	sbr.rel @p1 .LBB2_2-.Ltmp2, $4  }
0x13e: {  	[sflag:s6] =	ssyncset.done $0x0  }
0x13f: {  	[sflag:s6] =	ssyncadd.s32 $0xFFFFC000  }
0x140: {  	_ =	swait.ge [sflag:s7], $0x4000  }
0x141: {  	s1 =	sadd.s32 $0xFFFFFFFF, s1;
	s0 =	rddreg [dreg:$0x3];
	[sflag:s7] =	ssyncset.done $0x0  }
.LBB2_3:
0x142: {  	[sflag:s7] =	ssyncadd.s32 @p0 $0xFFFFC000  }
0x143: {  	[tilespmem:s2], [sflag:$0x6] =	stream.linear.gather [hbm4b:s0+s2], $0x80, $0x38;
	[tilespmem:$0xC880] =	vst v63  }
0x144: {  	_ =	swait.ge [sflag:s28], $0x80  }
0x145: {  	[sflag:s28] =	ssyncset.done $0x0  }
0x146: {  	[sflag:s28] =	ssyncadd.s32 $0xFFFFFF80  }
0x147: {  	[tilespmem:s30], [sflag:$0x1] =	stream.indirect.gather [hbm4b:s3+s10], $0x80, s2, s10, $0xb8;
	[tilespmem:$0xC880] =	vst v63  }
0x148: {  	s1 =	rddreg [dreg:$0x4]  }
0x149: {  	[tilespmem:s10], [sflag:$0x6] =	stream.linear.gather [hbm4b:s1+s2], $0x800, $0x38;
	[tilespmem:$0xC880] =	vst v63  }
0x14a: {  	_ =	swait.ge [sflag:s28], $0x800  }
0x14b: {  	[sflag:s28] =	ssyncset.done $0x0  }
0x14c: {  	[sflag:s28] =	ssyncadd.s32 $0xFFFFF800  }
0x14d: {  	_ =	swait.ge [sflag:s31], $0x4000  }
0x14e: {  	[sflag:s31] =	ssyncset.done $0x0  }
0x14f: {  	s1 =	rddreg [dreg:$0x5];
	[sflag:s31] =	ssyncadd.s32 $0xFFFFC000  }
0x150: {  	[hbm4b:s1+s2] =	stream.linear.scatter [tilespmem:s30], [sflag:$0x6], $0x4000, $0x38;
	[tilespmem:$0xC880] =	vst v63  }
0x151: {  	_ =	swait.ge [sflag:s28], $0x4000  }
0x152: {  	[sflag:s28] =	ssyncset.done $0x0  }
0x153: {  	[sflag:s28] =	ssyncadd.s32 $0xFFFFC000  }
0x154: {  	[tilespmem:s9], [sflag:$0x2] =	stream.indirect.gather [hbm4b:s3+s10], $0x80, s10, s10, $0xb8;
	[tilespmem:$0xC880] =	vst v63  }
0x155: {  	_ = 	snop  }
0x156: {  	[tilespmem:s8], [sflag:$0x3] =	stream.indirect.gather [hbm4b:s3+s10], $0x80, s29, s10, $0xb8;
	[tilespmem:$0xC880] =	vst v63  }
0x157: {  	_ =	swait.ge [sflag:s12], $0x4000  }
0x158: {  	[sflag:s12] =	ssyncset.done $0x0  }
0x159: {  	s1 =	rddreg [dreg:$0x6];
	[sflag:s12] =	ssyncadd.s32 $0xFFFFC000  }
0x15a: {  	[hbm4b:s1+s2] =	stream.linear.scatter [tilespmem:s9], [sflag:$0x4], $0x4000, $0x38;
	[tilespmem:$0xC880] =	vst v63  }
0x15b: {  	_ =	swait.ge [sflag:s6], $0x4000  }
0x15c: {  	[sflag:s6] =	ssyncset.done $0x0  }
0x15d: {  	[sflag:s6] =	ssyncadd.s32 $0xFFFFC000  }
0x15e: {  	[tilespmem:s9], [sflag:$0x2] =	stream.indirect.gather [hbm4b:s3+s10], $0x80, s26, s10, $0xb8;
	[tilespmem:$0xC880] =	vst v63  }
0x15f: {  	_ =	swait.ge [sflag:s11], $0x4000  }
0x160: {  	[sflag:s11] =	ssyncset.done $0x0  }
0x161: {  	s28 =	rddreg [dreg:$0x7];
	[sflag:s11] =	ssyncadd.s32 $0xFFFFC000  }
0x162: {  	[hbm4b:s28+s2] =	stream.linear.scatter [tilespmem:s8], [sflag:$0x5], $0x4000, $0x38;
	[tilespmem:$0xC880] =	vst v63  }
0x163: {  	_ =	swait.ge [sflag:s7], $0x4000  }
0x164: {  	[sflag:s7] =	ssyncset.done $0x0  }
0x165: {  	[sflag:s7] =	ssyncadd.s32 $0xFFFFC000  }
0x166: {  	[tilespmem:s8], [sflag:$0x3] =	stream.indirect.gather [hbm4b:s3+s10], $0x80, s25, s10, $0xb8;
	[tilespmem:$0xC880] =	vst v63  }
0x167: {  	_ =	swait.ge [sflag:s12], $0x4000  }
0x168: {  	[sflag:s12] =	ssyncset.done $0x0  }
0x169: {  	s29 =	rddreg [dreg:$0x8];
	[sflag:s12] =	ssyncadd.s32 $0xFFFFC000  }
0x16a: {  	[hbm4b:s29+s2] =	stream.linear.scatter [tilespmem:s9], [sflag:$0x4], $0x4000, $0x38;
	[tilespmem:$0xC880] =	vst v63  }
0x16b: {  	_ =	swait.ge [sflag:s6], $0x4000  }
0x16c: {  	[sflag:s6] =	ssyncset.done $0x0  }
0x16d: {  	[sflag:s6] =	ssyncadd.s32 $0xFFFFC000  }
0x16e: {  	[tilespmem:s9], [sflag:$0x2] =	stream.indirect.gather [hbm4b:s3+s10], $0x80, s24, s10, $0xb8;
	[tilespmem:$0xC880] =	vst v63  }
0x16f: {  	_ =	swait.ge [sflag:s11], $0x4000  }
0x170: {  	[sflag:s11] =	ssyncset.done $0x0  }
0x171: {  	s30 =	rddreg [dreg:$0x9];
	[sflag:s11] =	ssyncadd.s32 $0xFFFFC000  }
0x172: {  	[hbm4b:s30+s2] =	stream.linear.scatter [tilespmem:s8], [sflag:$0x5], $0x4000, $0x38;
	[tilespmem:$0xC880] =	vst v63  }
0x173: {  	_ =	swait.ge [sflag:s7], $0x4000  }
0x174: {  	[sflag:s7] =	ssyncset.done $0x0  }
0x175: {  	[sflag:s7] =	ssyncadd.s32 $0xFFFFC000  }
0x176: {  	[tilespmem:s8], [sflag:$0x3] =	stream.indirect.gather [hbm4b:s3+s10], $0x80, s23, s10, $0xb8;
	[tilespmem:$0xC880] =	vst v63  }
0x177: {  	_ =	swait.ge [sflag:s12], $0x4000  }
0x178: {  	[sflag:s12] =	ssyncset.done $0x0  }
0x179: {  	s31 =	rddreg [dreg:$0xa];
	[sflag:s12] =	ssyncadd.s32 $0xFFFFC000  }
0x17a: {  	[hbm4b:s31+s2] =	stream.linear.scatter [tilespmem:s9], [sflag:$0x4], $0x4000, $0x38;
	[tilespmem:$0xC880] =	vst v63  }
0x17b: {  	_ =	swait.ge [sflag:s6], $0x4000  }
0x17c: {  	[sflag:s6] =	ssyncset.done $0x0  }
0x17d: {  	[sflag:s6] =	ssyncadd.s32 $0xFFFFC000  }
0x17e: {  	[tilespmem:s9], [sflag:$0x2] =	stream.indirect.gather [hbm4b:s3+s10], $0x80, s22, s10, $0xb8;
	[tilespmem:$0xC880] =	vst v63  }
0x17f: {  	_ =	swait.ge [sflag:s11], $0x4000  }
0x180: {  	[sflag:s11] =	ssyncset.done $0x0  }
0x181: {  	s1 =	rddreg [dreg:$0xb];
	[sflag:s11] =	ssyncadd.s32 $0xFFFFC000  }
0x182: {  	[hbm4b:s1+s2] =	stream.linear.scatter [tilespmem:s8], [sflag:$0x5], $0x4000, $0x38;
	[tilespmem:$0xC880] =	vst v63  }
0x183: {  	_ =	swait.ge [sflag:s7], $0x4000  }
0x184: {  	[sflag:s7] =	ssyncset.done $0x0  }
0x185: {  	[sflag:s7] =	ssyncadd.s32 $0xFFFFC000  }
0x186: {  	[tilespmem:s8], [sflag:$0x3] =	stream.indirect.gather [hbm4b:s3+s10], $0x80, s21, s10, $0xb8;
	[tilespmem:$0xC880] =	vst v63  }
0x187: {  	_ =	swait.ge [sflag:s12], $0x4000  }
0x188: {  	[sflag:s12] =	ssyncset.done $0x0  }
0x189: {  	s22 =	rddreg [dreg:$0xc];
	[sflag:s12] =	ssyncadd.s32 $0xFFFFC000  }
0x18a: {  	[hbm4b:s22+s2] =	stream.linear.scatter [tilespmem:s9], [sflag:$0x4], $0x4000, $0x38;
	[tilespmem:$0xC880] =	vst v63  }
0x18b: {  	_ =	swait.ge [sflag:s6], $0x4000  }
0x18c: {  	[sflag:s6] =	ssyncset.done $0x0  }
0x18d: {  	[sflag:s6] =	ssyncadd.s32 $0xFFFFC000  }
0x18e: {  	[tilespmem:s9], [sflag:$0x2] =	stream.indirect.gather [hbm4b:s3+s10], $0x80, s20, s10, $0xb8;
	[tilespmem:$0xC880] =	vst v63  }
0x18f: {  	_ =	swait.ge [sflag:s11], $0x4000  }
0x190: {  	[sflag:s11] =	ssyncset.done $0x0  }
0x191: {  	s23 =	rddreg [dreg:$0xd];
	[sflag:s11] =	ssyncadd.s32 $0xFFFFC000  }
0x192: {  	[hbm4b:s23+s2] =	stream.linear.scatter [tilespmem:s8], [sflag:$0x5], $0x4000, $0x38;
	[tilespmem:$0xC880] =	vst v63  }
0x193: {  	_ =	swait.ge [sflag:s7], $0x4000  }
0x194: {  	[sflag:s7] =	ssyncset.done $0x0  }
0x195: {  	[sflag:s7] =	ssyncadd.s32 $0xFFFFC000  }
0x196: {  	[tilespmem:s8], [sflag:$0x3] =	stream.indirect.gather [hbm4b:s3+s10], $0x80, s19, s10, $0xb8;
	[tilespmem:$0xC880] =	vst v63  }
0x197: {  	_ =	swait.ge [sflag:s12], $0x4000  }
0x198: {  	[sflag:s12] =	ssyncset.done $0x0  }
0x199: {  	s24 =	rddreg [dreg:$0xe];
	[sflag:s12] =	ssyncadd.s32 $0xFFFFC000  }
0x19a: {  	[hbm4b:s24+s2] =	stream.linear.scatter [tilespmem:s9], [sflag:$0x4], $0x4000, $0x38;
	[tilespmem:$0xC880] =	vst v63  }
0x19b: {  	_ =	swait.ge [sflag:s6], $0x4000  }
0x19c: {  	[sflag:s6] =	ssyncset.done $0x0  }
0x19d: {  	[sflag:s6] =	ssyncadd.s32 $0xFFFFC000  }
0x19e: {  	[tilespmem:s9], [sflag:$0x2] =	stream.indirect.gather [hbm4b:s3+s10], $0x80, s18, s10, $0xb8;
	[tilespmem:$0xC880] =	vst v63  }
0x19f: {  	_ =	swait.ge [sflag:s11], $0x4000  }
0x1a0: {  	[sflag:s11] =	ssyncset.done $0x0  }
0x1a1: {  	s25 =	rddreg [dreg:$0xf];
	[sflag:s11] =	ssyncadd.s32 $0xFFFFC000  }
0x1a2: {  	[hbm4b:s25+s2] =	stream.linear.scatter [tilespmem:s8], [sflag:$0x5], $0x4000, $0x38;
	[tilespmem:$0xC880] =	vst v63  }
0x1a3: {  	_ =	swait.ge [sflag:s7], $0x4000  }
0x1a4: {  	[sflag:s7] =	ssyncset.done $0x0  }
0x1a5: {  	[sflag:s7] =	ssyncadd.s32 $0xFFFFC000  }
0x1a6: {  	[tilespmem:s8], [sflag:$0x3] =	stream.indirect.gather [hbm4b:s3+s10], $0x80, s17, s10, $0xb8;
	[tilespmem:$0xC880] =	vst v63  }
0x1a7: {  	_ =	swait.ge [sflag:s12], $0x4000  }
0x1a8: {  	[sflag:s12] =	ssyncset.done $0x0  }
0x1a9: {  	s26 =	rddreg [dreg:$0x10];
	[sflag:s12] =	ssyncadd.s32 $0xFFFFC000  }
0x1aa: {  	[hbm4b:s26+s2] =	stream.linear.scatter [tilespmem:s9], [sflag:$0x4], $0x4000, $0x38;
	[tilespmem:$0xC880] =	vst v63  }
0x1ab: {  	_ =	swait.ge [sflag:s6], $0x4000  }
0x1ac: {  	[sflag:s6] =	ssyncset.done $0x0  }
0x1ad: {  	[sflag:s6] =	ssyncadd.s32 $0xFFFFC000  }
0x1ae: {  	[tilespmem:s9], [sflag:$0x2] =	stream.indirect.gather [hbm4b:s3+s10], $0x80, s16, s10, $0xb8;
	[tilespmem:$0xC880] =	vst v63  }
0x1af: {  	_ =	swait.ge [sflag:s11], $0x4000  }
0x1b0: {  	[sflag:s11] =	ssyncset.done $0x0  }
0x1b1: {  	s28 =	rddreg [dreg:$0x11];
	[sflag:s11] =	ssyncadd.s32 $0xFFFFC000  }
0x1b2: {  	[hbm4b:s28+s2] =	stream.linear.scatter [tilespmem:s8], [sflag:$0x5], $0x4000, $0x38;
	[tilespmem:$0xC880] =	vst v63  }
0x1b3: {  	_ =	swait.ge [sflag:s7], $0x4000  }
0x1b4: {  	[sflag:s7] =	ssyncset.done $0x0  }
0x1b5: {  	[sflag:s7] =	ssyncadd.s32 $0xFFFFC000  }
0x1b6: {  	[tilespmem:s8], [sflag:$0x3] =	stream.indirect.gather [hbm4b:s3+s10], $0x80, s15, s10, $0xb8;
	[tilespmem:$0xC880] =	vst v63  }
0x1b7: {  	_ =	swait.ge [sflag:s12], $0x4000  }
0x1b8: {  	[sflag:s12] =	ssyncset.done $0x0  }
0x1b9: {  	s29 =	rddreg [dreg:$0x12];
	[sflag:s12] =	ssyncadd.s32 $0xFFFFC000  }
0x1ba: {  	[hbm4b:s29+s2] =	stream.linear.scatter [tilespmem:s9], [sflag:$0x4], $0x4000, $0x38;
	[tilespmem:$0xC880] =	vst v63  }
0x1bb: {  	_ =	swait.ge [sflag:s6], $0x4000  }
0x1bc: {  	[sflag:s6] =	ssyncset.done $0x0  }
0x1bd: {  	[sflag:s6] =	ssyncadd.s32 $0xFFFFC000  }
0x1be: {  	[tilespmem:s9], [sflag:$0x2] =	stream.indirect.gather [hbm4b:s3+s10], $0x80, s14, s10, $0xb8;
	[tilespmem:$0xC880] =	vst v63  }
0x1bf: {  	_ =	swait.ge [sflag:s11], $0x4000  }
0x1c0: {  	[sflag:s11] =	ssyncset.done $0x0  }
0x1c1: {  	s30 =	rddreg [dreg:$0x13];
	[sflag:s11] =	ssyncadd.s32 $0xFFFFC000  }
0x1c2: {  	[hbm4b:s30+s2] =	stream.linear.scatter [tilespmem:s8], [sflag:$0x5], $0x4000, $0x38;
	[tilespmem:$0xC880] =	vst v63  }
0x1c3: {  	_ =	swait.ge [sflag:s7], $0x4000  }
0x1c4: {  	[sflag:s7] =	ssyncset.done $0x0  }
0x1c5: {  	[sflag:s7] =	ssyncadd.s32 $0xFFFFC000  }
0x1c6: {  	[tilespmem:s8], [sflag:$0x3] =	stream.indirect.gather [hbm4b:s3+s10], $0x80, s13, s10, $0xb8;
	[tilespmem:$0xC880] =	vst v63  }
0x1c7: {  	_ =	swait.ge [sflag:s12], $0x4000  }
0x1c8: {  	[sflag:s12] =	ssyncset.done $0x0  }
0x1c9: {  	[sflag:s12] =	ssyncadd.s32 $0xFFFFC000  }
0x1ca: {  	[hbm4b:s5+s2] =	stream.linear.scatter [tilespmem:s9], [sflag:$0x4], $0x4000, $0x38;
	[tilespmem:$0xC880] =	vst v63  }
0x1cb: {  	_ =	swait.ge [sflag:s11], $0x4000  }
0x1cc: {  	[sflag:s11] =	ssyncset.done $0x0  }
0x1cd: {  	[sflag:s11] =	ssyncadd.s32 $0xFFFFC000  }
0x1ce: {  	[hbm4b:s4+s2] =	stream.linear.scatter [tilespmem:s8], [sflag:$0x5], $0x4000, $0x38;
	[tilespmem:$0xC880] =	vst v63  }
0x1cf: {  	_ =	swait.ge [sflag:s6], $0x4000  }
0x1d0: {  	[sflag:s6] =	ssyncset.done $0x0  }
0x1d1: {  	[sflag:s6] =	ssyncadd.s32 $0xFFFFC000  }
0x1d2: {  	_ =	swait.ge [sflag:s7], $0x4000  }
0x1d3: {  	[sflag:s7] =	ssyncset.done $0x0  }
0x1d4: {  	[sflag:s7] =	ssyncadd.s32 $0xFFFFC000  }
0x1d5: {  	_ =	sfence.sel $0x180000  }
0x1d6: {  	[bflag:$0x0] =	sbarrier.arrive $0xFFFF  }
0x1d7: {  	_ =	strace $0x9000004D  }
0x1d8: {  	s31 =	stileid.u32;
	[bflag:$0x2] =	sbarrier.arrive $0xFFFF  }
0x1d9: {  	p0 =	sne.s32 s31, $0x0;
	s0 =	rddreg [dreg:$0x2]  }
0x1da: {  	s0 =	sadd.s32 @!p0 $0x100000, s0  }
0x1db: {  	[sflag:s0] =	ssyncadd.tile.s32 @!p0 $0x1;
	_ =	shalt  }
.Lfunc_end2:
_tile_overlayer_lowered:
.L_overlay_start_2:
0x1dc: {  	(tag) =	ssettag $0x2  }
0x1dd: {  	s0 =	rddreg [dreg:$0x0];
	s2 =	stileid.u32  }
0x1de: {  	s1 =	rddreg [dreg:$0x1];
	p0 =	sne.s32 s2, $0x0  }
0x1df: {  	s3 =	rddreg [dreg:$0x2];
	[bflag:$0x3] =	sbarrier.arrive $0xFFFF;
	s2 =	simm.s32 @!p0 $0x1C06  }
0x1e0: {  	[timem:s3], [sflag:s2] =	dma.local @!p0 [hbm:s0], s1  }
0x1e1: {  	s0 =	simm.s32 @!p0 $0x6  }
0x1e2: {  	_ =	swait.ge @!p0 [sflag:s0], s1  }
0x1e3: {  	s1 =	ssub.s32 @!p0 $0x0, s1;
	[sflag:s0] =	ssyncset.done @!p0 $0x0  }
0x1e4: {  	[sflag:s0] =	ssyncadd.s32 @!p0 s1  }
0x1e5: {  	[bflag:$0x3] =	sbarrier.arrive $0xFFFF  }
0x1e6: {  	_ =	shalt  }

// kernel: gekg_user_emb_sc.3.cloned.1.call-start
scs
__scs_entry_jumppad:
0x0: {  	(pc) =	sbr.rel $0x88, $3  }
0x1: {  	(tag) =	ssettag $0x0;
	lr =	simm.s32 $0x1  }
0x2: {  	[smem:$0x3F97] =	sst lr;
	_ =	strace $0xD0000000  }
0x3: {  	_ = 	snop  }
0x4: {  	_ = 	snop  }
0x5: {  	_ = 	snop  }
0x6: {  	_ = 	snop  }
0x7: {  	_ = 	snop  }
__scs_overlays_trampoline_lowered:
0x8: {  	[smem:$0x3FA6] =	sst s0  }
0x9: {  	[smem:$0x3FA7] =	sst s1  }
0xa: {  	[smem:$0x3FA8] =	sst s2  }
0xb: {  	[smem:$0x3FA9] =	sst s3  }
0xc: {  	[smem:$0x3FAA] =	sst s4  }
0xd: {  	[smem:$0x3FAB] =	sst s5  }
0xe: {  	[smem:$0x3FAC] =	sst s6  }
0xf: {  	[smem:$0x3FAD] =	sst s7  }
0x10: {  	[smem:$0x3FAE] =	sst s8  }
0x11: {  	[smem:$0x3FAF] =	sst s9;
	s0 =	simm.s32 @!p0 $0x0  }
0x12: {  	s1 =	sld [smem:$0x3F95];
	s0 =	simm.s32 @p0 $0x1  }
0x13: {  	[smem:$0x3FB0] =	sst s0;
	s0 =	simm.s32 @!p1 $0x0  }
0x14: {  	s2 =	sld [smem:$0x3F94];
	s0 =	simm.s32 @p1 $0x1  }
0x15: {  	[smem:$0x3FB1] =	sst s0;
	s0 =	simm.s32 @!p2 $0x0  }
0x16: {  	s3 =	sld [smem:$0x3FDB];
	s0 =	simm.s32 @p2 $0x1  }
0x17: {  	s4 =	simm.s32 $0x1BF5;
	[smem:$0x3FB3] =	sst s0  }
0x18: {  	s0 =	sld [smem:$0x3F96];
	_ =	swait.ge [sflag:s4], $0x0  }
0x19: {  	s7 =	sld [smem:$0x3F97]  }
0x1a: {  	s8 =	sadd.s32 $0xFFFFE003, lr  }
0x1b: {  	s9 =	sadd.s32 $0xFFFFFEF7, lr;
	s5 =	simm.s32 $0xFFFFFFFF;
	p2 =	slt.u32 s8, $0xFFFFF086  }
0x1c: {  	p1 =	slt.u32 s9, $0xF7A;
	s5 =	simm.s32 @!p2 $0x0  }
0x1d: {  	s5 =	simm.s32 @p1 $0x1;
	p0 =	seq.s32 s7, s2  }
0x1e: {  	s7 =	smul.u32 @!p0 $0xF7A, s2;
	p2 =	seq.s32 @!p0 s5, $0x0  }
0x1f: {  	s9 =	smul.u32 $0xF7A, s1;
	s8 =	simm.s32 @!p0 $0x1BF5;
	p2 =	por !p2, p0  }
0x20: {  	[sflag:s8] =	ssyncset.s32 @!p0 $0xFFFFF086;
	s6 =	sadd.s32 @!p0 s3, s7;
	s7 =	simm.s32 @!p0 $0x108  }
0x21: {  	s3 =	sadd.s32 s3, s9;
	s6 =	sadd.s32 @!p0 $0x88, s6;
	s7 =	simm.s32 @p2 $0x1082  }
0x22: {  	[simem:s7], [sflag:s8] =	dma.local @!p0 [hbm:s6], $0xF7A  }
0x23: {  	s9 =	sor.u32 $0xD0000000, s2;
	s6 =	simm.s32 $0x108;
	_ =	swait.ge @!p0 [sflag:s8], $0x0  }
0x24: {  	s3 =	sadd.s32 $0x88, s3;
	s6 =	simm.s32 @!p1 $0x1082;
	[sflag:s4] =	ssyncset.s32 $0xFFFFF086  }
0x25: {  	[simem:s6], [sflag:s4] =	dma.local [hbm:s3], $0xF7A  }
0x26: {  	[smem:$0x3F97] =	sst s1;
	(tag) =	ssettag s2;
	_ =	strace s9  }
0x27: {  	s1 =	sld [smem:$0x3FA7]  }
0x28: {  	s2 =	sld [smem:$0x3FA8]  }
0x29: {  	s4 =	sld [smem:$0x3FAA]  }
0x2a: {  	p0 =	seq.s32 s5, $0x0;
	s5 =	sld [smem:$0x3FAB]  }
0x2b: {  	s6 =	sld [smem:$0x3FAC]  }
0x2c: {  	s7 =	sld [smem:$0x3FAD]  }
0x2d: {  	s3 =	simm.s32 $0x108;
	s8 =	sld [smem:$0x3FAE]  }
0x2e: {  	s3 =	simm.s32 @!p0 $0x1082;
	s9 =	sld [smem:$0x3FAF]  }
0x2f: {  	lr =	sadd.s32 s0, s3;
	s0 =	sld [smem:$0x3FA6]  }
0x30: {  	s3 =	sld [smem:$0x3FA9]  }
0x31: {  	[smem:$0x3FB2] =	sst s10  }
0x32: {  	s10 =	sld [smem:$0x3FB0];
	_ =	sdelay $0x3  }
0x33: {  	p0 =	seq.s32 s10, $0x1;
	s10 =	sld [smem:$0x3FB2];
	_ =	sdelay $0x3  }
0x34: {  	[smem:$0x3FB2] =	sst s10  }
0x35: {  	s10 =	sld [smem:$0x3FB1];
	_ =	sdelay $0x3  }
0x36: {  	p1 =	seq.s32 s10, $0x1;
	s10 =	sld [smem:$0x3FB2];
	_ =	sdelay $0x3  }
0x37: {  	[smem:$0x3FB2] =	sst s10  }
0x38: {  	s10 =	sld [smem:$0x3FB3]  }
0x39: {  	_ = 	snop;
	(pc) =	sbr.ind lr, $3  }
0x3a: {  	_ = 	snop  }
0x3b: {  	_ = 	snop  }
0x3c: {  	p2 =	seq.s32 s10, $0x1;
	s10 =	sld [smem:$0x3FB2]  }
0x3d: {  	_ =	shalt  }
0x3e: {  	_ =	shalt  }
0x3f: {  	_ =	shalt  }
0x40: {  	_ =	shalt  }
0x41: {  	_ =	shalt  }
0x42: {  	_ =	shalt  }
0x43: {  	_ =	shalt  }
0x44: {  	_ =	shalt  }
0x45: {  	_ =	shalt  }
0x46: {  	_ =	shalt  }
0x47: {  	_ =	shalt  }
0x48: {  	_ =	shalt  }
0x49: {  	_ =	shalt  }
0x4a: {  	_ =	shalt  }
0x4b: {  	_ =	shalt  }
0x4c: {  	_ =	shalt  }
0x4d: {  	_ =	shalt  }
0x4e: {  	_ =	shalt  }
0x4f: {  	_ =	shalt  }
0x50: {  	_ =	shalt  }
0x51: {  	_ =	shalt  }
0x52: {  	_ =	shalt  }
0x53: {  	_ =	shalt  }
0x54: {  	_ =	shalt  }
0x55: {  	_ =	shalt  }
0x56: {  	_ =	shalt  }
0x57: {  	_ =	shalt  }
0x58: {  	_ =	shalt  }
0x59: {  	_ =	shalt  }
0x5a: {  	_ =	shalt  }
0x5b: {  	_ =	shalt  }
0x5c: {  	_ =	shalt  }
0x5d: {  	_ =	shalt  }
0x5e: {  	_ =	shalt  }
0x5f: {  	_ =	shalt  }
0x60: {  	_ =	shalt  }
0x61: {  	_ =	shalt  }
0x62: {  	_ =	shalt  }
0x63: {  	_ =	shalt  }
0x64: {  	_ =	shalt  }
0x65: {  	_ =	shalt  }
0x66: {  	_ =	shalt  }
0x67: {  	_ =	shalt  }
0x68: {  	_ =	shalt  }
0x69: {  	_ =	shalt  }
0x6a: {  	_ =	shalt  }
0x6b: {  	_ =	shalt  }
0x6c: {  	_ =	shalt  }
0x6d: {  	_ =	shalt  }
0x6e: {  	_ =	shalt  }
0x6f: {  	_ =	shalt  }
0x70: {  	_ =	shalt  }
0x71: {  	_ =	shalt  }
0x72: {  	_ =	shalt  }
0x73: {  	_ =	shalt  }
0x74: {  	_ =	shalt  }
0x75: {  	_ =	shalt  }
0x76: {  	_ =	shalt  }
0x77: {  	_ =	shalt  }
0x78: {  	_ =	shalt  }
0x79: {  	_ =	shalt  }
0x7a: {  	_ =	shalt  }
0x7b: {  	_ =	shalt  }
0x7c: {  	_ =	shalt  }
0x7d: {  	_ =	shalt  }
0x7e: {  	_ =	shalt  }
0x7f: {  	_ =	shalt  }
0x80: {  	_ =	shalt  }
0x81: {  	_ =	shalt  }
0x82: {  	_ =	shalt  }
0x83: {  	_ =	shalt  }
0x84: {  	_ =	shalt  }
0x85: {  	_ =	shalt  }
0x86: {  	_ =	shalt  }
0x87: {  	_ =	shalt  }
.Lfunc_end0:
.L_simem_size_0:
called_computation.3_lowered:
.L_overlay_start_0:
0x88: {  	s2 =	sld [smem:$0x3FD9]  }
0x89: {  	s3 =	sld [smem:$0x3FFE];
	_ =	sdelay $0x1  }
0x8a: {  	s1 =	srdreg.scid  }
0x8b: {  	s0 =	sand.u32 $0x1, s1  }
0x8c: {  	s17 =	sshll.u32 s0, $0xA;
	s2 =	sadd.s32 s3, s2  }
0x8d: {  	s2 =	sadd.s32 s2, s17  }
0x8e: {  	[smem:$0x3FBE] =	sst s2  }
0x8f: {  	_ = 	snop  }
0x90: {  	s18 =	sld [smem:$0x3FC5]  }
0x91: {  	s4 =	sld [smem:$0x3FD0];
	(tm) =	ssettm $0x1  }
0x92: {  	s19 =	sld [smem:$0x3FFB];
	_ =	sdelay $0x3  }
0x93: {  	_ =	strace s19  }
0x94: {  	s2 =	sld [smem:$0x3FFC];
	_ =	sdelay $0x3  }
0x95: {  	_ =	strace s2  }
0x96: {  	s2 =	sld [smem:$0x3FFD];
	_ =	sdelay $0x3  }
0x97: {  	_ =	strace s2  }
0x98: {  	_ =	strace $0x8FFFFFFF  }
0x99: {  	s20 =	sld [smem:$0x3FDB];
	_ =	sdelay $0x1  }
0x9a: {  	s5 =	simm.s32 $_scs_section_size  }
0x9b: {  	s6 =	simm.s32 $_size__tile_overlayer_lowered;
	s7 =	simm.s32 $_tile_overlayer_lowered  }
0x9c: {  	s8 =	simm.s32 $0x1BFF;
	s21 =	sshll.u32 s7, $0x1;
	s5 =	sadd.s32 s5, s20  }
0x9d: {  	s22 =	simm.s32 $0x0;
	s6 =	sshll.u32 s6, $0x1;
	s7 =	sadd.s32 s21, s5  }
0x9e: {  	[timem:s22], [sflag:s8] =	dma.local [hbm:s7], s6  }
0x9f: {  	_ =	swait.ge [sflag:s8], s6  }
0xa0: {  	s6 =	ssub.s32 $0x0, s6;
	[sflag:s8] =	ssyncset.done $0x0  }
0xa1: {  	[sflag:s8] =	ssyncadd.s32 s6;
	_ =	sdelay $0x1  }
0xa2: {  	s23 =	simm.s32 $0x1B8B  }
0xa3: {  	_ =	swait.ge [sflag:s23], $0x1  }
0xa4: {  	[sflag:s23] =	ssyncset.done $0x0  }
0xa5: {  	[sflag:s23] =	ssyncadd.s32 $0xFFFFFFFF  }
0xa6: {  	s6 =	sld [smem:$0x0]  }
0xa7: {  	s7 =	sand.u32 $0xFFFFFFFE, s1  }
0xa8: {  	p0 =	sne.s32 s1, s7  }
0xa9: {  	s7 =	sshll.u32 @p0 s7, $0xE  }
0xaa: {  	s7 =	sadd.s32 @p0 $0x11B8D, s7;
	s8 =	sshll.u32 @p0 s6, $0x11  }
0xab: {  	s7 =	sor.u32 @p0 s8, s7  }
0xac: {  	[sflag:s7] =	ssyncadd.remote.s32 @p0 $0x1;
	_ =	sdelay $0x1  }
0xad: {  	s7 =	simm.s32 @p0 $0x1B8D  }
0xae: {  	_ =	swait.eq @p0 [sflag:s7], $0x1  }
0xaf: {  	[sflag:s7] =	ssyncadd.s32 @p0 $0xFFFFFFFF  }
0xb0: {  	s8 =	sshll.u32 @!p0 s1, $0xE  }
0xb1: {  	s8 =	sor.u32 @!p0 $0x4000, s8;
	s7 =	simm.s32 @!p0 $0x1B8D  }
0xb2: {  	s6 =	sshll.u32 @!p0 s6, $0x11;
	s8 =	sadd.s32 @!p0 $0x11B8D, s8;
	_ =	swait.eq @!p0 [sflag:s7], $0x1  }
0xb3: {  	s6 =	sor.u32 @!p0 s6, s8;
	[sflag:s7] =	ssyncadd.s32 @!p0 $0xFFFFFFFF  }
0xb4: {  	s25 =	simm.s32 $0x1B8E;
	s24 =	sld [smem:$0x3FFE];
	[sflag:s6] =	ssyncadd.remote.s32 @!p0 $0x1  }
0xb5: {  	s26 =	simm.s32 $execute0_lowered;
	[smem:$0x3FD2] =	sst s25  }
0xb6: {  	s7 =	sshll.u32 s26, $0x1;
	_ =	strace $0x8000004F;
	[dreg:$0x1] =	wrdreg $0xFFFFFFFF  }
0xb7: {  	s28 =	simm.s32 $_size_execute0_lowered;
	s5 =	sadd.s32 s5, s7;
	[dreg:$0x0] =	wrdreg $0x0  }
0xb8: {  	s7 =	sshll.u32 s28, $0x1;
	[dreg:$0x2] =	wrdreg s5  }
0xb9: {  	[dreg:$0x3] =	wrdreg s7  }
0xba: {  	[dreg:$0x4] =	wrdreg $0xC0  }
0xbb: {  	_ =	task [dreg:s22], $0x5FFFF  }
0xbc: {  	[dreg:$0x1] =	wrdreg $0xFFFFFFFF  }
0xbd: {  	[dreg:$0x0] =	wrdreg $0x60  }
0xbe: {  	[dreg:$0x2] =	wrdreg s4  }
0xbf: {  	[dreg:$0x3] =	wrdreg s24  }
0xc0: {  	[dreg:$0x4] =	wrdreg s18  }
0xc1: {  	[dreg:$0x5] =	wrdreg $0x189800  }
0xc2: {  	[dreg:$0x6] =	wrdreg $0xA  }
0xc3: {  	_ =	task.clear_ibuf [dreg:s22], $0x7FFFF;
	_ =	strace $0x9000004F  }
0xc4: {  	s29 =	simm.s32 $0xA;
	_ =	strace $0x80000051  }
0xc5: {  	_ =	swait.ge [sflag:s29], $0x1  }
0xc6: {  	[sflag:s29] =	ssyncadd.s32 $0xFFFFFFFF  }
0xc7: {  	_ =	strace $0x90000051  }
0xc8: {  	_ =	sfence  }
0xc9: {  	s30 =	sld [smem:$0x0];
	_ =	sdelay $0x2  }
0xca: {  	s31 =	sshll.u32 s1, $0xD;
	s1 =	sshrl.u32 s1, $0x2  }
0xcb: {  	s4 =	sand.u32 $0x4000, s31;
	s1 =	sadd.s32 s1, s30  }
0xcc: {  	s0 =	sor.u32 s4, s0;
	s1 =	sshll.u32 s1, $0x11  }
0xcd: {  	s0 =	sor.u32 s1, s0  }
0xce: {  	s0 =	sadd.s32 $0x8F2B, s0  }
0xcf: {  	[sflag:s0] =	ssyncadd.remote.s32 $0x1  }
0xd0: {  	_ =	sfence.sel $0xFFFF  }
0xd1: {  	[dreg:$0x0] =	wrdreg $0xFFFFFFFF;
	(pc) =	sbr.abs _section_cstart, $3  }
0xd2: {  	[dreg:$0x1] =	wrdreg $0xFFFFFFFF  }
0xd3: {  	_ =	task.clear_ibuf [dreg:s22], $0x2FFFF;
	_ =	strace $0x9FFFFFFF  }
0xd4: {  	(tm) =	ssettm $0x7FFFFFFF  }
0xd5: {  	_ =	shalt  }
tec
execute0_lowered:
.L_overlay_start_1:
0x0: {  	(tag) =	ssettag $0x1  }
0x1: {  	s0 =	rddreg [dreg:$0x0]  }
0x2: {  	s7 =	rddreg [dreg:$0x1]  }
0x3: {  	s1 =	rddreg [dreg:$0x2]  }
0x4: {  	s2 =	rddreg [dreg:$0x3]  }
0x5: {  	s4 =	simm.s32 $0x0;
	s5 =	srdreg.scid;
	s3 =	stileid.u32  }
0x6: {  	s12 =	simm.s32 $0x7;
	s13 =	simm.s32 $0x80;
	s16 =	simm.s32 $0x1  }
0x7: {  	s17 =	simm.s32 $0x2;
	s18 =	simm.s32 $0x8080;
	s19 =	simm.s32 $0x48  }
0x8: {  	s20 =	simm.s32 $0xC080;
	s21 =	simm.s32 $0xE480;
	s28 =	simm.s32 $0x5  }
0x9: {  	s29 =	simm.s32 $0x6;
	s30 =	simm.s32 $0x0;
	[smem:$0x7FF] =	sst s4  }
0xa: {  	s6 =	sand.u32 $0x1, s5;
	s8 =	sshll.u32 s3, $0x8;
	s22 =	sadd.s32 $0x1AA000, s7  }
0xb: {  	s24 =	sadd.s32 $0x332000, s7;
	s25 =	sshll.u32 s3, $0xE;
	_ =	strace $0x80000050  }
0xc: {  	s9 =	sshll.u32 s6, $0x7;
	[dreg:$0x5] =	wrdreg s22;
	s23 =	ssub.s32 $0x2, s6  }
0xd: {  	[dreg:$0x6] =	wrdreg s24;
	s22 =	simm.s32 $0x12480;
	s24 =	simm.s32 $0x18880  }
0xe: {  	s8 =	sor.u32 s9, s8;
	s11 =	sshrl.u32 s23, $0x1;
	s9 =	sadd.s32 s25, s2  }
0xf: {  	s25 =	simm.s32 $0x4;
	s10 =	sshll.u32 s8, $0x4;
	s8 =	sshrl.u32 s8, $0x3  }
0x10: {  	s11 =	ssub.s32 s23, s11;
	s23 =	simm.s32 $0x3;
	s0 =	sadd.s32 s0, s8  }
0x11: {  	s10 =	sadd.s32 s10, s7;
	s31 =	smax.u32 s11, $0x1;
	[dreg:$0x7] =	wrdreg s0  }
0x12: {  	s7 =	sshll.u32 s3, $0x7;
	s26 =	sadd.s32 $0x115400, s10;
	[dreg:$0x9] =	wrdreg s31  }
0x13: {  	v0 =	vimm.f32 $0.0e+00;
	s3 =	simm.s32 $0x4080;
	[dreg:$0x8] =	wrdreg s26;
	s26 =	simm.s32 $0x18900  }
.LBB2_1:
0x14: {  	s0 =	rddreg [dreg:$0x7]  }
0x15: {  	[tilespmem:s4], [sflag:$0x7] =	stream.linear.gather [hbm4b:s0+s4], $0x80, $0x38;
	[tilespmem:$0x1C980] =	vst v63  }
0x16: {  	_ =	swait.ge [sflag:s12], $0x80  }
0x17: {  	[sflag:s12] =	ssyncset.done $0x0  }
0x18: {  	s15 =	rddreg [dreg:$0x5];
	[sflag:s12] =	ssyncadd.s32 $0xFFFFFF80  }
0x19: {  	[tilespmem:s13], [sflag:$0x1] =	stream.indirect.gather [hbm4b:s15+s13], $0x80, s4, s13, $0xb8;
	[tilespmem:$0x1C980] =	vst v63  }
0x1a: {  	s0 =	simm.s32 $0x0;
	s31 =	rddreg [dreg:$0x6];
	s15 =	simm.s32 $0x200  }
0x1b: {  	[tilespmem:s3], [sflag:$0x2] =	stream.indirect.gather [hbm4b:s31+s13], $0x80, s4, s13, $0xb8;
	[tilespmem:$0x1C980] =	vst v63  }
.LBB2_2:
0x1c: {  	p0 =	sne.s32 s15, $0xFE00;
	[tilespmem:s0+$0x148F0] =	vst v0  }
0x1d: {  	[tilespmem:s0+$0x14880] =	vst v0  }
0x1e: {  	[tilespmem:s0+$0x14890] =	vst v0  }
.Ltmp0:
0x1f: {  	[tilespmem:s0+$0x148A0] =	vst v0;
	(pc) =	sbr.rel @p0 .LBB2_2-.Ltmp0, $4  }
0x20: {  	[tilespmem:s0+$0x148B0] =	vst v0  }
0x21: {  	[tilespmem:s0+$0x148C0] =	vst v0  }
0x22: {  	[tilespmem:s0+$0x148D0] =	vst v0  }
0x23: {  	[tilespmem:s0+$0x148E0] =	vst v0;
	s0 =	sshra.s32 s15, $0x2;
	s15 =	sadd.s32 $0x200, s15  }
0x24: {  	[tilespmem:s0+$0x148F0] =	vst v0  }
0x25: {  	[tilespmem:s0+$0x14880] =	vst v0  }
0x26: {  	[tilespmem:s0+$0x14890] =	vst v0  }
0x27: {  	[tilespmem:s0+$0x148A0] =	vst v0  }
0x28: {  	[tilespmem:s0+$0x148B0] =	vst v0  }
0x29: {  	[tilespmem:s0+$0x148C0] =	vst v0  }
0x2a: {  	[tilespmem:s0+$0x148D0] =	vst v0  }
0x2b: {  	[tilespmem:s0+$0x148E0] =	vst v0;
	s10 =	simm.s32 $0x14880  }
0x2c: {  	[spmem:s9] =	stream.linear.scatter [tilespmem:s10], [sflag:$0x7], $0x4000, $0x38;
	[tilespmem:$0x1C980] =	vst v63  }
0x2d: {  	_ =	swait.ge [sflag:s12], $0x4000  }
0x2e: {  	[sflag:s12] =	ssyncset.done $0x0  }
0x2f: {  	[sflag:s12] =	ssyncadd.s32 $0xFFFFC000  }
0x30: {  	_ =	swait.ge [sflag:s16], $0x4000  }
0x31: {  	[sflag:s16] =	ssyncset.done $0x0  }
0x32: {  	[sflag:s16] =	ssyncadd.s32 $0xFFFFC000  }
0x33: {  	_ =	swait.ge [sflag:s17], $0x4000  }
0x34: {  	[sflag:s17] =	ssyncset.done $0x0  }
0x35: {  	p0 =	por $0x1, $0x1;
	[sflag:s17] =	ssyncadd.s32 $0xFFFFC000  }
0x36: {  	[tilespmem:s18], [sflag:$0x3] =	stream.indirect.gather [hbm4b:s1+s13], $0x80, s13, s13, $0xb8;
	[tilespmem:$0x1C980] =	vst v63  }
0x37: {  	s0 =	simm.s32 @!p0 $0x6  }
0x38: {  	[tilespmem:s20], [sflag:$0x3] =	stream.indirect.gather [hbm4b:s1+s19], $0x80, s3, s19, $0xb8;
	[tilespmem:$0x1C980] =	vst v63  }
0x39: {  	_ =	swait.ge @!p0 [sflag:s0], $0x4000  }
0x3a: {  	[sflag:s0] =	ssyncset.done @!p0 $0x0  }
0x3b: {  	[sflag:s0] =	ssyncadd.s32 @!p0 $0xFFFFC000  }
0x3c: {  	_ =	swait.ge @!p0 [sflag:s0], $0x2400  }
0x3d: {  	[sflag:s0] =	ssyncset.done @!p0 $0x0  }
0x3e: {  	s11 =	simm.s32 $0x100;
	[sflag:s0] =	ssyncadd.s32 @!p0 $0xFFFFDC00  }
0x3f: {  	[tilespmem:s21], [sflag:$0x4] =	stream.indirect.gather [hbm4b:s1+s13], $0x80, s11, s13, $0xb8;
	[tilespmem:$0x1C980] =	vst v63  }
0x40: {  	s14 =	simm.s32 $0x4100  }
0x41: {  	[tilespmem:s22], [sflag:$0x4] =	stream.indirect.gather [hbm4b:s1+s19], $0x80, s14, s19, $0xb8;
	[tilespmem:$0x1C980] =	vst v63  }
0x42: {  	_ =	swait.ge [sflag:s23], $0x4000  }
0x43: {  	[sflag:s23] =	ssyncset.done $0x0  }
0x44: {  	[sflag:s23] =	ssyncadd.s32 $0xFFFFC000  }
0x45: {  	_ =	swait.ge [sflag:s23], $0x2400  }
0x46: {  	[sflag:s23] =	ssyncset.done $0x0  }
0x47: {  	v1 =	vmov s7;
	[sflag:s23] =	ssyncadd.s32 $0xFFFFDC00  }
0x48: {  	[tilespmem:$0x188F0] =	vst v1  }
0x49: {  	[tilespmem:$0x188A0] =	vst v1  }
0x4a: {  	[tilespmem:$0x188D0] =	vst v1  }
0x4b: {  	[tilespmem:$0x188E0] =	vst v1  }
0x4c: {  	[tilespmem:$0x188C0] =	vst v1  }
0x4d: {  	[tilespmem:$0x188B0] =	vst v1  }
0x4e: {  	[tilespmem:$0x18880] =	vst v1  }
0x4f: {  	p0 =	por $0x0, $0x0;
	[tilespmem:$0x18890] =	vst v1  }
0x50: {  	[spmem:s2] =	stream.indirect.scatter.add.f32 [tilespmem:s18], [sflag:$0x5], $0x80, s24, s13, $0xb8;
	[tilespmem:$0x1C980] =	vst v63  }
0x51: {  	s0 =	simm.s32 @!p0 $0x5  }
0x52: {  	[spmem:s2] =	stream.indirect.scatter.add.f32 [tilespmem:s20], [sflag:$0x5], $0x80, s24, s19, $0xb8;
	[tilespmem:$0x1C980] =	vst v63  }
0x53: {  	_ =	swait.ge @!p0 [sflag:s0], $0x4000  }
0x54: {  	[sflag:s0] =	ssyncset.done @!p0 $0x0  }
0x55: {  	[sflag:s0] =	ssyncadd.s32 @!p0 $0xFFFFC000  }
0x56: {  	_ =	swait.ge @!p0 [sflag:s0], $0x2400  }
0x57: {  	s15 =	simm.s32 @!p0 $0x180;
	[sflag:s0] =	ssyncset.done @!p0 $0x0  }
0x58: {  	s31 =	simm.s32 @!p0 $0x80;
	[sflag:s0] =	ssyncadd.s32 @!p0 $0xFFFFDC00;
	s0 =	simm.s32 @!p0 $0x8080  }
0x59: {  	[tilespmem:s0], [sflag:$0x3] =	stream.indirect.gather @!p0 [hbm4b:s1+s31], $0x80, s15, s31, $0xb8;
	[tilespmem:$0x1C980] =	vst v63  }
0x5a: {  	s0 =	simm.s32 @!p0 $0x4180;
	s15 =	simm.s32 @!p0 $0x48;
	s31 =	simm.s32 @!p0 $0xC080  }
0x5b: {  	[tilespmem:s31], [sflag:$0x3] =	stream.indirect.gather @!p0 [hbm4b:s1+s15], $0x80, s0, s15, $0xb8;
	[tilespmem:$0x1C980] =	vst v63  }
0x5c: {  	_ =	swait.ge [sflag:s25], $0x4000  }
0x5d: {  	[sflag:s25] =	ssyncset.done $0x0  }
0x5e: {  	[sflag:s25] =	ssyncadd.s32 $0xFFFFC000  }
0x5f: {  	_ =	swait.ge [sflag:s25], $0x2400  }
0x60: {  	s15 =	sadd.s32 $0x1, s7;
	[sflag:s25] =	ssyncset.done $0x0  }
0x61: {  	v1 =	vmov s15;
	[sflag:s25] =	ssyncadd.s32 $0xFFFFDC00  }
0x62: {  	[tilespmem:$0x18900] =	vst v1  }
0x63: {  	[tilespmem:$0x18970] =	vst v1  }
0x64: {  	[tilespmem:$0x18960] =	vst v1  }
0x65: {  	[tilespmem:$0x18950] =	vst v1  }
0x66: {  	[tilespmem:$0x18920] =	vst v1  }
0x67: {  	[tilespmem:$0x18940] =	vst v1  }
0x68: {  	[tilespmem:$0x18910] =	vst v1  }
0x69: {  	s0 =	simm.s32 $0x400;
	s31 =	sadd.s32 $0x2, s7;
	s15 =	simm.s32 $0x800;
	[tilespmem:$0x18930] =	vst v1  }
.LBB2_4:
0x6a: {  	[spmem:s2] =	stream.indirect.scatter.add.f32 [tilespmem:s21], [sflag:$0x6], $0x80, s26, s13, $0xb8;
	[tilespmem:$0x1C980] =	vst v63  }
0x6b: {  	p1 =	seq.s32 s0, $0x0;
	s3 =	smov.u32 s15;
	s15 =	sadd.s32 $0x400, s15  }
0x6c: {  	[spmem:s2] =	stream.indirect.scatter.add.f32 [tilespmem:s22], [sflag:$0x6], $0x80, s26, s19, $0xb8;
	[tilespmem:$0x1C980] =	vst v63  }
0x6d: {  	p0 =	sne.s32 s15, $0x10000;
	s5 =	simm.s32 @!p1 $0x6  }
0x6e: {  	_ =	swait.ge @!p1 [sflag:s5], $0x4000  }
0x6f: {  	s6 =	sshra.s32 s0, $0x2;
	[sflag:s5] =	ssyncset.done @!p1 $0x0  }
0x70: {  	s8 =	sadd.s32 $0x4100, s6;
	[sflag:s5] =	ssyncadd.s32 @!p1 $0xFFFFC000  }
0x71: {  	_ =	swait.ge @!p1 [sflag:s5], $0x2400  }
0x72: {  	[sflag:s5] =	ssyncset.done @!p1 $0x0  }
0x73: {  	[sflag:s5] =	ssyncadd.s32 @!p1 $0xFFFFDC00;
	s5 =	sadd.s32 $0x100, s6  }
0x74: {  	v1 =	vmov s31;
	[tilespmem:s21], [sflag:$0x4] =	stream.indirect.gather [hbm4b:s1+s13], $0x80, s5, s13, $0xb8;
	[tilespmem:$0x1C980] =	vst v63  }
0x75: {  	_ = 	snop  }
0x76: {  	[tilespmem:s22], [sflag:$0x4] =	stream.indirect.gather [hbm4b:s1+s19], $0x80, s8, s19, $0xb8;
	[tilespmem:$0x1C980] =	vst v63  }
0x77: {  	_ =	swait.ge [sflag:s23], $0x4000  }
0x78: {  	[sflag:s23] =	ssyncset.done $0x0  }
0x79: {  	[sflag:s23] =	ssyncadd.s32 $0xFFFFC000  }
0x7a: {  	_ =	swait.ge [sflag:s23], $0x2400  }
0x7b: {  	[sflag:s23] =	ssyncset.done $0x0  }
0x7c: {  	[sflag:s23] =	ssyncadd.s32 $0xFFFFDC00  }
0x7d: {  	[tilespmem:$0x188F0] =	vst v1  }
0x7e: {  	p1 =	seq.s32 s0, $0xFC00;
	[tilespmem:$0x188A0] =	vst v1  }
0x7f: {  	[tilespmem:$0x188D0] =	vst v1  }
0x80: {  	s5 =	simm.s32 @!p1 $0x5;
	s6 =	sshra.s32 @!p1 s0, $0x2;
	s0 =	smov.u32 s3;
	[tilespmem:$0x188E0] =	vst v1  }
0x81: {  	s3 =	sadd.s32 @!p1 $0x180, s6;
	s6 =	sadd.s32 @!p1 $0x4180, s6;
	[tilespmem:$0x188C0] =	vst v1  }
0x82: {  	[tilespmem:$0x188B0] =	vst v1  }
0x83: {  	[tilespmem:$0x18880] =	vst v1  }
0x84: {  	[tilespmem:$0x18890] =	vst v1  }
0x85: {  	[spmem:s2] =	stream.indirect.scatter.add.f32 [tilespmem:s18], [sflag:$0x5], $0x80, s24, s13, $0xb8;
	[tilespmem:$0x1C980] =	vst v63  }
0x86: {  	s14 =	simm.s32 @!p1 $0x8080;
	s8 =	simm.s32 @!p1 $0x80  }
0x87: {  	[spmem:s2] =	stream.indirect.scatter.add.f32 [tilespmem:s20], [sflag:$0x5], $0x80, s24, s19, $0xb8;
	[tilespmem:$0x1C980] =	vst v63  }
0x88: {  	s10 =	simm.s32 @!p1 $0x48;
	s11 =	simm.s32 @!p1 $0xC080;
	_ =	swait.ge @!p1 [sflag:s5], $0x4000  }
0x89: {  	[sflag:s5] =	ssyncset.done @!p1 $0x0  }
0x8a: {  	[sflag:s5] =	ssyncadd.s32 @!p1 $0xFFFFC000  }
0x8b: {  	_ =	swait.ge @!p1 [sflag:s5], $0x2400  }
0x8c: {  	[sflag:s5] =	ssyncset.done @!p1 $0x0  }
0x8d: {  	[sflag:s5] =	ssyncadd.s32 @!p1 $0xFFFFDC00  }
0x8e: {  	[tilespmem:s14], [sflag:$0x3] =	stream.indirect.gather @!p1 [hbm4b:s1+s8], $0x80, s3, s8, $0xb8;
	[tilespmem:$0x1C980] =	vst v63  }
0x8f: {  	_ = 	snop  }
0x90: {  	[tilespmem:s11], [sflag:$0x3] =	stream.indirect.gather @!p1 [hbm4b:s1+s10], $0x80, s6, s10, $0xb8;
	[tilespmem:$0x1C980] =	vst v63  }
0x91: {  	_ =	swait.ge [sflag:s25], $0x4000  }
0x92: {  	[sflag:s25] =	ssyncset.done $0x0  }
0x93: {  	[sflag:s25] =	ssyncadd.s32 $0xFFFFC000  }
0x94: {  	_ =	swait.ge [sflag:s25], $0x2400  }
0x95: {  	s3 =	sadd.s32 $0x1, s31;
	[sflag:s25] =	ssyncset.done $0x0  }
0x96: {  	v1 =	vmov s3;
	[sflag:s25] =	ssyncadd.s32 $0xFFFFDC00  }
0x97: {  	[tilespmem:$0x18900] =	vst v1  }
0x98: {  	[tilespmem:$0x18970] =	vst v1  }
0x99: {  	[tilespmem:$0x18960] =	vst v1  }
.Ltmp1:
0x9a: {  	[tilespmem:$0x18950] =	vst v1;
	(pc) =	sbr.rel @p0 .LBB2_4-.Ltmp1, $4  }
0x9b: {  	[tilespmem:$0x18920] =	vst v1  }
0x9c: {  	[tilespmem:$0x18940] =	vst v1  }
0x9d: {  	[tilespmem:$0x18910] =	vst v1  }
0x9e: {  	s31 =	sadd.s32 $0x2, s31;
	[tilespmem:$0x18930] =	vst v1  }
0x9f: {  	[spmem:s2] =	stream.indirect.scatter.add.f32 [tilespmem:s21], [sflag:$0x6], $0x80, s26, s13, $0xb8;
	[tilespmem:$0x1C980] =	vst v63  }
0xa0: {  	p0 =	seq.s32 s0, $0x0  }
0xa1: {  	s3 =	simm.s32 @!p0 $0x6  }
0xa2: {  	[spmem:s2] =	stream.indirect.scatter.add.f32 [tilespmem:s22], [sflag:$0x6], $0x80, s26, s19, $0xb8;
	[tilespmem:$0x1C980] =	vst v63  }
0xa3: {  	_ =	swait.ge @!p0 [sflag:s3], $0x4000  }
0xa4: {  	[sflag:s3] =	ssyncset.done @!p0 $0x0  }
0xa5: {  	[sflag:s3] =	ssyncadd.s32 @!p0 $0xFFFFC000  }
0xa6: {  	_ =	swait.ge @!p0 [sflag:s3], $0x2400  }
0xa7: {  	s5 =	sshra.s32 s0, $0x2;
	[sflag:s3] =	ssyncset.done @!p0 $0x0  }
0xa8: {  	s6 =	sadd.s32 $0x100, s5;
	[sflag:s3] =	ssyncadd.s32 @!p0 $0xFFFFDC00  }
0xa9: {  	[tilespmem:s21], [sflag:$0x4] =	stream.indirect.gather [hbm4b:s1+s13], $0x80, s6, s13, $0xb8;
	[tilespmem:$0x1C980] =	vst v63  }
0xaa: {  	s8 =	sadd.s32 $0x4100, s5  }
0xab: {  	[tilespmem:s22], [sflag:$0x4] =	stream.indirect.gather [hbm4b:s1+s19], $0x80, s8, s19, $0xb8;
	[tilespmem:$0x1C980] =	vst v63  }
0xac: {  	_ =	swait.ge [sflag:s23], $0x4000  }
0xad: {  	[sflag:s23] =	ssyncset.done $0x0  }
0xae: {  	[sflag:s23] =	ssyncadd.s32 $0xFFFFC000  }
0xaf: {  	_ =	swait.ge [sflag:s23], $0x2400  }
0xb0: {  	[sflag:s23] =	ssyncset.done $0x0  }
0xb1: {  	v1 =	vmov s31;
	[sflag:s23] =	ssyncadd.s32 $0xFFFFDC00  }
0xb2: {  	[tilespmem:$0x188F0] =	vst v1  }
0xb3: {  	[tilespmem:$0x188A0] =	vst v1  }
0xb4: {  	[tilespmem:$0x188D0] =	vst v1  }
0xb5: {  	[tilespmem:$0x188E0] =	vst v1  }
0xb6: {  	[tilespmem:$0x188C0] =	vst v1  }
0xb7: {  	[tilespmem:$0x188B0] =	vst v1  }
0xb8: {  	[tilespmem:$0x18880] =	vst v1  }
0xb9: {  	p0 =	seq.s32 s0, $0xFC00;
	[tilespmem:$0x18890] =	vst v1  }
0xba: {  	[spmem:s2] =	stream.indirect.scatter.add.f32 [tilespmem:s18], [sflag:$0x5], $0x80, s24, s13, $0xb8;
	[tilespmem:$0x1C980] =	vst v63  }
0xbb: {  	s3 =	simm.s32 @!p0 $0x5  }
0xbc: {  	[spmem:s2] =	stream.indirect.scatter.add.f32 [tilespmem:s20], [sflag:$0x5], $0x80, s24, s19, $0xb8;
	[tilespmem:$0x1C980] =	vst v63  }
0xbd: {  	_ =	swait.ge @!p0 [sflag:s3], $0x4000  }
0xbe: {  	[sflag:s3] =	ssyncset.done @!p0 $0x0  }
0xbf: {  	[sflag:s3] =	ssyncadd.s32 @!p0 $0xFFFFC000  }
0xc0: {  	_ =	swait.ge @!p0 [sflag:s3], $0x2400  }
0xc1: {  	s0 =	sshra.s32 @!p0 s0, $0x2;
	s6 =	simm.s32 @!p0 $0x80;
	[sflag:s3] =	ssyncset.done @!p0 $0x0  }
0xc2: {  	s5 =	sadd.s32 @!p0 $0x180, s0;
	[sflag:s3] =	ssyncadd.s32 @!p0 $0xFFFFDC00;
	s3 =	simm.s32 @!p0 $0x8080  }
0xc3: {  	[tilespmem:s3], [sflag:$0x3] =	stream.indirect.gather @!p0 [hbm4b:s1+s6], $0x80, s5, s6, $0xb8;
	[tilespmem:$0x1C980] =	vst v63  }
0xc4: {  	s0 =	sadd.s32 @!p0 $0x4180, s0;
	s3 =	simm.s32 @!p0 $0x48;
	s5 =	simm.s32 @!p0 $0xC080  }
0xc5: {  	[tilespmem:s5], [sflag:$0x3] =	stream.indirect.gather @!p0 [hbm4b:s1+s3], $0x80, s0, s3, $0xb8;
	[tilespmem:$0x1C980] =	vst v63  }
0xc6: {  	_ =	swait.ge [sflag:s25], $0x4000  }
0xc7: {  	[sflag:s25] =	ssyncset.done $0x0  }
0xc8: {  	[sflag:s25] =	ssyncadd.s32 $0xFFFFC000  }
0xc9: {  	_ =	swait.ge [sflag:s25], $0x2400  }
0xca: {  	s10 =	sadd.s32 $0x1, s31;
	[sflag:s25] =	ssyncset.done $0x0  }
0xcb: {  	v1 =	vmov s10;
	[sflag:s25] =	ssyncadd.s32 $0xFFFFDC00  }
0xcc: {  	[tilespmem:$0x18900] =	vst v1  }
0xcd: {  	[tilespmem:$0x18970] =	vst v1  }
0xce: {  	[tilespmem:$0x18960] =	vst v1  }
0xcf: {  	[tilespmem:$0x18950] =	vst v1  }
0xd0: {  	[tilespmem:$0x18920] =	vst v1  }
0xd1: {  	[tilespmem:$0x18940] =	vst v1  }
0xd2: {  	[tilespmem:$0x18910] =	vst v1  }
0xd3: {  	[tilespmem:$0x18930] =	vst v1  }
0xd4: {  	[spmem:s2] =	stream.indirect.scatter.add.f32 [tilespmem:s21], [sflag:$0x6], $0x80, s26, s13, $0xb8;
	[tilespmem:$0x1C980] =	vst v63  }
0xd5: {  	_ = 	snop  }
0xd6: {  	[spmem:s2] =	stream.indirect.scatter.add.f32 [tilespmem:s22], [sflag:$0x6], $0x80, s26, s19, $0xb8;
	[tilespmem:$0x1C980] =	vst v63  }
0xd7: {  	_ =	swait.ge [sflag:s28], $0x4000  }
0xd8: {  	[sflag:s28] =	ssyncset.done $0x0  }
0xd9: {  	[sflag:s28] =	ssyncadd.s32 $0xFFFFC000  }
0xda: {  	_ =	swait.ge [sflag:s28], $0x2400  }
0xdb: {  	[sflag:s28] =	ssyncset.done $0x0  }
0xdc: {  	[sflag:s28] =	ssyncadd.s32 $0xFFFFDC00  }
0xdd: {  	_ =	swait.ge [sflag:s29], $0x4000  }
0xde: {  	[sflag:s29] =	ssyncset.done $0x0  }
0xdf: {  	[sflag:s29] =	ssyncadd.s32 $0xFFFFC000  }
0xe0: {  	s11 =	stileid.u32;
	_ =	swait.ge [sflag:s29], $0x2400  }
0xe1: {  	s14 =	sshrl.u32 s9, $0x3;
	s0 =	sshll.u32 s11, $0x6;
	[sflag:s29] =	ssyncset.done $0x0  }
0xe2: {  	s0 =	sor.u32 $0x1C07, s0;
	s15 =	rddreg [dreg:$0x8];
	[sflag:s29] =	ssyncadd.s32 $0xFFFFDC00  }
0xe3: {  	[hbm:s15], [sflag:s0] =	dma.local [spmem:s14], $0x800  }
0xe4: {  	_ =	swait.ge [sflag:s12], $0x800  }
0xe5: {  	s30 =	sadd.s32 $0x1, s30;
	s31 =	rddreg [dreg:$0x9]  }
0xe6: {  	p0 =	sne.s32 s30, s31  }
.Ltmp2:
0xe7: {  	_ = 	snop;
	(pc) =	sbr.rel @p0 .LBB2_1-.Ltmp2, $3  }
0xe8: {  	_ =	sdelay $0x1  }
0xe9: {  	[sflag:s12] =	ssyncset.done $0x0  }
0xea: {  	s3 =	simm.s32 $0x4080;
	[sflag:s12] =	ssyncadd.s32 $0xFFFFF800  }
0xeb: {  	_ =	sfence.sel $0x180000  }
0xec: {  	[bflag:$0x0] =	sbarrier.arrive $0xFFFF  }
0xed: {  	_ =	strace $0x90000050  }
0xee: {  	s0 =	stileid.u32;
	[bflag:$0x2] =	sbarrier.arrive $0xFFFF  }
0xef: {  	p0 =	sne.s32 s0, $0x0;
	s0 =	rddreg [dreg:$0x4]  }
0xf0: {  	s0 =	sadd.s32 @!p0 $0x100000, s0  }
0xf1: {  	[sflag:s0] =	ssyncadd.tile.s32 @!p0 $0x1;
	_ =	shalt  }
.Lfunc_end2:
_tile_overlayer_lowered:
.L_overlay_start_2:
0xf2: {  	(tag) =	ssettag $0x2  }
0xf3: {  	s0 =	rddreg [dreg:$0x0];
	s2 =	stileid.u32  }
0xf4: {  	s1 =	rddreg [dreg:$0x1];
	p0 =	sne.s32 s2, $0x0  }
0xf5: {  	s3 =	rddreg [dreg:$0x2];
	[bflag:$0x3] =	sbarrier.arrive $0xFFFF;
	s2 =	simm.s32 @!p0 $0x1C07  }
0xf6: {  	[timem:s3], [sflag:s2] =	dma.local @!p0 [hbm:s0], s1  }
0xf7: {  	s0 =	simm.s32 @!p0 $0x7  }
0xf8: {  	_ =	swait.ge @!p0 [sflag:s0], s1  }
0xf9: {  	s1 =	ssub.s32 @!p0 $0x0, s1;
	[sflag:s0] =	ssyncset.done @!p0 $0x0  }
0xfa: {  	[sflag:s0] =	ssyncadd.s32 @!p0 s1  }
0xfb: {  	[bflag:$0x3] =	sbarrier.arrive $0xFFFF  }
0xfc: {  	_ =	shalt  }

</sc_bundles>
